<compile_context>
chip_gen: v7x
topology: tpu7x:2x2x1
jax: 0.10.2.dev20260603
libtpu: 0.0.44.dev20260713+nightly
codegen_flags: <defaults>
</compile_context>

<pallas_src>
import jax
import jax.numpy as jnp
from jax import lax
from jax.experimental import pallas as pl
from jax.experimental.pallas import tpu as pltpu
from jax.experimental.pallas import tpu_sc as plsc

N_ROWS = 1024
VOCAB = 100000
NEG = 64
TOT = N_ROWS * NEG
NC, NS = 2, 16
NW = NC * NS
CHUNK = TOT // NW
IDXW = 512
PIDXW = 256
NCH = CHUNK // IDXW
RPW = 256
L = 16

_LP = (1.69366266e-06, 0.999832595, -0.497203331, 0.31504128,
       -0.189019548, 0.0815231776, -0.0170296106)


def _softplus16(x):
    e = jnp.exp(-jnp.abs(x))
    p = _LP[6]
    for c in (_LP[5], _LP[4], _LP[3], _LP[2], _LP[1], _LP[0]):
        p = p * e + c
    return jnp.maximum(x, 0.0) + p


def _sc_loss_partials(flat, nact_phys, target):

    def body(flat_hbm, nact_hbm, tgt_hbm, out_hbm,
             nact_v, tgt_v, pidx_v, nidx_v, pval_v, nval_v, acc_v,
             sem_t, sem_n, sem_p, sem_gs):
        wid = lax.axis_index("s") * NC + lax.axis_index("c")
        base = wid * CHUNK
        rowbase = (wid % 4) * RPW
        rw2 = (wid % 4) * 2
        cp_n = pltpu.async_copy(nact_hbm.at[pl.ds(base, CHUNK)], nact_v, sem_n)
        cp_t = pltpu.async_copy(tgt_hbm.at[pl.ds(rowbase, RPW)], tgt_v, sem_t)

        lanes = lax.iota(jnp.int32, L)

        cp_t.wait()
        for g in range(RPW // L):
            j = tgt_v[pl.ds(g * L, L)]
            vbase = (rw2 + (g >> 3)) * 1024 + (g & 7) * L + lanes
            pidx_v[pl.ds(g * L, L)] = ((j >> 3) << 13) | ((j & 7) << 7) | vbase
        pos_copies = [
            pltpu.async_copy(flat_hbm.at[pidx_v.at[pl.ds(k * PIDXW, PIDXW)]],
                             pval_v.at[pl.ds(k * PIDXW, PIDXW)], sem_p)
            for k in range(RPW // PIDXW)]

        cp_n.wait()
        neg_copies = []
        for k in range(NCH):
            for u in range(IDXW // L):
                g = k * (IDXW // L) + u
                j = nact_v[pl.ds(g * L, L)]
                vbase = (rw2 + (g >> 6)) * 1024 + (g & 7) * L + lanes
                nidx_v[pl.ds(g * L, L)] = ((j >> 3) << 13) | ((j & 7) << 7) | vbase
            neg_copies.append(
                pltpu.async_copy(flat_hbm.at[nidx_v.at[pl.ds(k * IDXW, IDXW)]],
                                 nval_v.at[pl.ds(k * IDXW, IDXW)], sem_gs.at[k]))
        for c in pos_copies:
            c.wait()
        for c in neg_copies:
            c.wait()

        zero = jnp.zeros((L,), jnp.float32)

        def loss_body(t, accs):
            res = list(accs)
            ptile = (t >> 3) * 128
            for u in range(8):
                neg = nval_v[pl.ds(t * 128 + u * L, L)]
                pos = pval_v[pl.ds(ptile + u * L, L)]
                res[u] = res[u] + _softplus16(neg - pos)
            return tuple(res)

        accs = lax.fori_loop(0, CHUNK // 128, loss_body, (zero,) * 8)
        acc_v[...] = ((accs[0] + accs[1]) + (accs[2] + accs[3])) + (
            (accs[4] + accs[5]) + (accs[6] + accs[7]))
        pltpu.sync_copy(acc_v, out_hbm.at[wid])

    fn = pl.kernel(
        body,
        out_type=jax.ShapeDtypeStruct((NW, L), jnp.float32),
        mesh=plsc.VectorSubcoreMesh(core_axis_name="c", subcore_axis_name="s"),
        scratch_types=[
            pltpu.VMEM((CHUNK,), jnp.int32),
            pltpu.VMEM((RPW,), jnp.int32),
            pltpu.VMEM((RPW,), jnp.int32),
            pltpu.VMEM((CHUNK,), jnp.int32),
            pltpu.VMEM((RPW,), jnp.float32),
            pltpu.VMEM((CHUNK,), jnp.float32),
            pltpu.VMEM((L,), jnp.float32),
            pltpu.SemaphoreType.DMA,
            pltpu.SemaphoreType.DMA,
            pltpu.SemaphoreType.DMA,
            pltpu.SemaphoreType.DMA((NCH,)),
        ],
    )
    return fn(flat, nact_phys, target)


def _tc_reduce(partials):

    def body(p_ref, out_ref):
        out_ref[0, 0] = jnp.sum(p_ref[...]) * (1.0 / TOT)

    return pl.pallas_call(
        body,
        out_shape=jax.ShapeDtypeStruct((1, 1), jnp.float32),
        out_specs=pl.BlockSpec(memory_space=pltpu.SMEM),
    )(partials)


def kernel(input, target, neg_action):
    flat = input.reshape(8, 128, VOCAB // 8, 8).transpose(2, 0, 3, 1).reshape(-1)
    nact_phys = neg_action.reshape(8, 128, NEG // 8, 8).transpose(2, 0, 3, 1).reshape(-1)
    partials = _sc_loss_partials(flat, nact_phys, target)
    return _tc_reduce(partials)[0, 0]

# --- scband reference (transcript-rebuilt; emitter-appended) ---
"""Pipeline reference for scband-pairwise-rank-loss-23553600651647 (READ-ONLY COPY).

The authoritative reference and input builder live on the scoring server;
editing this copy changes nothing except your own understanding.
"""

import jax, jax.numpy as jnp
import numpy as np

N = 1024
INPUT_SIZE = 100000
NEG_NUM = 64


def setup_inputs(seed: int = 0) -> dict:
    key = jax.random.key(seed)
    k1, k2, k3 = jax.random.split(key, 3)
    inp = jax.random.normal(k1, (N, INPUT_SIZE), dtype=jnp.float32)
    target = jax.random.randint(k2, (N,), 0, INPUT_SIZE, dtype=jnp.int32)
    # negative sampling is internal torch.randint in the original module; we
    # materialize it deterministically here as an extra (non-learned) input.
    neg_action = jax.random.randint(k3, (N, NEG_NUM), 0, INPUT_SIZE, dtype=jnp.int32)
    return {"input": inp, "target": target, "neg_action": neg_action}


def reference(input, target, neg_action):
    n = input.shape[0]
    index = jnp.arange(n)
    # in_neg = input[index.repeat_interleave(neg_num).reshape(n, neg_num), neg_action]
    in_neg = input[index[:, None], neg_action]  # (n, neg_num)
    if target.ndim == 2:
        target = target.reshape(-1)
    in_pos = input[index, target]  # (n,)
    in_pos = jnp.repeat(in_pos, NEG_NUM).reshape(n, NEG_NUM)
    loss = -jnp.log(jax.nn.sigmoid(in_pos - in_neg)).mean()
    return loss

if __name__ == "__main__":
    import jax
    _d = setup_inputs()
    print(jax.jit(kernel)(*tuple(_d.values())))

</pallas_src>

<mosaic_0001>
#map = affine_map<(d0, d1) -> (0)>
#map1 = affine_map<(d0, d1) -> (0, 0)>
module attributes {stable_mosaic.version = 14 : i64} {
  func.func @body(%arg0: i32, %arg1: i32, %arg2: memref<102400000xf32, #tpu.memory_space<hbm>>, %arg3: memref<65536xi32, #tpu.memory_space<hbm>>, %arg4: memref<1024xi32, #tpu.memory_space<hbm>>, %arg5: memref<32x16xf32, #tpu.memory_space<hbm>>, %arg6: memref<2048xi32, #tpu.memory_space<vmem>>, %arg7: memref<256xi32, #tpu.memory_space<vmem>>, %arg8: memref<256xi32, #tpu.memory_space<vmem>>, %arg9: memref<2048xi32, #tpu.memory_space<vmem>>, %arg10: memref<256xf32, #tpu.memory_space<vmem>>, %arg11: memref<2048xf32, #tpu.memory_space<vmem>>, %arg12: memref<16xf32, #tpu.memory_space<vmem>>, %arg13: memref<!tpu.dma_semaphore, #tpu.memory_space<semaphore_mem>>, %arg14: memref<!tpu.dma_semaphore, #tpu.memory_space<semaphore_mem>>, %arg15: memref<!tpu.dma_semaphore, #tpu.memory_space<semaphore_mem>>, %arg16: memref<4x!tpu.dma_semaphore, #tpu.memory_space<semaphore_mem>>) attributes {dimension_semantics = [#tpu.dimension_semantics<core_parallel>, #tpu.dimension_semantics<subcore_parallel>], iteration_bounds = array<i64: 2, 16>, scalar_prefetch = 0 : i64, scratch_operands = 11 : i64, tpu.core_type = #tpu.core_type<sc_vector_subcore>, window_params = [{transform_indices = #map}, {transform_indices = #map}, {transform_indices = #map}, {transform_indices = #map1}]} {
    %mul3A = arith.constant 2 : i32
    %mul3A_0 = arith.muli %arg1, %mul3A : i32
    %add3A = arith.addi %mul3A_0, %arg0 : i32
    %mul3A_1 = arith.constant 2048 : i32
    %mul3A_2 = arith.muli %add3A, %mul3A_1 : i32
    %jit3A = arith.constant 4 : i32
    %eq3A = arith.constant 0 : i32
    %eq3A_3 = arith.cmpi eq, %jit3A, %eq3A : i32
    %jit3A_4 = arith.constant 1 : i32
    %select_n3A = arith.select %eq3A_3, %jit3A_4, %jit3A : i32
    %rem3A = arith.remsi %add3A, %select_n3A : i32
    %ne3A = arith.constant 0 : i32
    %ne3A_5 = arith.cmpi ne, %rem3A, %ne3A : i32
    %lt3A = arith.constant 0 : i32
    %lt3A_6 = arith.cmpi slt, %rem3A, %lt3A : i32
    %lt3A_7 = arith.constant 0 : i32
    %lt3A_8 = arith.cmpi slt, %select_n3A, %lt3A_7 : i32
    %ne3A_9 = arith.xori %lt3A_6, %lt3A_8 : i1
    %and3A = arith.andi %ne3A_9, %ne3A_5 : i1
    %add3A_10 = arith.addi %rem3A, %select_n3A : i32
    %select_n3A_11 = arith.select %and3A, %add3A_10, %rem3A : i32
    %mul3A_12 = arith.constant 256 : i32
    %mul3A_13 = arith.muli %select_n3A_11, %mul3A_12 : i32
    %jit3A_14 = arith.constant 4 : i32
    %eq3A_15 = arith.constant 0 : i32
    %eq3A_16 = arith.cmpi eq, %jit3A_14, %eq3A_15 : i32
    %jit3A_17 = arith.constant 1 : i32
    %select_n3A_18 = arith.select %eq3A_16, %jit3A_17, %jit3A_14 : i32
    %rem3A_19 = arith.remsi %add3A, %select_n3A_18 : i32
    %ne3A_20 = arith.constant 0 : i32
    %ne3A_21 = arith.cmpi ne, %rem3A_19, %ne3A_20 : i32
    %lt3A_22 = arith.constant 0 : i32
    %lt3A_23 = arith.cmpi slt, %rem3A_19, %lt3A_22 : i32
    %lt3A_24 = arith.constant 0 : i32
    %lt3A_25 = arith.cmpi slt, %select_n3A_18, %lt3A_24 : i32
    %ne3A_26 = arith.xori %lt3A_23, %lt3A_25 : i1
    %and3A_27 = arith.andi %ne3A_26, %ne3A_21 : i1
    %add3A_28 = arith.addi %rem3A_19, %select_n3A_18 : i32
    %select_n3A_29 = arith.select %and3A_27, %add3A_28, %rem3A_19 : i32
    %mul3A_30 = arith.constant 2 : i32
    %mul3A_31 = arith.muli %select_n3A_29, %mul3A_30 : i32
    %dma_start3A = tpu.memref_slice %arg3[%mul3A_2] : memref<65536xi32, #tpu.memory_space<hbm>> -> memref<2048xi32, #tpu.memory_space<hbm>>
    %dma_start3A_32 = tpu.memref_slice %arg3[%mul3A_2] : memref<65536xi32, #tpu.memory_space<hbm>> -> memref<2048xi32, #tpu.memory_space<hbm>>
    tpu.enqueue_dma source(%dma_start3A_32 : memref<2048xi32, #tpu.memory_space<hbm>>) target(%arg6 : memref<2048xi32, #tpu.memory_space<vmem>>) target_semaphore(%arg14 : memref<!tpu.dma_semaphore, #tpu.memory_space<semaphore_mem>>)
    %dma_start3A_33 = tpu.memref_slice %arg4[%mul3A_13] : memref<1024xi32, #tpu.memory_space<hbm>> -> memref<256xi32, #tpu.memory_space<hbm>>
    %dma_start3A_34 = tpu.memref_slice %arg4[%mul3A_13] : memref<1024xi32, #tpu.memory_space<hbm>> -> memref<256xi32, #tpu.memory_space<hbm>>
    tpu.enqueue_dma source(%dma_start3A_34 : memref<256xi32, #tpu.memory_space<hbm>>) target(%arg7 : memref<256xi32, #tpu.memory_space<vmem>>) target_semaphore(%arg13 : memref<!tpu.dma_semaphore, #tpu.memory_space<semaphore_mem>>)
    %iota3A = tpu.iota {dimensions = array<i32: 0>} : vector<16xi32>
    %dma_wait3A = tpu.memref_slice %arg4[%mul3A_13] : memref<1024xi32, #tpu.memory_space<hbm>> -> memref<256xi32, #tpu.memory_space<hbm>>
    %dma_wait3A_35 = tpu.memref_slice %arg4[%mul3A_13] : memref<1024xi32, #tpu.memory_space<hbm>> -> memref<256xi32, #tpu.memory_space<hbm>>
    tpu.wait_dma2 semaphore(%arg13 : memref<!tpu.dma_semaphore, #tpu.memory_space<semaphore_mem>>) src(%dma_wait3A_35 : memref<256xi32, #tpu.memory_space<hbm>>) dst(%arg7 : memref<256xi32, #tpu.memory_space<vmem>>)
    %get3A = arith.constant 0 : index
    %get3A_36 = tpu.vector_load %arg7[%get3A] {strides = array<i32>} : memref<256xi32, #tpu.memory_space<vmem>>, vector<16xi32>,
    %get3A_37 = vector.shape_cast %get3A_36 : vector<16xi32> to vector<16xi32>
    %add3A_38 = arith.constant 0 : i32
    %add3A_39 = arith.addi %mul3A_31, %add3A_38 : i32
    %mul3A_40 = arith.constant 1024 : i32
    %mul3A_41 = arith.muli %add3A_39, %mul3A_40 : i32
    %add3A_42 = arith.constant 0 : i32
    %add3A_43 = arith.addi %mul3A_41, %add3A_42 : i32
    %add3A_44 = vector.broadcast %add3A_43 : i32 to vector<16xi32>
    %add3A_45 = arith.addi %add3A_44, %iota3A : vector<16xi32>
    %shift_right_arithmetic3A = arith.constant 3 : i32
    %shift_right_arithmetic3A_46 = vector.broadcast %shift_right_arithmetic3A : i32 to vector<16xi32>
    %shift_right_arithmetic3A_47 = arith.shrsi %get3A_37, %shift_right_arithmetic3A_46 : vector<16xi32>
    %shift_left3A = arith.constant 13 : i32
    %shift_left3A_48 = vector.broadcast %shift_left3A : i32 to vector<16xi32>
    %shift_left3A_49 = arith.shli %shift_right_arithmetic3A_47, %shift_left3A_48 : vector<16xi32>
    %and3A_50 = arith.constant 7 : i32
    %and3A_51 = vector.broadcast %and3A_50 : i32 to vector<16xi32>
    %and3A_52 = arith.andi %get3A_37, %and3A_51 : vector<16xi32>
    %shift_left3A_53 = arith.constant 7 : i32
    %shift_left3A_54 = vector.broadcast %shift_left3A_53 : i32 to vector<16xi32>
    %shift_left3A_55 = arith.shli %and3A_52, %shift_left3A_54 : vector<16xi32>
    %or3A = arith.ori %shift_left3A_49, %shift_left3A_55 : vector<16xi32>
    %or3A_56 = arith.ori %or3A, %add3A_45 : vector<16xi32>
    %swap3A = arith.constant 0 : index
    %swap3A_57 = tpu.vector_load %arg8[%swap3A] {strides = array<i32>} : memref<256xi32, #tpu.memory_space<vmem>>, vector<16xi32>,
    %swap3A_58 = vector.shape_cast %swap3A_57 : vector<16xi32> to vector<16xi32>
    %swap3A_59 = vector.shape_cast %or3A_56 : vector<16xi32> to vector<16xi32>
    tpu.vector_store %arg8[%swap3A], %swap3A_59 {strides = array<i32>} : memref<256xi32, #tpu.memory_space<vmem>>, vector<16xi32>,
    %get3A_60 = arith.constant 16 : index
    %get3A_61 = tpu.vector_load %arg7[%get3A_60] {strides = array<i32>} : memref<256xi32, #tpu.memory_space<vmem>>, vector<16xi32>,
    %get3A_62 = vector.shape_cast %get3A_61 : vector<16xi32> to vector<16xi32>
    %add3A_63 = arith.constant 0 : i32
    %add3A_64 = arith.addi %mul3A_31, %add3A_63 : i32
    %mul3A_65 = arith.constant 1024 : i32
    %mul3A_66 = arith.muli %add3A_64, %mul3A_65 : i32
    %add3A_67 = arith.constant 16 : i32
    %add3A_68 = arith.addi %mul3A_66, %add3A_67 : i32
    %add3A_69 = vector.broadcast %add3A_68 : i32 to vector<16xi32>
    %add3A_70 = arith.addi %add3A_69, %iota3A : vector<16xi32>
    %shift_right_arithmetic3A_71 = arith.constant 3 : i32
    %shift_right_arithmetic3A_72 = vector.broadcast %shift_right_arithmetic3A_71 : i32 to vector<16xi32>
    %shift_right_arithmetic3A_73 = arith.shrsi %get3A_62, %shift_right_arithmetic3A_72 : vector<16xi32>
    %shift_left3A_74 = arith.constant 13 : i32
    %shift_left3A_75 = vector.broadcast %shift_left3A_74 : i32 to vector<16xi32>
    %shift_left3A_76 = arith.shli %shift_right_arithmetic3A_73, %shift_left3A_75 : vector<16xi32>
    %and3A_77 = arith.constant 7 : i32
    %and3A_78 = vector.broadcast %and3A_77 : i32 to vector<16xi32>
    %and3A_79 = arith.andi %get3A_62, %and3A_78 : vector<16xi32>
    %shift_left3A_80 = arith.constant 7 : i32
    %shift_left3A_81 = vector.broadcast %shift_left3A_80 : i32 to vector<16xi32>
    %shift_left3A_82 = arith.shli %and3A_79, %shift_left3A_81 : vector<16xi32>
    %or3A_83 = arith.ori %shift_left3A_76, %shift_left3A_82 : vector<16xi32>
    %or3A_84 = arith.ori %or3A_83, %add3A_70 : vector<16xi32>
    %swap3A_85 = arith.constant 16 : index
    %swap3A_86 = tpu.vector_load %arg8[%swap3A_85] {strides = array<i32>} : memref<256xi32, #tpu.memory_space<vmem>>, vector<16xi32>,
    %swap3A_87 = vector.shape_cast %swap3A_86 : vector<16xi32> to vector<16xi32>
    %swap3A_88 = vector.shape_cast %or3A_84 : vector<16xi32> to vector<16xi32>
    tpu.vector_store %arg8[%swap3A_85], %swap3A_88 {strides = array<i32>} : memref<256xi32, #tpu.memory_space<vmem>>, vector<16xi32>,
    %get3A_89 = arith.constant 32 : index
    %get3A_90 = tpu.vector_load %arg7[%get3A_89] {strides = array<i32>} : memref<256xi32, #tpu.memory_space<vmem>>, vector<16xi32>,
    %get3A_91 = vector.shape_cast %get3A_90 : vector<16xi32> to vector<16xi32>
    %add3A_92 = arith.constant 0 : i32
    %add3A_93 = arith.addi %mul3A_31, %add3A_92 : i32
    %mul3A_94 = arith.constant 1024 : i32
    %mul3A_95 = arith.muli %add3A_93, %mul3A_94 : i32
    %add3A_96 = arith.constant 32 : i32
    %add3A_97 = arith.addi %mul3A_95, %add3A_96 : i32
    %add3A_98 = vector.broadcast %add3A_97 : i32 to vector<16xi32>
    %add3A_99 = arith.addi %add3A_98, %iota3A : vector<16xi32>
    %shift_right_arithmetic3A_100 = arith.constant 3 : i32
    %shift_right_arithmetic3A_101 = vector.broadcast %shift_right_arithmetic3A_100 : i32 to vector<16xi32>
    %shift_right_arithmetic3A_102 = arith.shrsi %get3A_91, %shift_right_arithmetic3A_101 : vector<16xi32>
    %shift_left3A_103 = arith.constant 13 : i32
    %shift_left3A_104 = vector.broadcast %shift_left3A_103 : i32 to vector<16xi32>
    %shift_left3A_105 = arith.shli %shift_right_arithmetic3A_102, %shift_left3A_104 : vector<16xi32>
    %and3A_106 = arith.constant 7 : i32
    %and3A_107 = vector.broadcast %and3A_106 : i32 to vector<16xi32>
    %and3A_108 = arith.andi %get3A_91, %and3A_107 : vector<16xi32>
    %shift_left3A_109 = arith.constant 7 : i32
    %shift_left3A_110 = vector.broadcast %shift_left3A_109 : i32 to vector<16xi32>
    %shift_left3A_111 = arith.shli %and3A_108, %shift_left3A_110 : vector<16xi32>
    %or3A_112 = arith.ori %shift_left3A_105, %shift_left3A_111 : vector<16xi32>
    %or3A_113 = arith.ori %or3A_112, %add3A_99 : vector<16xi32>
    %swap3A_114 = arith.constant 32 : index
    %swap3A_115 = tpu.vector_load %arg8[%swap3A_114] {strides = array<i32>} : memref<256xi32, #tpu.memory_space<vmem>>, vector<16xi32>,
    %swap3A_116 = vector.shape_cast %swap3A_115 : vector<16xi32> to vector<16xi32>
    %swap3A_117 = vector.shape_cast %or3A_113 : vector<16xi32> to vector<16xi32>
    tpu.vector_store %arg8[%swap3A_114], %swap3A_117 {strides = array<i32>} : memref<256xi32, #tpu.memory_space<vmem>>, vector<16xi32>,
    %get3A_118 = arith.constant 48 : index
    %get3A_119 = tpu.vector_load %arg7[%get3A_118] {strides = array<i32>} : memref<256xi32, #tpu.memory_space<vmem>>, vector<16xi32>,
    %get3A_120 = vector.shape_cast %get3A_119 : vector<16xi32> to vector<16xi32>
    %add3A_121 = arith.constant 0 : i32
    %add3A_122 = arith.addi %mul3A_31, %add3A_121 : i32
    %mul3A_123 = arith.constant 1024 : i32
    %mul3A_124 = arith.muli %add3A_122, %mul3A_123 : i32
    %add3A_125 = arith.constant 48 : i32
    %add3A_126 = arith.addi %mul3A_124, %add3A_125 : i32
    %add3A_127 = vector.broadcast %add3A_126 : i32 to vector<16xi32>
    %add3A_128 = arith.addi %add3A_127, %iota3A : vector<16xi32>
    %shift_right_arithmetic3A_129 = arith.constant 3 : i32
    %shift_right_arithmetic3A_130 = vector.broadcast %shift_right_arithmetic3A_129 : i32 to vector<16xi32>
    %shift_right_arithmetic3A_131 = arith.shrsi %get3A_120, %shift_right_arithmetic3A_130 : vector<16xi32>
    %shift_left3A_132 = arith.constant 13 : i32
    %shift_left3A_133 = vector.broadcast %shift_left3A_132 : i32 to vector<16xi32>
    %shift_left3A_134 = arith.shli %shift_right_arithmetic3A_131, %shift_left3A_133 : vector<16xi32>
    %and3A_135 = arith.constant 7 : i32
    %and3A_136 = vector.broadcast %and3A_135 : i32 to vector<16xi32>
    %and3A_137 = arith.andi %get3A_120, %and3A_136 : vector<16xi32>
    %shift_left3A_138 = arith.constant 7 : i32
    %shift_left3A_139 = vector.broadcast %shift_left3A_138 : i32 to vector<16xi32>
    %shift_left3A_140 = arith.shli %and3A_137, %shift_left3A_139 : vector<16xi32>
    %or3A_141 = arith.ori %shift_left3A_134, %shift_left3A_140 : vector<16xi32>
    %or3A_142 = arith.ori %or3A_141, %add3A_128 : vector<16xi32>
    %swap3A_143 = arith.constant 48 : index
    %swap3A_144 = tpu.vector_load %arg8[%swap3A_143] {strides = array<i32>} : memref<256xi32, #tpu.memory_space<vmem>>, vector<16xi32>,
    %swap3A_145 = vector.shape_cast %swap3A_144 : vector<16xi32> to vector<16xi32>
    %swap3A_146 = vector.shape_cast %or3A_142 : vector<16xi32> to vector<16xi32>
    tpu.vector_store %arg8[%swap3A_143], %swap3A_146 {strides = array<i32>} : memref<256xi32, #tpu.memory_space<vmem>>, vector<16xi32>,
    %get3A_147 = arith.constant 64 : index
    %get3A_148 = tpu.vector_load %arg7[%get3A_147] {strides = array<i32>} : memref<256xi32, #tpu.memory_space<vmem>>, vector<16xi32>,
    %get3A_149 = vector.shape_cast %get3A_148 : vector<16xi32> to vector<16xi32>
    %add3A_150 = arith.constant 0 : i32
    %add3A_151 = arith.addi %mul3A_31, %add3A_150 : i32
    %mul3A_152 = arith.constant 1024 : i32
    %mul3A_153 = arith.muli %add3A_151, %mul3A_152 : i32
    %add3A_154 = arith.constant 64 : i32
    %add3A_155 = arith.addi %mul3A_153, %add3A_154 : i32
    %add3A_156 = vector.broadcast %add3A_155 : i32 to vector<16xi32>
    %add3A_157 = arith.addi %add3A_156, %iota3A : vector<16xi32>
    %shift_right_arithmetic3A_158 = arith.constant 3 : i32
    %shift_right_arithmetic3A_159 = vector.broadcast %shift_right_arithmetic3A_158 : i32 to vector<16xi32>
    %shift_right_arithmetic3A_160 = arith.shrsi %get3A_149, %shift_right_arithmetic3A_159 : vector<16xi32>
    %shift_left3A_161 = arith.constant 13 : i32
    %shift_left3A_162 = vector.broadcast %shift_left3A_161 : i32 to vector<16xi32>
    %shift_left3A_163 = arith.shli %shift_right_arithmetic3A_160, %shift_left3A_162 : vector<16xi32>
    %and3A_164 = arith.constant 7 : i32
    %and3A_165 = vector.broadcast %and3A_164 : i32 to vector<16xi32>
    %and3A_166 = arith.andi %get3A_149, %and3A_165 : vector<16xi32>
    %shift_left3A_167 = arith.constant 7 : i32
    %shift_left3A_168 = vector.broadcast %shift_left3A_167 : i32 to vector<16xi32>
    %shift_left3A_169 = arith.shli %and3A_166, %shift_left3A_168 : vector<16xi32>
    %or3A_170 = arith.ori %shift_left3A_163, %shift_left3A_169 : vector<16xi32>
    %or3A_171 = arith.ori %or3A_170, %add3A_157 : vector<16xi32>
    %swap3A_172 = arith.constant 64 : index
    %swap3A_173 = tpu.vector_load %arg8[%swap3A_172] {strides = array<i32>} : memref<256xi32, #tpu.memory_space<vmem>>, vector<16xi32>,
    %swap3A_174 = vector.shape_cast %swap3A_173 : vector<16xi32> to vector<16xi32>
    %swap3A_175 = vector.shape_cast %or3A_171 : vector<16xi32> to vector<16xi32>
    tpu.vector_store %arg8[%swap3A_172], %swap3A_175 {strides = array<i32>} : memref<256xi32, #tpu.memory_space<vmem>>, vector<16xi32>,
    %get3A_176 = arith.constant 80 : index
    %get3A_177 = tpu.vector_load %arg7[%get3A_176] {strides = array<i32>} : memref<256xi32, #tpu.memory_space<vmem>>, vector<16xi32>,
    %get3A_178 = vector.shape_cast %get3A_177 : vector<16xi32> to vector<16xi32>
    %add3A_179 = arith.constant 0 : i32
    %add3A_180 = arith.addi %mul3A_31, %add3A_179 : i32
    %mul3A_181 = arith.constant 1024 : i32
    %mul3A_182 = arith.muli %add3A_180, %mul3A_181 : i32
    %add3A_183 = arith.constant 80 : i32
    %add3A_184 = arith.addi %mul3A_182, %add3A_183 : i32
    %add3A_185 = vector.broadcast %add3A_184 : i32 to vector<16xi32>
    %add3A_186 = arith.addi %add3A_185, %iota3A : vector<16xi32>
    %shift_right_arithmetic3A_187 = arith.constant 3 : i32
    %shift_right_arithmetic3A_188 = vector.broadcast %shift_right_arithmetic3A_187 : i32 to vector<16xi32>
    %shift_right_arithmetic3A_189 = arith.shrsi %get3A_178, %shift_right_arithmetic3A_188 : vector<16xi32>
    %shift_left3A_190 = arith.constant 13 : i32
    %shift_left3A_191 = vector.broadcast %shift_left3A_190 : i32 to vector<16xi32>
    %shift_left3A_192 = arith.shli %shift_right_arithmetic3A_189, %shift_left3A_191 : vector<16xi32>
    %and3A_193 = arith.constant 7 : i32
    %and3A_194 = vector.broadcast %and3A_193 : i32 to vector<16xi32>
    %and3A_195 = arith.andi %get3A_178, %and3A_194 : vector<16xi32>
    %shift_left3A_196 = arith.constant 7 : i32
    %shift_left3A_197 = vector.broadcast %shift_left3A_196 : i32 to vector<16xi32>
    %shift_left3A_198 = arith.shli %and3A_195, %shift_left3A_197 : vector<16xi32>
    %or3A_199 = arith.ori %shift_left3A_192, %shift_left3A_198 : vector<16xi32>
    %or3A_200 = arith.ori %or3A_199, %add3A_186 : vector<16xi32>
    %swap3A_201 = arith.constant 80 : index
    %swap3A_202 = tpu.vector_load %arg8[%swap3A_201] {strides = array<i32>} : memref<256xi32, #tpu.memory_space<vmem>>, vector<16xi32>,
    %swap3A_203 = vector.shape_cast %swap3A_202 : vector<16xi32> to vector<16xi32>
    %swap3A_204 = vector.shape_cast %or3A_200 : vector<16xi32> to vector<16xi32>
    tpu.vector_store %arg8[%swap3A_201], %swap3A_204 {strides = array<i32>} : memref<256xi32, #tpu.memory_space<vmem>>, vector<16xi32>,
    %get3A_205 = arith.constant 96 : index
    %get3A_206 = tpu.vector_load %arg7[%get3A_205] {strides = array<i32>} : memref<256xi32, #tpu.memory_space<vmem>>, vector<16xi32>,
    %get3A_207 = vector.shape_cast %get3A_206 : vector<16xi32> to vector<16xi32>
    %add3A_208 = arith.constant 0 : i32
    %add3A_209 = arith.addi %mul3A_31, %add3A_208 : i32
    %mul3A_210 = arith.constant 1024 : i32
    %mul3A_211 = arith.muli %add3A_209, %mul3A_210 : i32
    %add3A_212 = arith.constant 96 : i32
    %add3A_213 = arith.addi %mul3A_211, %add3A_212 : i32
    %add3A_214 = vector.broadcast %add3A_213 : i32 to vector<16xi32>
    %add3A_215 = arith.addi %add3A_214, %iota3A : vector<16xi32>
    %shift_right_arithmetic3A_216 = arith.constant 3 : i32
    %shift_right_arithmetic3A_217 = vector.broadcast %shift_right_arithmetic3A_216 : i32 to vector<16xi32>
    %shift_right_arithmetic3A_218 = arith.shrsi %get3A_207, %shift_right_arithmetic3A_217 : vector<16xi32>
    %shift_left3A_219 = arith.constant 13 : i32
    %shift_left3A_220 = vector.broadcast %shift_left3A_219 : i32 to vector<16xi32>
    %shift_left3A_221 = arith.shli %shift_right_arithmetic3A_218, %shift_left3A_220 : vector<16xi32>
    %and3A_222 = arith.constant 7 : i32
    %and3A_223 = vector.broadcast %and3A_222 : i32 to vector<16xi32>
    %and3A_224 = arith.andi %get3A_207, %and3A_223 : vector<16xi32>
    %shift_left3A_225 = arith.constant 7 : i32
    %shift_left3A_226 = vector.broadcast %shift_left3A_225 : i32 to vector<16xi32>
    %shift_left3A_227 = arith.shli %and3A_224, %shift_left3A_226 : vector<16xi32>
    %or3A_228 = arith.ori %shift_left3A_221, %shift_left3A_227 : vector<16xi32>
    %or3A_229 = arith.ori %or3A_228, %add3A_215 : vector<16xi32>
    %swap3A_230 = arith.constant 96 : index
    %swap3A_231 = tpu.vector_load %arg8[%swap3A_230] {strides = array<i32>} : memref<256xi32, #tpu.memory_space<vmem>>, vector<16xi32>,
    %swap3A_232 = vector.shape_cast %swap3A_231 : vector<16xi32> to vector<16xi32>
    %swap3A_233 = vector.shape_cast %or3A_229 : vector<16xi32> to vector<16xi32>
    tpu.vector_store %arg8[%swap3A_230], %swap3A_233 {strides = array<i32>} : memref<256xi32, #tpu.memory_space<vmem>>, vector<16xi32>,
    %get3A_234 = arith.constant 112 : index
    %get3A_235 = tpu.vector_load %arg7[%get3A_234] {strides = array<i32>} : memref<256xi32, #tpu.memory_space<vmem>>, vector<16xi32>,
    %get3A_236 = vector.shape_cast %get3A_235 : vector<16xi32> to vector<16xi32>
    %add3A_237 = arith.constant 0 : i32
    %add3A_238 = arith.addi %mul3A_31, %add3A_237 : i32
    %mul3A_239 = arith.constant 1024 : i32
    %mul3A_240 = arith.muli %add3A_238, %mul3A_239 : i32
    %add3A_241 = arith.constant 112 : i32
    %add3A_242 = arith.addi %mul3A_240, %add3A_241 : i32
    %add3A_243 = vector.broadcast %add3A_242 : i32 to vector<16xi32>
    %add3A_244 = arith.addi %add3A_243, %iota3A : vector<16xi32>
    %shift_right_arithmetic3A_245 = arith.constant 3 : i32
    %shift_right_arithmetic3A_246 = vector.broadcast %shift_right_arithmetic3A_245 : i32 to vector<16xi32>
    %shift_right_arithmetic3A_247 = arith.shrsi %get3A_236, %shift_right_arithmetic3A_246 : vector<16xi32>
    %shift_left3A_248 = arith.constant 13 : i32
    %shift_left3A_249 = vector.broadcast %shift_left3A_248 : i32 to vector<16xi32>
    %shift_left3A_250 = arith.shli %shift_right_arithmetic3A_247, %shift_left3A_249 : vector<16xi32>
    %and3A_251 = arith.constant 7 : i32
    %and3A_252 = vector.broadcast %and3A_251 : i32 to vector<16xi32>
    %and3A_253 = arith.andi %get3A_236, %and3A_252 : vector<16xi32>
    %shift_left3A_254 = arith.constant 7 : i32
    %shift_left3A_255 = vector.broadcast %shift_left3A_254 : i32 to vector<16xi32>
    %shift_left3A_256 = arith.shli %and3A_253, %shift_left3A_255 : vector<16xi32>
    %or3A_257 = arith.ori %shift_left3A_250, %shift_left3A_256 : vector<16xi32>
    %or3A_258 = arith.ori %or3A_257, %add3A_244 : vector<16xi32>
    %swap3A_259 = arith.constant 112 : index
    %swap3A_260 = tpu.vector_load %arg8[%swap3A_259] {strides = array<i32>} : memref<256xi32, #tpu.memory_space<vmem>>, vector<16xi32>,
    %swap3A_261 = vector.shape_cast %swap3A_260 : vector<16xi32> to vector<16xi32>
    %swap3A_262 = vector.shape_cast %or3A_258 : vector<16xi32> to vector<16xi32>
    tpu.vector_store %arg8[%swap3A_259], %swap3A_262 {strides = array<i32>} : memref<256xi32, #tpu.memory_space<vmem>>, vector<16xi32>,
    %get3A_263 = arith.constant 128 : index
    %get3A_264 = tpu.vector_load %arg7[%get3A_263] {strides = array<i32>} : memref<256xi32, #tpu.memory_space<vmem>>, vector<16xi32>,
    %get3A_265 = vector.shape_cast %get3A_264 : vector<16xi32> to vector<16xi32>
    %add3A_266 = arith.constant 1 : i32
    %add3A_267 = arith.addi %mul3A_31, %add3A_266 : i32
    %mul3A_268 = arith.constant 1024 : i32
    %mul3A_269 = arith.muli %add3A_267, %mul3A_268 : i32
    %add3A_270 = arith.constant 0 : i32
    %add3A_271 = arith.addi %mul3A_269, %add3A_270 : i32
    %add3A_272 = vector.broadcast %add3A_271 : i32 to vector<16xi32>
    %add3A_273 = arith.addi %add3A_272, %iota3A : vector<16xi32>
    %shift_right_arithmetic3A_274 = arith.constant 3 : i32
    %shift_right_arithmetic3A_275 = vector.broadcast %shift_right_arithmetic3A_274 : i32 to vector<16xi32>
    %shift_right_arithmetic3A_276 = arith.shrsi %get3A_265, %shift_right_arithmetic3A_275 : vector<16xi32>
    %shift_left3A_277 = arith.constant 13 : i32
    %shift_left3A_278 = vector.broadcast %shift_left3A_277 : i32 to vector<16xi32>
    %shift_left3A_279 = arith.shli %shift_right_arithmetic3A_276, %shift_left3A_278 : vector<16xi32>
    %and3A_280 = arith.constant 7 : i32
    %and3A_281 = vector.broadcast %and3A_280 : i32 to vector<16xi32>
    %and3A_282 = arith.andi %get3A_265, %and3A_281 : vector<16xi32>
    %shift_left3A_283 = arith.constant 7 : i32
    %shift_left3A_284 = vector.broadcast %shift_left3A_283 : i32 to vector<16xi32>
    %shift_left3A_285 = arith.shli %and3A_282, %shift_left3A_284 : vector<16xi32>
    %or3A_286 = arith.ori %shift_left3A_279, %shift_left3A_285 : vector<16xi32>
    %or3A_287 = arith.ori %or3A_286, %add3A_273 : vector<16xi32>
    %swap3A_288 = arith.constant 128 : index
    %swap3A_289 = tpu.vector_load %arg8[%swap3A_288] {strides = array<i32>} : memref<256xi32, #tpu.memory_space<vmem>>, vector<16xi32>,
    %swap3A_290 = vector.shape_cast %swap3A_289 : vector<16xi32> to vector<16xi32>
    %swap3A_291 = vector.shape_cast %or3A_287 : vector<16xi32> to vector<16xi32>
    tpu.vector_store %arg8[%swap3A_288], %swap3A_291 {strides = array<i32>} : memref<256xi32, #tpu.memory_space<vmem>>, vector<16xi32>,
    %get3A_292 = arith.constant 144 : index
    %get3A_293 = tpu.vector_load %arg7[%get3A_292] {strides = array<i32>} : memref<256xi32, #tpu.memory_space<vmem>>, vector<16xi32>,
    %get3A_294 = vector.shape_cast %get3A_293 : vector<16xi32> to vector<16xi32>
    %add3A_295 = arith.constant 1 : i32
    %add3A_296 = arith.addi %mul3A_31, %add3A_295 : i32
    %mul3A_297 = arith.constant 1024 : i32
    %mul3A_298 = arith.muli %add3A_296, %mul3A_297 : i32
    %add3A_299 = arith.constant 16 : i32
    %add3A_300 = arith.addi %mul3A_298, %add3A_299 : i32
    %add3A_301 = vector.broadcast %add3A_300 : i32 to vector<16xi32>
    %add3A_302 = arith.addi %add3A_301, %iota3A : vector<16xi32>
    %shift_right_arithmetic3A_303 = arith.constant 3 : i32
    %shift_right_arithmetic3A_304 = vector.broadcast %shift_right_arithmetic3A_303 : i32 to vector<16xi32>
    %shift_right_arithmetic3A_305 = arith.shrsi %get3A_294, %shift_right_arithmetic3A_304 : vector<16xi32>
    %shift_left3A_306 = arith.constant 13 : i32
    %shift_left3A_307 = vector.broadcast %shift_left3A_306 : i32 to vector<16xi32>
    %shift_left3A_308 = arith.shli %shift_right_arithmetic3A_305, %shift_left3A_307 : vector<16xi32>
    %and3A_309 = arith.constant 7 : i32
    %and3A_310 = vector.broadcast %and3A_309 : i32 to vector<16xi32>
    %and3A_311 = arith.andi %get3A_294, %and3A_310 : vector<16xi32>
    %shift_left3A_312 = arith.constant 7 : i32
    %shift_left3A_313 = vector.broadcast %shift_left3A_312 : i32 to vector<16xi32>
    %shift_left3A_314 = arith.shli %and3A_311, %shift_left3A_313 : vector<16xi32>
    %or3A_315 = arith.ori %shift_left3A_308, %shift_left3A_314 : vector<16xi32>
    %or3A_316 = arith.ori %or3A_315, %add3A_302 : vector<16xi32>
    %swap3A_317 = arith.constant 144 : index
    %swap3A_318 = tpu.vector_load %arg8[%swap3A_317] {strides = array<i32>} : memref<256xi32, #tpu.memory_space<vmem>>, vector<16xi32>,
    %swap3A_319 = vector.shape_cast %swap3A_318 : vector<16xi32> to vector<16xi32>
    %swap3A_320 = vector.shape_cast %or3A_316 : vector<16xi32> to vector<16xi32>
    tpu.vector_store %arg8[%swap3A_317], %swap3A_320 {strides = array<i32>} : memref<256xi32, #tpu.memory_space<vmem>>, vector<16xi32>,
    %get3A_321 = arith.constant 160 : index
    %get3A_322 = tpu.vector_load %arg7[%get3A_321] {strides = array<i32>} : memref<256xi32, #tpu.memory_space<vmem>>, vector<16xi32>,
    %get3A_323 = vector.shape_cast %get3A_322 : vector<16xi32> to vector<16xi32>
    %add3A_324 = arith.constant 1 : i32
    %add3A_325 = arith.addi %mul3A_31, %add3A_324 : i32
    %mul3A_326 = arith.constant 1024 : i32
    %mul3A_327 = arith.muli %add3A_325, %mul3A_326 : i32
    %add3A_328 = arith.constant 32 : i32
    %add3A_329 = arith.addi %mul3A_327, %add3A_328 : i32
    %add3A_330 = vector.broadcast %add3A_329 : i32 to vector<16xi32>
    %add3A_331 = arith.addi %add3A_330, %iota3A : vector<16xi32>
    %shift_right_arithmetic3A_332 = arith.constant 3 : i32
    %shift_right_arithmetic3A_333 = vector.broadcast %shift_right_arithmetic3A_332 : i32 to vector<16xi32>
    %shift_right_arithmetic3A_334 = arith.shrsi %get3A_323, %shift_right_arithmetic3A_333 : vector<16xi32>
    %shift_left3A_335 = arith.constant 13 : i32
    %shift_left3A_336 = vector.broadcast %shift_left3A_335 : i32 to vector<16xi32>
    %shift_left3A_337 = arith.shli %shift_right_arithmetic3A_334, %shift_left3A_336 : vector<16xi32>
    %and3A_338 = arith.constant 7 : i32
    %and3A_339 = vector.broadcast %and3A_338 : i32 to vector<16xi32>
    %and3A_340 = arith.andi %get3A_323, %and3A_339 : vector<16xi32>
    %shift_left3A_341 = arith.constant 7 : i32
    %shift_left3A_342 = vector.broadcast %shift_left3A_341 : i32 to vector<16xi32>
    %shift_left3A_343 = arith.shli %and3A_340, %shift_left3A_342 : vector<16xi32>
    %or3A_344 = arith.ori %shift_left3A_337, %shift_left3A_343 : vector<16xi32>
    %or3A_345 = arith.ori %or3A_344, %add3A_331 : vector<16xi32>
    %swap3A_346 = arith.constant 160 : index
    %swap3A_347 = tpu.vector_load %arg8[%swap3A_346] {strides = array<i32>} : memref<256xi32, #tpu.memory_space<vmem>>, vector<16xi32>,
    %swap3A_348 = vector.shape_cast %swap3A_347 : vector<16xi32> to vector<16xi32>
    %swap3A_349 = vector.shape_cast %or3A_345 : vector<16xi32> to vector<16xi32>
    tpu.vector_store %arg8[%swap3A_346], %swap3A_349 {strides = array<i32>} : memref<256xi32, #tpu.memory_space<vmem>>, vector<16xi32>,
    %get3A_350 = arith.constant 176 : index
    %get3A_351 = tpu.vector_load %arg7[%get3A_350] {strides = array<i32>} : memref<256xi32, #tpu.memory_space<vmem>>, vector<16xi32>,
    %get3A_352 = vector.shape_cast %get3A_351 : vector<16xi32> to vector<16xi32>
    %add3A_353 = arith.constant 1 : i32
    %add3A_354 = arith.addi %mul3A_31, %add3A_353 : i32
    %mul3A_355 = arith.constant 1024 : i32
    %mul3A_356 = arith.muli %add3A_354, %mul3A_355 : i32
    %add3A_357 = arith.constant 48 : i32
    %add3A_358 = arith.addi %mul3A_356, %add3A_357 : i32
    %add3A_359 = vector.broadcast %add3A_358 : i32 to vector<16xi32>
    %add3A_360 = arith.addi %add3A_359, %iota3A : vector<16xi32>
    %shift_right_arithmetic3A_361 = arith.constant 3 : i32
    %shift_right_arithmetic3A_362 = vector.broadcast %shift_right_arithmetic3A_361 : i32 to vector<16xi32>
    %shift_right_arithmetic3A_363 = arith.shrsi %get3A_352, %shift_right_arithmetic3A_362 : vector<16xi32>
    %shift_left3A_364 = arith.constant 13 : i32
    %shift_left3A_365 = vector.broadcast %shift_left3A_364 : i32 to vector<16xi32>
    %shift_left3A_366 = arith.shli %shift_right_arithmetic3A_363, %shift_left3A_365 : vector<16xi32>
    %and3A_367 = arith.constant 7 : i32
    %and3A_368 = vector.broadcast %and3A_367 : i32 to vector<16xi32>
    %and3A_369 = arith.andi %get3A_352, %and3A_368 : vector<16xi32>
    %shift_left3A_370 = arith.constant 7 : i32
    %shift_left3A_371 = vector.broadcast %shift_left3A_370 : i32 to vector<16xi32>
    %shift_left3A_372 = arith.shli %and3A_369, %shift_left3A_371 : vector<16xi32>
    %or3A_373 = arith.ori %shift_left3A_366, %shift_left3A_372 : vector<16xi32>
    %or3A_374 = arith.ori %or3A_373, %add3A_360 : vector<16xi32>
    %swap3A_375 = arith.constant 176 : index
    %swap3A_376 = tpu.vector_load %arg8[%swap3A_375] {strides = array<i32>} : memref<256xi32, #tpu.memory_space<vmem>>, vector<16xi32>,
    %swap3A_377 = vector.shape_cast %swap3A_376 : vector<16xi32> to vector<16xi32>
    %swap3A_378 = vector.shape_cast %or3A_374 : vector<16xi32> to vector<16xi32>
    tpu.vector_store %arg8[%swap3A_375], %swap3A_378 {strides = array<i32>} : memref<256xi32, #tpu.memory_space<vmem>>, vector<16xi32>,
    %get3A_379 = arith.constant 192 : index
    %get3A_380 = tpu.vector_load %arg7[%get3A_379] {strides = array<i32>} : memref<256xi32, #tpu.memory_space<vmem>>, vector<16xi32>,
    %get3A_381 = vector.shape_cast %get3A_380 : vector<16xi32> to vector<16xi32>
    %add3A_382 = arith.constant 1 : i32
    %add3A_383 = arith.addi %mul3A_31, %add3A_382 : i32
    %mul3A_384 = arith.constant 1024 : i32
    %mul3A_385 = arith.muli %add3A_383, %mul3A_384 : i32
    %add3A_386 = arith.constant 64 : i32
    %add3A_387 = arith.addi %mul3A_385, %add3A_386 : i32
    %add3A_388 = vector.broadcast %add3A_387 : i32 to vector<16xi32>
    %add3A_389 = arith.addi %add3A_388, %iota3A : vector<16xi32>
    %shift_right_arithmetic3A_390 = arith.constant 3 : i32
    %shift_right_arithmetic3A_391 = vector.broadcast %shift_right_arithmetic3A_390 : i32 to vector<16xi32>
    %shift_right_arithmetic3A_392 = arith.shrsi %get3A_381, %shift_right_arithmetic3A_391 : vector<16xi32>
    %shift_left3A_393 = arith.constant 13 : i32
    %shift_left3A_394 = vector.broadcast %shift_left3A_393 : i32 to vector<16xi32>
    %shift_left3A_395 = arith.shli %shift_right_arithmetic3A_392, %shift_left3A_394 : vector<16xi32>
    %and3A_396 = arith.constant 7 : i32
    %and3A_397 = vector.broadcast %and3A_396 : i32 to vector<16xi32>
    %and3A_398 = arith.andi %get3A_381, %and3A_397 : vector<16xi32>
    %shift_left3A_399 = arith.constant 7 : i32
    %shift_left3A_400 = vector.broadcast %shift_left3A_399 : i32 to vector<16xi32>
    %shift_left3A_401 = arith.shli %and3A_398, %shift_left3A_400 : vector<16xi32>
    %or3A_402 = arith.ori %shift_left3A_395, %shift_left3A_401 : vector<16xi32>
    %or3A_403 = arith.ori %or3A_402, %add3A_389 : vector<16xi32>
    %swap3A_404 = arith.constant 192 : index
    %swap3A_405 = tpu.vector_load %arg8[%swap3A_404] {strides = array<i32>} : memref<256xi32, #tpu.memory_space<vmem>>, vector<16xi32>,
    %swap3A_406 = vector.shape_cast %swap3A_405 : vector<16xi32> to vector<16xi32>
    %swap3A_407 = vector.shape_cast %or3A_403 : vector<16xi32> to vector<16xi32>
    tpu.vector_store %arg8[%swap3A_404], %swap3A_407 {strides = array<i32>} : memref<256xi32, #tpu.memory_space<vmem>>, vector<16xi32>,
    %get3A_408 = arith.constant 208 : index
    %get3A_409 = tpu.vector_load %arg7[%get3A_408] {strides = array<i32>} : memref<256xi32, #tpu.memory_space<vmem>>, vector<16xi32>,
    %get3A_410 = vector.shape_cast %get3A_409 : vector<16xi32> to vector<16xi32>
    %add3A_411 = arith.constant 1 : i32
    %add3A_412 = arith.addi %mul3A_31, %add3A_411 : i32
    %mul3A_413 = arith.constant 1024 : i32
    %mul3A_414 = arith.muli %add3A_412, %mul3A_413 : i32
    %add3A_415 = arith.constant 80 : i32
    %add3A_416 = arith.addi %mul3A_414, %add3A_415 : i32
    %add3A_417 = vector.broadcast %add3A_416 : i32 to vector<16xi32>
    %add3A_418 = arith.addi %add3A_417, %iota3A : vector<16xi32>
    %shift_right_arithmetic3A_419 = arith.constant 3 : i32
    %shift_right_arithmetic3A_420 = vector.broadcast %shift_right_arithmetic3A_419 : i32 to vector<16xi32>
    %shift_right_arithmetic3A_421 = arith.shrsi %get3A_410, %shift_right_arithmetic3A_420 : vector<16xi32>
    %shift_left3A_422 = arith.constant 13 : i32
    %shift_left3A_423 = vector.broadcast %shift_left3A_422 : i32 to vector<16xi32>
    %shift_left3A_424 = arith.shli %shift_right_arithmetic3A_421, %shift_left3A_423 : vector<16xi32>
    %and3A_425 = arith.constant 7 : i32
    %and3A_426 = vector.broadcast %and3A_425 : i32 to vector<16xi32>
    %and3A_427 = arith.andi %get3A_410, %and3A_426 : vector<16xi32>
    %shift_left3A_428 = arith.constant 7 : i32
    %shift_left3A_429 = vector.broadcast %shift_left3A_428 : i32 to vector<16xi32>
    %shift_left3A_430 = arith.shli %and3A_427, %shift_left3A_429 : vector<16xi32>
    %or3A_431 = arith.ori %shift_left3A_424, %shift_left3A_430 : vector<16xi32>
    %or3A_432 = arith.ori %or3A_431, %add3A_418 : vector<16xi32>
    %swap3A_433 = arith.constant 208 : index
    %swap3A_434 = tpu.vector_load %arg8[%swap3A_433] {strides = array<i32>} : memref<256xi32, #tpu.memory_space<vmem>>, vector<16xi32>,
    %swap3A_435 = vector.shape_cast %swap3A_434 : vector<16xi32> to vector<16xi32>
    %swap3A_436 = vector.shape_cast %or3A_432 : vector<16xi32> to vector<16xi32>
    tpu.vector_store %arg8[%swap3A_433], %swap3A_436 {strides = array<i32>} : memref<256xi32, #tpu.memory_space<vmem>>, vector<16xi32>,
    %get3A_437 = arith.constant 224 : index
    %get3A_438 = tpu.vector_load %arg7[%get3A_437] {strides = array<i32>} : memref<256xi32, #tpu.memory_space<vmem>>, vector<16xi32>,
    %get3A_439 = vector.shape_cast %get3A_438 : vector<16xi32> to vector<16xi32>
    %add3A_440 = arith.constant 1 : i32
    %add3A_441 = arith.addi %mul3A_31, %add3A_440 : i32
    %mul3A_442 = arith.constant 1024 : i32
    %mul3A_443 = arith.muli %add3A_441, %mul3A_442 : i32
    %add3A_444 = arith.constant 96 : i32
    %add3A_445 = arith.addi %mul3A_443, %add3A_444 : i32
    %add3A_446 = vector.broadcast %add3A_445 : i32 to vector<16xi32>
    %add3A_447 = arith.addi %add3A_446, %iota3A : vector<16xi32>
    %shift_right_arithmetic3A_448 = arith.constant 3 : i32
    %shift_right_arithmetic3A_449 = vector.broadcast %shift_right_arithmetic3A_448 : i32 to vector<16xi32>
    %shift_right_arithmetic3A_450 = arith.shrsi %get3A_439, %shift_right_arithmetic3A_449 : vector<16xi32>
    %shift_left3A_451 = arith.constant 13 : i32
    %shift_left3A_452 = vector.broadcast %shift_left3A_451 : i32 to vector<16xi32>
    %shift_left3A_453 = arith.shli %shift_right_arithmetic3A_450, %shift_left3A_452 : vector<16xi32>
    %and3A_454 = arith.constant 7 : i32
    %and3A_455 = vector.broadcast %and3A_454 : i32 to vector<16xi32>
    %and3A_456 = arith.andi %get3A_439, %and3A_455 : vector<16xi32>
    %shift_left3A_457 = arith.constant 7 : i32
    %shift_left3A_458 = vector.broadcast %shift_left3A_457 : i32 to vector<16xi32>
    %shift_left3A_459 = arith.shli %and3A_456, %shift_left3A_458 : vector<16xi32>
    %or3A_460 = arith.ori %shift_left3A_453, %shift_left3A_459 : vector<16xi32>
    %or3A_461 = arith.ori %or3A_460, %add3A_447 : vector<16xi32>
    %swap3A_462 = arith.constant 224 : index
    %swap3A_463 = tpu.vector_load %arg8[%swap3A_462] {strides = array<i32>} : memref<256xi32, #tpu.memory_space<vmem>>, vector<16xi32>,
    %swap3A_464 = vector.shape_cast %swap3A_463 : vector<16xi32> to vector<16xi32>
    %swap3A_465 = vector.shape_cast %or3A_461 : vector<16xi32> to vector<16xi32>
    tpu.vector_store %arg8[%swap3A_462], %swap3A_465 {strides = array<i32>} : memref<256xi32, #tpu.memory_space<vmem>>, vector<16xi32>,
    %get3A_466 = arith.constant 240 : index
    %get3A_467 = tpu.vector_load %arg7[%get3A_466] {strides = array<i32>} : memref<256xi32, #tpu.memory_space<vmem>>, vector<16xi32>,
    %get3A_468 = vector.shape_cast %get3A_467 : vector<16xi32> to vector<16xi32>
    %add3A_469 = arith.constant 1 : i32
    %add3A_470 = arith.addi %mul3A_31, %add3A_469 : i32
    %mul3A_471 = arith.constant 1024 : i32
    %mul3A_472 = arith.muli %add3A_470, %mul3A_471 : i32
    %add3A_473 = arith.constant 112 : i32
    %add3A_474 = arith.addi %mul3A_472, %add3A_473 : i32
    %add3A_475 = vector.broadcast %add3A_474 : i32 to vector<16xi32>
    %add3A_476 = arith.addi %add3A_475, %iota3A : vector<16xi32>
    %shift_right_arithmetic3A_477 = arith.constant 3 : i32
    %shift_right_arithmetic3A_478 = vector.broadcast %shift_right_arithmetic3A_477 : i32 to vector<16xi32>
    %shift_right_arithmetic3A_479 = arith.shrsi %get3A_468, %shift_right_arithmetic3A_478 : vector<16xi32>
    %shift_left3A_480 = arith.constant 13 : i32
    %shift_left3A_481 = vector.broadcast %shift_left3A_480 : i32 to vector<16xi32>
    %shift_left3A_482 = arith.shli %shift_right_arithmetic3A_479, %shift_left3A_481 : vector<16xi32>
    %and3A_483 = arith.constant 7 : i32
    %and3A_484 = vector.broadcast %and3A_483 : i32 to vector<16xi32>
    %and3A_485 = arith.andi %get3A_468, %and3A_484 : vector<16xi32>
    %shift_left3A_486 = arith.constant 7 : i32
    %shift_left3A_487 = vector.broadcast %shift_left3A_486 : i32 to vector<16xi32>
    %shift_left3A_488 = arith.shli %and3A_485, %shift_left3A_487 : vector<16xi32>
    %or3A_489 = arith.ori %shift_left3A_482, %shift_left3A_488 : vector<16xi32>
    %or3A_490 = arith.ori %or3A_489, %add3A_476 : vector<16xi32>
    %swap3A_491 = arith.constant 240 : index
    %swap3A_492 = tpu.vector_load %arg8[%swap3A_491] {strides = array<i32>} : memref<256xi32, #tpu.memory_space<vmem>>, vector<16xi32>,
    %swap3A_493 = vector.shape_cast %swap3A_492 : vector<16xi32> to vector<16xi32>
    %swap3A_494 = vector.shape_cast %or3A_490 : vector<16xi32> to vector<16xi32>
    tpu.vector_store %arg8[%swap3A_491], %swap3A_494 {strides = array<i32>} : memref<256xi32, #tpu.memory_space<vmem>>, vector<16xi32>,
    %dma_start3A_495 = arith.constant 0 : i32
    %dma_start3A_496 = tpu.memref_slice %arg10[%dma_start3A_495] : memref<256xf32, #tpu.memory_space<vmem>> -> memref<256xf32, #tpu.memory_space<vmem>>
    %dma_start3A_497 = arith.constant 0 : i32
    %dma_start3A_498 = tpu.memref_slice %arg8[%dma_start3A_497] : memref<256xi32, #tpu.memory_space<vmem>> -> memref<256xi32, #tpu.memory_space<vmem>>
    %dma_start3A_499 = arith.constant 0 : i32
    %dma_start3A_500 = tpu.memref_slice %arg2[%dma_start3A_499] : memref<102400000xf32, #tpu.memory_space<hbm>> -> memref<102400000xf32, #tpu.memory_space<hbm>>
    tpu.enqueue_indirect_dma source(%dma_start3A_500 : memref<102400000xf32, #tpu.memory_space<hbm>>) target(%dma_start3A_496 : memref<256xf32, #tpu.memory_space<vmem>>) offsets(%dma_start3A_498 : memref<256xi32, #tpu.memory_space<vmem>>) semaphore(%arg15 : memref<!tpu.dma_semaphore, #tpu.memory_space<semaphore_mem>>)
    %dma_wait3A_501 = tpu.memref_slice %arg3[%mul3A_2] : memref<65536xi32, #tpu.memory_space<hbm>> -> memref<2048xi32, #tpu.memory_space<hbm>>
    %dma_wait3A_502 = tpu.memref_slice %arg3[%mul3A_2] : memref<65536xi32, #tpu.memory_space<hbm>> -> memref<2048xi32, #tpu.memory_space<hbm>>
    tpu.wait_dma2 semaphore(%arg14 : memref<!tpu.dma_semaphore, #tpu.memory_space<semaphore_mem>>) src(%dma_wait3A_502 : memref<2048xi32, #tpu.memory_space<hbm>>) dst(%arg6 : memref<2048xi32, #tpu.memory_space<vmem>>)
    %get3A_503 = arith.constant 0 : index
    %get3A_504 = tpu.vector_load %arg6[%get3A_503] {strides = array<i32>} : memref<2048xi32, #tpu.memory_space<vmem>>, vector<16xi32>,
    %get3A_505 = vector.shape_cast %get3A_504 : vector<16xi32> to vector<16xi32>
    %add3A_506 = arith.constant 0 : i32
    %add3A_507 = arith.addi %mul3A_31, %add3A_506 : i32
    %mul3A_508 = arith.constant 1024 : i32
    %mul3A_509 = arith.muli %add3A_507, %mul3A_508 : i32
    %add3A_510 = arith.constant 0 : i32
    %add3A_511 = arith.addi %mul3A_509, %add3A_510 : i32
    %add3A_512 = vector.broadcast %add3A_511 : i32 to vector<16xi32>
    %add3A_513 = arith.addi %add3A_512, %iota3A : vector<16xi32>
    %shift_right_arithmetic3A_514 = arith.constant 3 : i32
    %shift_right_arithmetic3A_515 = vector.broadcast %shift_right_arithmetic3A_514 : i32 to vector<16xi32>
    %shift_right_arithmetic3A_516 = arith.shrsi %get3A_505, %shift_right_arithmetic3A_515 : vector<16xi32>
    %shift_left3A_517 = arith.constant 13 : i32
    %shift_left3A_518 = vector.broadcast %shift_left3A_517 : i32 to vector<16xi32>
    %shift_left3A_519 = arith.shli %shift_right_arithmetic3A_516, %shift_left3A_518 : vector<16xi32>
    %and3A_520 = arith.constant 7 : i32
    %and3A_521 = vector.broadcast %and3A_520 : i32 to vector<16xi32>
    %and3A_522 = arith.andi %get3A_505, %and3A_521 : vector<16xi32>
    %shift_left3A_523 = arith.constant 7 : i32
    %shift_left3A_524 = vector.broadcast %shift_left3A_523 : i32 to vector<16xi32>
    %shift_left3A_525 = arith.shli %and3A_522, %shift_left3A_524 : vector<16xi32>
    %or3A_526 = arith.ori %shift_left3A_519, %shift_left3A_525 : vector<16xi32>
    %or3A_527 = arith.ori %or3A_526, %add3A_513 : vector<16xi32>
    %swap3A_528 = arith.constant 0 : index
    %swap3A_529 = tpu.vector_load %arg9[%swap3A_528] {strides = array<i32>} : memref<2048xi32, #tpu.memory_space<vmem>>, vector<16xi32>,
    %swap3A_530 = vector.shape_cast %swap3A_529 : vector<16xi32> to vector<16xi32>
    %swap3A_531 = vector.shape_cast %or3A_527 : vector<16xi32> to vector<16xi32>
    tpu.vector_store %arg9[%swap3A_528], %swap3A_531 {strides = array<i32>} : memref<2048xi32, #tpu.memory_space<vmem>>, vector<16xi32>,
    %get3A_532 = arith.constant 16 : index
    %get3A_533 = tpu.vector_load %arg6[%get3A_532] {strides = array<i32>} : memref<2048xi32, #tpu.memory_space<vmem>>, vector<16xi32>,
    %get3A_534 = vector.shape_cast %get3A_533 : vector<16xi32> to vector<16xi32>
    %add3A_535 = arith.constant 0 : i32
    %add3A_536 = arith.addi %mul3A_31, %add3A_535 : i32
    %mul3A_537 = arith.constant 1024 : i32
    %mul3A_538 = arith.muli %add3A_536, %mul3A_537 : i32
    %add3A_539 = arith.constant 16 : i32
    %add3A_540 = arith.addi %mul3A_538, %add3A_539 : i32
    %add3A_541 = vector.broadcast %add3A_540 : i32 to vector<16xi32>
    %add3A_542 = arith.addi %add3A_541, %iota3A : vector<16xi32>
    %shift_right_arithmetic3A_543 = arith.constant 3 : i32
    %shift_right_arithmetic3A_544 = vector.broadcast %shift_right_arithmetic3A_543 : i32 to vector<16xi32>
    %shift_right_arithmetic3A_545 = arith.shrsi %get3A_534, %shift_right_arithmetic3A_544 : vector<16xi32>
    %shift_left3A_546 = arith.constant 13 : i32
    %shift_left3A_547 = vector.broadcast %shift_left3A_546 : i32 to vector<16xi32>
    %shift_left3A_548 = arith.shli %shift_right_arithmetic3A_545, %shift_left3A_547 : vector<16xi32>
    %and3A_549 = arith.constant 7 : i32
    %and3A_550 = vector.broadcast %and3A_549 : i32 to vector<16xi32>
    %and3A_551 = arith.andi %get3A_534, %and3A_550 : vector<16xi32>
    %shift_left3A_552 = arith.constant 7 : i32
    %shift_left3A_553 = vector.broadcast %shift_left3A_552 : i32 to vector<16xi32>
    %shift_left3A_554 = arith.shli %and3A_551, %shift_left3A_553 : vector<16xi32>
    %or3A_555 = arith.ori %shift_left3A_548, %shift_left3A_554 : vector<16xi32>
    %or3A_556 = arith.ori %or3A_555, %add3A_542 : vector<16xi32>
    %swap3A_557 = arith.constant 16 : index
    %swap3A_558 = tpu.vector_load %arg9[%swap3A_557] {strides = array<i32>} : memref<2048xi32, #tpu.memory_space<vmem>>, vector<16xi32>,
    %swap3A_559 = vector.shape_cast %swap3A_558 : vector<16xi32> to vector<16xi32>
    %swap3A_560 = vector.shape_cast %or3A_556 : vector<16xi32> to vector<16xi32>
    tpu.vector_store %arg9[%swap3A_557], %swap3A_560 {strides = array<i32>} : memref<2048xi32, #tpu.memory_space<vmem>>, vector<16xi32>,
    %get3A_561 = arith.constant 32 : index
    %get3A_562 = tpu.vector_load %arg6[%get3A_561] {strides = array<i32>} : memref<2048xi32, #tpu.memory_space<vmem>>, vector<16xi32>,
    %get3A_563 = vector.shape_cast %get3A_562 : vector<16xi32> to vector<16xi32>
    %add3A_564 = arith.constant 0 : i32
    %add3A_565 = arith.addi %mul3A_31, %add3A_564 : i32
    %mul3A_566 = arith.constant 1024 : i32
    %mul3A_567 = arith.muli %add3A_565, %mul3A_566 : i32
    %add3A_568 = arith.constant 32 : i32
    %add3A_569 = arith.addi %mul3A_567, %add3A_568 : i32
    %add3A_570 = vector.broadcast %add3A_569 : i32 to vector<16xi32>
    %add3A_571 = arith.addi %add3A_570, %iota3A : vector<16xi32>
    %shift_right_arithmetic3A_572 = arith.constant 3 : i32
    %shift_right_arithmetic3A_573 = vector.broadcast %shift_right_arithmetic3A_572 : i32 to vector<16xi32>
    %shift_right_arithmetic3A_574 = arith.shrsi %get3A_563, %shift_right_arithmetic3A_573 : vector<16xi32>
    %shift_left3A_575 = arith.constant 13 : i32
    %shift_left3A_576 = vector.broadcast %shift_left3A_575 : i32 to vector<16xi32>
    %shift_left3A_577 = arith.shli %shift_right_arithmetic3A_574, %shift_left3A_576 : vector<16xi32>
    %and3A_578 = arith.constant 7 : i32
    %and3A_579 = vector.broadcast %and3A_578 : i32 to vector<16xi32>
    %and3A_580 = arith.andi %get3A_563, %and3A_579 : vector<16xi32>
    %shift_left3A_581 = arith.constant 7 : i32
    %shift_left3A_582 = vector.broadcast %shift_left3A_581 : i32 to vector<16xi32>
    %shift_left3A_583 = arith.shli %and3A_580, %shift_left3A_582 : vector<16xi32>
    %or3A_584 = arith.ori %shift_left3A_577, %shift_left3A_583 : vector<16xi32>
    %or3A_585 = arith.ori %or3A_584, %add3A_571 : vector<16xi32>
    %swap3A_586 = arith.constant 32 : index
    %swap3A_587 = tpu.vector_load %arg9[%swap3A_586] {strides = array<i32>} : memref<2048xi32, #tpu.memory_space<vmem>>, vector<16xi32>,
    %swap3A_588 = vector.shape_cast %swap3A_587 : vector<16xi32> to vector<16xi32>
    %swap3A_589 = vector.shape_cast %or3A_585 : vector<16xi32> to vector<16xi32>
    tpu.vector_store %arg9[%swap3A_586], %swap3A_589 {strides = array<i32>} : memref<2048xi32, #tpu.memory_space<vmem>>, vector<16xi32>,
    %get3A_590 = arith.constant 48 : index
    %get3A_591 = tpu.vector_load %arg6[%get3A_590] {strides = array<i32>} : memref<2048xi32, #tpu.memory_space<vmem>>, vector<16xi32>,
    %get3A_592 = vector.shape_cast %get3A_591 : vector<16xi32> to vector<16xi32>
    %add3A_593 = arith.constant 0 : i32
    %add3A_594 = arith.addi %mul3A_31, %add3A_593 : i32
    %mul3A_595 = arith.constant 1024 : i32
    %mul3A_596 = arith.muli %add3A_594, %mul3A_595 : i32
    %add3A_597 = arith.constant 48 : i32
    %add3A_598 = arith.addi %mul3A_596, %add3A_597 : i32
    %add3A_599 = vector.broadcast %add3A_598 : i32 to vector<16xi32>
    %add3A_600 = arith.addi %add3A_599, %iota3A : vector<16xi32>
    %shift_right_arithmetic3A_601 = arith.constant 3 : i32
    %shift_right_arithmetic3A_602 = vector.broadcast %shift_right_arithmetic3A_601 : i32 to vector<16xi32>
    %shift_right_arithmetic3A_603 = arith.shrsi %get3A_592, %shift_right_arithmetic3A_602 : vector<16xi32>
    %shift_left3A_604 = arith.constant 13 : i32
    %shift_left3A_605 = vector.broadcast %shift_left3A_604 : i32 to vector<16xi32>
    %shift_left3A_606 = arith.shli %shift_right_arithmetic3A_603, %shift_left3A_605 : vector<16xi32>
    %and3A_607 = arith.constant 7 : i32
    %and3A_608 = vector.broadcast %and3A_607 : i32 to vector<16xi32>
    %and3A_609 = arith.andi %get3A_592, %and3A_608 : vector<16xi32>
    %shift_left3A_610 = arith.constant 7 : i32
    %shift_left3A_611 = vector.broadcast %shift_left3A_610 : i32 to vector<16xi32>
    %shift_left3A_612 = arith.shli %and3A_609, %shift_left3A_611 : vector<16xi32>
    %or3A_613 = arith.ori %shift_left3A_606, %shift_left3A_612 : vector<16xi32>
    %or3A_614 = arith.ori %or3A_613, %add3A_600 : vector<16xi32>
    %swap3A_615 = arith.constant 48 : index
    %swap3A_616 = tpu.vector_load %arg9[%swap3A_615] {strides = array<i32>} : memref<2048xi32, #tpu.memory_space<vmem>>, vector<16xi32>,
    %swap3A_617 = vector.shape_cast %swap3A_616 : vector<16xi32> to vector<16xi32>
    %swap3A_618 = vector.shape_cast %or3A_614 : vector<16xi32> to vector<16xi32>
    tpu.vector_store %arg9[%swap3A_615], %swap3A_618 {strides = array<i32>} : memref<2048xi32, #tpu.memory_space<vmem>>, vector<16xi32>,
    %get3A_619 = arith.constant 64 : index
    %get3A_620 = tpu.vector_load %arg6[%get3A_619] {strides = array<i32>} : memref<2048xi32, #tpu.memory_space<vmem>>, vector<16xi32>,
    %get3A_621 = vector.shape_cast %get3A_620 : vector<16xi32> to vector<16xi32>
    %add3A_622 = arith.constant 0 : i32
    %add3A_623 = arith.addi %mul3A_31, %add3A_622 : i32
    %mul3A_624 = arith.constant 1024 : i32
    %mul3A_625 = arith.muli %add3A_623, %mul3A_624 : i32
    %add3A_626 = arith.constant 64 : i32
    %add3A_627 = arith.addi %mul3A_625, %add3A_626 : i32
    %add3A_628 = vector.broadcast %add3A_627 : i32 to vector<16xi32>
    %add3A_629 = arith.addi %add3A_628, %iota3A : vector<16xi32>
    %shift_right_arithmetic3A_630 = arith.constant 3 : i32
    %shift_right_arithmetic3A_631 = vector.broadcast %shift_right_arithmetic3A_630 : i32 to vector<16xi32>
    %shift_right_arithmetic3A_632 = arith.shrsi %get3A_621, %shift_right_arithmetic3A_631 : vector<16xi32>
    %shift_left3A_633 = arith.constant 13 : i32
    %shift_left3A_634 = vector.broadcast %shift_left3A_633 : i32 to vector<16xi32>
    %shift_left3A_635 = arith.shli %shift_right_arithmetic3A_632, %shift_left3A_634 : vector<16xi32>
    %and3A_636 = arith.constant 7 : i32
    %and3A_637 = vector.broadcast %and3A_636 : i32 to vector<16xi32>
    %and3A_638 = arith.andi %get3A_621, %and3A_637 : vector<16xi32>
    %shift_left3A_639 = arith.constant 7 : i32
    %shift_left3A_640 = vector.broadcast %shift_left3A_639 : i32 to vector<16xi32>
    %shift_left3A_641 = arith.shli %and3A_638, %shift_left3A_640 : vector<16xi32>
    %or3A_642 = arith.ori %shift_left3A_635, %shift_left3A_641 : vector<16xi32>
    %or3A_643 = arith.ori %or3A_642, %add3A_629 : vector<16xi32>
    %swap3A_644 = arith.constant 64 : index
    %swap3A_645 = tpu.vector_load %arg9[%swap3A_644] {strides = array<i32>} : memref<2048xi32, #tpu.memory_space<vmem>>, vector<16xi32>,
    %swap3A_646 = vector.shape_cast %swap3A_645 : vector<16xi32> to vector<16xi32>
    %swap3A_647 = vector.shape_cast %or3A_643 : vector<16xi32> to vector<16xi32>
    tpu.vector_store %arg9[%swap3A_644], %swap3A_647 {strides = array<i32>} : memref<2048xi32, #tpu.memory_space<vmem>>, vector<16xi32>,
    %get3A_648 = arith.constant 80 : index
    %get3A_649 = tpu.vector_load %arg6[%get3A_648] {strides = array<i32>} : memref<2048xi32, #tpu.memory_space<vmem>>, vector<16xi32>,
    %get3A_650 = vector.shape_cast %get3A_649 : vector<16xi32> to vector<16xi32>
    %add3A_651 = arith.constant 0 : i32
    %add3A_652 = arith.addi %mul3A_31, %add3A_651 : i32
    %mul3A_653 = arith.constant 1024 : i32
    %mul3A_654 = arith.muli %add3A_652, %mul3A_653 : i32
    %add3A_655 = arith.constant 80 : i32
    %add3A_656 = arith.addi %mul3A_654, %add3A_655 : i32
    %add3A_657 = vector.broadcast %add3A_656 : i32 to vector<16xi32>
    %add3A_658 = arith.addi %add3A_657, %iota3A : vector<16xi32>
    %shift_right_arithmetic3A_659 = arith.constant 3 : i32
    %shift_right_arithmetic3A_660 = vector.broadcast %shift_right_arithmetic3A_659 : i32 to vector<16xi32>
    %shift_right_arithmetic3A_661 = arith.shrsi %get3A_650, %shift_right_arithmetic3A_660 : vector<16xi32>
    %shift_left3A_662 = arith.constant 13 : i32
    %shift_left3A_663 = vector.broadcast %shift_left3A_662 : i32 to vector<16xi32>
    %shift_left3A_664 = arith.shli %shift_right_arithmetic3A_661, %shift_left3A_663 : vector<16xi32>
    %and3A_665 = arith.constant 7 : i32
    %and3A_666 = vector.broadcast %and3A_665 : i32 to vector<16xi32>
    %and3A_667 = arith.andi %get3A_650, %and3A_666 : vector<16xi32>
    %shift_left3A_668 = arith.constant 7 : i32
    %shift_left3A_669 = vector.broadcast %shift_left3A_668 : i32 to vector<16xi32>
    %shift_left3A_670 = arith.shli %and3A_667, %shift_left3A_669 : vector<16xi32>
    %or3A_671 = arith.ori %shift_left3A_664, %shift_left3A_670 : vector<16xi32>
    %or3A_672 = arith.ori %or3A_671, %add3A_658 : vector<16xi32>
    %swap3A_673 = arith.constant 80 : index
    %swap3A_674 = tpu.vector_load %arg9[%swap3A_673] {strides = array<i32>} : memref<2048xi32, #tpu.memory_space<vmem>>, vector<16xi32>,
    %swap3A_675 = vector.shape_cast %swap3A_674 : vector<16xi32> to vector<16xi32>
    %swap3A_676 = vector.shape_cast %or3A_672 : vector<16xi32> to vector<16xi32>
    tpu.vector_store %arg9[%swap3A_673], %swap3A_676 {strides = array<i32>} : memref<2048xi32, #tpu.memory_space<vmem>>, vector<16xi32>,
    %get3A_677 = arith.constant 96 : index
    %get3A_678 = tpu.vector_load %arg6[%get3A_677] {strides = array<i32>} : memref<2048xi32, #tpu.memory_space<vmem>>, vector<16xi32>,
    %get3A_679 = vector.shape_cast %get3A_678 : vector<16xi32> to vector<16xi32>
    %add3A_680 = arith.constant 0 : i32
    %add3A_681 = arith.addi %mul3A_31, %add3A_680 : i32
    %mul3A_682 = arith.constant 1024 : i32
    %mul3A_683 = arith.muli %add3A_681, %mul3A_682 : i32
    %add3A_684 = arith.constant 96 : i32
    %add3A_685 = arith.addi %mul3A_683, %add3A_684 : i32
    %add3A_686 = vector.broadcast %add3A_685 : i32 to vector<16xi32>
    %add3A_687 = arith.addi %add3A_686, %iota3A : vector<16xi32>
    %shift_right_arithmetic3A_688 = arith.constant 3 : i32
    %shift_right_arithmetic3A_689 = vector.broadcast %shift_right_arithmetic3A_688 : i32 to vector<16xi32>
    %shift_right_arithmetic3A_690 = arith.shrsi %get3A_679, %shift_right_arithmetic3A_689 : vector<16xi32>
    %shift_left3A_691 = arith.constant 13 : i32
    %shift_left3A_692 = vector.broadcast %shift_left3A_691 : i32 to vector<16xi32>
    %shift_left3A_693 = arith.shli %shift_right_arithmetic3A_690, %shift_left3A_692 : vector<16xi32>
    %and3A_694 = arith.constant 7 : i32
    %and3A_695 = vector.broadcast %and3A_694 : i32 to vector<16xi32>
    %and3A_696 = arith.andi %get3A_679, %and3A_695 : vector<16xi32>
    %shift_left3A_697 = arith.constant 7 : i32
    %shift_left3A_698 = vector.broadcast %shift_left3A_697 : i32 to vector<16xi32>
    %shift_left3A_699 = arith.shli %and3A_696, %shift_left3A_698 : vector<16xi32>
    %or3A_700 = arith.ori %shift_left3A_693, %shift_left3A_699 : vector<16xi32>
    %or3A_701 = arith.ori %or3A_700, %add3A_687 : vector<16xi32>
    %swap3A_702 = arith.constant 96 : index
    %swap3A_703 = tpu.vector_load %arg9[%swap3A_702] {strides = array<i32>} : memref<2048xi32, #tpu.memory_space<vmem>>, vector<16xi32>,
    %swap3A_704 = vector.shape_cast %swap3A_703 : vector<16xi32> to vector<16xi32>
    %swap3A_705 = vector.shape_cast %or3A_701 : vector<16xi32> to vector<16xi32>
    tpu.vector_store %arg9[%swap3A_702], %swap3A_705 {strides = array<i32>} : memref<2048xi32, #tpu.memory_space<vmem>>, vector<16xi32>,
    %get3A_706 = arith.constant 112 : index
    %get3A_707 = tpu.vector_load %arg6[%get3A_706] {strides = array<i32>} : memref<2048xi32, #tpu.memory_space<vmem>>, vector<16xi32>,
    %get3A_708 = vector.shape_cast %get3A_707 : vector<16xi32> to vector<16xi32>
    %add3A_709 = arith.constant 0 : i32
    %add3A_710 = arith.addi %mul3A_31, %add3A_709 : i32
    %mul3A_711 = arith.constant 1024 : i32
    %mul3A_712 = arith.muli %add3A_710, %mul3A_711 : i32
    %add3A_713 = arith.constant 112 : i32
    %add3A_714 = arith.addi %mul3A_712, %add3A_713 : i32
    %add3A_715 = vector.broadcast %add3A_714 : i32 to vector<16xi32>
    %add3A_716 = arith.addi %add3A_715, %iota3A : vector<16xi32>
    %shift_right_arithmetic3A_717 = arith.constant 3 : i32
    %shift_right_arithmetic3A_718 = vector.broadcast %shift_right_arithmetic3A_717 : i32 to vector<16xi32>
    %shift_right_arithmetic3A_719 = arith.shrsi %get3A_708, %shift_right_arithmetic3A_718 : vector<16xi32>
    %shift_left3A_720 = arith.constant 13 : i32
    %shift_left3A_721 = vector.broadcast %shift_left3A_720 : i32 to vector<16xi32>
    %shift_left3A_722 = arith.shli %shift_right_arithmetic3A_719, %shift_left3A_721 : vector<16xi32>
    %and3A_723 = arith.constant 7 : i32
    %and3A_724 = vector.broadcast %and3A_723 : i32 to vector<16xi32>
    %and3A_725 = arith.andi %get3A_708, %and3A_724 : vector<16xi32>
    %shift_left3A_726 = arith.constant 7 : i32
    %shift_left3A_727 = vector.broadcast %shift_left3A_726 : i32 to vector<16xi32>
    %shift_left3A_728 = arith.shli %and3A_725, %shift_left3A_727 : vector<16xi32>
    %or3A_729 = arith.ori %shift_left3A_722, %shift_left3A_728 : vector<16xi32>
    %or3A_730 = arith.ori %or3A_729, %add3A_716 : vector<16xi32>
    %swap3A_731 = arith.constant 112 : index
    %swap3A_732 = tpu.vector_load %arg9[%swap3A_731] {strides = array<i32>} : memref<2048xi32, #tpu.memory_space<vmem>>, vector<16xi32>,
    %swap3A_733 = vector.shape_cast %swap3A_732 : vector<16xi32> to vector<16xi32>
    %swap3A_734 = vector.shape_cast %or3A_730 : vector<16xi32> to vector<16xi32>
    tpu.vector_store %arg9[%swap3A_731], %swap3A_734 {strides = array<i32>} : memref<2048xi32, #tpu.memory_space<vmem>>, vector<16xi32>,
    %get3A_735 = arith.constant 128 : index
    %get3A_736 = tpu.vector_load %arg6[%get3A_735] {strides = array<i32>} : memref<2048xi32, #tpu.memory_space<vmem>>, vector<16xi32>,
    %get3A_737 = vector.shape_cast %get3A_736 : vector<16xi32> to vector<16xi32>
    %add3A_738 = arith.constant 0 : i32
    %add3A_739 = arith.addi %mul3A_31, %add3A_738 : i32
    %mul3A_740 = arith.constant 1024 : i32
    %mul3A_741 = arith.muli %add3A_739, %mul3A_740 : i32
    %add3A_742 = arith.constant 0 : i32
    %add3A_743 = arith.addi %mul3A_741, %add3A_742 : i32
    %add3A_744 = vector.broadcast %add3A_743 : i32 to vector<16xi32>
    %add3A_745 = arith.addi %add3A_744, %iota3A : vector<16xi32>
    %shift_right_arithmetic3A_746 = arith.constant 3 : i32
    %shift_right_arithmetic3A_747 = vector.broadcast %shift_right_arithmetic3A_746 : i32 to vector<16xi32>
    %shift_right_arithmetic3A_748 = arith.shrsi %get3A_737, %shift_right_arithmetic3A_747 : vector<16xi32>
    %shift_left3A_749 = arith.constant 13 : i32
    %shift_left3A_750 = vector.broadcast %shift_left3A_749 : i32 to vector<16xi32>
    %shift_left3A_751 = arith.shli %shift_right_arithmetic3A_748, %shift_left3A_750 : vector<16xi32>
    %and3A_752 = arith.constant 7 : i32
    %and3A_753 = vector.broadcast %and3A_752 : i32 to vector<16xi32>
    %and3A_754 = arith.andi %get3A_737, %and3A_753 : vector<16xi32>
    %shift_left3A_755 = arith.constant 7 : i32
    %shift_left3A_756 = vector.broadcast %shift_left3A_755 : i32 to vector<16xi32>
    %shift_left3A_757 = arith.shli %and3A_754, %shift_left3A_756 : vector<16xi32>
    %or3A_758 = arith.ori %shift_left3A_751, %shift_left3A_757 : vector<16xi32>
    %or3A_759 = arith.ori %or3A_758, %add3A_745 : vector<16xi32>
    %swap3A_760 = arith.constant 128 : index
    %swap3A_761 = tpu.vector_load %arg9[%swap3A_760] {strides = array<i32>} : memref<2048xi32, #tpu.memory_space<vmem>>, vector<16xi32>,
    %swap3A_762 = vector.shape_cast %swap3A_761 : vector<16xi32> to vector<16xi32>
    %swap3A_763 = vector.shape_cast %or3A_759 : vector<16xi32> to vector<16xi32>
    tpu.vector_store %arg9[%swap3A_760], %swap3A_763 {strides = array<i32>} : memref<2048xi32, #tpu.memory_space<vmem>>, vector<16xi32>,
    %get3A_764 = arith.constant 144 : index
    %get3A_765 = tpu.vector_load %arg6[%get3A_764] {strides = array<i32>} : memref<2048xi32, #tpu.memory_space<vmem>>, vector<16xi32>,
    %get3A_766 = vector.shape_cast %get3A_765 : vector<16xi32> to vector<16xi32>
    %add3A_767 = arith.constant 0 : i32
    %add3A_768 = arith.addi %mul3A_31, %add3A_767 : i32
    %mul3A_769 = arith.constant 1024 : i32
    %mul3A_770 = arith.muli %add3A_768, %mul3A_769 : i32
    %add3A_771 = arith.constant 16 : i32
    %add3A_772 = arith.addi %mul3A_770, %add3A_771 : i32
    %add3A_773 = vector.broadcast %add3A_772 : i32 to vector<16xi32>
    %add3A_774 = arith.addi %add3A_773, %iota3A : vector<16xi32>
    %shift_right_arithmetic3A_775 = arith.constant 3 : i32
    %shift_right_arithmetic3A_776 = vector.broadcast %shift_right_arithmetic3A_775 : i32 to vector<16xi32>
    %shift_right_arithmetic3A_777 = arith.shrsi %get3A_766, %shift_right_arithmetic3A_776 : vector<16xi32>
    %shift_left3A_778 = arith.constant 13 : i32
    %shift_left3A_779 = vector.broadcast %shift_left3A_778 : i32 to vector<16xi32>
    %shift_left3A_780 = arith.shli %shift_right_arithmetic3A_777, %shift_left3A_779 : vector<16xi32>
    %and3A_781 = arith.constant 7 : i32
    %and3A_782 = vector.broadcast %and3A_781 : i32 to vector<16xi32>
    %and3A_783 = arith.andi %get3A_766, %and3A_782 : vector<16xi32>
    %shift_left3A_784 = arith.constant 7 : i32
    %shift_left3A_785 = vector.broadcast %shift_left3A_784 : i32 to vector<16xi32>
    %shift_left3A_786 = arith.shli %and3A_783, %shift_left3A_785 : vector<16xi32>
    %or3A_787 = arith.ori %shift_left3A_780, %shift_left3A_786 : vector<16xi32>
    %or3A_788 = arith.ori %or3A_787, %add3A_774 : vector<16xi32>
    %swap3A_789 = arith.constant 144 : index
    %swap3A_790 = tpu.vector_load %arg9[%swap3A_789] {strides = array<i32>} : memref<2048xi32, #tpu.memory_space<vmem>>, vector<16xi32>,
    %swap3A_791 = vector.shape_cast %swap3A_790 : vector<16xi32> to vector<16xi32>
    %swap3A_792 = vector.shape_cast %or3A_788 : vector<16xi32> to vector<16xi32>
    tpu.vector_store %arg9[%swap3A_789], %swap3A_792 {strides = array<i32>} : memref<2048xi32, #tpu.memory_space<vmem>>, vector<16xi32>,
    %get3A_793 = arith.constant 160 : index
    %get3A_794 = tpu.vector_load %arg6[%get3A_793] {strides = array<i32>} : memref<2048xi32, #tpu.memory_space<vmem>>, vector<16xi32>,
    %get3A_795 = vector.shape_cast %get3A_794 : vector<16xi32> to vector<16xi32>
    %add3A_796 = arith.constant 0 : i32
    %add3A_797 = arith.addi %mul3A_31, %add3A_796 : i32
    %mul3A_798 = arith.constant 1024 : i32
    %mul3A_799 = arith.muli %add3A_797, %mul3A_798 : i32
    %add3A_800 = arith.constant 32 : i32
    %add3A_801 = arith.addi %mul3A_799, %add3A_800 : i32
    %add3A_802 = vector.broadcast %add3A_801 : i32 to vector<16xi32>
    %add3A_803 = arith.addi %add3A_802, %iota3A : vector<16xi32>
    %shift_right_arithmetic3A_804 = arith.constant 3 : i32
    %shift_right_arithmetic3A_805 = vector.broadcast %shift_right_arithmetic3A_804 : i32 to vector<16xi32>
    %shift_right_arithmetic3A_806 = arith.shrsi %get3A_795, %shift_right_arithmetic3A_805 : vector<16xi32>
    %shift_left3A_807 = arith.constant 13 : i32
    %shift_left3A_808 = vector.broadcast %shift_left3A_807 : i32 to vector<16xi32>
    %shift_left3A_809 = arith.shli %shift_right_arithmetic3A_806, %shift_left3A_808 : vector<16xi32>
    %and3A_810 = arith.constant 7 : i32
    %and3A_811 = vector.broadcast %and3A_810 : i32 to vector<16xi32>
    %and3A_812 = arith.andi %get3A_795, %and3A_811 : vector<16xi32>
    %shift_left3A_813 = arith.constant 7 : i32
    %shift_left3A_814 = vector.broadcast %shift_left3A_813 : i32 to vector<16xi32>
    %shift_left3A_815 = arith.shli %and3A_812, %shift_left3A_814 : vector<16xi32>
    %or3A_816 = arith.ori %shift_left3A_809, %shift_left3A_815 : vector<16xi32>
    %or3A_817 = arith.ori %or3A_816, %add3A_803 : vector<16xi32>
    %swap3A_818 = arith.constant 160 : index
    %swap3A_819 = tpu.vector_load %arg9[%swap3A_818] {strides = array<i32>} : memref<2048xi32, #tpu.memory_space<vmem>>, vector<16xi32>,
    %swap3A_820 = vector.shape_cast %swap3A_819 : vector<16xi32> to vector<16xi32>
    %swap3A_821 = vector.shape_cast %or3A_817 : vector<16xi32> to vector<16xi32>
    tpu.vector_store %arg9[%swap3A_818], %swap3A_821 {strides = array<i32>} : memref<2048xi32, #tpu.memory_space<vmem>>, vector<16xi32>,
    %get3A_822 = arith.constant 176 : index
    %get3A_823 = tpu.vector_load %arg6[%get3A_822] {strides = array<i32>} : memref<2048xi32, #tpu.memory_space<vmem>>, vector<16xi32>,
    %get3A_824 = vector.shape_cast %get3A_823 : vector<16xi32> to vector<16xi32>
    %add3A_825 = arith.constant 0 : i32
    %add3A_826 = arith.addi %mul3A_31, %add3A_825 : i32
    %mul3A_827 = arith.constant 1024 : i32
    %mul3A_828 = arith.muli %add3A_826, %mul3A_827 : i32
    %add3A_829 = arith.constant 48 : i32
    %add3A_830 = arith.addi %mul3A_828, %add3A_829 : i32
    %add3A_831 = vector.broadcast %add3A_830 : i32 to vector<16xi32>
    %add3A_832 = arith.addi %add3A_831, %iota3A : vector<16xi32>
    %shift_right_arithmetic3A_833 = arith.constant 3 : i32
    %shift_right_arithmetic3A_834 = vector.broadcast %shift_right_arithmetic3A_833 : i32 to vector<16xi32>
    %shift_right_arithmetic3A_835 = arith.shrsi %get3A_824, %shift_right_arithmetic3A_834 : vector<16xi32>
    %shift_left3A_836 = arith.constant 13 : i32
    %shift_left3A_837 = vector.broadcast %shift_left3A_836 : i32 to vector<16xi32>
    %shift_left3A_838 = arith.shli %shift_right_arithmetic3A_835, %shift_left3A_837 : vector<16xi32>
    %and3A_839 = arith.constant 7 : i32
    %and3A_840 = vector.broadcast %and3A_839 : i32 to vector<16xi32>
    %and3A_841 = arith.andi %get3A_824, %and3A_840 : vector<16xi32>
    %shift_left3A_842 = arith.constant 7 : i32
    %shift_left3A_843 = vector.broadcast %shift_left3A_842 : i32 to vector<16xi32>
    %shift_left3A_844 = arith.shli %and3A_841, %shift_left3A_843 : vector<16xi32>
    %or3A_845 = arith.ori %shift_left3A_838, %shift_left3A_844 : vector<16xi32>
    %or3A_846 = arith.ori %or3A_845, %add3A_832 : vector<16xi32>
    %swap3A_847 = arith.constant 176 : index
    %swap3A_848 = tpu.vector_load %arg9[%swap3A_847] {strides = array<i32>} : memref<2048xi32, #tpu.memory_space<vmem>>, vector<16xi32>,
    %swap3A_849 = vector.shape_cast %swap3A_848 : vector<16xi32> to vector<16xi32>
    %swap3A_850 = vector.shape_cast %or3A_846 : vector<16xi32> to vector<16xi32>
    tpu.vector_store %arg9[%swap3A_847], %swap3A_850 {strides = array<i32>} : memref<2048xi32, #tpu.memory_space<vmem>>, vector<16xi32>,
    %get3A_851 = arith.constant 192 : index
    %get3A_852 = tpu.vector_load %arg6[%get3A_851] {strides = array<i32>} : memref<2048xi32, #tpu.memory_space<vmem>>, vector<16xi32>,
    %get3A_853 = vector.shape_cast %get3A_852 : vector<16xi32> to vector<16xi32>
    %add3A_854 = arith.constant 0 : i32
    %add3A_855 = arith.addi %mul3A_31, %add3A_854 : i32
    %mul3A_856 = arith.constant 1024 : i32
    %mul3A_857 = arith.muli %add3A_855, %mul3A_856 : i32
    %add3A_858 = arith.constant 64 : i32
    %add3A_859 = arith.addi %mul3A_857, %add3A_858 : i32
    %add3A_860 = vector.broadcast %add3A_859 : i32 to vector<16xi32>
    %add3A_861 = arith.addi %add3A_860, %iota3A : vector<16xi32>
    %shift_right_arithmetic3A_862 = arith.constant 3 : i32
    %shift_right_arithmetic3A_863 = vector.broadcast %shift_right_arithmetic3A_862 : i32 to vector<16xi32>
    %shift_right_arithmetic3A_864 = arith.shrsi %get3A_853, %shift_right_arithmetic3A_863 : vector<16xi32>
    %shift_left3A_865 = arith.constant 13 : i32
    %shift_left3A_866 = vector.broadcast %shift_left3A_865 : i32 to vector<16xi32>
    %shift_left3A_867 = arith.shli %shift_right_arithmetic3A_864, %shift_left3A_866 : vector<16xi32>
    %and3A_868 = arith.constant 7 : i32
    %and3A_869 = vector.broadcast %and3A_868 : i32 to vector<16xi32>
    %and3A_870 = arith.andi %get3A_853, %and3A_869 : vector<16xi32>
    %shift_left3A_871 = arith.constant 7 : i32
    %shift_left3A_872 = vector.broadcast %shift_left3A_871 : i32 to vector<16xi32>
    %shift_left3A_873 = arith.shli %and3A_870, %shift_left3A_872 : vector<16xi32>
    %or3A_874 = arith.ori %shift_left3A_867, %shift_left3A_873 : vector<16xi32>
    %or3A_875 = arith.ori %or3A_874, %add3A_861 : vector<16xi32>
    %swap3A_876 = arith.constant 192 : index
    %swap3A_877 = tpu.vector_load %arg9[%swap3A_876] {strides = array<i32>} : memref<2048xi32, #tpu.memory_space<vmem>>, vector<16xi32>,
    %swap3A_878 = vector.shape_cast %swap3A_877 : vector<16xi32> to vector<16xi32>
    %swap3A_879 = vector.shape_cast %or3A_875 : vector<16xi32> to vector<16xi32>
    tpu.vector_store %arg9[%swap3A_876], %swap3A_879 {strides = array<i32>} : memref<2048xi32, #tpu.memory_space<vmem>>, vector<16xi32>,
    %get3A_880 = arith.constant 208 : index
    %get3A_881 = tpu.vector_load %arg6[%get3A_880] {strides = array<i32>} : memref<2048xi32, #tpu.memory_space<vmem>>, vector<16xi32>,
    %get3A_882 = vector.shape_cast %get3A_881 : vector<16xi32> to vector<16xi32>
    %add3A_883 = arith.constant 0 : i32
    %add3A_884 = arith.addi %mul3A_31, %add3A_883 : i32
    %mul3A_885 = arith.constant 1024 : i32
    %mul3A_886 = arith.muli %add3A_884, %mul3A_885 : i32
    %add3A_887 = arith.constant 80 : i32
    %add3A_888 = arith.addi %mul3A_886, %add3A_887 : i32
    %add3A_889 = vector.broadcast %add3A_888 : i32 to vector<16xi32>
    %add3A_890 = arith.addi %add3A_889, %iota3A : vector<16xi32>
    %shift_right_arithmetic3A_891 = arith.constant 3 : i32
    %shift_right_arithmetic3A_892 = vector.broadcast %shift_right_arithmetic3A_891 : i32 to vector<16xi32>
    %shift_right_arithmetic3A_893 = arith.shrsi %get3A_882, %shift_right_arithmetic3A_892 : vector<16xi32>
    %shift_left3A_894 = arith.constant 13 : i32
    %shift_left3A_895 = vector.broadcast %shift_left3A_894 : i32 to vector<16xi32>
    %shift_left3A_896 = arith.shli %shift_right_arithmetic3A_893, %shift_left3A_895 : vector<16xi32>
    %and3A_897 = arith.constant 7 : i32
    %and3A_898 = vector.broadcast %and3A_897 : i32 to vector<16xi32>
    %and3A_899 = arith.andi %get3A_882, %and3A_898 : vector<16xi32>
    %shift_left3A_900 = arith.constant 7 : i32
    %shift_left3A_901 = vector.broadcast %shift_left3A_900 : i32 to vector<16xi32>
    %shift_left3A_902 = arith.shli %and3A_899, %shift_left3A_901 : vector<16xi32>
    %or3A_903 = arith.ori %shift_left3A_896, %shift_left3A_902 : vector<16xi32>
    %or3A_904 = arith.ori %or3A_903, %add3A_890 : vector<16xi32>
    %swap3A_905 = arith.constant 208 : index
    %swap3A_906 = tpu.vector_load %arg9[%swap3A_905] {strides = array<i32>} : memref<2048xi32, #tpu.memory_space<vmem>>, vector<16xi32>,
    %swap3A_907 = vector.shape_cast %swap3A_906 : vector<16xi32> to vector<16xi32>
    %swap3A_908 = vector.shape_cast %or3A_904 : vector<16xi32> to vector<16xi32>
    tpu.vector_store %arg9[%swap3A_905], %swap3A_908 {strides = array<i32>} : memref<2048xi32, #tpu.memory_space<vmem>>, vector<16xi32>,
    %get3A_909 = arith.constant 224 : index
    %get3A_910 = tpu.vector_load %arg6[%get3A_909] {strides = array<i32>} : memref<2048xi32, #tpu.memory_space<vmem>>, vector<16xi32>,
    %get3A_911 = vector.shape_cast %get3A_910 : vector<16xi32> to vector<16xi32>
    %add3A_912 = arith.constant 0 : i32
    %add3A_913 = arith.addi %mul3A_31, %add3A_912 : i32
    %mul3A_914 = arith.constant 1024 : i32
    %mul3A_915 = arith.muli %add3A_913, %mul3A_914 : i32
    %add3A_916 = arith.constant 96 : i32
    %add3A_917 = arith.addi %mul3A_915, %add3A_916 : i32
    %add3A_918 = vector.broadcast %add3A_917 : i32 to vector<16xi32>
    %add3A_919 = arith.addi %add3A_918, %iota3A : vector<16xi32>
    %shift_right_arithmetic3A_920 = arith.constant 3 : i32
    %shift_right_arithmetic3A_921 = vector.broadcast %shift_right_arithmetic3A_920 : i32 to vector<16xi32>
    %shift_right_arithmetic3A_922 = arith.shrsi %get3A_911, %shift_right_arithmetic3A_921 : vector<16xi32>
    %shift_left3A_923 = arith.constant 13 : i32
    %shift_left3A_924 = vector.broadcast %shift_left3A_923 : i32 to vector<16xi32>
    %shift_left3A_925 = arith.shli %shift_right_arithmetic3A_922, %shift_left3A_924 : vector<16xi32>
    %and3A_926 = arith.constant 7 : i32
    %and3A_927 = vector.broadcast %and3A_926 : i32 to vector<16xi32>
    %and3A_928 = arith.andi %get3A_911, %and3A_927 : vector<16xi32>
    %shift_left3A_929 = arith.constant 7 : i32
    %shift_left3A_930 = vector.broadcast %shift_left3A_929 : i32 to vector<16xi32>
    %shift_left3A_931 = arith.shli %and3A_928, %shift_left3A_930 : vector<16xi32>
    %or3A_932 = arith.ori %shift_left3A_925, %shift_left3A_931 : vector<16xi32>
    %or3A_933 = arith.ori %or3A_932, %add3A_919 : vector<16xi32>
    %swap3A_934 = arith.constant 224 : index
    %swap3A_935 = tpu.vector_load %arg9[%swap3A_934] {strides = array<i32>} : memref<2048xi32, #tpu.memory_space<vmem>>, vector<16xi32>,
    %swap3A_936 = vector.shape_cast %swap3A_935 : vector<16xi32> to vector<16xi32>
    %swap3A_937 = vector.shape_cast %or3A_933 : vector<16xi32> to vector<16xi32>
    tpu.vector_store %arg9[%swap3A_934], %swap3A_937 {strides = array<i32>} : memref<2048xi32, #tpu.memory_space<vmem>>, vector<16xi32>,
    %get3A_938 = arith.constant 240 : index
    %get3A_939 = tpu.vector_load %arg6[%get3A_938] {strides = array<i32>} : memref<2048xi32, #tpu.memory_space<vmem>>, vector<16xi32>,
    %get3A_940 = vector.shape_cast %get3A_939 : vector<16xi32> to vector<16xi32>
    %add3A_941 = arith.constant 0 : i32
    %add3A_942 = arith.addi %mul3A_31, %add3A_941 : i32
    %mul3A_943 = arith.constant 1024 : i32
    %mul3A_944 = arith.muli %add3A_942, %mul3A_943 : i32
    %add3A_945 = arith.constant 112 : i32
    %add3A_946 = arith.addi %mul3A_944, %add3A_945 : i32
    %add3A_947 = vector.broadcast %add3A_946 : i32 to vector<16xi32>
    %add3A_948 = arith.addi %add3A_947, %iota3A : vector<16xi32>
    %shift_right_arithmetic3A_949 = arith.constant 3 : i32
    %shift_right_arithmetic3A_950 = vector.broadcast %shift_right_arithmetic3A_949 : i32 to vector<16xi32>
    %shift_right_arithmetic3A_951 = arith.shrsi %get3A_940, %shift_right_arithmetic3A_950 : vector<16xi32>
    %shift_left3A_952 = arith.constant 13 : i32
    %shift_left3A_953 = vector.broadcast %shift_left3A_952 : i32 to vector<16xi32>
    %shift_left3A_954 = arith.shli %shift_right_arithmetic3A_951, %shift_left3A_953 : vector<16xi32>
    %and3A_955 = arith.constant 7 : i32
    %and3A_956 = vector.broadcast %and3A_955 : i32 to vector<16xi32>
    %and3A_957 = arith.andi %get3A_940, %and3A_956 : vector<16xi32>
    %shift_left3A_958 = arith.constant 7 : i32
    %shift_left3A_959 = vector.broadcast %shift_left3A_958 : i32 to vector<16xi32>
    %shift_left3A_960 = arith.shli %and3A_957, %shift_left3A_959 : vector<16xi32>
    %or3A_961 = arith.ori %shift_left3A_954, %shift_left3A_960 : vector<16xi32>
    %or3A_962 = arith.ori %or3A_961, %add3A_948 : vector<16xi32>
    %swap3A_963 = arith.constant 240 : index
    %swap3A_964 = tpu.vector_load %arg9[%swap3A_963] {strides = array<i32>} : memref<2048xi32, #tpu.memory_space<vmem>>, vector<16xi32>,
    %swap3A_965 = vector.shape_cast %swap3A_964 : vector<16xi32> to vector<16xi32>
    %swap3A_966 = vector.shape_cast %or3A_962 : vector<16xi32> to vector<16xi32>
    tpu.vector_store %arg9[%swap3A_963], %swap3A_966 {strides = array<i32>} : memref<2048xi32, #tpu.memory_space<vmem>>, vector<16xi32>,
    %get3A_967 = arith.constant 256 : index
    %get3A_968 = tpu.vector_load %arg6[%get3A_967] {strides = array<i32>} : memref<2048xi32, #tpu.memory_space<vmem>>, vector<16xi32>,
    %get3A_969 = vector.shape_cast %get3A_968 : vector<16xi32> to vector<16xi32>
    %add3A_970 = arith.constant 0 : i32
    %add3A_971 = arith.addi %mul3A_31, %add3A_970 : i32
    %mul3A_972 = arith.constant 1024 : i32
    %mul3A_973 = arith.muli %add3A_971, %mul3A_972 : i32
    %add3A_974 = arith.constant 0 : i32
    %add3A_975 = arith.addi %mul3A_973, %add3A_974 : i32
    %add3A_976 = vector.broadcast %add3A_975 : i32 to vector<16xi32>
    %add3A_977 = arith.addi %add3A_976, %iota3A : vector<16xi32>
    %shift_right_arithmetic3A_978 = arith.constant 3 : i32
    %shift_right_arithmetic3A_979 = vector.broadcast %shift_right_arithmetic3A_978 : i32 to vector<16xi32>
    %shift_right_arithmetic3A_980 = arith.shrsi %get3A_969, %shift_right_arithmetic3A_979 : vector<16xi32>
    %shift_left3A_981 = arith.constant 13 : i32
    %shift_left3A_982 = vector.broadcast %shift_left3A_981 : i32 to vector<16xi32>
    %shift_left3A_983 = arith.shli %shift_right_arithmetic3A_980, %shift_left3A_982 : vector<16xi32>
    %and3A_984 = arith.constant 7 : i32
    %and3A_985 = vector.broadcast %and3A_984 : i32 to vector<16xi32>
    %and3A_986 = arith.andi %get3A_969, %and3A_985 : vector<16xi32>
    %shift_left3A_987 = arith.constant 7 : i32
    %shift_left3A_988 = vector.broadcast %shift_left3A_987 : i32 to vector<16xi32>
    %shift_left3A_989 = arith.shli %and3A_986, %shift_left3A_988 : vector<16xi32>
    %or3A_990 = arith.ori %shift_left3A_983, %shift_left3A_989 : vector<16xi32>
    %or3A_991 = arith.ori %or3A_990, %add3A_977 : vector<16xi32>
    %swap3A_992 = arith.constant 256 : index
    %swap3A_993 = tpu.vector_load %arg9[%swap3A_992] {strides = array<i32>} : memref<2048xi32, #tpu.memory_space<vmem>>, vector<16xi32>,
    %swap3A_994 = vector.shape_cast %swap3A_993 : vector<16xi32> to vector<16xi32>
    %swap3A_995 = vector.shape_cast %or3A_991 : vector<16xi32> to vector<16xi32>
    tpu.vector_store %arg9[%swap3A_992], %swap3A_995 {strides = array<i32>} : memref<2048xi32, #tpu.memory_space<vmem>>, vector<16xi32>,
    %get3A_996 = arith.constant 272 : index
    %get3A_997 = tpu.vector_load %arg6[%get3A_996] {strides = array<i32>} : memref<2048xi32, #tpu.memory_space<vmem>>, vector<16xi32>,
    %get3A_998 = vector.shape_cast %get3A_997 : vector<16xi32> to vector<16xi32>
    %add3A_999 = arith.constant 0 : i32
    %add3A_1000 = arith.addi %mul3A_31, %add3A_999 : i32
    %mul3A_1001 = arith.constant 1024 : i32
    %mul3A_1002 = arith.muli %add3A_1000, %mul3A_1001 : i32
    %add3A_1003 = arith.constant 16 : i32
    %add3A_1004 = arith.addi %mul3A_1002, %add3A_1003 : i32
    %add3A_1005 = vector.broadcast %add3A_1004 : i32 to vector<16xi32>
    %add3A_1006 = arith.addi %add3A_1005, %iota3A : vector<16xi32>
    %shift_right_arithmetic3A_1007 = arith.constant 3 : i32
    %shift_right_arithmetic3A_1008 = vector.broadcast %shift_right_arithmetic3A_1007 : i32 to vector<16xi32>
    %shift_right_arithmetic3A_1009 = arith.shrsi %get3A_998, %shift_right_arithmetic3A_1008 : vector<16xi32>
    %shift_left3A_1010 = arith.constant 13 : i32
    %shift_left3A_1011 = vector.broadcast %shift_left3A_1010 : i32 to vector<16xi32>
    %shift_left3A_1012 = arith.shli %shift_right_arithmetic3A_1009, %shift_left3A_1011 : vector<16xi32>
    %and3A_1013 = arith.constant 7 : i32
    %and3A_1014 = vector.broadcast %and3A_1013 : i32 to vector<16xi32>
    %and3A_1015 = arith.andi %get3A_998, %and3A_1014 : vector<16xi32>
    %shift_left3A_1016 = arith.constant 7 : i32
    %shift_left3A_1017 = vector.broadcast %shift_left3A_1016 : i32 to vector<16xi32>
    %shift_left3A_1018 = arith.shli %and3A_1015, %shift_left3A_1017 : vector<16xi32>
    %or3A_1019 = arith.ori %shift_left3A_1012, %shift_left3A_1018 : vector<16xi32>
    %or3A_1020 = arith.ori %or3A_1019, %add3A_1006 : vector<16xi32>
    %swap3A_1021 = arith.constant 272 : index
    %swap3A_1022 = tpu.vector_load %arg9[%swap3A_1021] {strides = array<i32>} : memref<2048xi32, #tpu.memory_space<vmem>>, vector<16xi32>,
    %swap3A_1023 = vector.shape_cast %swap3A_1022 : vector<16xi32> to vector<16xi32>
    %swap3A_1024 = vector.shape_cast %or3A_1020 : vector<16xi32> to vector<16xi32>
    tpu.vector_store %arg9[%swap3A_1021], %swap3A_1024 {strides = array<i32>} : memref<2048xi32, #tpu.memory_space<vmem>>, vector<16xi32>,
    %get3A_1025 = arith.constant 288 : index
    %get3A_1026 = tpu.vector_load %arg6[%get3A_1025] {strides = array<i32>} : memref<2048xi32, #tpu.memory_space<vmem>>, vector<16xi32>,
    %get3A_1027 = vector.shape_cast %get3A_1026 : vector<16xi32> to vector<16xi32>
    %add3A_1028 = arith.constant 0 : i32
    %add3A_1029 = arith.addi %mul3A_31, %add3A_1028 : i32
    %mul3A_1030 = arith.constant 1024 : i32
    %mul3A_1031 = arith.muli %add3A_1029, %mul3A_1030 : i32
    %add3A_1032 = arith.constant 32 : i32
    %add3A_1033 = arith.addi %mul3A_1031, %add3A_1032 : i32
    %add3A_1034 = vector.broadcast %add3A_1033 : i32 to vector<16xi32>
    %add3A_1035 = arith.addi %add3A_1034, %iota3A : vector<16xi32>
    %shift_right_arithmetic3A_1036 = arith.constant 3 : i32
    %shift_right_arithmetic3A_1037 = vector.broadcast %shift_right_arithmetic3A_1036 : i32 to vector<16xi32>
    %shift_right_arithmetic3A_1038 = arith.shrsi %get3A_1027, %shift_right_arithmetic3A_1037 : vector<16xi32>
    %shift_left3A_1039 = arith.constant 13 : i32
    %shift_left3A_1040 = vector.broadcast %shift_left3A_1039 : i32 to vector<16xi32>
    %shift_left3A_1041 = arith.shli %shift_right_arithmetic3A_1038, %shift_left3A_1040 : vector<16xi32>
    %and3A_1042 = arith.constant 7 : i32
    %and3A_1043 = vector.broadcast %and3A_1042 : i32 to vector<16xi32>
    %and3A_1044 = arith.andi %get3A_1027, %and3A_1043 : vector<16xi32>
    %shift_left3A_1045 = arith.constant 7 : i32
    %shift_left3A_1046 = vector.broadcast %shift_left3A_1045 : i32 to vector<16xi32>
    %shift_left3A_1047 = arith.shli %and3A_1044, %shift_left3A_1046 : vector<16xi32>
    %or3A_1048 = arith.ori %shift_left3A_1041, %shift_left3A_1047 : vector<16xi32>
    %or3A_1049 = arith.ori %or3A_1048, %add3A_1035 : vector<16xi32>
    %swap3A_1050 = arith.constant 288 : index
    %swap3A_1051 = tpu.vector_load %arg9[%swap3A_1050] {strides = array<i32>} : memref<2048xi32, #tpu.memory_space<vmem>>, vector<16xi32>,
    %swap3A_1052 = vector.shape_cast %swap3A_1051 : vector<16xi32> to vector<16xi32>
    %swap3A_1053 = vector.shape_cast %or3A_1049 : vector<16xi32> to vector<16xi32>
    tpu.vector_store %arg9[%swap3A_1050], %swap3A_1053 {strides = array<i32>} : memref<2048xi32, #tpu.memory_space<vmem>>, vector<16xi32>,
    %get3A_1054 = arith.constant 304 : index
    %get3A_1055 = tpu.vector_load %arg6[%get3A_1054] {strides = array<i32>} : memref<2048xi32, #tpu.memory_space<vmem>>, vector<16xi32>,
    %get3A_1056 = vector.shape_cast %get3A_1055 : vector<16xi32> to vector<16xi32>
    %add3A_1057 = arith.constant 0 : i32
    %add3A_1058 = arith.addi %mul3A_31, %add3A_1057 : i32
    %mul3A_1059 = arith.constant 1024 : i32
    %mul3A_1060 = arith.muli %add3A_1058, %mul3A_1059 : i32
    %add3A_1061 = arith.constant 48 : i32
    %add3A_1062 = arith.addi %mul3A_1060, %add3A_1061 : i32
    %add3A_1063 = vector.broadcast %add3A_1062 : i32 to vector<16xi32>
    %add3A_1064 = arith.addi %add3A_1063, %iota3A : vector<16xi32>
    %shift_right_arithmetic3A_1065 = arith.constant 3 : i32
    %shift_right_arithmetic3A_1066 = vector.broadcast %shift_right_arithmetic3A_1065 : i32 to vector<16xi32>
    %shift_right_arithmetic3A_1067 = arith.shrsi %get3A_1056, %shift_right_arithmetic3A_1066 : vector<16xi32>
    %shift_left3A_1068 = arith.constant 13 : i32
    %shift_left3A_1069 = vector.broadcast %shift_left3A_1068 : i32 to vector<16xi32>
    %shift_left3A_1070 = arith.shli %shift_right_arithmetic3A_1067, %shift_left3A_1069 : vector<16xi32>
    %and3A_1071 = arith.constant 7 : i32
    %and3A_1072 = vector.broadcast %and3A_1071 : i32 to vector<16xi32>
    %and3A_1073 = arith.andi %get3A_1056, %and3A_1072 : vector<16xi32>
    %shift_left3A_1074 = arith.constant 7 : i32
    %shift_left3A_1075 = vector.broadcast %shift_left3A_1074 : i32 to vector<16xi32>
    %shift_left3A_1076 = arith.shli %and3A_1073, %shift_left3A_1075 : vector<16xi32>
    %or3A_1077 = arith.ori %shift_left3A_1070, %shift_left3A_1076 : vector<16xi32>
    %or3A_1078 = arith.ori %or3A_1077, %add3A_1064 : vector<16xi32>
    %swap3A_1079 = arith.constant 304 : index
    %swap3A_1080 = tpu.vector_load %arg9[%swap3A_1079] {strides = array<i32>} : memref<2048xi32, #tpu.memory_space<vmem>>, vector<16xi32>,
    %swap3A_1081 = vector.shape_cast %swap3A_1080 : vector<16xi32> to vector<16xi32>
    %swap3A_1082 = vector.shape_cast %or3A_1078 : vector<16xi32> to vector<16xi32>
    tpu.vector_store %arg9[%swap3A_1079], %swap3A_1082 {strides = array<i32>} : memref<2048xi32, #tpu.memory_space<vmem>>, vector<16xi32>,
    %get3A_1083 = arith.constant 320 : index
    %get3A_1084 = tpu.vector_load %arg6[%get3A_1083] {strides = array<i32>} : memref<2048xi32, #tpu.memory_space<vmem>>, vector<16xi32>,
    %get3A_1085 = vector.shape_cast %get3A_1084 : vector<16xi32> to vector<16xi32>
    %add3A_1086 = arith.constant 0 : i32
    %add3A_1087 = arith.addi %mul3A_31, %add3A_1086 : i32
    %mul3A_1088 = arith.constant 1024 : i32
    %mul3A_1089 = arith.muli %add3A_1087, %mul3A_1088 : i32
    %add3A_1090 = arith.constant 64 : i32
    %add3A_1091 = arith.addi %mul3A_1089, %add3A_1090 : i32
    %add3A_1092 = vector.broadcast %add3A_1091 : i32 to vector<16xi32>
    %add3A_1093 = arith.addi %add3A_1092, %iota3A : vector<16xi32>
    %shift_right_arithmetic3A_1094 = arith.constant 3 : i32
    %shift_right_arithmetic3A_1095 = vector.broadcast %shift_right_arithmetic3A_1094 : i32 to vector<16xi32>
    %shift_right_arithmetic3A_1096 = arith.shrsi %get3A_1085, %shift_right_arithmetic3A_1095 : vector<16xi32>
    %shift_left3A_1097 = arith.constant 13 : i32
    %shift_left3A_1098 = vector.broadcast %shift_left3A_1097 : i32 to vector<16xi32>
    %shift_left3A_1099 = arith.shli %shift_right_arithmetic3A_1096, %shift_left3A_1098 : vector<16xi32>
    %and3A_1100 = arith.constant 7 : i32
    %and3A_1101 = vector.broadcast %and3A_1100 : i32 to vector<16xi32>
    %and3A_1102 = arith.andi %get3A_1085, %and3A_1101 : vector<16xi32>
    %shift_left3A_1103 = arith.constant 7 : i32
    %shift_left3A_1104 = vector.broadcast %shift_left3A_1103 : i32 to vector<16xi32>
    %shift_left3A_1105 = arith.shli %and3A_1102, %shift_left3A_1104 : vector<16xi32>
    %or3A_1106 = arith.ori %shift_left3A_1099, %shift_left3A_1105 : vector<16xi32>
    %or3A_1107 = arith.ori %or3A_1106, %add3A_1093 : vector<16xi32>
    %swap3A_1108 = arith.constant 320 : index
    %swap3A_1109 = tpu.vector_load %arg9[%swap3A_1108] {strides = array<i32>} : memref<2048xi32, #tpu.memory_space<vmem>>, vector<16xi32>,
    %swap3A_1110 = vector.shape_cast %swap3A_1109 : vector<16xi32> to vector<16xi32>
    %swap3A_1111 = vector.shape_cast %or3A_1107 : vector<16xi32> to vector<16xi32>
    tpu.vector_store %arg9[%swap3A_1108], %swap3A_1111 {strides = array<i32>} : memref<2048xi32, #tpu.memory_space<vmem>>, vector<16xi32>,
    %get3A_1112 = arith.constant 336 : index
    %get3A_1113 = tpu.vector_load %arg6[%get3A_1112] {strides = array<i32>} : memref<2048xi32, #tpu.memory_space<vmem>>, vector<16xi32>,
    %get3A_1114 = vector.shape_cast %get3A_1113 : vector<16xi32> to vector<16xi32>
    %add3A_1115 = arith.constant 0 : i32
    %add3A_1116 = arith.addi %mul3A_31, %add3A_1115 : i32
    %mul3A_1117 = arith.constant 1024 : i32
    %mul3A_1118 = arith.muli %add3A_1116, %mul3A_1117 : i32
    %add3A_1119 = arith.constant 80 : i32
    %add3A_1120 = arith.addi %mul3A_1118, %add3A_1119 : i32
    %add3A_1121 = vector.broadcast %add3A_1120 : i32 to vector<16xi32>
    %add3A_1122 = arith.addi %add3A_1121, %iota3A : vector<16xi32>
    %shift_right_arithmetic3A_1123 = arith.constant 3 : i32
    %shift_right_arithmetic3A_1124 = vector.broadcast %shift_right_arithmetic3A_1123 : i32 to vector<16xi32>
    %shift_right_arithmetic3A_1125 = arith.shrsi %get3A_1114, %shift_right_arithmetic3A_1124 : vector<16xi32>
    %shift_left3A_1126 = arith.constant 13 : i32
    %shift_left3A_1127 = vector.broadcast %shift_left3A_1126 : i32 to vector<16xi32>
    %shift_left3A_1128 = arith.shli %shift_right_arithmetic3A_1125, %shift_left3A_1127 : vector<16xi32>
    %and3A_1129 = arith.constant 7 : i32
    %and3A_1130 = vector.broadcast %and3A_1129 : i32 to vector<16xi32>
    %and3A_1131 = arith.andi %get3A_1114, %and3A_1130 : vector<16xi32>
    %shift_left3A_1132 = arith.constant 7 : i32
    %shift_left3A_1133 = vector.broadcast %shift_left3A_1132 : i32 to vector<16xi32>
    %shift_left3A_1134 = arith.shli %and3A_1131, %shift_left3A_1133 : vector<16xi32>
    %or3A_1135 = arith.ori %shift_left3A_1128, %shift_left3A_1134 : vector<16xi32>
    %or3A_1136 = arith.ori %or3A_1135, %add3A_1122 : vector<16xi32>
    %swap3A_1137 = arith.constant 336 : index
    %swap3A_1138 = tpu.vector_load %arg9[%swap3A_1137] {strides = array<i32>} : memref<2048xi32, #tpu.memory_space<vmem>>, vector<16xi32>,
    %swap3A_1139 = vector.shape_cast %swap3A_1138 : vector<16xi32> to vector<16xi32>
    %swap3A_1140 = vector.shape_cast %or3A_1136 : vector<16xi32> to vector<16xi32>
    tpu.vector_store %arg9[%swap3A_1137], %swap3A_1140 {strides = array<i32>} : memref<2048xi32, #tpu.memory_space<vmem>>, vector<16xi32>,
    %get3A_1141 = arith.constant 352 : index
    %get3A_1142 = tpu.vector_load %arg6[%get3A_1141] {strides = array<i32>} : memref<2048xi32, #tpu.memory_space<vmem>>, vector<16xi32>,
    %get3A_1143 = vector.shape_cast %get3A_1142 : vector<16xi32> to vector<16xi32>
    %add3A_1144 = arith.constant 0 : i32
    %add3A_1145 = arith.addi %mul3A_31, %add3A_1144 : i32
    %mul3A_1146 = arith.constant 1024 : i32
    %mul3A_1147 = arith.muli %add3A_1145, %mul3A_1146 : i32
    %add3A_1148 = arith.constant 96 : i32
    %add3A_1149 = arith.addi %mul3A_1147, %add3A_1148 : i32
    %add3A_1150 = vector.broadcast %add3A_1149 : i32 to vector<16xi32>
    %add3A_1151 = arith.addi %add3A_1150, %iota3A : vector<16xi32>
    %shift_right_arithmetic3A_1152 = arith.constant 3 : i32
    %shift_right_arithmetic3A_1153 = vector.broadcast %shift_right_arithmetic3A_1152 : i32 to vector<16xi32>
    %shift_right_arithmetic3A_1154 = arith.shrsi %get3A_1143, %shift_right_arithmetic3A_1153 : vector<16xi32>
    %shift_left3A_1155 = arith.constant 13 : i32
    %shift_left3A_1156 = vector.broadcast %shift_left3A_1155 : i32 to vector<16xi32>
    %shift_left3A_1157 = arith.shli %shift_right_arithmetic3A_1154, %shift_left3A_1156 : vector<16xi32>
    %and3A_1158 = arith.constant 7 : i32
    %and3A_1159 = vector.broadcast %and3A_1158 : i32 to vector<16xi32>
    %and3A_1160 = arith.andi %get3A_1143, %and3A_1159 : vector<16xi32>
    %shift_left3A_1161 = arith.constant 7 : i32
    %shift_left3A_1162 = vector.broadcast %shift_left3A_1161 : i32 to vector<16xi32>
    %shift_left3A_1163 = arith.shli %and3A_1160, %shift_left3A_1162 : vector<16xi32>
    %or3A_1164 = arith.ori %shift_left3A_1157, %shift_left3A_1163 : vector<16xi32>
    %or3A_1165 = arith.ori %or3A_1164, %add3A_1151 : vector<16xi32>
    %swap3A_1166 = arith.constant 352 : index
    %swap3A_1167 = tpu.vector_load %arg9[%swap3A_1166] {strides = array<i32>} : memref<2048xi32, #tpu.memory_space<vmem>>, vector<16xi32>,
    %swap3A_1168 = vector.shape_cast %swap3A_1167 : vector<16xi32> to vector<16xi32>
    %swap3A_1169 = vector.shape_cast %or3A_1165 : vector<16xi32> to vector<16xi32>
    tpu.vector_store %arg9[%swap3A_1166], %swap3A_1169 {strides = array<i32>} : memref<2048xi32, #tpu.memory_space<vmem>>, vector<16xi32>,
    %get3A_1170 = arith.constant 368 : index
    %get3A_1171 = tpu.vector_load %arg6[%get3A_1170] {strides = array<i32>} : memref<2048xi32, #tpu.memory_space<vmem>>, vector<16xi32>,
    %get3A_1172 = vector.shape_cast %get3A_1171 : vector<16xi32> to vector<16xi32>
    %add3A_1173 = arith.constant 0 : i32
    %add3A_1174 = arith.addi %mul3A_31, %add3A_1173 : i32
    %mul3A_1175 = arith.constant 1024 : i32
    %mul3A_1176 = arith.muli %add3A_1174, %mul3A_1175 : i32
    %add3A_1177 = arith.constant 112 : i32
    %add3A_1178 = arith.addi %mul3A_1176, %add3A_1177 : i32
    %add3A_1179 = vector.broadcast %add3A_1178 : i32 to vector<16xi32>
    %add3A_1180 = arith.addi %add3A_1179, %iota3A : vector<16xi32>
    %shift_right_arithmetic3A_1181 = arith.constant 3 : i32
    %shift_right_arithmetic3A_1182 = vector.broadcast %shift_right_arithmetic3A_1181 : i32 to vector<16xi32>
    %shift_right_arithmetic3A_1183 = arith.shrsi %get3A_1172, %shift_right_arithmetic3A_1182 : vector<16xi32>
    %shift_left3A_1184 = arith.constant 13 : i32
    %shift_left3A_1185 = vector.broadcast %shift_left3A_1184 : i32 to vector<16xi32>
    %shift_left3A_1186 = arith.shli %shift_right_arithmetic3A_1183, %shift_left3A_1185 : vector<16xi32>
    %and3A_1187 = arith.constant 7 : i32
    %and3A_1188 = vector.broadcast %and3A_1187 : i32 to vector<16xi32>
    %and3A_1189 = arith.andi %get3A_1172, %and3A_1188 : vector<16xi32>
    %shift_left3A_1190 = arith.constant 7 : i32
    %shift_left3A_1191 = vector.broadcast %shift_left3A_1190 : i32 to vector<16xi32>
    %shift_left3A_1192 = arith.shli %and3A_1189, %shift_left3A_1191 : vector<16xi32>
    %or3A_1193 = arith.ori %shift_left3A_1186, %shift_left3A_1192 : vector<16xi32>
    %or3A_1194 = arith.ori %or3A_1193, %add3A_1180 : vector<16xi32>
    %swap3A_1195 = arith.constant 368 : index
    %swap3A_1196 = tpu.vector_load %arg9[%swap3A_1195] {strides = array<i32>} : memref<2048xi32, #tpu.memory_space<vmem>>, vector<16xi32>,
    %swap3A_1197 = vector.shape_cast %swap3A_1196 : vector<16xi32> to vector<16xi32>
    %swap3A_1198 = vector.shape_cast %or3A_1194 : vector<16xi32> to vector<16xi32>
    tpu.vector_store %arg9[%swap3A_1195], %swap3A_1198 {strides = array<i32>} : memref<2048xi32, #tpu.memory_space<vmem>>, vector<16xi32>,
    %get3A_1199 = arith.constant 384 : index
    %get3A_1200 = tpu.vector_load %arg6[%get3A_1199] {strides = array<i32>} : memref<2048xi32, #tpu.memory_space<vmem>>, vector<16xi32>,
    %get3A_1201 = vector.shape_cast %get3A_1200 : vector<16xi32> to vector<16xi32>
    %add3A_1202 = arith.constant 0 : i32
    %add3A_1203 = arith.addi %mul3A_31, %add3A_1202 : i32
    %mul3A_1204 = arith.constant 1024 : i32
    %mul3A_1205 = arith.muli %add3A_1203, %mul3A_1204 : i32
    %add3A_1206 = arith.constant 0 : i32
    %add3A_1207 = arith.addi %mul3A_1205, %add3A_1206 : i32
    %add3A_1208 = vector.broadcast %add3A_1207 : i32 to vector<16xi32>
    %add3A_1209 = arith.addi %add3A_1208, %iota3A : vector<16xi32>
    %shift_right_arithmetic3A_1210 = arith.constant 3 : i32
    %shift_right_arithmetic3A_1211 = vector.broadcast %shift_right_arithmetic3A_1210 : i32 to vector<16xi32>
    %shift_right_arithmetic3A_1212 = arith.shrsi %get3A_1201, %shift_right_arithmetic3A_1211 : vector<16xi32>
    %shift_left3A_1213 = arith.constant 13 : i32
    %shift_left3A_1214 = vector.broadcast %shift_left3A_1213 : i32 to vector<16xi32>
    %shift_left3A_1215 = arith.shli %shift_right_arithmetic3A_1212, %shift_left3A_1214 : vector<16xi32>
    %and3A_1216 = arith.constant 7 : i32
    %and3A_1217 = vector.broadcast %and3A_1216 : i32 to vector<16xi32>
    %and3A_1218 = arith.andi %get3A_1201, %and3A_1217 : vector<16xi32>
    %shift_left3A_1219 = arith.constant 7 : i32
    %shift_left3A_1220 = vector.broadcast %shift_left3A_1219 : i32 to vector<16xi32>
    %shift_left3A_1221 = arith.shli %and3A_1218, %shift_left3A_1220 : vector<16xi32>
    %or3A_1222 = arith.ori %shift_left3A_1215, %shift_left3A_1221 : vector<16xi32>
    %or3A_1223 = arith.ori %or3A_1222, %add3A_1209 : vector<16xi32>
    %swap3A_1224 = arith.constant 384 : index
    %swap3A_1225 = tpu.vector_load %arg9[%swap3A_1224] {strides = array<i32>} : memref<2048xi32, #tpu.memory_space<vmem>>, vector<16xi32>,
    %swap3A_1226 = vector.shape_cast %swap3A_1225 : vector<16xi32> to vector<16xi32>
    %swap3A_1227 = vector.shape_cast %or3A_1223 : vector<16xi32> to vector<16xi32>
    tpu.vector_store %arg9[%swap3A_1224], %swap3A_1227 {strides = array<i32>} : memref<2048xi32, #tpu.memory_space<vmem>>, vector<16xi32>,
    %get3A_1228 = arith.constant 400 : index
    %get3A_1229 = tpu.vector_load %arg6[%get3A_1228] {strides = array<i32>} : memref<2048xi32, #tpu.memory_space<vmem>>, vector<16xi32>,
    %get3A_1230 = vector.shape_cast %get3A_1229 : vector<16xi32> to vector<16xi32>
    %add3A_1231 = arith.constant 0 : i32
    %add3A_1232 = arith.addi %mul3A_31, %add3A_1231 : i32
    %mul3A_1233 = arith.constant 1024 : i32
    %mul3A_1234 = arith.muli %add3A_1232, %mul3A_1233 : i32
    %add3A_1235 = arith.constant 16 : i32
    %add3A_1236 = arith.addi %mul3A_1234, %add3A_1235 : i32
    %add3A_1237 = vector.broadcast %add3A_1236 : i32 to vector<16xi32>
    %add3A_1238 = arith.addi %add3A_1237, %iota3A : vector<16xi32>
    %shift_right_arithmetic3A_1239 = arith.constant 3 : i32
    %shift_right_arithmetic3A_1240 = vector.broadcast %shift_right_arithmetic3A_1239 : i32 to vector<16xi32>
    %shift_right_arithmetic3A_1241 = arith.shrsi %get3A_1230, %shift_right_arithmetic3A_1240 : vector<16xi32>
    %shift_left3A_1242 = arith.constant 13 : i32
    %shift_left3A_1243 = vector.broadcast %shift_left3A_1242 : i32 to vector<16xi32>
    %shift_left3A_1244 = arith.shli %shift_right_arithmetic3A_1241, %shift_left3A_1243 : vector<16xi32>
    %and3A_1245 = arith.constant 7 : i32
    %and3A_1246 = vector.broadcast %and3A_1245 : i32 to vector<16xi32>
    %and3A_1247 = arith.andi %get3A_1230, %and3A_1246 : vector<16xi32>
    %shift_left3A_1248 = arith.constant 7 : i32
    %shift_left3A_1249 = vector.broadcast %shift_left3A_1248 : i32 to vector<16xi32>
    %shift_left3A_1250 = arith.shli %and3A_1247, %shift_left3A_1249 : vector<16xi32>
    %or3A_1251 = arith.ori %shift_left3A_1244, %shift_left3A_1250 : vector<16xi32>
    %or3A_1252 = arith.ori %or3A_1251, %add3A_1238 : vector<16xi32>
    %swap3A_1253 = arith.constant 400 : index
    %swap3A_1254 = tpu.vector_load %arg9[%swap3A_1253] {strides = array<i32>} : memref<2048xi32, #tpu.memory_space<vmem>>, vector<16xi32>,
    %swap3A_1255 = vector.shape_cast %swap3A_1254 : vector<16xi32> to vector<16xi32>
    %swap3A_1256 = vector.shape_cast %or3A_1252 : vector<16xi32> to vector<16xi32>
    tpu.vector_store %arg9[%swap3A_1253], %swap3A_1256 {strides = array<i32>} : memref<2048xi32, #tpu.memory_space<vmem>>, vector<16xi32>,
    %get3A_1257 = arith.constant 416 : index
    %get3A_1258 = tpu.vector_load %arg6[%get3A_1257] {strides = array<i32>} : memref<2048xi32, #tpu.memory_space<vmem>>, vector<16xi32>,
    %get3A_1259 = vector.shape_cast %get3A_1258 : vector<16xi32> to vector<16xi32>
    %add3A_1260 = arith.constant 0 : i32
    %add3A_1261 = arith.addi %mul3A_31, %add3A_1260 : i32
    %mul3A_1262 = arith.constant 1024 : i32
    %mul3A_1263 = arith.muli %add3A_1261, %mul3A_1262 : i32
    %add3A_1264 = arith.constant 32 : i32
    %add3A_1265 = arith.addi %mul3A_1263, %add3A_1264 : i32
    %add3A_1266 = vector.broadcast %add3A_1265 : i32 to vector<16xi32>
    %add3A_1267 = arith.addi %add3A_1266, %iota3A : vector<16xi32>
    %shift_right_arithmetic3A_1268 = arith.constant 3 : i32
    %shift_right_arithmetic3A_1269 = vector.broadcast %shift_right_arithmetic3A_1268 : i32 to vector<16xi32>
    %shift_right_arithmetic3A_1270 = arith.shrsi %get3A_1259, %shift_right_arithmetic3A_1269 : vector<16xi32>
    %shift_left3A_1271 = arith.constant 13 : i32
    %shift_left3A_1272 = vector.broadcast %shift_left3A_1271 : i32 to vector<16xi32>
    %shift_left3A_1273 = arith.shli %shift_right_arithmetic3A_1270, %shift_left3A_1272 : vector<16xi32>
    %and3A_1274 = arith.constant 7 : i32
    %and3A_1275 = vector.broadcast %and3A_1274 : i32 to vector<16xi32>
    %and3A_1276 = arith.andi %get3A_1259, %and3A_1275 : vector<16xi32>
    %shift_left3A_1277 = arith.constant 7 : i32
    %shift_left3A_1278 = vector.broadcast %shift_left3A_1277 : i32 to vector<16xi32>
    %shift_left3A_1279 = arith.shli %and3A_1276, %shift_left3A_1278 : vector<16xi32>
    %or3A_1280 = arith.ori %shift_left3A_1273, %shift_left3A_1279 : vector<16xi32>
    %or3A_1281 = arith.ori %or3A_1280, %add3A_1267 : vector<16xi32>
    %swap3A_1282 = arith.constant 416 : index
    %swap3A_1283 = tpu.vector_load %arg9[%swap3A_1282] {strides = array<i32>} : memref<2048xi32, #tpu.memory_space<vmem>>, vector<16xi32>,
    %swap3A_1284 = vector.shape_cast %swap3A_1283 : vector<16xi32> to vector<16xi32>
    %swap3A_1285 = vector.shape_cast %or3A_1281 : vector<16xi32> to vector<16xi32>
    tpu.vector_store %arg9[%swap3A_1282], %swap3A_1285 {strides = array<i32>} : memref<2048xi32, #tpu.memory_space<vmem>>, vector<16xi32>,
    %get3A_1286 = arith.constant 432 : index
    %get3A_1287 = tpu.vector_load %arg6[%get3A_1286] {strides = array<i32>} : memref<2048xi32, #tpu.memory_space<vmem>>, vector<16xi32>,
    %get3A_1288 = vector.shape_cast %get3A_1287 : vector<16xi32> to vector<16xi32>
    %add3A_1289 = arith.constant 0 : i32
    %add3A_1290 = arith.addi %mul3A_31, %add3A_1289 : i32
    %mul3A_1291 = arith.constant 1024 : i32
    %mul3A_1292 = arith.muli %add3A_1290, %mul3A_1291 : i32
    %add3A_1293 = arith.constant 48 : i32
    %add3A_1294 = arith.addi %mul3A_1292, %add3A_1293 : i32
    %add3A_1295 = vector.broadcast %add3A_1294 : i32 to vector<16xi32>
    %add3A_1296 = arith.addi %add3A_1295, %iota3A : vector<16xi32>
    %shift_right_arithmetic3A_1297 = arith.constant 3 : i32
    %shift_right_arithmetic3A_1298 = vector.broadcast %shift_right_arithmetic3A_1297 : i32 to vector<16xi32>
    %shift_right_arithmetic3A_1299 = arith.shrsi %get3A_1288, %shift_right_arithmetic3A_1298 : vector<16xi32>
    %shift_left3A_1300 = arith.constant 13 : i32
    %shift_left3A_1301 = vector.broadcast %shift_left3A_1300 : i32 to vector<16xi32>
    %shift_left3A_1302 = arith.shli %shift_right_arithmetic3A_1299, %shift_left3A_1301 : vector<16xi32>
    %and3A_1303 = arith.constant 7 : i32
    %and3A_1304 = vector.broadcast %and3A_1303 : i32 to vector<16xi32>
    %and3A_1305 = arith.andi %get3A_1288, %and3A_1304 : vector<16xi32>
    %shift_left3A_1306 = arith.constant 7 : i32
    %shift_left3A_1307 = vector.broadcast %shift_left3A_1306 : i32 to vector<16xi32>
    %shift_left3A_1308 = arith.shli %and3A_1305, %shift_left3A_1307 : vector<16xi32>
    %or3A_1309 = arith.ori %shift_left3A_1302, %shift_left3A_1308 : vector<16xi32>
    %or3A_1310 = arith.ori %or3A_1309, %add3A_1296 : vector<16xi32>
    %swap3A_1311 = arith.constant 432 : index
    %swap3A_1312 = tpu.vector_load %arg9[%swap3A_1311] {strides = array<i32>} : memref<2048xi32, #tpu.memory_space<vmem>>, vector<16xi32>,
    %swap3A_1313 = vector.shape_cast %swap3A_1312 : vector<16xi32> to vector<16xi32>
    %swap3A_1314 = vector.shape_cast %or3A_1310 : vector<16xi32> to vector<16xi32>
    tpu.vector_store %arg9[%swap3A_1311], %swap3A_1314 {strides = array<i32>} : memref<2048xi32, #tpu.memory_space<vmem>>, vector<16xi32>,
    %get3A_1315 = arith.constant 448 : index
    %get3A_1316 = tpu.vector_load %arg6[%get3A_1315] {strides = array<i32>} : memref<2048xi32, #tpu.memory_space<vmem>>, vector<16xi32>,
    %get3A_1317 = vector.shape_cast %get3A_1316 : vector<16xi32> to vector<16xi32>
    %add3A_1318 = arith.constant 0 : i32
    %add3A_1319 = arith.addi %mul3A_31, %add3A_1318 : i32
    %mul3A_1320 = arith.constant 1024 : i32
    %mul3A_1321 = arith.muli %add3A_1319, %mul3A_1320 : i32
    %add3A_1322 = arith.constant 64 : i32
    %add3A_1323 = arith.addi %mul3A_1321, %add3A_1322 : i32
    %add3A_1324 = vector.broadcast %add3A_1323 : i32 to vector<16xi32>
    %add3A_1325 = arith.addi %add3A_1324, %iota3A : vector<16xi32>
    %shift_right_arithmetic3A_1326 = arith.constant 3 : i32
    %shift_right_arithmetic3A_1327 = vector.broadcast %shift_right_arithmetic3A_1326 : i32 to vector<16xi32>
    %shift_right_arithmetic3A_1328 = arith.shrsi %get3A_1317, %shift_right_arithmetic3A_1327 : vector<16xi32>
    %shift_left3A_1329 = arith.constant 13 : i32
    %shift_left3A_1330 = vector.broadcast %shift_left3A_1329 : i32 to vector<16xi32>
    %shift_left3A_1331 = arith.shli %shift_right_arithmetic3A_1328, %shift_left3A_1330 : vector<16xi32>
    %and3A_1332 = arith.constant 7 : i32
    %and3A_1333 = vector.broadcast %and3A_1332 : i32 to vector<16xi32>
    %and3A_1334 = arith.andi %get3A_1317, %and3A_1333 : vector<16xi32>
    %shift_left3A_1335 = arith.constant 7 : i32
    %shift_left3A_1336 = vector.broadcast %shift_left3A_1335 : i32 to vector<16xi32>
    %shift_left3A_1337 = arith.shli %and3A_1334, %shift_left3A_1336 : vector<16xi32>
    %or3A_1338 = arith.ori %shift_left3A_1331, %shift_left3A_1337 : vector<16xi32>
    %or3A_1339 = arith.ori %or3A_1338, %add3A_1325 : vector<16xi32>
    %swap3A_1340 = arith.constant 448 : index
    %swap3A_1341 = tpu.vector_load %arg9[%swap3A_1340] {strides = array<i32>} : memref<2048xi32, #tpu.memory_space<vmem>>, vector<16xi32>,
    %swap3A_1342 = vector.shape_cast %swap3A_1341 : vector<16xi32> to vector<16xi32>
    %swap3A_1343 = vector.shape_cast %or3A_1339 : vector<16xi32> to vector<16xi32>
    tpu.vector_store %arg9[%swap3A_1340], %swap3A_1343 {strides = array<i32>} : memref<2048xi32, #tpu.memory_space<vmem>>, vector<16xi32>,
    %get3A_1344 = arith.constant 464 : index
    %get3A_1345 = tpu.vector_load %arg6[%get3A_1344] {strides = array<i32>} : memref<2048xi32, #tpu.memory_space<vmem>>, vector<16xi32>,
    %get3A_1346 = vector.shape_cast %get3A_1345 : vector<16xi32> to vector<16xi32>
    %add3A_1347 = arith.constant 0 : i32
    %add3A_1348 = arith.addi %mul3A_31, %add3A_1347 : i32
    %mul3A_1349 = arith.constant 1024 : i32
    %mul3A_1350 = arith.muli %add3A_1348, %mul3A_1349 : i32
    %add3A_1351 = arith.constant 80 : i32
    %add3A_1352 = arith.addi %mul3A_1350, %add3A_1351 : i32
    %add3A_1353 = vector.broadcast %add3A_1352 : i32 to vector<16xi32>
    %add3A_1354 = arith.addi %add3A_1353, %iota3A : vector<16xi32>
    %shift_right_arithmetic3A_1355 = arith.constant 3 : i32
    %shift_right_arithmetic3A_1356 = vector.broadcast %shift_right_arithmetic3A_1355 : i32 to vector<16xi32>
    %shift_right_arithmetic3A_1357 = arith.shrsi %get3A_1346, %shift_right_arithmetic3A_1356 : vector<16xi32>
    %shift_left3A_1358 = arith.constant 13 : i32
    %shift_left3A_1359 = vector.broadcast %shift_left3A_1358 : i32 to vector<16xi32>
    %shift_left3A_1360 = arith.shli %shift_right_arithmetic3A_1357, %shift_left3A_1359 : vector<16xi32>
    %and3A_1361 = arith.constant 7 : i32
    %and3A_1362 = vector.broadcast %and3A_1361 : i32 to vector<16xi32>
    %and3A_1363 = arith.andi %get3A_1346, %and3A_1362 : vector<16xi32>
    %shift_left3A_1364 = arith.constant 7 : i32
    %shift_left3A_1365 = vector.broadcast %shift_left3A_1364 : i32 to vector<16xi32>
    %shift_left3A_1366 = arith.shli %and3A_1363, %shift_left3A_1365 : vector<16xi32>
    %or3A_1367 = arith.ori %shift_left3A_1360, %shift_left3A_1366 : vector<16xi32>
    %or3A_1368 = arith.ori %or3A_1367, %add3A_1354 : vector<16xi32>
    %swap3A_1369 = arith.constant 464 : index
    %swap3A_1370 = tpu.vector_load %arg9[%swap3A_1369] {strides = array<i32>} : memref<2048xi32, #tpu.memory_space<vmem>>, vector<16xi32>,
    %swap3A_1371 = vector.shape_cast %swap3A_1370 : vector<16xi32> to vector<16xi32>
    %swap3A_1372 = vector.shape_cast %or3A_1368 : vector<16xi32> to vector<16xi32>
    tpu.vector_store %arg9[%swap3A_1369], %swap3A_1372 {strides = array<i32>} : memref<2048xi32, #tpu.memory_space<vmem>>, vector<16xi32>,
    %get3A_1373 = arith.constant 480 : index
    %get3A_1374 = tpu.vector_load %arg6[%get3A_1373] {strides = array<i32>} : memref<2048xi32, #tpu.memory_space<vmem>>, vector<16xi32>,
    %get3A_1375 = vector.shape_cast %get3A_1374 : vector<16xi32> to vector<16xi32>
    %add3A_1376 = arith.constant 0 : i32
    %add3A_1377 = arith.addi %mul3A_31, %add3A_1376 : i32
    %mul3A_1378 = arith.constant 1024 : i32
    %mul3A_1379 = arith.muli %add3A_1377, %mul3A_1378 : i32
    %add3A_1380 = arith.constant 96 : i32
    %add3A_1381 = arith.addi %mul3A_1379, %add3A_1380 : i32
    %add3A_1382 = vector.broadcast %add3A_1381 : i32 to vector<16xi32>
    %add3A_1383 = arith.addi %add3A_1382, %iota3A : vector<16xi32>
    %shift_right_arithmetic3A_1384 = arith.constant 3 : i32
    %shift_right_arithmetic3A_1385 = vector.broadcast %shift_right_arithmetic3A_1384 : i32 to vector<16xi32>
    %shift_right_arithmetic3A_1386 = arith.shrsi %get3A_1375, %shift_right_arithmetic3A_1385 : vector<16xi32>
    %shift_left3A_1387 = arith.constant 13 : i32
    %shift_left3A_1388 = vector.broadcast %shift_left3A_1387 : i32 to vector<16xi32>
    %shift_left3A_1389 = arith.shli %shift_right_arithmetic3A_1386, %shift_left3A_1388 : vector<16xi32>
    %and3A_1390 = arith.constant 7 : i32
    %and3A_1391 = vector.broadcast %and3A_1390 : i32 to vector<16xi32>
    %and3A_1392 = arith.andi %get3A_1375, %and3A_1391 : vector<16xi32>
    %shift_left3A_1393 = arith.constant 7 : i32
    %shift_left3A_1394 = vector.broadcast %shift_left3A_1393 : i32 to vector<16xi32>
    %shift_left3A_1395 = arith.shli %and3A_1392, %shift_left3A_1394 : vector<16xi32>
    %or3A_1396 = arith.ori %shift_left3A_1389, %shift_left3A_1395 : vector<16xi32>
    %or3A_1397 = arith.ori %or3A_1396, %add3A_1383 : vector<16xi32>
    %swap3A_1398 = arith.constant 480 : index
    %swap3A_1399 = tpu.vector_load %arg9[%swap3A_1398] {strides = array<i32>} : memref<2048xi32, #tpu.memory_space<vmem>>, vector<16xi32>,
    %swap3A_1400 = vector.shape_cast %swap3A_1399 : vector<16xi32> to vector<16xi32>
    %swap3A_1401 = vector.shape_cast %or3A_1397 : vector<16xi32> to vector<16xi32>
    tpu.vector_store %arg9[%swap3A_1398], %swap3A_1401 {strides = array<i32>} : memref<2048xi32, #tpu.memory_space<vmem>>, vector<16xi32>,
    %get3A_1402 = arith.constant 496 : index
    %get3A_1403 = tpu.vector_load %arg6[%get3A_1402] {strides = array<i32>} : memref<2048xi32, #tpu.memory_space<vmem>>, vector<16xi32>,
    %get3A_1404 = vector.shape_cast %get3A_1403 : vector<16xi32> to vector<16xi32>
    %add3A_1405 = arith.constant 0 : i32
    %add3A_1406 = arith.addi %mul3A_31, %add3A_1405 : i32
    %mul3A_1407 = arith.constant 1024 : i32
    %mul3A_1408 = arith.muli %add3A_1406, %mul3A_1407 : i32
    %add3A_1409 = arith.constant 112 : i32
    %add3A_1410 = arith.addi %mul3A_1408, %add3A_1409 : i32
    %add3A_1411 = vector.broadcast %add3A_1410 : i32 to vector<16xi32>
    %add3A_1412 = arith.addi %add3A_1411, %iota3A : vector<16xi32>
    %shift_right_arithmetic3A_1413 = arith.constant 3 : i32
    %shift_right_arithmetic3A_1414 = vector.broadcast %shift_right_arithmetic3A_1413 : i32 to vector<16xi32>
    %shift_right_arithmetic3A_1415 = arith.shrsi %get3A_1404, %shift_right_arithmetic3A_1414 : vector<16xi32>
    %shift_left3A_1416 = arith.constant 13 : i32
    %shift_left3A_1417 = vector.broadcast %shift_left3A_1416 : i32 to vector<16xi32>
    %shift_left3A_1418 = arith.shli %shift_right_arithmetic3A_1415, %shift_left3A_1417 : vector<16xi32>
    %and3A_1419 = arith.constant 7 : i32
    %and3A_1420 = vector.broadcast %and3A_1419 : i32 to vector<16xi32>
    %and3A_1421 = arith.andi %get3A_1404, %and3A_1420 : vector<16xi32>
    %shift_left3A_1422 = arith.constant 7 : i32
    %shift_left3A_1423 = vector.broadcast %shift_left3A_1422 : i32 to vector<16xi32>
    %shift_left3A_1424 = arith.shli %and3A_1421, %shift_left3A_1423 : vector<16xi32>
    %or3A_1425 = arith.ori %shift_left3A_1418, %shift_left3A_1424 : vector<16xi32>
    %or3A_1426 = arith.ori %or3A_1425, %add3A_1412 : vector<16xi32>
    %swap3A_1427 = arith.constant 496 : index
    %swap3A_1428 = tpu.vector_load %arg9[%swap3A_1427] {strides = array<i32>} : memref<2048xi32, #tpu.memory_space<vmem>>, vector<16xi32>,
    %swap3A_1429 = vector.shape_cast %swap3A_1428 : vector<16xi32> to vector<16xi32>
    %swap3A_1430 = vector.shape_cast %or3A_1426 : vector<16xi32> to vector<16xi32>
    tpu.vector_store %arg9[%swap3A_1427], %swap3A_1430 {strides = array<i32>} : memref<2048xi32, #tpu.memory_space<vmem>>, vector<16xi32>,
    %dma_start3A_1431 = arith.constant 0 : i32
    %dma_start3A_1432 = arith.constant 0 : i32
    %dma_start3A_1433 = tpu.memref_slice %arg11[%dma_start3A_1432] : memref<2048xf32, #tpu.memory_space<vmem>> -> memref<512xf32, #tpu.memory_space<vmem>>
    %dma_start3A_1434 = arith.constant 0 : i32
    %dma_start3A_1435 = tpu.memref_slice %arg9[%dma_start3A_1434] : memref<2048xi32, #tpu.memory_space<vmem>> -> memref<512xi32, #tpu.memory_space<vmem>>
    %dma_start3A_1436 = arith.constant 0 : i32
    %dma_start3A_1437 = tpu.memref_slice %arg2[%dma_start3A_1436] : memref<102400000xf32, #tpu.memory_space<hbm>> -> memref<102400000xf32, #tpu.memory_space<hbm>>
    %dma_start3A_1438 = tpu.memref_slice %arg16[%dma_start3A_1431] : memref<4x!tpu.dma_semaphore, #tpu.memory_space<semaphore_mem>> -> memref<1x!tpu.dma_semaphore, #tpu.memory_space<semaphore_mem>>
    %dma_start3A_1439 = tpu.memref_squeeze %dma_start3A_1438 : memref<1x!tpu.dma_semaphore, #tpu.memory_space<semaphore_mem>> -> memref<!tpu.dma_semaphore, #tpu.memory_space<semaphore_mem>>
    tpu.enqueue_indirect_dma source(%dma_start3A_1437 : memref<102400000xf32, #tpu.memory_space<hbm>>) target(%dma_start3A_1433 : memref<512xf32, #tpu.memory_space<vmem>>) offsets(%dma_start3A_1435 : memref<512xi32, #tpu.memory_space<vmem>>) semaphore(%dma_start3A_1439 : memref<!tpu.dma_semaphore, #tpu.memory_space<semaphore_mem>>)
    %get3A_1440 = arith.constant 512 : index
    %get3A_1441 = tpu.vector_load %arg6[%get3A_1440] {strides = array<i32>} : memref<2048xi32, #tpu.memory_space<vmem>>, vector<16xi32>,
    %get3A_1442 = vector.shape_cast %get3A_1441 : vector<16xi32> to vector<16xi32>
    %add3A_1443 = arith.constant 0 : i32
    %add3A_1444 = arith.addi %mul3A_31, %add3A_1443 : i32
    %mul3A_1445 = arith.constant 1024 : i32
    %mul3A_1446 = arith.muli %add3A_1444, %mul3A_1445 : i32
    %add3A_1447 = arith.constant 0 : i32
    %add3A_1448 = arith.addi %mul3A_1446, %add3A_1447 : i32
    %add3A_1449 = vector.broadcast %add3A_1448 : i32 to vector<16xi32>
    %add3A_1450 = arith.addi %add3A_1449, %iota3A : vector<16xi32>
    %shift_right_arithmetic3A_1451 = arith.constant 3 : i32
    %shift_right_arithmetic3A_1452 = vector.broadcast %shift_right_arithmetic3A_1451 : i32 to vector<16xi32>
    %shift_right_arithmetic3A_1453 = arith.shrsi %get3A_1442, %shift_right_arithmetic3A_1452 : vector<16xi32>
    %shift_left3A_1454 = arith.constant 13 : i32
    %shift_left3A_1455 = vector.broadcast %shift_left3A_1454 : i32 to vector<16xi32>
    %shift_left3A_1456 = arith.shli %shift_right_arithmetic3A_1453, %shift_left3A_1455 : vector<16xi32>
    %and3A_1457 = arith.constant 7 : i32
    %and3A_1458 = vector.broadcast %and3A_1457 : i32 to vector<16xi32>
    %and3A_1459 = arith.andi %get3A_1442, %and3A_1458 : vector<16xi32>
    %shift_left3A_1460 = arith.constant 7 : i32
    %shift_left3A_1461 = vector.broadcast %shift_left3A_1460 : i32 to vector<16xi32>
    %shift_left3A_1462 = arith.shli %and3A_1459, %shift_left3A_1461 : vector<16xi32>
    %or3A_1463 = arith.ori %shift_left3A_1456, %shift_left3A_1462 : vector<16xi32>
    %or3A_1464 = arith.ori %or3A_1463, %add3A_1450 : vector<16xi32>
    %swap3A_1465 = arith.constant 512 : index
    %swap3A_1466 = tpu.vector_load %arg9[%swap3A_1465] {strides = array<i32>} : memref<2048xi32, #tpu.memory_space<vmem>>, vector<16xi32>,
    %swap3A_1467 = vector.shape_cast %swap3A_1466 : vector<16xi32> to vector<16xi32>
    %swap3A_1468 = vector.shape_cast %or3A_1464 : vector<16xi32> to vector<16xi32>
    tpu.vector_store %arg9[%swap3A_1465], %swap3A_1468 {strides = array<i32>} : memref<2048xi32, #tpu.memory_space<vmem>>, vector<16xi32>,
    %get3A_1469 = arith.constant 528 : index
    %get3A_1470 = tpu.vector_load %arg6[%get3A_1469] {strides = array<i32>} : memref<2048xi32, #tpu.memory_space<vmem>>, vector<16xi32>,
    %get3A_1471 = vector.shape_cast %get3A_1470 : vector<16xi32> to vector<16xi32>
    %add3A_1472 = arith.constant 0 : i32
    %add3A_1473 = arith.addi %mul3A_31, %add3A_1472 : i32
    %mul3A_1474 = arith.constant 1024 : i32
    %mul3A_1475 = arith.muli %add3A_1473, %mul3A_1474 : i32
    %add3A_1476 = arith.constant 16 : i32
    %add3A_1477 = arith.addi %mul3A_1475, %add3A_1476 : i32
    %add3A_1478 = vector.broadcast %add3A_1477 : i32 to vector<16xi32>
    %add3A_1479 = arith.addi %add3A_1478, %iota3A : vector<16xi32>
    %shift_right_arithmetic3A_1480 = arith.constant 3 : i32
    %shift_right_arithmetic3A_1481 = vector.broadcast %shift_right_arithmetic3A_1480 : i32 to vector<16xi32>
    %shift_right_arithmetic3A_1482 = arith.shrsi %get3A_1471, %shift_right_arithmetic3A_1481 : vector<16xi32>
    %shift_left3A_1483 = arith.constant 13 : i32
    %shift_left3A_1484 = vector.broadcast %shift_left3A_1483 : i32 to vector<16xi32>
    %shift_left3A_1485 = arith.shli %shift_right_arithmetic3A_1482, %shift_left3A_1484 : vector<16xi32>
    %and3A_1486 = arith.constant 7 : i32
    %and3A_1487 = vector.broadcast %and3A_1486 : i32 to vector<16xi32>
    %and3A_1488 = arith.andi %get3A_1471, %and3A_1487 : vector<16xi32>
    %shift_left3A_1489 = arith.constant 7 : i32
    %shift_left3A_1490 = vector.broadcast %shift_left3A_1489 : i32 to vector<16xi32>
    %shift_left3A_1491 = arith.shli %and3A_1488, %shift_left3A_1490 : vector<16xi32>
    %or3A_1492 = arith.ori %shift_left3A_1485, %shift_left3A_1491 : vector<16xi32>
    %or3A_1493 = arith.ori %or3A_1492, %add3A_1479 : vector<16xi32>
    %swap3A_1494 = arith.constant 528 : index
    %swap3A_1495 = tpu.vector_load %arg9[%swap3A_1494] {strides = array<i32>} : memref<2048xi32, #tpu.memory_space<vmem>>, vector<16xi32>,
    %swap3A_1496 = vector.shape_cast %swap3A_1495 : vector<16xi32> to vector<16xi32>
    %swap3A_1497 = vector.shape_cast %or3A_1493 : vector<16xi32> to vector<16xi32>
    tpu.vector_store %arg9[%swap3A_1494], %swap3A_1497 {strides = array<i32>} : memref<2048xi32, #tpu.memory_space<vmem>>, vector<16xi32>,
    %get3A_1498 = arith.constant 544 : index
    %get3A_1499 = tpu.vector_load %arg6[%get3A_1498] {strides = array<i32>} : memref<2048xi32, #tpu.memory_space<vmem>>, vector<16xi32>,
    %get3A_1500 = vector.shape_cast %get3A_1499 : vector<16xi32> to vector<16xi32>
    %add3A_1501 = arith.constant 0 : i32
    %add3A_1502 = arith.addi %mul3A_31, %add3A_1501 : i32
    %mul3A_1503 = arith.constant 1024 : i32
    %mul3A_1504 = arith.muli %add3A_1502, %mul3A_1503 : i32
    %add3A_1505 = arith.constant 32 : i32
    %add3A_1506 = arith.addi %mul3A_1504, %add3A_1505 : i32
    %add3A_1507 = vector.broadcast %add3A_1506 : i32 to vector<16xi32>
    %add3A_1508 = arith.addi %add3A_1507, %iota3A : vector<16xi32>
    %shift_right_arithmetic3A_1509 = arith.constant 3 : i32
    %shift_right_arithmetic3A_1510 = vector.broadcast %shift_right_arithmetic3A_1509 : i32 to vector<16xi32>
    %shift_right_arithmetic3A_1511 = arith.shrsi %get3A_1500, %shift_right_arithmetic3A_1510 : vector<16xi32>
    %shift_left3A_1512 = arith.constant 13 : i32
    %shift_left3A_1513 = vector.broadcast %shift_left3A_1512 : i32 to vector<16xi32>
    %shift_left3A_1514 = arith.shli %shift_right_arithmetic3A_1511, %shift_left3A_1513 : vector<16xi32>
    %and3A_1515 = arith.constant 7 : i32
    %and3A_1516 = vector.broadcast %and3A_1515 : i32 to vector<16xi32>
    %and3A_1517 = arith.andi %get3A_1500, %and3A_1516 : vector<16xi32>
    %shift_left3A_1518 = arith.constant 7 : i32
    %shift_left3A_1519 = vector.broadcast %shift_left3A_1518 : i32 to vector<16xi32>
    %shift_left3A_1520 = arith.shli %and3A_1517, %shift_left3A_1519 : vector<16xi32>
    %or3A_1521 = arith.ori %shift_left3A_1514, %shift_left3A_1520 : vector<16xi32>
    %or3A_1522 = arith.ori %or3A_1521, %add3A_1508 : vector<16xi32>
    %swap3A_1523 = arith.constant 544 : index
    %swap3A_1524 = tpu.vector_load %arg9[%swap3A_1523] {strides = array<i32>} : memref<2048xi32, #tpu.memory_space<vmem>>, vector<16xi32>,
    %swap3A_1525 = vector.shape_cast %swap3A_1524 : vector<16xi32> to vector<16xi32>
    %swap3A_1526 = vector.shape_cast %or3A_1522 : vector<16xi32> to vector<16xi32>
    tpu.vector_store %arg9[%swap3A_1523], %swap3A_1526 {strides = array<i32>} : memref<2048xi32, #tpu.memory_space<vmem>>, vector<16xi32>,
    %get3A_1527 = arith.constant 560 : index
    %get3A_1528 = tpu.vector_load %arg6[%get3A_1527] {strides = array<i32>} : memref<2048xi32, #tpu.memory_space<vmem>>, vector<16xi32>,
    %get3A_1529 = vector.shape_cast %get3A_1528 : vector<16xi32> to vector<16xi32>
    %add3A_1530 = arith.constant 0 : i32
    %add3A_1531 = arith.addi %mul3A_31, %add3A_1530 : i32
    %mul3A_1532 = arith.constant 1024 : i32
    %mul3A_1533 = arith.muli %add3A_1531, %mul3A_1532 : i32
    %add3A_1534 = arith.constant 48 : i32
    %add3A_1535 = arith.addi %mul3A_1533, %add3A_1534 : i32
    %add3A_1536 = vector.broadcast %add3A_1535 : i32 to vector<16xi32>
    %add3A_1537 = arith.addi %add3A_1536, %iota3A : vector<16xi32>
    %shift_right_arithmetic3A_1538 = arith.constant 3 : i32
    %shift_right_arithmetic3A_1539 = vector.broadcast %shift_right_arithmetic3A_1538 : i32 to vector<16xi32>
    %shift_right_arithmetic3A_1540 = arith.shrsi %get3A_1529, %shift_right_arithmetic3A_1539 : vector<16xi32>
    %shift_left3A_1541 = arith.constant 13 : i32
    %shift_left3A_1542 = vector.broadcast %shift_left3A_1541 : i32 to vector<16xi32>
    %shift_left3A_1543 = arith.shli %shift_right_arithmetic3A_1540, %shift_left3A_1542 : vector<16xi32>
    %and3A_1544 = arith.constant 7 : i32
    %and3A_1545 = vector.broadcast %and3A_1544 : i32 to vector<16xi32>
    %and3A_1546 = arith.andi %get3A_1529, %and3A_1545 : vector<16xi32>
    %shift_left3A_1547 = arith.constant 7 : i32
    %shift_left3A_1548 = vector.broadcast %shift_left3A_1547 : i32 to vector<16xi32>
    %shift_left3A_1549 = arith.shli %and3A_1546, %shift_left3A_1548 : vector<16xi32>
    %or3A_1550 = arith.ori %shift_left3A_1543, %shift_left3A_1549 : vector<16xi32>
    %or3A_1551 = arith.ori %or3A_1550, %add3A_1537 : vector<16xi32>
    %swap3A_1552 = arith.constant 560 : index
    %swap3A_1553 = tpu.vector_load %arg9[%swap3A_1552] {strides = array<i32>} : memref<2048xi32, #tpu.memory_space<vmem>>, vector<16xi32>,
    %swap3A_1554 = vector.shape_cast %swap3A_1553 : vector<16xi32> to vector<16xi32>
    %swap3A_1555 = vector.shape_cast %or3A_1551 : vector<16xi32> to vector<16xi32>
    tpu.vector_store %arg9[%swap3A_1552], %swap3A_1555 {strides = array<i32>} : memref<2048xi32, #tpu.memory_space<vmem>>, vector<16xi32>,
    %get3A_1556 = arith.constant 576 : index
    %get3A_1557 = tpu.vector_load %arg6[%get3A_1556] {strides = array<i32>} : memref<2048xi32, #tpu.memory_space<vmem>>, vector<16xi32>,
    %get3A_1558 = vector.shape_cast %get3A_1557 : vector<16xi32> to vector<16xi32>
    %add3A_1559 = arith.constant 0 : i32
    %add3A_1560 = arith.addi %mul3A_31, %add3A_1559 : i32
    %mul3A_1561 = arith.constant 1024 : i32
    %mul3A_1562 = arith.muli %add3A_1560, %mul3A_1561 : i32
    %add3A_1563 = arith.constant 64 : i32
    %add3A_1564 = arith.addi %mul3A_1562, %add3A_1563 : i32
    %add3A_1565 = vector.broadcast %add3A_1564 : i32 to vector<16xi32>
    %add3A_1566 = arith.addi %add3A_1565, %iota3A : vector<16xi32>
    %shift_right_arithmetic3A_1567 = arith.constant 3 : i32
    %shift_right_arithmetic3A_1568 = vector.broadcast %shift_right_arithmetic3A_1567 : i32 to vector<16xi32>
    %shift_right_arithmetic3A_1569 = arith.shrsi %get3A_1558, %shift_right_arithmetic3A_1568 : vector<16xi32>
    %shift_left3A_1570 = arith.constant 13 : i32
    %shift_left3A_1571 = vector.broadcast %shift_left3A_1570 : i32 to vector<16xi32>
    %shift_left3A_1572 = arith.shli %shift_right_arithmetic3A_1569, %shift_left3A_1571 : vector<16xi32>
    %and3A_1573 = arith.constant 7 : i32
    %and3A_1574 = vector.broadcast %and3A_1573 : i32 to vector<16xi32>
    %and3A_1575 = arith.andi %get3A_1558, %and3A_1574 : vector<16xi32>
    %shift_left3A_1576 = arith.constant 7 : i32
    %shift_left3A_1577 = vector.broadcast %shift_left3A_1576 : i32 to vector<16xi32>
    %shift_left3A_1578 = arith.shli %and3A_1575, %shift_left3A_1577 : vector<16xi32>
    %or3A_1579 = arith.ori %shift_left3A_1572, %shift_left3A_1578 : vector<16xi32>
    %or3A_1580 = arith.ori %or3A_1579, %add3A_1566 : vector<16xi32>
    %swap3A_1581 = arith.constant 576 : index
    %swap3A_1582 = tpu.vector_load %arg9[%swap3A_1581] {strides = array<i32>} : memref<2048xi32, #tpu.memory_space<vmem>>, vector<16xi32>,
    %swap3A_1583 = vector.shape_cast %swap3A_1582 : vector<16xi32> to vector<16xi32>
    %swap3A_1584 = vector.shape_cast %or3A_1580 : vector<16xi32> to vector<16xi32>
    tpu.vector_store %arg9[%swap3A_1581], %swap3A_1584 {strides = array<i32>} : memref<2048xi32, #tpu.memory_space<vmem>>, vector<16xi32>,
    %get3A_1585 = arith.constant 592 : index
    %get3A_1586 = tpu.vector_load %arg6[%get3A_1585] {strides = array<i32>} : memref<2048xi32, #tpu.memory_space<vmem>>, vector<16xi32>,
    %get3A_1587 = vector.shape_cast %get3A_1586 : vector<16xi32> to vector<16xi32>
    %add3A_1588 = arith.constant 0 : i32
    %add3A_1589 = arith.addi %mul3A_31, %add3A_1588 : i32
    %mul3A_1590 = arith.constant 1024 : i32
    %mul3A_1591 = arith.muli %add3A_1589, %mul3A_1590 : i32
    %add3A_1592 = arith.constant 80 : i32
    %add3A_1593 = arith.addi %mul3A_1591, %add3A_1592 : i32
    %add3A_1594 = vector.broadcast %add3A_1593 : i32 to vector<16xi32>
    %add3A_1595 = arith.addi %add3A_1594, %iota3A : vector<16xi32>
    %shift_right_arithmetic3A_1596 = arith.constant 3 : i32
    %shift_right_arithmetic3A_1597 = vector.broadcast %shift_right_arithmetic3A_1596 : i32 to vector<16xi32>
    %shift_right_arithmetic3A_1598 = arith.shrsi %get3A_1587, %shift_right_arithmetic3A_1597 : vector<16xi32>
    %shift_left3A_1599 = arith.constant 13 : i32
    %shift_left3A_1600 = vector.broadcast %shift_left3A_1599 : i32 to vector<16xi32>
    %shift_left3A_1601 = arith.shli %shift_right_arithmetic3A_1598, %shift_left3A_1600 : vector<16xi32>
    %and3A_1602 = arith.constant 7 : i32
    %and3A_1603 = vector.broadcast %and3A_1602 : i32 to vector<16xi32>
    %and3A_1604 = arith.andi %get3A_1587, %and3A_1603 : vector<16xi32>
    %shift_left3A_1605 = arith.constant 7 : i32
    %shift_left3A_1606 = vector.broadcast %shift_left3A_1605 : i32 to vector<16xi32>
    %shift_left3A_1607 = arith.shli %and3A_1604, %shift_left3A_1606 : vector<16xi32>
    %or3A_1608 = arith.ori %shift_left3A_1601, %shift_left3A_1607 : vector<16xi32>
    %or3A_1609 = arith.ori %or3A_1608, %add3A_1595 : vector<16xi32>
    %swap3A_1610 = arith.constant 592 : index
    %swap3A_1611 = tpu.vector_load %arg9[%swap3A_1610] {strides = array<i32>} : memref<2048xi32, #tpu.memory_space<vmem>>, vector<16xi32>,
    %swap3A_1612 = vector.shape_cast %swap3A_1611 : vector<16xi32> to vector<16xi32>
    %swap3A_1613 = vector.shape_cast %or3A_1609 : vector<16xi32> to vector<16xi32>
    tpu.vector_store %arg9[%swap3A_1610], %swap3A_1613 {strides = array<i32>} : memref<2048xi32, #tpu.memory_space<vmem>>, vector<16xi32>,
    %get3A_1614 = arith.constant 608 : index
    %get3A_1615 = tpu.vector_load %arg6[%get3A_1614] {strides = array<i32>} : memref<2048xi32, #tpu.memory_space<vmem>>, vector<16xi32>,
    %get3A_1616 = vector.shape_cast %get3A_1615 : vector<16xi32> to vector<16xi32>
    %add3A_1617 = arith.constant 0 : i32
    %add3A_1618 = arith.addi %mul3A_31, %add3A_1617 : i32
    %mul3A_1619 = arith.constant 1024 : i32
    %mul3A_1620 = arith.muli %add3A_1618, %mul3A_1619 : i32
    %add3A_1621 = arith.constant 96 : i32
    %add3A_1622 = arith.addi %mul3A_1620, %add3A_1621 : i32
    %add3A_1623 = vector.broadcast %add3A_1622 : i32 to vector<16xi32>
    %add3A_1624 = arith.addi %add3A_1623, %iota3A : vector<16xi32>
    %shift_right_arithmetic3A_1625 = arith.constant 3 : i32
    %shift_right_arithmetic3A_1626 = vector.broadcast %shift_right_arithmetic3A_1625 : i32 to vector<16xi32>
    %shift_right_arithmetic3A_1627 = arith.shrsi %get3A_1616, %shift_right_arithmetic3A_1626 : vector<16xi32>
    %shift_left3A_1628 = arith.constant 13 : i32
    %shift_left3A_1629 = vector.broadcast %shift_left3A_1628 : i32 to vector<16xi32>
    %shift_left3A_1630 = arith.shli %shift_right_arithmetic3A_1627, %shift_left3A_1629 : vector<16xi32>
    %and3A_1631 = arith.constant 7 : i32
    %and3A_1632 = vector.broadcast %and3A_1631 : i32 to vector<16xi32>
    %and3A_1633 = arith.andi %get3A_1616, %and3A_1632 : vector<16xi32>
    %shift_left3A_1634 = arith.constant 7 : i32
    %shift_left3A_1635 = vector.broadcast %shift_left3A_1634 : i32 to vector<16xi32>
    %shift_left3A_1636 = arith.shli %and3A_1633, %shift_left3A_1635 : vector<16xi32>
    %or3A_1637 = arith.ori %shift_left3A_1630, %shift_left3A_1636 : vector<16xi32>
    %or3A_1638 = arith.ori %or3A_1637, %add3A_1624 : vector<16xi32>
    %swap3A_1639 = arith.constant 608 : index
    %swap3A_1640 = tpu.vector_load %arg9[%swap3A_1639] {strides = array<i32>} : memref<2048xi32, #tpu.memory_space<vmem>>, vector<16xi32>,
    %swap3A_1641 = vector.shape_cast %swap3A_1640 : vector<16xi32> to vector<16xi32>
    %swap3A_1642 = vector.shape_cast %or3A_1638 : vector<16xi32> to vector<16xi32>
    tpu.vector_store %arg9[%swap3A_1639], %swap3A_1642 {strides = array<i32>} : memref<2048xi32, #tpu.memory_space<vmem>>, vector<16xi32>,
    %get3A_1643 = arith.constant 624 : index
    %get3A_1644 = tpu.vector_load %arg6[%get3A_1643] {strides = array<i32>} : memref<2048xi32, #tpu.memory_space<vmem>>, vector<16xi32>,
    %get3A_1645 = vector.shape_cast %get3A_1644 : vector<16xi32> to vector<16xi32>
    %add3A_1646 = arith.constant 0 : i32
    %add3A_1647 = arith.addi %mul3A_31, %add3A_1646 : i32
    %mul3A_1648 = arith.constant 1024 : i32
    %mul3A_1649 = arith.muli %add3A_1647, %mul3A_1648 : i32
    %add3A_1650 = arith.constant 112 : i32
    %add3A_1651 = arith.addi %mul3A_1649, %add3A_1650 : i32
    %add3A_1652 = vector.broadcast %add3A_1651 : i32 to vector<16xi32>
    %add3A_1653 = arith.addi %add3A_1652, %iota3A : vector<16xi32>
    %shift_right_arithmetic3A_1654 = arith.constant 3 : i32
    %shift_right_arithmetic3A_1655 = vector.broadcast %shift_right_arithmetic3A_1654 : i32 to vector<16xi32>
    %shift_right_arithmetic3A_1656 = arith.shrsi %get3A_1645, %shift_right_arithmetic3A_1655 : vector<16xi32>
    %shift_left3A_1657 = arith.constant 13 : i32
    %shift_left3A_1658 = vector.broadcast %shift_left3A_1657 : i32 to vector<16xi32>
    %shift_left3A_1659 = arith.shli %shift_right_arithmetic3A_1656, %shift_left3A_1658 : vector<16xi32>
    %and3A_1660 = arith.constant 7 : i32
    %and3A_1661 = vector.broadcast %and3A_1660 : i32 to vector<16xi32>
    %and3A_1662 = arith.andi %get3A_1645, %and3A_1661 : vector<16xi32>
    %shift_left3A_1663 = arith.constant 7 : i32
    %shift_left3A_1664 = vector.broadcast %shift_left3A_1663 : i32 to vector<16xi32>
    %shift_left3A_1665 = arith.shli %and3A_1662, %shift_left3A_1664 : vector<16xi32>
    %or3A_1666 = arith.ori %shift_left3A_1659, %shift_left3A_1665 : vector<16xi32>
    %or3A_1667 = arith.ori %or3A_1666, %add3A_1653 : vector<16xi32>
    %swap3A_1668 = arith.constant 624 : index
    %swap3A_1669 = tpu.vector_load %arg9[%swap3A_1668] {strides = array<i32>} : memref<2048xi32, #tpu.memory_space<vmem>>, vector<16xi32>,
    %swap3A_1670 = vector.shape_cast %swap3A_1669 : vector<16xi32> to vector<16xi32>
    %swap3A_1671 = vector.shape_cast %or3A_1667 : vector<16xi32> to vector<16xi32>
    tpu.vector_store %arg9[%swap3A_1668], %swap3A_1671 {strides = array<i32>} : memref<2048xi32, #tpu.memory_space<vmem>>, vector<16xi32>,
    %get3A_1672 = arith.constant 640 : index
    %get3A_1673 = tpu.vector_load %arg6[%get3A_1672] {strides = array<i32>} : memref<2048xi32, #tpu.memory_space<vmem>>, vector<16xi32>,
    %get3A_1674 = vector.shape_cast %get3A_1673 : vector<16xi32> to vector<16xi32>
    %add3A_1675 = arith.constant 0 : i32
    %add3A_1676 = arith.addi %mul3A_31, %add3A_1675 : i32
    %mul3A_1677 = arith.constant 1024 : i32
    %mul3A_1678 = arith.muli %add3A_1676, %mul3A_1677 : i32
    %add3A_1679 = arith.constant 0 : i32
    %add3A_1680 = arith.addi %mul3A_1678, %add3A_1679 : i32
    %add3A_1681 = vector.broadcast %add3A_1680 : i32 to vector<16xi32>
    %add3A_1682 = arith.addi %add3A_1681, %iota3A : vector<16xi32>
    %shift_right_arithmetic3A_1683 = arith.constant 3 : i32
    %shift_right_arithmetic3A_1684 = vector.broadcast %shift_right_arithmetic3A_1683 : i32 to vector<16xi32>
    %shift_right_arithmetic3A_1685 = arith.shrsi %get3A_1674, %shift_right_arithmetic3A_1684 : vector<16xi32>
    %shift_left3A_1686 = arith.constant 13 : i32
    %shift_left3A_1687 = vector.broadcast %shift_left3A_1686 : i32 to vector<16xi32>
    %shift_left3A_1688 = arith.shli %shift_right_arithmetic3A_1685, %shift_left3A_1687 : vector<16xi32>
    %and3A_1689 = arith.constant 7 : i32
    %and3A_1690 = vector.broadcast %and3A_1689 : i32 to vector<16xi32>
    %and3A_1691 = arith.andi %get3A_1674, %and3A_1690 : vector<16xi32>
    %shift_left3A_1692 = arith.constant 7 : i32
    %shift_left3A_1693 = vector.broadcast %shift_left3A_1692 : i32 to vector<16xi32>
    %shift_left3A_1694 = arith.shli %and3A_1691, %shift_left3A_1693 : vector<16xi32>
    %or3A_1695 = arith.ori %shift_left3A_1688, %shift_left3A_1694 : vector<16xi32>
    %or3A_1696 = arith.ori %or3A_1695, %add3A_1682 : vector<16xi32>
    %swap3A_1697 = arith.constant 640 : index
    %swap3A_1698 = tpu.vector_load %arg9[%swap3A_1697] {strides = array<i32>} : memref<2048xi32, #tpu.memory_space<vmem>>, vector<16xi32>,
    %swap3A_1699 = vector.shape_cast %swap3A_1698 : vector<16xi32> to vector<16xi32>
    %swap3A_1700 = vector.shape_cast %or3A_1696 : vector<16xi32> to vector<16xi32>
    tpu.vector_store %arg9[%swap3A_1697], %swap3A_1700 {strides = array<i32>} : memref<2048xi32, #tpu.memory_space<vmem>>, vector<16xi32>,
    %get3A_1701 = arith.constant 656 : index
    %get3A_1702 = tpu.vector_load %arg6[%get3A_1701] {strides = array<i32>} : memref<2048xi32, #tpu.memory_space<vmem>>, vector<16xi32>,
    %get3A_1703 = vector.shape_cast %get3A_1702 : vector<16xi32> to vector<16xi32>
    %add3A_1704 = arith.constant 0 : i32
    %add3A_1705 = arith.addi %mul3A_31, %add3A_1704 : i32
    %mul3A_1706 = arith.constant 1024 : i32
    %mul3A_1707 = arith.muli %add3A_1705, %mul3A_1706 : i32
    %add3A_1708 = arith.constant 16 : i32
    %add3A_1709 = arith.addi %mul3A_1707, %add3A_1708 : i32
    %add3A_1710 = vector.broadcast %add3A_1709 : i32 to vector<16xi32>
    %add3A_1711 = arith.addi %add3A_1710, %iota3A : vector<16xi32>
    %shift_right_arithmetic3A_1712 = arith.constant 3 : i32
    %shift_right_arithmetic3A_1713 = vector.broadcast %shift_right_arithmetic3A_1712 : i32 to vector<16xi32>
    %shift_right_arithmetic3A_1714 = arith.shrsi %get3A_1703, %shift_right_arithmetic3A_1713 : vector<16xi32>
    %shift_left3A_1715 = arith.constant 13 : i32
    %shift_left3A_1716 = vector.broadcast %shift_left3A_1715 : i32 to vector<16xi32>
    %shift_left3A_1717 = arith.shli %shift_right_arithmetic3A_1714, %shift_left3A_1716 : vector<16xi32>
    %and3A_1718 = arith.constant 7 : i32
    %and3A_1719 = vector.broadcast %and3A_1718 : i32 to vector<16xi32>
    %and3A_1720 = arith.andi %get3A_1703, %and3A_1719 : vector<16xi32>
    %shift_left3A_1721 = arith.constant 7 : i32
    %shift_left3A_1722 = vector.broadcast %shift_left3A_1721 : i32 to vector<16xi32>
    %shift_left3A_1723 = arith.shli %and3A_1720, %shift_left3A_1722 : vector<16xi32>
    %or3A_1724 = arith.ori %shift_left3A_1717, %shift_left3A_1723 : vector<16xi32>
    %or3A_1725 = arith.ori %or3A_1724, %add3A_1711 : vector<16xi32>
    %swap3A_1726 = arith.constant 656 : index
    %swap3A_1727 = tpu.vector_load %arg9[%swap3A_1726] {strides = array<i32>} : memref<2048xi32, #tpu.memory_space<vmem>>, vector<16xi32>,
    %swap3A_1728 = vector.shape_cast %swap3A_1727 : vector<16xi32> to vector<16xi32>
    %swap3A_1729 = vector.shape_cast %or3A_1725 : vector<16xi32> to vector<16xi32>
    tpu.vector_store %arg9[%swap3A_1726], %swap3A_1729 {strides = array<i32>} : memref<2048xi32, #tpu.memory_space<vmem>>, vector<16xi32>,
    %get3A_1730 = arith.constant 672 : index
    %get3A_1731 = tpu.vector_load %arg6[%get3A_1730] {strides = array<i32>} : memref<2048xi32, #tpu.memory_space<vmem>>, vector<16xi32>,
    %get3A_1732 = vector.shape_cast %get3A_1731 : vector<16xi32> to vector<16xi32>
    %add3A_1733 = arith.constant 0 : i32
    %add3A_1734 = arith.addi %mul3A_31, %add3A_1733 : i32
    %mul3A_1735 = arith.constant 1024 : i32
    %mul3A_1736 = arith.muli %add3A_1734, %mul3A_1735 : i32
    %add3A_1737 = arith.constant 32 : i32
    %add3A_1738 = arith.addi %mul3A_1736, %add3A_1737 : i32
    %add3A_1739 = vector.broadcast %add3A_1738 : i32 to vector<16xi32>
    %add3A_1740 = arith.addi %add3A_1739, %iota3A : vector<16xi32>
    %shift_right_arithmetic3A_1741 = arith.constant 3 : i32
    %shift_right_arithmetic3A_1742 = vector.broadcast %shift_right_arithmetic3A_1741 : i32 to vector<16xi32>
    %shift_right_arithmetic3A_1743 = arith.shrsi %get3A_1732, %shift_right_arithmetic3A_1742 : vector<16xi32>
    %shift_left3A_1744 = arith.constant 13 : i32
    %shift_left3A_1745 = vector.broadcast %shift_left3A_1744 : i32 to vector<16xi32>
    %shift_left3A_1746 = arith.shli %shift_right_arithmetic3A_1743, %shift_left3A_1745 : vector<16xi32>
    %and3A_1747 = arith.constant 7 : i32
    %and3A_1748 = vector.broadcast %and3A_1747 : i32 to vector<16xi32>
    %and3A_1749 = arith.andi %get3A_1732, %and3A_1748 : vector<16xi32>
    %shift_left3A_1750 = arith.constant 7 : i32
    %shift_left3A_1751 = vector.broadcast %shift_left3A_1750 : i32 to vector<16xi32>
    %shift_left3A_1752 = arith.shli %and3A_1749, %shift_left3A_1751 : vector<16xi32>
    %or3A_1753 = arith.ori %shift_left3A_1746, %shift_left3A_1752 : vector<16xi32>
    %or3A_1754 = arith.ori %or3A_1753, %add3A_1740 : vector<16xi32>
    %swap3A_1755 = arith.constant 672 : index
    %swap3A_1756 = tpu.vector_load %arg9[%swap3A_1755] {strides = array<i32>} : memref<2048xi32, #tpu.memory_space<vmem>>, vector<16xi32>,
    %swap3A_1757 = vector.shape_cast %swap3A_1756 : vector<16xi32> to vector<16xi32>
    %swap3A_1758 = vector.shape_cast %or3A_1754 : vector<16xi32> to vector<16xi32>
    tpu.vector_store %arg9[%swap3A_1755], %swap3A_1758 {strides = array<i32>} : memref<2048xi32, #tpu.memory_space<vmem>>, vector<16xi32>,
    %get3A_1759 = arith.constant 688 : index
    %get3A_1760 = tpu.vector_load %arg6[%get3A_1759] {strides = array<i32>} : memref<2048xi32, #tpu.memory_space<vmem>>, vector<16xi32>,
    %get3A_1761 = vector.shape_cast %get3A_1760 : vector<16xi32> to vector<16xi32>
    %add3A_1762 = arith.constant 0 : i32
    %add3A_1763 = arith.addi %mul3A_31, %add3A_1762 : i32
    %mul3A_1764 = arith.constant 1024 : i32
    %mul3A_1765 = arith.muli %add3A_1763, %mul3A_1764 : i32
    %add3A_1766 = arith.constant 48 : i32
    %add3A_1767 = arith.addi %mul3A_1765, %add3A_1766 : i32
    %add3A_1768 = vector.broadcast %add3A_1767 : i32 to vector<16xi32>
    %add3A_1769 = arith.addi %add3A_1768, %iota3A : vector<16xi32>
    %shift_right_arithmetic3A_1770 = arith.constant 3 : i32
    %shift_right_arithmetic3A_1771 = vector.broadcast %shift_right_arithmetic3A_1770 : i32 to vector<16xi32>
    %shift_right_arithmetic3A_1772 = arith.shrsi %get3A_1761, %shift_right_arithmetic3A_1771 : vector<16xi32>
    %shift_left3A_1773 = arith.constant 13 : i32
    %shift_left3A_1774 = vector.broadcast %shift_left3A_1773 : i32 to vector<16xi32>
    %shift_left3A_1775 = arith.shli %shift_right_arithmetic3A_1772, %shift_left3A_1774 : vector<16xi32>
    %and3A_1776 = arith.constant 7 : i32
    %and3A_1777 = vector.broadcast %and3A_1776 : i32 to vector<16xi32>
    %and3A_1778 = arith.andi %get3A_1761, %and3A_1777 : vector<16xi32>
    %shift_left3A_1779 = arith.constant 7 : i32
    %shift_left3A_1780 = vector.broadcast %shift_left3A_1779 : i32 to vector<16xi32>
    %shift_left3A_1781 = arith.shli %and3A_1778, %shift_left3A_1780 : vector<16xi32>
    %or3A_1782 = arith.ori %shift_left3A_1775, %shift_left3A_1781 : vector<16xi32>
    %or3A_1783 = arith.ori %or3A_1782, %add3A_1769 : vector<16xi32>
    %swap3A_1784 = arith.constant 688 : index
    %swap3A_1785 = tpu.vector_load %arg9[%swap3A_1784] {strides = array<i32>} : memref<2048xi32, #tpu.memory_space<vmem>>, vector<16xi32>,
    %swap3A_1786 = vector.shape_cast %swap3A_1785 : vector<16xi32> to vector<16xi32>
    %swap3A_1787 = vector.shape_cast %or3A_1783 : vector<16xi32> to vector<16xi32>
    tpu.vector_store %arg9[%swap3A_1784], %swap3A_1787 {strides = array<i32>} : memref<2048xi32, #tpu.memory_space<vmem>>, vector<16xi32>,
    %get3A_1788 = arith.constant 704 : index
    %get3A_1789 = tpu.vector_load %arg6[%get3A_1788] {strides = array<i32>} : memref<2048xi32, #tpu.memory_space<vmem>>, vector<16xi32>,
    %get3A_1790 = vector.shape_cast %get3A_1789 : vector<16xi32> to vector<16xi32>
    %add3A_1791 = arith.constant 0 : i32
    %add3A_1792 = arith.addi %mul3A_31, %add3A_1791 : i32
    %mul3A_1793 = arith.constant 1024 : i32
    %mul3A_1794 = arith.muli %add3A_1792, %mul3A_1793 : i32
    %add3A_1795 = arith.constant 64 : i32
    %add3A_1796 = arith.addi %mul3A_1794, %add3A_1795 : i32
    %add3A_1797 = vector.broadcast %add3A_1796 : i32 to vector<16xi32>
    %add3A_1798 = arith.addi %add3A_1797, %iota3A : vector<16xi32>
    %shift_right_arithmetic3A_1799 = arith.constant 3 : i32
    %shift_right_arithmetic3A_1800 = vector.broadcast %shift_right_arithmetic3A_1799 : i32 to vector<16xi32>
    %shift_right_arithmetic3A_1801 = arith.shrsi %get3A_1790, %shift_right_arithmetic3A_1800 : vector<16xi32>
    %shift_left3A_1802 = arith.constant 13 : i32
    %shift_left3A_1803 = vector.broadcast %shift_left3A_1802 : i32 to vector<16xi32>
    %shift_left3A_1804 = arith.shli %shift_right_arithmetic3A_1801, %shift_left3A_1803 : vector<16xi32>
    %and3A_1805 = arith.constant 7 : i32
    %and3A_1806 = vector.broadcast %and3A_1805 : i32 to vector<16xi32>
    %and3A_1807 = arith.andi %get3A_1790, %and3A_1806 : vector<16xi32>
    %shift_left3A_1808 = arith.constant 7 : i32
    %shift_left3A_1809 = vector.broadcast %shift_left3A_1808 : i32 to vector<16xi32>
    %shift_left3A_1810 = arith.shli %and3A_1807, %shift_left3A_1809 : vector<16xi32>
    %or3A_1811 = arith.ori %shift_left3A_1804, %shift_left3A_1810 : vector<16xi32>
    %or3A_1812 = arith.ori %or3A_1811, %add3A_1798 : vector<16xi32>
    %swap3A_1813 = arith.constant 704 : index
    %swap3A_1814 = tpu.vector_load %arg9[%swap3A_1813] {strides = array<i32>} : memref<2048xi32, #tpu.memory_space<vmem>>, vector<16xi32>,
    %swap3A_1815 = vector.shape_cast %swap3A_1814 : vector<16xi32> to vector<16xi32>
    %swap3A_1816 = vector.shape_cast %or3A_1812 : vector<16xi32> to vector<16xi32>
    tpu.vector_store %arg9[%swap3A_1813], %swap3A_1816 {strides = array<i32>} : memref<2048xi32, #tpu.memory_space<vmem>>, vector<16xi32>,
    %get3A_1817 = arith.constant 720 : index
    %get3A_1818 = tpu.vector_load %arg6[%get3A_1817] {strides = array<i32>} : memref<2048xi32, #tpu.memory_space<vmem>>, vector<16xi32>,
    %get3A_1819 = vector.shape_cast %get3A_1818 : vector<16xi32> to vector<16xi32>
    %add3A_1820 = arith.constant 0 : i32
    %add3A_1821 = arith.addi %mul3A_31, %add3A_1820 : i32
    %mul3A_1822 = arith.constant 1024 : i32
    %mul3A_1823 = arith.muli %add3A_1821, %mul3A_1822 : i32
    %add3A_1824 = arith.constant 80 : i32
    %add3A_1825 = arith.addi %mul3A_1823, %add3A_1824 : i32
    %add3A_1826 = vector.broadcast %add3A_1825 : i32 to vector<16xi32>
    %add3A_1827 = arith.addi %add3A_1826, %iota3A : vector<16xi32>
    %shift_right_arithmetic3A_1828 = arith.constant 3 : i32
    %shift_right_arithmetic3A_1829 = vector.broadcast %shift_right_arithmetic3A_1828 : i32 to vector<16xi32>
    %shift_right_arithmetic3A_1830 = arith.shrsi %get3A_1819, %shift_right_arithmetic3A_1829 : vector<16xi32>
    %shift_left3A_1831 = arith.constant 13 : i32
    %shift_left3A_1832 = vector.broadcast %shift_left3A_1831 : i32 to vector<16xi32>
    %shift_left3A_1833 = arith.shli %shift_right_arithmetic3A_1830, %shift_left3A_1832 : vector<16xi32>
    %and3A_1834 = arith.constant 7 : i32
    %and3A_1835 = vector.broadcast %and3A_1834 : i32 to vector<16xi32>
    %and3A_1836 = arith.andi %get3A_1819, %and3A_1835 : vector<16xi32>
    %shift_left3A_1837 = arith.constant 7 : i32
    %shift_left3A_1838 = vector.broadcast %shift_left3A_1837 : i32 to vector<16xi32>
    %shift_left3A_1839 = arith.shli %and3A_1836, %shift_left3A_1838 : vector<16xi32>
    %or3A_1840 = arith.ori %shift_left3A_1833, %shift_left3A_1839 : vector<16xi32>
    %or3A_1841 = arith.ori %or3A_1840, %add3A_1827 : vector<16xi32>
    %swap3A_1842 = arith.constant 720 : index
    %swap3A_1843 = tpu.vector_load %arg9[%swap3A_1842] {strides = array<i32>} : memref<2048xi32, #tpu.memory_space<vmem>>, vector<16xi32>,
    %swap3A_1844 = vector.shape_cast %swap3A_1843 : vector<16xi32> to vector<16xi32>
    %swap3A_1845 = vector.shape_cast %or3A_1841 : vector<16xi32> to vector<16xi32>
    tpu.vector_store %arg9[%swap3A_1842], %swap3A_1845 {strides = array<i32>} : memref<2048xi32, #tpu.memory_space<vmem>>, vector<16xi32>,
    %get3A_1846 = arith.constant 736 : index
    %get3A_1847 = tpu.vector_load %arg6[%get3A_1846] {strides = array<i32>} : memref<2048xi32, #tpu.memory_space<vmem>>, vector<16xi32>,
    %get3A_1848 = vector.shape_cast %get3A_1847 : vector<16xi32> to vector<16xi32>
    %add3A_1849 = arith.constant 0 : i32
    %add3A_1850 = arith.addi %mul3A_31, %add3A_1849 : i32
    %mul3A_1851 = arith.constant 1024 : i32
    %mul3A_1852 = arith.muli %add3A_1850, %mul3A_1851 : i32
    %add3A_1853 = arith.constant 96 : i32
    %add3A_1854 = arith.addi %mul3A_1852, %add3A_1853 : i32
    %add3A_1855 = vector.broadcast %add3A_1854 : i32 to vector<16xi32>
    %add3A_1856 = arith.addi %add3A_1855, %iota3A : vector<16xi32>
    %shift_right_arithmetic3A_1857 = arith.constant 3 : i32
    %shift_right_arithmetic3A_1858 = vector.broadcast %shift_right_arithmetic3A_1857 : i32 to vector<16xi32>
    %shift_right_arithmetic3A_1859 = arith.shrsi %get3A_1848, %shift_right_arithmetic3A_1858 : vector<16xi32>
    %shift_left3A_1860 = arith.constant 13 : i32
    %shift_left3A_1861 = vector.broadcast %shift_left3A_1860 : i32 to vector<16xi32>
    %shift_left3A_1862 = arith.shli %shift_right_arithmetic3A_1859, %shift_left3A_1861 : vector<16xi32>
    %and3A_1863 = arith.constant 7 : i32
    %and3A_1864 = vector.broadcast %and3A_1863 : i32 to vector<16xi32>
    %and3A_1865 = arith.andi %get3A_1848, %and3A_1864 : vector<16xi32>
    %shift_left3A_1866 = arith.constant 7 : i32
    %shift_left3A_1867 = vector.broadcast %shift_left3A_1866 : i32 to vector<16xi32>
    %shift_left3A_1868 = arith.shli %and3A_1865, %shift_left3A_1867 : vector<16xi32>
    %or3A_1869 = arith.ori %shift_left3A_1862, %shift_left3A_1868 : vector<16xi32>
    %or3A_1870 = arith.ori %or3A_1869, %add3A_1856 : vector<16xi32>
    %swap3A_1871 = arith.constant 736 : index
    %swap3A_1872 = tpu.vector_load %arg9[%swap3A_1871] {strides = array<i32>} : memref<2048xi32, #tpu.memory_space<vmem>>, vector<16xi32>,
    %swap3A_1873 = vector.shape_cast %swap3A_1872 : vector<16xi32> to vector<16xi32>
    %swap3A_1874 = vector.shape_cast %or3A_1870 : vector<16xi32> to vector<16xi32>
    tpu.vector_store %arg9[%swap3A_1871], %swap3A_1874 {strides = array<i32>} : memref<2048xi32, #tpu.memory_space<vmem>>, vector<16xi32>,
    %get3A_1875 = arith.constant 752 : index
    %get3A_1876 = tpu.vector_load %arg6[%get3A_1875] {strides = array<i32>} : memref<2048xi32, #tpu.memory_space<vmem>>, vector<16xi32>,
    %get3A_1877 = vector.shape_cast %get3A_1876 : vector<16xi32> to vector<16xi32>
    %add3A_1878 = arith.constant 0 : i32
    %add3A_1879 = arith.addi %mul3A_31, %add3A_1878 : i32
    %mul3A_1880 = arith.constant 1024 : i32
    %mul3A_1881 = arith.muli %add3A_1879, %mul3A_1880 : i32
    %add3A_1882 = arith.constant 112 : i32
    %add3A_1883 = arith.addi %mul3A_1881, %add3A_1882 : i32
    %add3A_1884 = vector.broadcast %add3A_1883 : i32 to vector<16xi32>
    %add3A_1885 = arith.addi %add3A_1884, %iota3A : vector<16xi32>
    %shift_right_arithmetic3A_1886 = arith.constant 3 : i32
    %shift_right_arithmetic3A_1887 = vector.broadcast %shift_right_arithmetic3A_1886 : i32 to vector<16xi32>
    %shift_right_arithmetic3A_1888 = arith.shrsi %get3A_1877, %shift_right_arithmetic3A_1887 : vector<16xi32>
    %shift_left3A_1889 = arith.constant 13 : i32
    %shift_left3A_1890 = vector.broadcast %shift_left3A_1889 : i32 to vector<16xi32>
    %shift_left3A_1891 = arith.shli %shift_right_arithmetic3A_1888, %shift_left3A_1890 : vector<16xi32>
    %and3A_1892 = arith.constant 7 : i32
    %and3A_1893 = vector.broadcast %and3A_1892 : i32 to vector<16xi32>
    %and3A_1894 = arith.andi %get3A_1877, %and3A_1893 : vector<16xi32>
    %shift_left3A_1895 = arith.constant 7 : i32
    %shift_left3A_1896 = vector.broadcast %shift_left3A_1895 : i32 to vector<16xi32>
    %shift_left3A_1897 = arith.shli %and3A_1894, %shift_left3A_1896 : vector<16xi32>
    %or3A_1898 = arith.ori %shift_left3A_1891, %shift_left3A_1897 : vector<16xi32>
    %or3A_1899 = arith.ori %or3A_1898, %add3A_1885 : vector<16xi32>
    %swap3A_1900 = arith.constant 752 : index
    %swap3A_1901 = tpu.vector_load %arg9[%swap3A_1900] {strides = array<i32>} : memref<2048xi32, #tpu.memory_space<vmem>>, vector<16xi32>,
    %swap3A_1902 = vector.shape_cast %swap3A_1901 : vector<16xi32> to vector<16xi32>
    %swap3A_1903 = vector.shape_cast %or3A_1899 : vector<16xi32> to vector<16xi32>
    tpu.vector_store %arg9[%swap3A_1900], %swap3A_1903 {strides = array<i32>} : memref<2048xi32, #tpu.memory_space<vmem>>, vector<16xi32>,
    %get3A_1904 = arith.constant 768 : index
    %get3A_1905 = tpu.vector_load %arg6[%get3A_1904] {strides = array<i32>} : memref<2048xi32, #tpu.memory_space<vmem>>, vector<16xi32>,
    %get3A_1906 = vector.shape_cast %get3A_1905 : vector<16xi32> to vector<16xi32>
    %add3A_1907 = arith.constant 0 : i32
    %add3A_1908 = arith.addi %mul3A_31, %add3A_1907 : i32
    %mul3A_1909 = arith.constant 1024 : i32
    %mul3A_1910 = arith.muli %add3A_1908, %mul3A_1909 : i32
    %add3A_1911 = arith.constant 0 : i32
    %add3A_1912 = arith.addi %mul3A_1910, %add3A_1911 : i32
    %add3A_1913 = vector.broadcast %add3A_1912 : i32 to vector<16xi32>
    %add3A_1914 = arith.addi %add3A_1913, %iota3A : vector<16xi32>
    %shift_right_arithmetic3A_1915 = arith.constant 3 : i32
    %shift_right_arithmetic3A_1916 = vector.broadcast %shift_right_arithmetic3A_1915 : i32 to vector<16xi32>
    %shift_right_arithmetic3A_1917 = arith.shrsi %get3A_1906, %shift_right_arithmetic3A_1916 : vector<16xi32>
    %shift_left3A_1918 = arith.constant 13 : i32
    %shift_left3A_1919 = vector.broadcast %shift_left3A_1918 : i32 to vector<16xi32>
    %shift_left3A_1920 = arith.shli %shift_right_arithmetic3A_1917, %shift_left3A_1919 : vector<16xi32>
    %and3A_1921 = arith.constant 7 : i32
    %and3A_1922 = vector.broadcast %and3A_1921 : i32 to vector<16xi32>
    %and3A_1923 = arith.andi %get3A_1906, %and3A_1922 : vector<16xi32>
    %shift_left3A_1924 = arith.constant 7 : i32
    %shift_left3A_1925 = vector.broadcast %shift_left3A_1924 : i32 to vector<16xi32>
    %shift_left3A_1926 = arith.shli %and3A_1923, %shift_left3A_1925 : vector<16xi32>
    %or3A_1927 = arith.ori %shift_left3A_1920, %shift_left3A_1926 : vector<16xi32>
    %or3A_1928 = arith.ori %or3A_1927, %add3A_1914 : vector<16xi32>
    %swap3A_1929 = arith.constant 768 : index
    %swap3A_1930 = tpu.vector_load %arg9[%swap3A_1929] {strides = array<i32>} : memref<2048xi32, #tpu.memory_space<vmem>>, vector<16xi32>,
    %swap3A_1931 = vector.shape_cast %swap3A_1930 : vector<16xi32> to vector<16xi32>
    %swap3A_1932 = vector.shape_cast %or3A_1928 : vector<16xi32> to vector<16xi32>
    tpu.vector_store %arg9[%swap3A_1929], %swap3A_1932 {strides = array<i32>} : memref<2048xi32, #tpu.memory_space<vmem>>, vector<16xi32>,
    %get3A_1933 = arith.constant 784 : index
    %get3A_1934 = tpu.vector_load %arg6[%get3A_1933] {strides = array<i32>} : memref<2048xi32, #tpu.memory_space<vmem>>, vector<16xi32>,
    %get3A_1935 = vector.shape_cast %get3A_1934 : vector<16xi32> to vector<16xi32>
    %add3A_1936 = arith.constant 0 : i32
    %add3A_1937 = arith.addi %mul3A_31, %add3A_1936 : i32
    %mul3A_1938 = arith.constant 1024 : i32
    %mul3A_1939 = arith.muli %add3A_1937, %mul3A_1938 : i32
    %add3A_1940 = arith.constant 16 : i32
    %add3A_1941 = arith.addi %mul3A_1939, %add3A_1940 : i32
    %add3A_1942 = vector.broadcast %add3A_1941 : i32 to vector<16xi32>
    %add3A_1943 = arith.addi %add3A_1942, %iota3A : vector<16xi32>
    %shift_right_arithmetic3A_1944 = arith.constant 3 : i32
    %shift_right_arithmetic3A_1945 = vector.broadcast %shift_right_arithmetic3A_1944 : i32 to vector<16xi32>
    %shift_right_arithmetic3A_1946 = arith.shrsi %get3A_1935, %shift_right_arithmetic3A_1945 : vector<16xi32>
    %shift_left3A_1947 = arith.constant 13 : i32
    %shift_left3A_1948 = vector.broadcast %shift_left3A_1947 : i32 to vector<16xi32>
    %shift_left3A_1949 = arith.shli %shift_right_arithmetic3A_1946, %shift_left3A_1948 : vector<16xi32>
    %and3A_1950 = arith.constant 7 : i32
    %and3A_1951 = vector.broadcast %and3A_1950 : i32 to vector<16xi32>
    %and3A_1952 = arith.andi %get3A_1935, %and3A_1951 : vector<16xi32>
    %shift_left3A_1953 = arith.constant 7 : i32
    %shift_left3A_1954 = vector.broadcast %shift_left3A_1953 : i32 to vector<16xi32>
    %shift_left3A_1955 = arith.shli %and3A_1952, %shift_left3A_1954 : vector<16xi32>
    %or3A_1956 = arith.ori %shift_left3A_1949, %shift_left3A_1955 : vector<16xi32>
    %or3A_1957 = arith.ori %or3A_1956, %add3A_1943 : vector<16xi32>
    %swap3A_1958 = arith.constant 784 : index
    %swap3A_1959 = tpu.vector_load %arg9[%swap3A_1958] {strides = array<i32>} : memref<2048xi32, #tpu.memory_space<vmem>>, vector<16xi32>,
    %swap3A_1960 = vector.shape_cast %swap3A_1959 : vector<16xi32> to vector<16xi32>
    %swap3A_1961 = vector.shape_cast %or3A_1957 : vector<16xi32> to vector<16xi32>
    tpu.vector_store %arg9[%swap3A_1958], %swap3A_1961 {strides = array<i32>} : memref<2048xi32, #tpu.memory_space<vmem>>, vector<16xi32>,
    %get3A_1962 = arith.constant 800 : index
    %get3A_1963 = tpu.vector_load %arg6[%get3A_1962] {strides = array<i32>} : memref<2048xi32, #tpu.memory_space<vmem>>, vector<16xi32>,
    %get3A_1964 = vector.shape_cast %get3A_1963 : vector<16xi32> to vector<16xi32>
    %add3A_1965 = arith.constant 0 : i32
    %add3A_1966 = arith.addi %mul3A_31, %add3A_1965 : i32
    %mul3A_1967 = arith.constant 1024 : i32
    %mul3A_1968 = arith.muli %add3A_1966, %mul3A_1967 : i32
    %add3A_1969 = arith.constant 32 : i32
    %add3A_1970 = arith.addi %mul3A_1968, %add3A_1969 : i32
    %add3A_1971 = vector.broadcast %add3A_1970 : i32 to vector<16xi32>
    %add3A_1972 = arith.addi %add3A_1971, %iota3A : vector<16xi32>
    %shift_right_arithmetic3A_1973 = arith.constant 3 : i32
    %shift_right_arithmetic3A_1974 = vector.broadcast %shift_right_arithmetic3A_1973 : i32 to vector<16xi32>
    %shift_right_arithmetic3A_1975 = arith.shrsi %get3A_1964, %shift_right_arithmetic3A_1974 : vector<16xi32>
    %shift_left3A_1976 = arith.constant 13 : i32
    %shift_left3A_1977 = vector.broadcast %shift_left3A_1976 : i32 to vector<16xi32>
    %shift_left3A_1978 = arith.shli %shift_right_arithmetic3A_1975, %shift_left3A_1977 : vector<16xi32>
    %and3A_1979 = arith.constant 7 : i32
    %and3A_1980 = vector.broadcast %and3A_1979 : i32 to vector<16xi32>
    %and3A_1981 = arith.andi %get3A_1964, %and3A_1980 : vector<16xi32>
    %shift_left3A_1982 = arith.constant 7 : i32
    %shift_left3A_1983 = vector.broadcast %shift_left3A_1982 : i32 to vector<16xi32>
    %shift_left3A_1984 = arith.shli %and3A_1981, %shift_left3A_1983 : vector<16xi32>
    %or3A_1985 = arith.ori %shift_left3A_1978, %shift_left3A_1984 : vector<16xi32>
    %or3A_1986 = arith.ori %or3A_1985, %add3A_1972 : vector<16xi32>
    %swap3A_1987 = arith.constant 800 : index
    %swap3A_1988 = tpu.vector_load %arg9[%swap3A_1987] {strides = array<i32>} : memref<2048xi32, #tpu.memory_space<vmem>>, vector<16xi32>,
    %swap3A_1989 = vector.shape_cast %swap3A_1988 : vector<16xi32> to vector<16xi32>
    %swap3A_1990 = vector.shape_cast %or3A_1986 : vector<16xi32> to vector<16xi32>
    tpu.vector_store %arg9[%swap3A_1987], %swap3A_1990 {strides = array<i32>} : memref<2048xi32, #tpu.memory_space<vmem>>, vector<16xi32>,
    %get3A_1991 = arith.constant 816 : index
    %get3A_1992 = tpu.vector_load %arg6[%get3A_1991] {strides = array<i32>} : memref<2048xi32, #tpu.memory_space<vmem>>, vector<16xi32>,
    %get3A_1993 = vector.shape_cast %get3A_1992 : vector<16xi32> to vector<16xi32>
    %add3A_1994 = arith.constant 0 : i32
    %add3A_1995 = arith.addi %mul3A_31, %add3A_1994 : i32
    %mul3A_1996 = arith.constant 1024 : i32
    %mul3A_1997 = arith.muli %add3A_1995, %mul3A_1996 : i32
    %add3A_1998 = arith.constant 48 : i32
    %add3A_1999 = arith.addi %mul3A_1997, %add3A_1998 : i32
    %add3A_2000 = vector.broadcast %add3A_1999 : i32 to vector<16xi32>
    %add3A_2001 = arith.addi %add3A_2000, %iota3A : vector<16xi32>
    %shift_right_arithmetic3A_2002 = arith.constant 3 : i32
    %shift_right_arithmetic3A_2003 = vector.broadcast %shift_right_arithmetic3A_2002 : i32 to vector<16xi32>
    %shift_right_arithmetic3A_2004 = arith.shrsi %get3A_1993, %shift_right_arithmetic3A_2003 : vector<16xi32>
    %shift_left3A_2005 = arith.constant 13 : i32
    %shift_left3A_2006 = vector.broadcast %shift_left3A_2005 : i32 to vector<16xi32>
    %shift_left3A_2007 = arith.shli %shift_right_arithmetic3A_2004, %shift_left3A_2006 : vector<16xi32>
    %and3A_2008 = arith.constant 7 : i32
    %and3A_2009 = vector.broadcast %and3A_2008 : i32 to vector<16xi32>
    %and3A_2010 = arith.andi %get3A_1993, %and3A_2009 : vector<16xi32>
    %shift_left3A_2011 = arith.constant 7 : i32
    %shift_left3A_2012 = vector.broadcast %shift_left3A_2011 : i32 to vector<16xi32>
    %shift_left3A_2013 = arith.shli %and3A_2010, %shift_left3A_2012 : vector<16xi32>
    %or3A_2014 = arith.ori %shift_left3A_2007, %shift_left3A_2013 : vector<16xi32>
    %or3A_2015 = arith.ori %or3A_2014, %add3A_2001 : vector<16xi32>
    %swap3A_2016 = arith.constant 816 : index
    %swap3A_2017 = tpu.vector_load %arg9[%swap3A_2016] {strides = array<i32>} : memref<2048xi32, #tpu.memory_space<vmem>>, vector<16xi32>,
    %swap3A_2018 = vector.shape_cast %swap3A_2017 : vector<16xi32> to vector<16xi32>
    %swap3A_2019 = vector.shape_cast %or3A_2015 : vector<16xi32> to vector<16xi32>
    tpu.vector_store %arg9[%swap3A_2016], %swap3A_2019 {strides = array<i32>} : memref<2048xi32, #tpu.memory_space<vmem>>, vector<16xi32>,
    %get3A_2020 = arith.constant 832 : index
    %get3A_2021 = tpu.vector_load %arg6[%get3A_2020] {strides = array<i32>} : memref<2048xi32, #tpu.memory_space<vmem>>, vector<16xi32>,
    %get3A_2022 = vector.shape_cast %get3A_2021 : vector<16xi32> to vector<16xi32>
    %add3A_2023 = arith.constant 0 : i32
    %add3A_2024 = arith.addi %mul3A_31, %add3A_2023 : i32
    %mul3A_2025 = arith.constant 1024 : i32
    %mul3A_2026 = arith.muli %add3A_2024, %mul3A_2025 : i32
    %add3A_2027 = arith.constant 64 : i32
    %add3A_2028 = arith.addi %mul3A_2026, %add3A_2027 : i32
    %add3A_2029 = vector.broadcast %add3A_2028 : i32 to vector<16xi32>
    %add3A_2030 = arith.addi %add3A_2029, %iota3A : vector<16xi32>
    %shift_right_arithmetic3A_2031 = arith.constant 3 : i32
    %shift_right_arithmetic3A_2032 = vector.broadcast %shift_right_arithmetic3A_2031 : i32 to vector<16xi32>
    %shift_right_arithmetic3A_2033 = arith.shrsi %get3A_2022, %shift_right_arithmetic3A_2032 : vector<16xi32>
    %shift_left3A_2034 = arith.constant 13 : i32
    %shift_left3A_2035 = vector.broadcast %shift_left3A_2034 : i32 to vector<16xi32>
    %shift_left3A_2036 = arith.shli %shift_right_arithmetic3A_2033, %shift_left3A_2035 : vector<16xi32>
    %and3A_2037 = arith.constant 7 : i32
    %and3A_2038 = vector.broadcast %and3A_2037 : i32 to vector<16xi32>
    %and3A_2039 = arith.andi %get3A_2022, %and3A_2038 : vector<16xi32>
    %shift_left3A_2040 = arith.constant 7 : i32
    %shift_left3A_2041 = vector.broadcast %shift_left3A_2040 : i32 to vector<16xi32>
    %shift_left3A_2042 = arith.shli %and3A_2039, %shift_left3A_2041 : vector<16xi32>
    %or3A_2043 = arith.ori %shift_left3A_2036, %shift_left3A_2042 : vector<16xi32>
    %or3A_2044 = arith.ori %or3A_2043, %add3A_2030 : vector<16xi32>
    %swap3A_2045 = arith.constant 832 : index
    %swap3A_2046 = tpu.vector_load %arg9[%swap3A_2045] {strides = array<i32>} : memref<2048xi32, #tpu.memory_space<vmem>>, vector<16xi32>,
    %swap3A_2047 = vector.shape_cast %swap3A_2046 : vector<16xi32> to vector<16xi32>
    %swap3A_2048 = vector.shape_cast %or3A_2044 : vector<16xi32> to vector<16xi32>
    tpu.vector_store %arg9[%swap3A_2045], %swap3A_2048 {strides = array<i32>} : memref<2048xi32, #tpu.memory_space<vmem>>, vector<16xi32>,
    %get3A_2049 = arith.constant 848 : index
    %get3A_2050 = tpu.vector_load %arg6[%get3A_2049] {strides = array<i32>} : memref<2048xi32, #tpu.memory_space<vmem>>, vector<16xi32>,
    %get3A_2051 = vector.shape_cast %get3A_2050 : vector<16xi32> to vector<16xi32>
    %add3A_2052 = arith.constant 0 : i32
    %add3A_2053 = arith.addi %mul3A_31, %add3A_2052 : i32
    %mul3A_2054 = arith.constant 1024 : i32
    %mul3A_2055 = arith.muli %add3A_2053, %mul3A_2054 : i32
    %add3A_2056 = arith.constant 80 : i32
    %add3A_2057 = arith.addi %mul3A_2055, %add3A_2056 : i32
    %add3A_2058 = vector.broadcast %add3A_2057 : i32 to vector<16xi32>
    %add3A_2059 = arith.addi %add3A_2058, %iota3A : vector<16xi32>
    %shift_right_arithmetic3A_2060 = arith.constant 3 : i32
    %shift_right_arithmetic3A_2061 = vector.broadcast %shift_right_arithmetic3A_2060 : i32 to vector<16xi32>
    %shift_right_arithmetic3A_2062 = arith.shrsi %get3A_2051, %shift_right_arithmetic3A_2061 : vector<16xi32>
    %shift_left3A_2063 = arith.constant 13 : i32
    %shift_left3A_2064 = vector.broadcast %shift_left3A_2063 : i32 to vector<16xi32>
    %shift_left3A_2065 = arith.shli %shift_right_arithmetic3A_2062, %shift_left3A_2064 : vector<16xi32>
    %and3A_2066 = arith.constant 7 : i32
    %and3A_2067 = vector.broadcast %and3A_2066 : i32 to vector<16xi32>
    %and3A_2068 = arith.andi %get3A_2051, %and3A_2067 : vector<16xi32>
    %shift_left3A_2069 = arith.constant 7 : i32
    %shift_left3A_2070 = vector.broadcast %shift_left3A_2069 : i32 to vector<16xi32>
    %shift_left3A_2071 = arith.shli %and3A_2068, %shift_left3A_2070 : vector<16xi32>
    %or3A_2072 = arith.ori %shift_left3A_2065, %shift_left3A_2071 : vector<16xi32>
    %or3A_2073 = arith.ori %or3A_2072, %add3A_2059 : vector<16xi32>
    %swap3A_2074 = arith.constant 848 : index
    %swap3A_2075 = tpu.vector_load %arg9[%swap3A_2074] {strides = array<i32>} : memref<2048xi32, #tpu.memory_space<vmem>>, vector<16xi32>,
    %swap3A_2076 = vector.shape_cast %swap3A_2075 : vector<16xi32> to vector<16xi32>
    %swap3A_2077 = vector.shape_cast %or3A_2073 : vector<16xi32> to vector<16xi32>
    tpu.vector_store %arg9[%swap3A_2074], %swap3A_2077 {strides = array<i32>} : memref<2048xi32, #tpu.memory_space<vmem>>, vector<16xi32>,
    %get3A_2078 = arith.constant 864 : index
    %get3A_2079 = tpu.vector_load %arg6[%get3A_2078] {strides = array<i32>} : memref<2048xi32, #tpu.memory_space<vmem>>, vector<16xi32>,
    %get3A_2080 = vector.shape_cast %get3A_2079 : vector<16xi32> to vector<16xi32>
    %add3A_2081 = arith.constant 0 : i32
    %add3A_2082 = arith.addi %mul3A_31, %add3A_2081 : i32
    %mul3A_2083 = arith.constant 1024 : i32
    %mul3A_2084 = arith.muli %add3A_2082, %mul3A_2083 : i32
    %add3A_2085 = arith.constant 96 : i32
    %add3A_2086 = arith.addi %mul3A_2084, %add3A_2085 : i32
    %add3A_2087 = vector.broadcast %add3A_2086 : i32 to vector<16xi32>
    %add3A_2088 = arith.addi %add3A_2087, %iota3A : vector<16xi32>
    %shift_right_arithmetic3A_2089 = arith.constant 3 : i32
    %shift_right_arithmetic3A_2090 = vector.broadcast %shift_right_arithmetic3A_2089 : i32 to vector<16xi32>
    %shift_right_arithmetic3A_2091 = arith.shrsi %get3A_2080, %shift_right_arithmetic3A_2090 : vector<16xi32>
    %shift_left3A_2092 = arith.constant 13 : i32
    %shift_left3A_2093 = vector.broadcast %shift_left3A_2092 : i32 to vector<16xi32>
    %shift_left3A_2094 = arith.shli %shift_right_arithmetic3A_2091, %shift_left3A_2093 : vector<16xi32>
    %and3A_2095 = arith.constant 7 : i32
    %and3A_2096 = vector.broadcast %and3A_2095 : i32 to vector<16xi32>
    %and3A_2097 = arith.andi %get3A_2080, %and3A_2096 : vector<16xi32>
    %shift_left3A_2098 = arith.constant 7 : i32
    %shift_left3A_2099 = vector.broadcast %shift_left3A_2098 : i32 to vector<16xi32>
    %shift_left3A_2100 = arith.shli %and3A_2097, %shift_left3A_2099 : vector<16xi32>
    %or3A_2101 = arith.ori %shift_left3A_2094, %shift_left3A_2100 : vector<16xi32>
    %or3A_2102 = arith.ori %or3A_2101, %add3A_2088 : vector<16xi32>
    %swap3A_2103 = arith.constant 864 : index
    %swap3A_2104 = tpu.vector_load %arg9[%swap3A_2103] {strides = array<i32>} : memref<2048xi32, #tpu.memory_space<vmem>>, vector<16xi32>,
    %swap3A_2105 = vector.shape_cast %swap3A_2104 : vector<16xi32> to vector<16xi32>
    %swap3A_2106 = vector.shape_cast %or3A_2102 : vector<16xi32> to vector<16xi32>
    tpu.vector_store %arg9[%swap3A_2103], %swap3A_2106 {strides = array<i32>} : memref<2048xi32, #tpu.memory_space<vmem>>, vector<16xi32>,
    %get3A_2107 = arith.constant 880 : index
    %get3A_2108 = tpu.vector_load %arg6[%get3A_2107] {strides = array<i32>} : memref<2048xi32, #tpu.memory_space<vmem>>, vector<16xi32>,
    %get3A_2109 = vector.shape_cast %get3A_2108 : vector<16xi32> to vector<16xi32>
    %add3A_2110 = arith.constant 0 : i32
    %add3A_2111 = arith.addi %mul3A_31, %add3A_2110 : i32
    %mul3A_2112 = arith.constant 1024 : i32
    %mul3A_2113 = arith.muli %add3A_2111, %mul3A_2112 : i32
    %add3A_2114 = arith.constant 112 : i32
    %add3A_2115 = arith.addi %mul3A_2113, %add3A_2114 : i32
    %add3A_2116 = vector.broadcast %add3A_2115 : i32 to vector<16xi32>
    %add3A_2117 = arith.addi %add3A_2116, %iota3A : vector<16xi32>
    %shift_right_arithmetic3A_2118 = arith.constant 3 : i32
    %shift_right_arithmetic3A_2119 = vector.broadcast %shift_right_arithmetic3A_2118 : i32 to vector<16xi32>
    %shift_right_arithmetic3A_2120 = arith.shrsi %get3A_2109, %shift_right_arithmetic3A_2119 : vector<16xi32>
    %shift_left3A_2121 = arith.constant 13 : i32
    %shift_left3A_2122 = vector.broadcast %shift_left3A_2121 : i32 to vector<16xi32>
    %shift_left3A_2123 = arith.shli %shift_right_arithmetic3A_2120, %shift_left3A_2122 : vector<16xi32>
    %and3A_2124 = arith.constant 7 : i32
    %and3A_2125 = vector.broadcast %and3A_2124 : i32 to vector<16xi32>
    %and3A_2126 = arith.andi %get3A_2109, %and3A_2125 : vector<16xi32>
    %shift_left3A_2127 = arith.constant 7 : i32
    %shift_left3A_2128 = vector.broadcast %shift_left3A_2127 : i32 to vector<16xi32>
    %shift_left3A_2129 = arith.shli %and3A_2126, %shift_left3A_2128 : vector<16xi32>
    %or3A_2130 = arith.ori %shift_left3A_2123, %shift_left3A_2129 : vector<16xi32>
    %or3A_2131 = arith.ori %or3A_2130, %add3A_2117 : vector<16xi32>
    %swap3A_2132 = arith.constant 880 : index
    %swap3A_2133 = tpu.vector_load %arg9[%swap3A_2132] {strides = array<i32>} : memref<2048xi32, #tpu.memory_space<vmem>>, vector<16xi32>,
    %swap3A_2134 = vector.shape_cast %swap3A_2133 : vector<16xi32> to vector<16xi32>
    %swap3A_2135 = vector.shape_cast %or3A_2131 : vector<16xi32> to vector<16xi32>
    tpu.vector_store %arg9[%swap3A_2132], %swap3A_2135 {strides = array<i32>} : memref<2048xi32, #tpu.memory_space<vmem>>, vector<16xi32>,
    %get3A_2136 = arith.constant 896 : index
    %get3A_2137 = tpu.vector_load %arg6[%get3A_2136] {strides = array<i32>} : memref<2048xi32, #tpu.memory_space<vmem>>, vector<16xi32>,
    %get3A_2138 = vector.shape_cast %get3A_2137 : vector<16xi32> to vector<16xi32>
    %add3A_2139 = arith.constant 0 : i32
    %add3A_2140 = arith.addi %mul3A_31, %add3A_2139 : i32
    %mul3A_2141 = arith.constant 1024 : i32
    %mul3A_2142 = arith.muli %add3A_2140, %mul3A_2141 : i32
    %add3A_2143 = arith.constant 0 : i32
    %add3A_2144 = arith.addi %mul3A_2142, %add3A_2143 : i32
    %add3A_2145 = vector.broadcast %add3A_2144 : i32 to vector<16xi32>
    %add3A_2146 = arith.addi %add3A_2145, %iota3A : vector<16xi32>
    %shift_right_arithmetic3A_2147 = arith.constant 3 : i32
    %shift_right_arithmetic3A_2148 = vector.broadcast %shift_right_arithmetic3A_2147 : i32 to vector<16xi32>
    %shift_right_arithmetic3A_2149 = arith.shrsi %get3A_2138, %shift_right_arithmetic3A_2148 : vector<16xi32>
    %shift_left3A_2150 = arith.constant 13 : i32
    %shift_left3A_2151 = vector.broadcast %shift_left3A_2150 : i32 to vector<16xi32>
    %shift_left3A_2152 = arith.shli %shift_right_arithmetic3A_2149, %shift_left3A_2151 : vector<16xi32>
    %and3A_2153 = arith.constant 7 : i32
    %and3A_2154 = vector.broadcast %and3A_2153 : i32 to vector<16xi32>
    %and3A_2155 = arith.andi %get3A_2138, %and3A_2154 : vector<16xi32>
    %shift_left3A_2156 = arith.constant 7 : i32
    %shift_left3A_2157 = vector.broadcast %shift_left3A_2156 : i32 to vector<16xi32>
    %shift_left3A_2158 = arith.shli %and3A_2155, %shift_left3A_2157 : vector<16xi32>
    %or3A_2159 = arith.ori %shift_left3A_2152, %shift_left3A_2158 : vector<16xi32>
    %or3A_2160 = arith.ori %or3A_2159, %add3A_2146 : vector<16xi32>
    %swap3A_2161 = arith.constant 896 : index
    %swap3A_2162 = tpu.vector_load %arg9[%swap3A_2161] {strides = array<i32>} : memref<2048xi32, #tpu.memory_space<vmem>>, vector<16xi32>,
    %swap3A_2163 = vector.shape_cast %swap3A_2162 : vector<16xi32> to vector<16xi32>
    %swap3A_2164 = vector.shape_cast %or3A_2160 : vector<16xi32> to vector<16xi32>
    tpu.vector_store %arg9[%swap3A_2161], %swap3A_2164 {strides = array<i32>} : memref<2048xi32, #tpu.memory_space<vmem>>, vector<16xi32>,
    %get3A_2165 = arith.constant 912 : index
    %get3A_2166 = tpu.vector_load %arg6[%get3A_2165] {strides = array<i32>} : memref<2048xi32, #tpu.memory_space<vmem>>, vector<16xi32>,
    %get3A_2167 = vector.shape_cast %get3A_2166 : vector<16xi32> to vector<16xi32>
    %add3A_2168 = arith.constant 0 : i32
    %add3A_2169 = arith.addi %mul3A_31, %add3A_2168 : i32
    %mul3A_2170 = arith.constant 1024 : i32
    %mul3A_2171 = arith.muli %add3A_2169, %mul3A_2170 : i32
    %add3A_2172 = arith.constant 16 : i32
    %add3A_2173 = arith.addi %mul3A_2171, %add3A_2172 : i32
    %add3A_2174 = vector.broadcast %add3A_2173 : i32 to vector<16xi32>
    %add3A_2175 = arith.addi %add3A_2174, %iota3A : vector<16xi32>
    %shift_right_arithmetic3A_2176 = arith.constant 3 : i32
    %shift_right_arithmetic3A_2177 = vector.broadcast %shift_right_arithmetic3A_2176 : i32 to vector<16xi32>
    %shift_right_arithmetic3A_2178 = arith.shrsi %get3A_2167, %shift_right_arithmetic3A_2177 : vector<16xi32>
    %shift_left3A_2179 = arith.constant 13 : i32
    %shift_left3A_2180 = vector.broadcast %shift_left3A_2179 : i32 to vector<16xi32>
    %shift_left3A_2181 = arith.shli %shift_right_arithmetic3A_2178, %shift_left3A_2180 : vector<16xi32>
    %and3A_2182 = arith.constant 7 : i32
    %and3A_2183 = vector.broadcast %and3A_2182 : i32 to vector<16xi32>
    %and3A_2184 = arith.andi %get3A_2167, %and3A_2183 : vector<16xi32>
    %shift_left3A_2185 = arith.constant 7 : i32
    %shift_left3A_2186 = vector.broadcast %shift_left3A_2185 : i32 to vector<16xi32>
    %shift_left3A_2187 = arith.shli %and3A_2184, %shift_left3A_2186 : vector<16xi32>
    %or3A_2188 = arith.ori %shift_left3A_2181, %shift_left3A_2187 : vector<16xi32>
    %or3A_2189 = arith.ori %or3A_2188, %add3A_2175 : vector<16xi32>
    %swap3A_2190 = arith.constant 912 : index
    %swap3A_2191 = tpu.vector_load %arg9[%swap3A_2190] {strides = array<i32>} : memref<2048xi32, #tpu.memory_space<vmem>>, vector<16xi32>,
    %swap3A_2192 = vector.shape_cast %swap3A_2191 : vector<16xi32> to vector<16xi32>
    %swap3A_2193 = vector.shape_cast %or3A_2189 : vector<16xi32> to vector<16xi32>
    tpu.vector_store %arg9[%swap3A_2190], %swap3A_2193 {strides = array<i32>} : memref<2048xi32, #tpu.memory_space<vmem>>, vector<16xi32>,
    %get3A_2194 = arith.constant 928 : index
    %get3A_2195 = tpu.vector_load %arg6[%get3A_2194] {strides = array<i32>} : memref<2048xi32, #tpu.memory_space<vmem>>, vector<16xi32>,
    %get3A_2196 = vector.shape_cast %get3A_2195 : vector<16xi32> to vector<16xi32>
    %add3A_2197 = arith.constant 0 : i32
    %add3A_2198 = arith.addi %mul3A_31, %add3A_2197 : i32
    %mul3A_2199 = arith.constant 1024 : i32
    %mul3A_2200 = arith.muli %add3A_2198, %mul3A_2199 : i32
    %add3A_2201 = arith.constant 32 : i32
    %add3A_2202 = arith.addi %mul3A_2200, %add3A_2201 : i32
    %add3A_2203 = vector.broadcast %add3A_2202 : i32 to vector<16xi32>
    %add3A_2204 = arith.addi %add3A_2203, %iota3A : vector<16xi32>
    %shift_right_arithmetic3A_2205 = arith.constant 3 : i32
    %shift_right_arithmetic3A_2206 = vector.broadcast %shift_right_arithmetic3A_2205 : i32 to vector<16xi32>
    %shift_right_arithmetic3A_2207 = arith.shrsi %get3A_2196, %shift_right_arithmetic3A_2206 : vector<16xi32>
    %shift_left3A_2208 = arith.constant 13 : i32
    %shift_left3A_2209 = vector.broadcast %shift_left3A_2208 : i32 to vector<16xi32>
    %shift_left3A_2210 = arith.shli %shift_right_arithmetic3A_2207, %shift_left3A_2209 : vector<16xi32>
    %and3A_2211 = arith.constant 7 : i32
    %and3A_2212 = vector.broadcast %and3A_2211 : i32 to vector<16xi32>
    %and3A_2213 = arith.andi %get3A_2196, %and3A_2212 : vector<16xi32>
    %shift_left3A_2214 = arith.constant 7 : i32
    %shift_left3A_2215 = vector.broadcast %shift_left3A_2214 : i32 to vector<16xi32>
    %shift_left3A_2216 = arith.shli %and3A_2213, %shift_left3A_2215 : vector<16xi32>
    %or3A_2217 = arith.ori %shift_left3A_2210, %shift_left3A_2216 : vector<16xi32>
    %or3A_2218 = arith.ori %or3A_2217, %add3A_2204 : vector<16xi32>
    %swap3A_2219 = arith.constant 928 : index
    %swap3A_2220 = tpu.vector_load %arg9[%swap3A_2219] {strides = array<i32>} : memref<2048xi32, #tpu.memory_space<vmem>>, vector<16xi32>,
    %swap3A_2221 = vector.shape_cast %swap3A_2220 : vector<16xi32> to vector<16xi32>
    %swap3A_2222 = vector.shape_cast %or3A_2218 : vector<16xi32> to vector<16xi32>
    tpu.vector_store %arg9[%swap3A_2219], %swap3A_2222 {strides = array<i32>} : memref<2048xi32, #tpu.memory_space<vmem>>, vector<16xi32>,
    %get3A_2223 = arith.constant 944 : index
    %get3A_2224 = tpu.vector_load %arg6[%get3A_2223] {strides = array<i32>} : memref<2048xi32, #tpu.memory_space<vmem>>, vector<16xi32>,
    %get3A_2225 = vector.shape_cast %get3A_2224 : vector<16xi32> to vector<16xi32>
    %add3A_2226 = arith.constant 0 : i32
    %add3A_2227 = arith.addi %mul3A_31, %add3A_2226 : i32
    %mul3A_2228 = arith.constant 1024 : i32
    %mul3A_2229 = arith.muli %add3A_2227, %mul3A_2228 : i32
    %add3A_2230 = arith.constant 48 : i32
    %add3A_2231 = arith.addi %mul3A_2229, %add3A_2230 : i32
    %add3A_2232 = vector.broadcast %add3A_2231 : i32 to vector<16xi32>
    %add3A_2233 = arith.addi %add3A_2232, %iota3A : vector<16xi32>
    %shift_right_arithmetic3A_2234 = arith.constant 3 : i32
    %shift_right_arithmetic3A_2235 = vector.broadcast %shift_right_arithmetic3A_2234 : i32 to vector<16xi32>
    %shift_right_arithmetic3A_2236 = arith.shrsi %get3A_2225, %shift_right_arithmetic3A_2235 : vector<16xi32>
    %shift_left3A_2237 = arith.constant 13 : i32
    %shift_left3A_2238 = vector.broadcast %shift_left3A_2237 : i32 to vector<16xi32>
    %shift_left3A_2239 = arith.shli %shift_right_arithmetic3A_2236, %shift_left3A_2238 : vector<16xi32>
    %and3A_2240 = arith.constant 7 : i32
    %and3A_2241 = vector.broadcast %and3A_2240 : i32 to vector<16xi32>
    %and3A_2242 = arith.andi %get3A_2225, %and3A_2241 : vector<16xi32>
    %shift_left3A_2243 = arith.constant 7 : i32
    %shift_left3A_2244 = vector.broadcast %shift_left3A_2243 : i32 to vector<16xi32>
    %shift_left3A_2245 = arith.shli %and3A_2242, %shift_left3A_2244 : vector<16xi32>
    %or3A_2246 = arith.ori %shift_left3A_2239, %shift_left3A_2245 : vector<16xi32>
    %or3A_2247 = arith.ori %or3A_2246, %add3A_2233 : vector<16xi32>
    %swap3A_2248 = arith.constant 944 : index
    %swap3A_2249 = tpu.vector_load %arg9[%swap3A_2248] {strides = array<i32>} : memref<2048xi32, #tpu.memory_space<vmem>>, vector<16xi32>,
    %swap3A_2250 = vector.shape_cast %swap3A_2249 : vector<16xi32> to vector<16xi32>
    %swap3A_2251 = vector.shape_cast %or3A_2247 : vector<16xi32> to vector<16xi32>
    tpu.vector_store %arg9[%swap3A_2248], %swap3A_2251 {strides = array<i32>} : memref<2048xi32, #tpu.memory_space<vmem>>, vector<16xi32>,
    %get3A_2252 = arith.constant 960 : index
    %get3A_2253 = tpu.vector_load %arg6[%get3A_2252] {strides = array<i32>} : memref<2048xi32, #tpu.memory_space<vmem>>, vector<16xi32>,
    %get3A_2254 = vector.shape_cast %get3A_2253 : vector<16xi32> to vector<16xi32>
    %add3A_2255 = arith.constant 0 : i32
    %add3A_2256 = arith.addi %mul3A_31, %add3A_2255 : i32
    %mul3A_2257 = arith.constant 1024 : i32
    %mul3A_2258 = arith.muli %add3A_2256, %mul3A_2257 : i32
    %add3A_2259 = arith.constant 64 : i32
    %add3A_2260 = arith.addi %mul3A_2258, %add3A_2259 : i32
    %add3A_2261 = vector.broadcast %add3A_2260 : i32 to vector<16xi32>
    %add3A_2262 = arith.addi %add3A_2261, %iota3A : vector<16xi32>
    %shift_right_arithmetic3A_2263 = arith.constant 3 : i32
    %shift_right_arithmetic3A_2264 = vector.broadcast %shift_right_arithmetic3A_2263 : i32 to vector<16xi32>
    %shift_right_arithmetic3A_2265 = arith.shrsi %get3A_2254, %shift_right_arithmetic3A_2264 : vector<16xi32>
    %shift_left3A_2266 = arith.constant 13 : i32
    %shift_left3A_2267 = vector.broadcast %shift_left3A_2266 : i32 to vector<16xi32>
    %shift_left3A_2268 = arith.shli %shift_right_arithmetic3A_2265, %shift_left3A_2267 : vector<16xi32>
    %and3A_2269 = arith.constant 7 : i32
    %and3A_2270 = vector.broadcast %and3A_2269 : i32 to vector<16xi32>
    %and3A_2271 = arith.andi %get3A_2254, %and3A_2270 : vector<16xi32>
    %shift_left3A_2272 = arith.constant 7 : i32
    %shift_left3A_2273 = vector.broadcast %shift_left3A_2272 : i32 to vector<16xi32>
    %shift_left3A_2274 = arith.shli %and3A_2271, %shift_left3A_2273 : vector<16xi32>
    %or3A_2275 = arith.ori %shift_left3A_2268, %shift_left3A_2274 : vector<16xi32>
    %or3A_2276 = arith.ori %or3A_2275, %add3A_2262 : vector<16xi32>
    %swap3A_2277 = arith.constant 960 : index
    %swap3A_2278 = tpu.vector_load %arg9[%swap3A_2277] {strides = array<i32>} : memref<2048xi32, #tpu.memory_space<vmem>>, vector<16xi32>,
    %swap3A_2279 = vector.shape_cast %swap3A_2278 : vector<16xi32> to vector<16xi32>
    %swap3A_2280 = vector.shape_cast %or3A_2276 : vector<16xi32> to vector<16xi32>
    tpu.vector_store %arg9[%swap3A_2277], %swap3A_2280 {strides = array<i32>} : memref<2048xi32, #tpu.memory_space<vmem>>, vector<16xi32>,
    %get3A_2281 = arith.constant 976 : index
    %get3A_2282 = tpu.vector_load %arg6[%get3A_2281] {strides = array<i32>} : memref<2048xi32, #tpu.memory_space<vmem>>, vector<16xi32>,
    %get3A_2283 = vector.shape_cast %get3A_2282 : vector<16xi32> to vector<16xi32>
    %add3A_2284 = arith.constant 0 : i32
    %add3A_2285 = arith.addi %mul3A_31, %add3A_2284 : i32
    %mul3A_2286 = arith.constant 1024 : i32
    %mul3A_2287 = arith.muli %add3A_2285, %mul3A_2286 : i32
    %add3A_2288 = arith.constant 80 : i32
    %add3A_2289 = arith.addi %mul3A_2287, %add3A_2288 : i32
    %add3A_2290 = vector.broadcast %add3A_2289 : i32 to vector<16xi32>
    %add3A_2291 = arith.addi %add3A_2290, %iota3A : vector<16xi32>
    %shift_right_arithmetic3A_2292 = arith.constant 3 : i32
    %shift_right_arithmetic3A_2293 = vector.broadcast %shift_right_arithmetic3A_2292 : i32 to vector<16xi32>
    %shift_right_arithmetic3A_2294 = arith.shrsi %get3A_2283, %shift_right_arithmetic3A_2293 : vector<16xi32>
    %shift_left3A_2295 = arith.constant 13 : i32
    %shift_left3A_2296 = vector.broadcast %shift_left3A_2295 : i32 to vector<16xi32>
    %shift_left3A_2297 = arith.shli %shift_right_arithmetic3A_2294, %shift_left3A_2296 : vector<16xi32>
    %and3A_2298 = arith.constant 7 : i32
    %and3A_2299 = vector.broadcast %and3A_2298 : i32 to vector<16xi32>
    %and3A_2300 = arith.andi %get3A_2283, %and3A_2299 : vector<16xi32>
    %shift_left3A_2301 = arith.constant 7 : i32
    %shift_left3A_2302 = vector.broadcast %shift_left3A_2301 : i32 to vector<16xi32>
    %shift_left3A_2303 = arith.shli %and3A_2300, %shift_left3A_2302 : vector<16xi32>
    %or3A_2304 = arith.ori %shift_left3A_2297, %shift_left3A_2303 : vector<16xi32>
    %or3A_2305 = arith.ori %or3A_2304, %add3A_2291 : vector<16xi32>
    %swap3A_2306 = arith.constant 976 : index
    %swap3A_2307 = tpu.vector_load %arg9[%swap3A_2306] {strides = array<i32>} : memref<2048xi32, #tpu.memory_space<vmem>>, vector<16xi32>,
    %swap3A_2308 = vector.shape_cast %swap3A_2307 : vector<16xi32> to vector<16xi32>
    %swap3A_2309 = vector.shape_cast %or3A_2305 : vector<16xi32> to vector<16xi32>
    tpu.vector_store %arg9[%swap3A_2306], %swap3A_2309 {strides = array<i32>} : memref<2048xi32, #tpu.memory_space<vmem>>, vector<16xi32>,
    %get3A_2310 = arith.constant 992 : index
    %get3A_2311 = tpu.vector_load %arg6[%get3A_2310] {strides = array<i32>} : memref<2048xi32, #tpu.memory_space<vmem>>, vector<16xi32>,
    %get3A_2312 = vector.shape_cast %get3A_2311 : vector<16xi32> to vector<16xi32>
    %add3A_2313 = arith.constant 0 : i32
    %add3A_2314 = arith.addi %mul3A_31, %add3A_2313 : i32
    %mul3A_2315 = arith.constant 1024 : i32
    %mul3A_2316 = arith.muli %add3A_2314, %mul3A_2315 : i32
    %add3A_2317 = arith.constant 96 : i32
    %add3A_2318 = arith.addi %mul3A_2316, %add3A_2317 : i32
    %add3A_2319 = vector.broadcast %add3A_2318 : i32 to vector<16xi32>
    %add3A_2320 = arith.addi %add3A_2319, %iota3A : vector<16xi32>
    %shift_right_arithmetic3A_2321 = arith.constant 3 : i32
    %shift_right_arithmetic3A_2322 = vector.broadcast %shift_right_arithmetic3A_2321 : i32 to vector<16xi32>
    %shift_right_arithmetic3A_2323 = arith.shrsi %get3A_2312, %shift_right_arithmetic3A_2322 : vector<16xi32>
    %shift_left3A_2324 = arith.constant 13 : i32
    %shift_left3A_2325 = vector.broadcast %shift_left3A_2324 : i32 to vector<16xi32>
    %shift_left3A_2326 = arith.shli %shift_right_arithmetic3A_2323, %shift_left3A_2325 : vector<16xi32>
    %and3A_2327 = arith.constant 7 : i32
    %and3A_2328 = vector.broadcast %and3A_2327 : i32 to vector<16xi32>
    %and3A_2329 = arith.andi %get3A_2312, %and3A_2328 : vector<16xi32>
    %shift_left3A_2330 = arith.constant 7 : i32
    %shift_left3A_2331 = vector.broadcast %shift_left3A_2330 : i32 to vector<16xi32>
    %shift_left3A_2332 = arith.shli %and3A_2329, %shift_left3A_2331 : vector<16xi32>
    %or3A_2333 = arith.ori %shift_left3A_2326, %shift_left3A_2332 : vector<16xi32>
    %or3A_2334 = arith.ori %or3A_2333, %add3A_2320 : vector<16xi32>
    %swap3A_2335 = arith.constant 992 : index
    %swap3A_2336 = tpu.vector_load %arg9[%swap3A_2335] {strides = array<i32>} : memref<2048xi32, #tpu.memory_space<vmem>>, vector<16xi32>,
    %swap3A_2337 = vector.shape_cast %swap3A_2336 : vector<16xi32> to vector<16xi32>
    %swap3A_2338 = vector.shape_cast %or3A_2334 : vector<16xi32> to vector<16xi32>
    tpu.vector_store %arg9[%swap3A_2335], %swap3A_2338 {strides = array<i32>} : memref<2048xi32, #tpu.memory_space<vmem>>, vector<16xi32>,
    %get3A_2339 = arith.constant 1008 : index
    %get3A_2340 = tpu.vector_load %arg6[%get3A_2339] {strides = array<i32>} : memref<2048xi32, #tpu.memory_space<vmem>>, vector<16xi32>,
    %get3A_2341 = vector.shape_cast %get3A_2340 : vector<16xi32> to vector<16xi32>
    %add3A_2342 = arith.constant 0 : i32
    %add3A_2343 = arith.addi %mul3A_31, %add3A_2342 : i32
    %mul3A_2344 = arith.constant 1024 : i32
    %mul3A_2345 = arith.muli %add3A_2343, %mul3A_2344 : i32
    %add3A_2346 = arith.constant 112 : i32
    %add3A_2347 = arith.addi %mul3A_2345, %add3A_2346 : i32
    %add3A_2348 = vector.broadcast %add3A_2347 : i32 to vector<16xi32>
    %add3A_2349 = arith.addi %add3A_2348, %iota3A : vector<16xi32>
    %shift_right_arithmetic3A_2350 = arith.constant 3 : i32
    %shift_right_arithmetic3A_2351 = vector.broadcast %shift_right_arithmetic3A_2350 : i32 to vector<16xi32>
    %shift_right_arithmetic3A_2352 = arith.shrsi %get3A_2341, %shift_right_arithmetic3A_2351 : vector<16xi32>
    %shift_left3A_2353 = arith.constant 13 : i32
    %shift_left3A_2354 = vector.broadcast %shift_left3A_2353 : i32 to vector<16xi32>
    %shift_left3A_2355 = arith.shli %shift_right_arithmetic3A_2352, %shift_left3A_2354 : vector<16xi32>
    %and3A_2356 = arith.constant 7 : i32
    %and3A_2357 = vector.broadcast %and3A_2356 : i32 to vector<16xi32>
    %and3A_2358 = arith.andi %get3A_2341, %and3A_2357 : vector<16xi32>
    %shift_left3A_2359 = arith.constant 7 : i32
    %shift_left3A_2360 = vector.broadcast %shift_left3A_2359 : i32 to vector<16xi32>
    %shift_left3A_2361 = arith.shli %and3A_2358, %shift_left3A_2360 : vector<16xi32>
    %or3A_2362 = arith.ori %shift_left3A_2355, %shift_left3A_2361 : vector<16xi32>
    %or3A_2363 = arith.ori %or3A_2362, %add3A_2349 : vector<16xi32>
    %swap3A_2364 = arith.constant 1008 : index
    %swap3A_2365 = tpu.vector_load %arg9[%swap3A_2364] {strides = array<i32>} : memref<2048xi32, #tpu.memory_space<vmem>>, vector<16xi32>,
    %swap3A_2366 = vector.shape_cast %swap3A_2365 : vector<16xi32> to vector<16xi32>
    %swap3A_2367 = vector.shape_cast %or3A_2363 : vector<16xi32> to vector<16xi32>
    tpu.vector_store %arg9[%swap3A_2364], %swap3A_2367 {strides = array<i32>} : memref<2048xi32, #tpu.memory_space<vmem>>, vector<16xi32>,
    %dma_start3A_2368 = arith.constant 1 : i32
    %dma_start3A_2369 = arith.constant 512 : i32
    %dma_start3A_2370 = tpu.memref_slice %arg11[%dma_start3A_2369] : memref<2048xf32, #tpu.memory_space<vmem>> -> memref<512xf32, #tpu.memory_space<vmem>>
    %dma_start3A_2371 = arith.constant 512 : i32
    %dma_start3A_2372 = tpu.memref_slice %arg9[%dma_start3A_2371] : memref<2048xi32, #tpu.memory_space<vmem>> -> memref<512xi32, #tpu.memory_space<vmem>>
    %dma_start3A_2373 = arith.constant 0 : i32
    %dma_start3A_2374 = tpu.memref_slice %arg2[%dma_start3A_2373] : memref<102400000xf32, #tpu.memory_space<hbm>> -> memref<102400000xf32, #tpu.memory_space<hbm>>
    %dma_start3A_2375 = tpu.memref_slice %arg16[%dma_start3A_2368] : memref<4x!tpu.dma_semaphore, #tpu.memory_space<semaphore_mem>> -> memref<1x!tpu.dma_semaphore, #tpu.memory_space<semaphore_mem>>
    %dma_start3A_2376 = tpu.memref_squeeze %dma_start3A_2375 : memref<1x!tpu.dma_semaphore, #tpu.memory_space<semaphore_mem>> -> memref<!tpu.dma_semaphore, #tpu.memory_space<semaphore_mem>>
    tpu.enqueue_indirect_dma source(%dma_start3A_2374 : memref<102400000xf32, #tpu.memory_space<hbm>>) target(%dma_start3A_2370 : memref<512xf32, #tpu.memory_space<vmem>>) offsets(%dma_start3A_2372 : memref<512xi32, #tpu.memory_space<vmem>>) semaphore(%dma_start3A_2376 : memref<!tpu.dma_semaphore, #tpu.memory_space<semaphore_mem>>)
    %get3A_2377 = arith.constant 1024 : index
    %get3A_2378 = tpu.vector_load %arg6[%get3A_2377] {strides = array<i32>} : memref<2048xi32, #tpu.memory_space<vmem>>, vector<16xi32>,
    %get3A_2379 = vector.shape_cast %get3A_2378 : vector<16xi32> to vector<16xi32>
    %add3A_2380 = arith.constant 1 : i32
    %add3A_2381 = arith.addi %mul3A_31, %add3A_2380 : i32
    %mul3A_2382 = arith.constant 1024 : i32
    %mul3A_2383 = arith.muli %add3A_2381, %mul3A_2382 : i32
    %add3A_2384 = arith.constant 0 : i32
    %add3A_2385 = arith.addi %mul3A_2383, %add3A_2384 : i32
    %add3A_2386 = vector.broadcast %add3A_2385 : i32 to vector<16xi32>
    %add3A_2387 = arith.addi %add3A_2386, %iota3A : vector<16xi32>
    %shift_right_arithmetic3A_2388 = arith.constant 3 : i32
    %shift_right_arithmetic3A_2389 = vector.broadcast %shift_right_arithmetic3A_2388 : i32 to vector<16xi32>
    %shift_right_arithmetic3A_2390 = arith.shrsi %get3A_2379, %shift_right_arithmetic3A_2389 : vector<16xi32>
    %shift_left3A_2391 = arith.constant 13 : i32
    %shift_left3A_2392 = vector.broadcast %shift_left3A_2391 : i32 to vector<16xi32>
    %shift_left3A_2393 = arith.shli %shift_right_arithmetic3A_2390, %shift_left3A_2392 : vector<16xi32>
    %and3A_2394 = arith.constant 7 : i32
    %and3A_2395 = vector.broadcast %and3A_2394 : i32 to vector<16xi32>
    %and3A_2396 = arith.andi %get3A_2379, %and3A_2395 : vector<16xi32>
    %shift_left3A_2397 = arith.constant 7 : i32
    %shift_left3A_2398 = vector.broadcast %shift_left3A_2397 : i32 to vector<16xi32>
    %shift_left3A_2399 = arith.shli %and3A_2396, %shift_left3A_2398 : vector<16xi32>
    %or3A_2400 = arith.ori %shift_left3A_2393, %shift_left3A_2399 : vector<16xi32>
    %or3A_2401 = arith.ori %or3A_2400, %add3A_2387 : vector<16xi32>
    %swap3A_2402 = arith.constant 1024 : index
    %swap3A_2403 = tpu.vector_load %arg9[%swap3A_2402] {strides = array<i32>} : memref<2048xi32, #tpu.memory_space<vmem>>, vector<16xi32>,
    %swap3A_2404 = vector.shape_cast %swap3A_2403 : vector<16xi32> to vector<16xi32>
    %swap3A_2405 = vector.shape_cast %or3A_2401 : vector<16xi32> to vector<16xi32>
    tpu.vector_store %arg9[%swap3A_2402], %swap3A_2405 {strides = array<i32>} : memref<2048xi32, #tpu.memory_space<vmem>>, vector<16xi32>,
    %get3A_2406 = arith.constant 1040 : index
    %get3A_2407 = tpu.vector_load %arg6[%get3A_2406] {strides = array<i32>} : memref<2048xi32, #tpu.memory_space<vmem>>, vector<16xi32>,
    %get3A_2408 = vector.shape_cast %get3A_2407 : vector<16xi32> to vector<16xi32>
    %add3A_2409 = arith.constant 1 : i32
    %add3A_2410 = arith.addi %mul3A_31, %add3A_2409 : i32
    %mul3A_2411 = arith.constant 1024 : i32
    %mul3A_2412 = arith.muli %add3A_2410, %mul3A_2411 : i32
    %add3A_2413 = arith.constant 16 : i32
    %add3A_2414 = arith.addi %mul3A_2412, %add3A_2413 : i32
    %add3A_2415 = vector.broadcast %add3A_2414 : i32 to vector<16xi32>
    %add3A_2416 = arith.addi %add3A_2415, %iota3A : vector<16xi32>
    %shift_right_arithmetic3A_2417 = arith.constant 3 : i32
    %shift_right_arithmetic3A_2418 = vector.broadcast %shift_right_arithmetic3A_2417 : i32 to vector<16xi32>
    %shift_right_arithmetic3A_2419 = arith.shrsi %get3A_2408, %shift_right_arithmetic3A_2418 : vector<16xi32>
    %shift_left3A_2420 = arith.constant 13 : i32
    %shift_left3A_2421 = vector.broadcast %shift_left3A_2420 : i32 to vector<16xi32>
    %shift_left3A_2422 = arith.shli %shift_right_arithmetic3A_2419, %shift_left3A_2421 : vector<16xi32>
    %and3A_2423 = arith.constant 7 : i32
    %and3A_2424 = vector.broadcast %and3A_2423 : i32 to vector<16xi32>
    %and3A_2425 = arith.andi %get3A_2408, %and3A_2424 : vector<16xi32>
    %shift_left3A_2426 = arith.constant 7 : i32
    %shift_left3A_2427 = vector.broadcast %shift_left3A_2426 : i32 to vector<16xi32>
    %shift_left3A_2428 = arith.shli %and3A_2425, %shift_left3A_2427 : vector<16xi32>
    %or3A_2429 = arith.ori %shift_left3A_2422, %shift_left3A_2428 : vector<16xi32>
    %or3A_2430 = arith.ori %or3A_2429, %add3A_2416 : vector<16xi32>
    %swap3A_2431 = arith.constant 1040 : index
    %swap3A_2432 = tpu.vector_load %arg9[%swap3A_2431] {strides = array<i32>} : memref<2048xi32, #tpu.memory_space<vmem>>, vector<16xi32>,
    %swap3A_2433 = vector.shape_cast %swap3A_2432 : vector<16xi32> to vector<16xi32>
    %swap3A_2434 = vector.shape_cast %or3A_2430 : vector<16xi32> to vector<16xi32>
    tpu.vector_store %arg9[%swap3A_2431], %swap3A_2434 {strides = array<i32>} : memref<2048xi32, #tpu.memory_space<vmem>>, vector<16xi32>,
    %get3A_2435 = arith.constant 1056 : index
    %get3A_2436 = tpu.vector_load %arg6[%get3A_2435] {strides = array<i32>} : memref<2048xi32, #tpu.memory_space<vmem>>, vector<16xi32>,
    %get3A_2437 = vector.shape_cast %get3A_2436 : vector<16xi32> to vector<16xi32>
    %add3A_2438 = arith.constant 1 : i32
    %add3A_2439 = arith.addi %mul3A_31, %add3A_2438 : i32
    %mul3A_2440 = arith.constant 1024 : i32
    %mul3A_2441 = arith.muli %add3A_2439, %mul3A_2440 : i32
    %add3A_2442 = arith.constant 32 : i32
    %add3A_2443 = arith.addi %mul3A_2441, %add3A_2442 : i32
    %add3A_2444 = vector.broadcast %add3A_2443 : i32 to vector<16xi32>
    %add3A_2445 = arith.addi %add3A_2444, %iota3A : vector<16xi32>
    %shift_right_arithmetic3A_2446 = arith.constant 3 : i32
    %shift_right_arithmetic3A_2447 = vector.broadcast %shift_right_arithmetic3A_2446 : i32 to vector<16xi32>
    %shift_right_arithmetic3A_2448 = arith.shrsi %get3A_2437, %shift_right_arithmetic3A_2447 : vector<16xi32>
    %shift_left3A_2449 = arith.constant 13 : i32
    %shift_left3A_2450 = vector.broadcast %shift_left3A_2449 : i32 to vector<16xi32>
    %shift_left3A_2451 = arith.shli %shift_right_arithmetic3A_2448, %shift_left3A_2450 : vector<16xi32>
    %and3A_2452 = arith.constant 7 : i32
    %and3A_2453 = vector.broadcast %and3A_2452 : i32 to vector<16xi32>
    %and3A_2454 = arith.andi %get3A_2437, %and3A_2453 : vector<16xi32>
    %shift_left3A_2455 = arith.constant 7 : i32
    %shift_left3A_2456 = vector.broadcast %shift_left3A_2455 : i32 to vector<16xi32>
    %shift_left3A_2457 = arith.shli %and3A_2454, %shift_left3A_2456 : vector<16xi32>
    %or3A_2458 = arith.ori %shift_left3A_2451, %shift_left3A_2457 : vector<16xi32>
    %or3A_2459 = arith.ori %or3A_2458, %add3A_2445 : vector<16xi32>
    %swap3A_2460 = arith.constant 1056 : index
    %swap3A_2461 = tpu.vector_load %arg9[%swap3A_2460] {strides = array<i32>} : memref<2048xi32, #tpu.memory_space<vmem>>, vector<16xi32>,
    %swap3A_2462 = vector.shape_cast %swap3A_2461 : vector<16xi32> to vector<16xi32>
    %swap3A_2463 = vector.shape_cast %or3A_2459 : vector<16xi32> to vector<16xi32>
    tpu.vector_store %arg9[%swap3A_2460], %swap3A_2463 {strides = array<i32>} : memref<2048xi32, #tpu.memory_space<vmem>>, vector<16xi32>,
    %get3A_2464 = arith.constant 1072 : index
    %get3A_2465 = tpu.vector_load %arg6[%get3A_2464] {strides = array<i32>} : memref<2048xi32, #tpu.memory_space<vmem>>, vector<16xi32>,
    %get3A_2466 = vector.shape_cast %get3A_2465 : vector<16xi32> to vector<16xi32>
    %add3A_2467 = arith.constant 1 : i32
    %add3A_2468 = arith.addi %mul3A_31, %add3A_2467 : i32
    %mul3A_2469 = arith.constant 1024 : i32
    %mul3A_2470 = arith.muli %add3A_2468, %mul3A_2469 : i32
    %add3A_2471 = arith.constant 48 : i32
    %add3A_2472 = arith.addi %mul3A_2470, %add3A_2471 : i32
    %add3A_2473 = vector.broadcast %add3A_2472 : i32 to vector<16xi32>
    %add3A_2474 = arith.addi %add3A_2473, %iota3A : vector<16xi32>
    %shift_right_arithmetic3A_2475 = arith.constant 3 : i32
    %shift_right_arithmetic3A_2476 = vector.broadcast %shift_right_arithmetic3A_2475 : i32 to vector<16xi32>
    %shift_right_arithmetic3A_2477 = arith.shrsi %get3A_2466, %shift_right_arithmetic3A_2476 : vector<16xi32>
    %shift_left3A_2478 = arith.constant 13 : i32
    %shift_left3A_2479 = vector.broadcast %shift_left3A_2478 : i32 to vector<16xi32>
    %shift_left3A_2480 = arith.shli %shift_right_arithmetic3A_2477, %shift_left3A_2479 : vector<16xi32>
    %and3A_2481 = arith.constant 7 : i32
    %and3A_2482 = vector.broadcast %and3A_2481 : i32 to vector<16xi32>
    %and3A_2483 = arith.andi %get3A_2466, %and3A_2482 : vector<16xi32>
    %shift_left3A_2484 = arith.constant 7 : i32
    %shift_left3A_2485 = vector.broadcast %shift_left3A_2484 : i32 to vector<16xi32>
    %shift_left3A_2486 = arith.shli %and3A_2483, %shift_left3A_2485 : vector<16xi32>
    %or3A_2487 = arith.ori %shift_left3A_2480, %shift_left3A_2486 : vector<16xi32>
    %or3A_2488 = arith.ori %or3A_2487, %add3A_2474 : vector<16xi32>
    %swap3A_2489 = arith.constant 1072 : index
    %swap3A_2490 = tpu.vector_load %arg9[%swap3A_2489] {strides = array<i32>} : memref<2048xi32, #tpu.memory_space<vmem>>, vector<16xi32>,
    %swap3A_2491 = vector.shape_cast %swap3A_2490 : vector<16xi32> to vector<16xi32>
    %swap3A_2492 = vector.shape_cast %or3A_2488 : vector<16xi32> to vector<16xi32>
    tpu.vector_store %arg9[%swap3A_2489], %swap3A_2492 {strides = array<i32>} : memref<2048xi32, #tpu.memory_space<vmem>>, vector<16xi32>,
    %get3A_2493 = arith.constant 1088 : index
    %get3A_2494 = tpu.vector_load %arg6[%get3A_2493] {strides = array<i32>} : memref<2048xi32, #tpu.memory_space<vmem>>, vector<16xi32>,
    %get3A_2495 = vector.shape_cast %get3A_2494 : vector<16xi32> to vector<16xi32>
    %add3A_2496 = arith.constant 1 : i32
    %add3A_2497 = arith.addi %mul3A_31, %add3A_2496 : i32
    %mul3A_2498 = arith.constant 1024 : i32
    %mul3A_2499 = arith.muli %add3A_2497, %mul3A_2498 : i32
    %add3A_2500 = arith.constant 64 : i32
    %add3A_2501 = arith.addi %mul3A_2499, %add3A_2500 : i32
    %add3A_2502 = vector.broadcast %add3A_2501 : i32 to vector<16xi32>
    %add3A_2503 = arith.addi %add3A_2502, %iota3A : vector<16xi32>
    %shift_right_arithmetic3A_2504 = arith.constant 3 : i32
    %shift_right_arithmetic3A_2505 = vector.broadcast %shift_right_arithmetic3A_2504 : i32 to vector<16xi32>
    %shift_right_arithmetic3A_2506 = arith.shrsi %get3A_2495, %shift_right_arithmetic3A_2505 : vector<16xi32>
    %shift_left3A_2507 = arith.constant 13 : i32
    %shift_left3A_2508 = vector.broadcast %shift_left3A_2507 : i32 to vector<16xi32>
    %shift_left3A_2509 = arith.shli %shift_right_arithmetic3A_2506, %shift_left3A_2508 : vector<16xi32>
    %and3A_2510 = arith.constant 7 : i32
    %and3A_2511 = vector.broadcast %and3A_2510 : i32 to vector<16xi32>
    %and3A_2512 = arith.andi %get3A_2495, %and3A_2511 : vector<16xi32>
    %shift_left3A_2513 = arith.constant 7 : i32
    %shift_left3A_2514 = vector.broadcast %shift_left3A_2513 : i32 to vector<16xi32>
    %shift_left3A_2515 = arith.shli %and3A_2512, %shift_left3A_2514 : vector<16xi32>
    %or3A_2516 = arith.ori %shift_left3A_2509, %shift_left3A_2515 : vector<16xi32>
    %or3A_2517 = arith.ori %or3A_2516, %add3A_2503 : vector<16xi32>
    %swap3A_2518 = arith.constant 1088 : index
    %swap3A_2519 = tpu.vector_load %arg9[%swap3A_2518] {strides = array<i32>} : memref<2048xi32, #tpu.memory_space<vmem>>, vector<16xi32>,
    %swap3A_2520 = vector.shape_cast %swap3A_2519 : vector<16xi32> to vector<16xi32>
    %swap3A_2521 = vector.shape_cast %or3A_2517 : vector<16xi32> to vector<16xi32>
    tpu.vector_store %arg9[%swap3A_2518], %swap3A_2521 {strides = array<i32>} : memref<2048xi32, #tpu.memory_space<vmem>>, vector<16xi32>,
    %get3A_2522 = arith.constant 1104 : index
    %get3A_2523 = tpu.vector_load %arg6[%get3A_2522] {strides = array<i32>} : memref<2048xi32, #tpu.memory_space<vmem>>, vector<16xi32>,
    %get3A_2524 = vector.shape_cast %get3A_2523 : vector<16xi32> to vector<16xi32>
    %add3A_2525 = arith.constant 1 : i32
    %add3A_2526 = arith.addi %mul3A_31, %add3A_2525 : i32
    %mul3A_2527 = arith.constant 1024 : i32
    %mul3A_2528 = arith.muli %add3A_2526, %mul3A_2527 : i32
    %add3A_2529 = arith.constant 80 : i32
    %add3A_2530 = arith.addi %mul3A_2528, %add3A_2529 : i32
    %add3A_2531 = vector.broadcast %add3A_2530 : i32 to vector<16xi32>
    %add3A_2532 = arith.addi %add3A_2531, %iota3A : vector<16xi32>
    %shift_right_arithmetic3A_2533 = arith.constant 3 : i32
    %shift_right_arithmetic3A_2534 = vector.broadcast %shift_right_arithmetic3A_2533 : i32 to vector<16xi32>
    %shift_right_arithmetic3A_2535 = arith.shrsi %get3A_2524, %shift_right_arithmetic3A_2534 : vector<16xi32>
    %shift_left3A_2536 = arith.constant 13 : i32
    %shift_left3A_2537 = vector.broadcast %shift_left3A_2536 : i32 to vector<16xi32>
    %shift_left3A_2538 = arith.shli %shift_right_arithmetic3A_2535, %shift_left3A_2537 : vector<16xi32>
    %and3A_2539 = arith.constant 7 : i32
    %and3A_2540 = vector.broadcast %and3A_2539 : i32 to vector<16xi32>
    %and3A_2541 = arith.andi %get3A_2524, %and3A_2540 : vector<16xi32>
    %shift_left3A_2542 = arith.constant 7 : i32
    %shift_left3A_2543 = vector.broadcast %shift_left3A_2542 : i32 to vector<16xi32>
    %shift_left3A_2544 = arith.shli %and3A_2541, %shift_left3A_2543 : vector<16xi32>
    %or3A_2545 = arith.ori %shift_left3A_2538, %shift_left3A_2544 : vector<16xi32>
    %or3A_2546 = arith.ori %or3A_2545, %add3A_2532 : vector<16xi32>
    %swap3A_2547 = arith.constant 1104 : index
    %swap3A_2548 = tpu.vector_load %arg9[%swap3A_2547] {strides = array<i32>} : memref<2048xi32, #tpu.memory_space<vmem>>, vector<16xi32>,
    %swap3A_2549 = vector.shape_cast %swap3A_2548 : vector<16xi32> to vector<16xi32>
    %swap3A_2550 = vector.shape_cast %or3A_2546 : vector<16xi32> to vector<16xi32>
    tpu.vector_store %arg9[%swap3A_2547], %swap3A_2550 {strides = array<i32>} : memref<2048xi32, #tpu.memory_space<vmem>>, vector<16xi32>,
    %get3A_2551 = arith.constant 1120 : index
    %get3A_2552 = tpu.vector_load %arg6[%get3A_2551] {strides = array<i32>} : memref<2048xi32, #tpu.memory_space<vmem>>, vector<16xi32>,
    %get3A_2553 = vector.shape_cast %get3A_2552 : vector<16xi32> to vector<16xi32>
    %add3A_2554 = arith.constant 1 : i32
    %add3A_2555 = arith.addi %mul3A_31, %add3A_2554 : i32
    %mul3A_2556 = arith.constant 1024 : i32
    %mul3A_2557 = arith.muli %add3A_2555, %mul3A_2556 : i32
    %add3A_2558 = arith.constant 96 : i32
    %add3A_2559 = arith.addi %mul3A_2557, %add3A_2558 : i32
    %add3A_2560 = vector.broadcast %add3A_2559 : i32 to vector<16xi32>
    %add3A_2561 = arith.addi %add3A_2560, %iota3A : vector<16xi32>
    %shift_right_arithmetic3A_2562 = arith.constant 3 : i32
    %shift_right_arithmetic3A_2563 = vector.broadcast %shift_right_arithmetic3A_2562 : i32 to vector<16xi32>
    %shift_right_arithmetic3A_2564 = arith.shrsi %get3A_2553, %shift_right_arithmetic3A_2563 : vector<16xi32>
    %shift_left3A_2565 = arith.constant 13 : i32
    %shift_left3A_2566 = vector.broadcast %shift_left3A_2565 : i32 to vector<16xi32>
    %shift_left3A_2567 = arith.shli %shift_right_arithmetic3A_2564, %shift_left3A_2566 : vector<16xi32>
    %and3A_2568 = arith.constant 7 : i32
    %and3A_2569 = vector.broadcast %and3A_2568 : i32 to vector<16xi32>
    %and3A_2570 = arith.andi %get3A_2553, %and3A_2569 : vector<16xi32>
    %shift_left3A_2571 = arith.constant 7 : i32
    %shift_left3A_2572 = vector.broadcast %shift_left3A_2571 : i32 to vector<16xi32>
    %shift_left3A_2573 = arith.shli %and3A_2570, %shift_left3A_2572 : vector<16xi32>
    %or3A_2574 = arith.ori %shift_left3A_2567, %shift_left3A_2573 : vector<16xi32>
    %or3A_2575 = arith.ori %or3A_2574, %add3A_2561 : vector<16xi32>
    %swap3A_2576 = arith.constant 1120 : index
    %swap3A_2577 = tpu.vector_load %arg9[%swap3A_2576] {strides = array<i32>} : memref<2048xi32, #tpu.memory_space<vmem>>, vector<16xi32>,
    %swap3A_2578 = vector.shape_cast %swap3A_2577 : vector<16xi32> to vector<16xi32>
    %swap3A_2579 = vector.shape_cast %or3A_2575 : vector<16xi32> to vector<16xi32>
    tpu.vector_store %arg9[%swap3A_2576], %swap3A_2579 {strides = array<i32>} : memref<2048xi32, #tpu.memory_space<vmem>>, vector<16xi32>,
    %get3A_2580 = arith.constant 1136 : index
    %get3A_2581 = tpu.vector_load %arg6[%get3A_2580] {strides = array<i32>} : memref<2048xi32, #tpu.memory_space<vmem>>, vector<16xi32>,
    %get3A_2582 = vector.shape_cast %get3A_2581 : vector<16xi32> to vector<16xi32>
    %add3A_2583 = arith.constant 1 : i32
    %add3A_2584 = arith.addi %mul3A_31, %add3A_2583 : i32
    %mul3A_2585 = arith.constant 1024 : i32
    %mul3A_2586 = arith.muli %add3A_2584, %mul3A_2585 : i32
    %add3A_2587 = arith.constant 112 : i32
    %add3A_2588 = arith.addi %mul3A_2586, %add3A_2587 : i32
    %add3A_2589 = vector.broadcast %add3A_2588 : i32 to vector<16xi32>
    %add3A_2590 = arith.addi %add3A_2589, %iota3A : vector<16xi32>
    %shift_right_arithmetic3A_2591 = arith.constant 3 : i32
    %shift_right_arithmetic3A_2592 = vector.broadcast %shift_right_arithmetic3A_2591 : i32 to vector<16xi32>
    %shift_right_arithmetic3A_2593 = arith.shrsi %get3A_2582, %shift_right_arithmetic3A_2592 : vector<16xi32>
    %shift_left3A_2594 = arith.constant 13 : i32
    %shift_left3A_2595 = vector.broadcast %shift_left3A_2594 : i32 to vector<16xi32>
    %shift_left3A_2596 = arith.shli %shift_right_arithmetic3A_2593, %shift_left3A_2595 : vector<16xi32>
    %and3A_2597 = arith.constant 7 : i32
    %and3A_2598 = vector.broadcast %and3A_2597 : i32 to vector<16xi32>
    %and3A_2599 = arith.andi %get3A_2582, %and3A_2598 : vector<16xi32>
    %shift_left3A_2600 = arith.constant 7 : i32
    %shift_left3A_2601 = vector.broadcast %shift_left3A_2600 : i32 to vector<16xi32>
    %shift_left3A_2602 = arith.shli %and3A_2599, %shift_left3A_2601 : vector<16xi32>
    %or3A_2603 = arith.ori %shift_left3A_2596, %shift_left3A_2602 : vector<16xi32>
    %or3A_2604 = arith.ori %or3A_2603, %add3A_2590 : vector<16xi32>
    %swap3A_2605 = arith.constant 1136 : index
    %swap3A_2606 = tpu.vector_load %arg9[%swap3A_2605] {strides = array<i32>} : memref<2048xi32, #tpu.memory_space<vmem>>, vector<16xi32>,
    %swap3A_2607 = vector.shape_cast %swap3A_2606 : vector<16xi32> to vector<16xi32>
    %swap3A_2608 = vector.shape_cast %or3A_2604 : vector<16xi32> to vector<16xi32>
    tpu.vector_store %arg9[%swap3A_2605], %swap3A_2608 {strides = array<i32>} : memref<2048xi32, #tpu.memory_space<vmem>>, vector<16xi32>,
    %get3A_2609 = arith.constant 1152 : index
    %get3A_2610 = tpu.vector_load %arg6[%get3A_2609] {strides = array<i32>} : memref<2048xi32, #tpu.memory_space<vmem>>, vector<16xi32>,
    %get3A_2611 = vector.shape_cast %get3A_2610 : vector<16xi32> to vector<16xi32>
    %add3A_2612 = arith.constant 1 : i32
    %add3A_2613 = arith.addi %mul3A_31, %add3A_2612 : i32
    %mul3A_2614 = arith.constant 1024 : i32
    %mul3A_2615 = arith.muli %add3A_2613, %mul3A_2614 : i32
    %add3A_2616 = arith.constant 0 : i32
    %add3A_2617 = arith.addi %mul3A_2615, %add3A_2616 : i32
    %add3A_2618 = vector.broadcast %add3A_2617 : i32 to vector<16xi32>
    %add3A_2619 = arith.addi %add3A_2618, %iota3A : vector<16xi32>
    %shift_right_arithmetic3A_2620 = arith.constant 3 : i32
    %shift_right_arithmetic3A_2621 = vector.broadcast %shift_right_arithmetic3A_2620 : i32 to vector<16xi32>
    %shift_right_arithmetic3A_2622 = arith.shrsi %get3A_2611, %shift_right_arithmetic3A_2621 : vector<16xi32>
    %shift_left3A_2623 = arith.constant 13 : i32
    %shift_left3A_2624 = vector.broadcast %shift_left3A_2623 : i32 to vector<16xi32>
    %shift_left3A_2625 = arith.shli %shift_right_arithmetic3A_2622, %shift_left3A_2624 : vector<16xi32>
    %and3A_2626 = arith.constant 7 : i32
    %and3A_2627 = vector.broadcast %and3A_2626 : i32 to vector<16xi32>
    %and3A_2628 = arith.andi %get3A_2611, %and3A_2627 : vector<16xi32>
    %shift_left3A_2629 = arith.constant 7 : i32
    %shift_left3A_2630 = vector.broadcast %shift_left3A_2629 : i32 to vector<16xi32>
    %shift_left3A_2631 = arith.shli %and3A_2628, %shift_left3A_2630 : vector<16xi32>
    %or3A_2632 = arith.ori %shift_left3A_2625, %shift_left3A_2631 : vector<16xi32>
    %or3A_2633 = arith.ori %or3A_2632, %add3A_2619 : vector<16xi32>
    %swap3A_2634 = arith.constant 1152 : index
    %swap3A_2635 = tpu.vector_load %arg9[%swap3A_2634] {strides = array<i32>} : memref<2048xi32, #tpu.memory_space<vmem>>, vector<16xi32>,
    %swap3A_2636 = vector.shape_cast %swap3A_2635 : vector<16xi32> to vector<16xi32>
    %swap3A_2637 = vector.shape_cast %or3A_2633 : vector<16xi32> to vector<16xi32>
    tpu.vector_store %arg9[%swap3A_2634], %swap3A_2637 {strides = array<i32>} : memref<2048xi32, #tpu.memory_space<vmem>>, vector<16xi32>,
    %get3A_2638 = arith.constant 1168 : index
    %get3A_2639 = tpu.vector_load %arg6[%get3A_2638] {strides = array<i32>} : memref<2048xi32, #tpu.memory_space<vmem>>, vector<16xi32>,
    %get3A_2640 = vector.shape_cast %get3A_2639 : vector<16xi32> to vector<16xi32>
    %add3A_2641 = arith.constant 1 : i32
    %add3A_2642 = arith.addi %mul3A_31, %add3A_2641 : i32
    %mul3A_2643 = arith.constant 1024 : i32
    %mul3A_2644 = arith.muli %add3A_2642, %mul3A_2643 : i32
    %add3A_2645 = arith.constant 16 : i32
    %add3A_2646 = arith.addi %mul3A_2644, %add3A_2645 : i32
    %add3A_2647 = vector.broadcast %add3A_2646 : i32 to vector<16xi32>
    %add3A_2648 = arith.addi %add3A_2647, %iota3A : vector<16xi32>
    %shift_right_arithmetic3A_2649 = arith.constant 3 : i32
    %shift_right_arithmetic3A_2650 = vector.broadcast %shift_right_arithmetic3A_2649 : i32 to vector<16xi32>
    %shift_right_arithmetic3A_2651 = arith.shrsi %get3A_2640, %shift_right_arithmetic3A_2650 : vector<16xi32>
    %shift_left3A_2652 = arith.constant 13 : i32
    %shift_left3A_2653 = vector.broadcast %shift_left3A_2652 : i32 to vector<16xi32>
    %shift_left3A_2654 = arith.shli %shift_right_arithmetic3A_2651, %shift_left3A_2653 : vector<16xi32>
    %and3A_2655 = arith.constant 7 : i32
    %and3A_2656 = vector.broadcast %and3A_2655 : i32 to vector<16xi32>
    %and3A_2657 = arith.andi %get3A_2640, %and3A_2656 : vector<16xi32>
    %shift_left3A_2658 = arith.constant 7 : i32
    %shift_left3A_2659 = vector.broadcast %shift_left3A_2658 : i32 to vector<16xi32>
    %shift_left3A_2660 = arith.shli %and3A_2657, %shift_left3A_2659 : vector<16xi32>
    %or3A_2661 = arith.ori %shift_left3A_2654, %shift_left3A_2660 : vector<16xi32>
    %or3A_2662 = arith.ori %or3A_2661, %add3A_2648 : vector<16xi32>
    %swap3A_2663 = arith.constant 1168 : index
    %swap3A_2664 = tpu.vector_load %arg9[%swap3A_2663] {strides = array<i32>} : memref<2048xi32, #tpu.memory_space<vmem>>, vector<16xi32>,
    %swap3A_2665 = vector.shape_cast %swap3A_2664 : vector<16xi32> to vector<16xi32>
    %swap3A_2666 = vector.shape_cast %or3A_2662 : vector<16xi32> to vector<16xi32>
    tpu.vector_store %arg9[%swap3A_2663], %swap3A_2666 {strides = array<i32>} : memref<2048xi32, #tpu.memory_space<vmem>>, vector<16xi32>,
    %get3A_2667 = arith.constant 1184 : index
    %get3A_2668 = tpu.vector_load %arg6[%get3A_2667] {strides = array<i32>} : memref<2048xi32, #tpu.memory_space<vmem>>, vector<16xi32>,
    %get3A_2669 = vector.shape_cast %get3A_2668 : vector<16xi32> to vector<16xi32>
    %add3A_2670 = arith.constant 1 : i32
    %add3A_2671 = arith.addi %mul3A_31, %add3A_2670 : i32
    %mul3A_2672 = arith.constant 1024 : i32
    %mul3A_2673 = arith.muli %add3A_2671, %mul3A_2672 : i32
    %add3A_2674 = arith.constant 32 : i32
    %add3A_2675 = arith.addi %mul3A_2673, %add3A_2674 : i32
    %add3A_2676 = vector.broadcast %add3A_2675 : i32 to vector<16xi32>
    %add3A_2677 = arith.addi %add3A_2676, %iota3A : vector<16xi32>
    %shift_right_arithmetic3A_2678 = arith.constant 3 : i32
    %shift_right_arithmetic3A_2679 = vector.broadcast %shift_right_arithmetic3A_2678 : i32 to vector<16xi32>
    %shift_right_arithmetic3A_2680 = arith.shrsi %get3A_2669, %shift_right_arithmetic3A_2679 : vector<16xi32>
    %shift_left3A_2681 = arith.constant 13 : i32
    %shift_left3A_2682 = vector.broadcast %shift_left3A_2681 : i32 to vector<16xi32>
    %shift_left3A_2683 = arith.shli %shift_right_arithmetic3A_2680, %shift_left3A_2682 : vector<16xi32>
    %and3A_2684 = arith.constant 7 : i32
    %and3A_2685 = vector.broadcast %and3A_2684 : i32 to vector<16xi32>
    %and3A_2686 = arith.andi %get3A_2669, %and3A_2685 : vector<16xi32>
    %shift_left3A_2687 = arith.constant 7 : i32
    %shift_left3A_2688 = vector.broadcast %shift_left3A_2687 : i32 to vector<16xi32>
    %shift_left3A_2689 = arith.shli %and3A_2686, %shift_left3A_2688 : vector<16xi32>
    %or3A_2690 = arith.ori %shift_left3A_2683, %shift_left3A_2689 : vector<16xi32>
    %or3A_2691 = arith.ori %or3A_2690, %add3A_2677 : vector<16xi32>
    %swap3A_2692 = arith.constant 1184 : index
    %swap3A_2693 = tpu.vector_load %arg9[%swap3A_2692] {strides = array<i32>} : memref<2048xi32, #tpu.memory_space<vmem>>, vector<16xi32>,
    %swap3A_2694 = vector.shape_cast %swap3A_2693 : vector<16xi32> to vector<16xi32>
    %swap3A_2695 = vector.shape_cast %or3A_2691 : vector<16xi32> to vector<16xi32>
    tpu.vector_store %arg9[%swap3A_2692], %swap3A_2695 {strides = array<i32>} : memref<2048xi32, #tpu.memory_space<vmem>>, vector<16xi32>,
    %get3A_2696 = arith.constant 1200 : index
    %get3A_2697 = tpu.vector_load %arg6[%get3A_2696] {strides = array<i32>} : memref<2048xi32, #tpu.memory_space<vmem>>, vector<16xi32>,
    %get3A_2698 = vector.shape_cast %get3A_2697 : vector<16xi32> to vector<16xi32>
    %add3A_2699 = arith.constant 1 : i32
    %add3A_2700 = arith.addi %mul3A_31, %add3A_2699 : i32
    %mul3A_2701 = arith.constant 1024 : i32
    %mul3A_2702 = arith.muli %add3A_2700, %mul3A_2701 : i32
    %add3A_2703 = arith.constant 48 : i32
    %add3A_2704 = arith.addi %mul3A_2702, %add3A_2703 : i32
    %add3A_2705 = vector.broadcast %add3A_2704 : i32 to vector<16xi32>
    %add3A_2706 = arith.addi %add3A_2705, %iota3A : vector<16xi32>
    %shift_right_arithmetic3A_2707 = arith.constant 3 : i32
    %shift_right_arithmetic3A_2708 = vector.broadcast %shift_right_arithmetic3A_2707 : i32 to vector<16xi32>
    %shift_right_arithmetic3A_2709 = arith.shrsi %get3A_2698, %shift_right_arithmetic3A_2708 : vector<16xi32>
    %shift_left3A_2710 = arith.constant 13 : i32
    %shift_left3A_2711 = vector.broadcast %shift_left3A_2710 : i32 to vector<16xi32>
    %shift_left3A_2712 = arith.shli %shift_right_arithmetic3A_2709, %shift_left3A_2711 : vector<16xi32>
    %and3A_2713 = arith.constant 7 : i32
    %and3A_2714 = vector.broadcast %and3A_2713 : i32 to vector<16xi32>
    %and3A_2715 = arith.andi %get3A_2698, %and3A_2714 : vector<16xi32>
    %shift_left3A_2716 = arith.constant 7 : i32
    %shift_left3A_2717 = vector.broadcast %shift_left3A_2716 : i32 to vector<16xi32>
    %shift_left3A_2718 = arith.shli %and3A_2715, %shift_left3A_2717 : vector<16xi32>
    %or3A_2719 = arith.ori %shift_left3A_2712, %shift_left3A_2718 : vector<16xi32>
    %or3A_2720 = arith.ori %or3A_2719, %add3A_2706 : vector<16xi32>
    %swap3A_2721 = arith.constant 1200 : index
    %swap3A_2722 = tpu.vector_load %arg9[%swap3A_2721] {strides = array<i32>} : memref<2048xi32, #tpu.memory_space<vmem>>, vector<16xi32>,
    %swap3A_2723 = vector.shape_cast %swap3A_2722 : vector<16xi32> to vector<16xi32>
    %swap3A_2724 = vector.shape_cast %or3A_2720 : vector<16xi32> to vector<16xi32>
    tpu.vector_store %arg9[%swap3A_2721], %swap3A_2724 {strides = array<i32>} : memref<2048xi32, #tpu.memory_space<vmem>>, vector<16xi32>,
    %get3A_2725 = arith.constant 1216 : index
    %get3A_2726 = tpu.vector_load %arg6[%get3A_2725] {strides = array<i32>} : memref<2048xi32, #tpu.memory_space<vmem>>, vector<16xi32>,
    %get3A_2727 = vector.shape_cast %get3A_2726 : vector<16xi32> to vector<16xi32>
    %add3A_2728 = arith.constant 1 : i32
    %add3A_2729 = arith.addi %mul3A_31, %add3A_2728 : i32
    %mul3A_2730 = arith.constant 1024 : i32
    %mul3A_2731 = arith.muli %add3A_2729, %mul3A_2730 : i32
    %add3A_2732 = arith.constant 64 : i32
    %add3A_2733 = arith.addi %mul3A_2731, %add3A_2732 : i32
    %add3A_2734 = vector.broadcast %add3A_2733 : i32 to vector<16xi32>
    %add3A_2735 = arith.addi %add3A_2734, %iota3A : vector<16xi32>
    %shift_right_arithmetic3A_2736 = arith.constant 3 : i32
    %shift_right_arithmetic3A_2737 = vector.broadcast %shift_right_arithmetic3A_2736 : i32 to vector<16xi32>
    %shift_right_arithmetic3A_2738 = arith.shrsi %get3A_2727, %shift_right_arithmetic3A_2737 : vector<16xi32>
    %shift_left3A_2739 = arith.constant 13 : i32
    %shift_left3A_2740 = vector.broadcast %shift_left3A_2739 : i32 to vector<16xi32>
    %shift_left3A_2741 = arith.shli %shift_right_arithmetic3A_2738, %shift_left3A_2740 : vector<16xi32>
    %and3A_2742 = arith.constant 7 : i32
    %and3A_2743 = vector.broadcast %and3A_2742 : i32 to vector<16xi32>
    %and3A_2744 = arith.andi %get3A_2727, %and3A_2743 : vector<16xi32>
    %shift_left3A_2745 = arith.constant 7 : i32
    %shift_left3A_2746 = vector.broadcast %shift_left3A_2745 : i32 to vector<16xi32>
    %shift_left3A_2747 = arith.shli %and3A_2744, %shift_left3A_2746 : vector<16xi32>
    %or3A_2748 = arith.ori %shift_left3A_2741, %shift_left3A_2747 : vector<16xi32>
    %or3A_2749 = arith.ori %or3A_2748, %add3A_2735 : vector<16xi32>
    %swap3A_2750 = arith.constant 1216 : index
    %swap3A_2751 = tpu.vector_load %arg9[%swap3A_2750] {strides = array<i32>} : memref<2048xi32, #tpu.memory_space<vmem>>, vector<16xi32>,
    %swap3A_2752 = vector.shape_cast %swap3A_2751 : vector<16xi32> to vector<16xi32>
    %swap3A_2753 = vector.shape_cast %or3A_2749 : vector<16xi32> to vector<16xi32>
    tpu.vector_store %arg9[%swap3A_2750], %swap3A_2753 {strides = array<i32>} : memref<2048xi32, #tpu.memory_space<vmem>>, vector<16xi32>,
    %get3A_2754 = arith.constant 1232 : index
    %get3A_2755 = tpu.vector_load %arg6[%get3A_2754] {strides = array<i32>} : memref<2048xi32, #tpu.memory_space<vmem>>, vector<16xi32>,
    %get3A_2756 = vector.shape_cast %get3A_2755 : vector<16xi32> to vector<16xi32>
    %add3A_2757 = arith.constant 1 : i32
    %add3A_2758 = arith.addi %mul3A_31, %add3A_2757 : i32
    %mul3A_2759 = arith.constant 1024 : i32
    %mul3A_2760 = arith.muli %add3A_2758, %mul3A_2759 : i32
    %add3A_2761 = arith.constant 80 : i32
    %add3A_2762 = arith.addi %mul3A_2760, %add3A_2761 : i32
    %add3A_2763 = vector.broadcast %add3A_2762 : i32 to vector<16xi32>
    %add3A_2764 = arith.addi %add3A_2763, %iota3A : vector<16xi32>
    %shift_right_arithmetic3A_2765 = arith.constant 3 : i32
    %shift_right_arithmetic3A_2766 = vector.broadcast %shift_right_arithmetic3A_2765 : i32 to vector<16xi32>
    %shift_right_arithmetic3A_2767 = arith.shrsi %get3A_2756, %shift_right_arithmetic3A_2766 : vector<16xi32>
    %shift_left3A_2768 = arith.constant 13 : i32
    %shift_left3A_2769 = vector.broadcast %shift_left3A_2768 : i32 to vector<16xi32>
    %shift_left3A_2770 = arith.shli %shift_right_arithmetic3A_2767, %shift_left3A_2769 : vector<16xi32>
    %and3A_2771 = arith.constant 7 : i32
    %and3A_2772 = vector.broadcast %and3A_2771 : i32 to vector<16xi32>
    %and3A_2773 = arith.andi %get3A_2756, %and3A_2772 : vector<16xi32>
    %shift_left3A_2774 = arith.constant 7 : i32
    %shift_left3A_2775 = vector.broadcast %shift_left3A_2774 : i32 to vector<16xi32>
    %shift_left3A_2776 = arith.shli %and3A_2773, %shift_left3A_2775 : vector<16xi32>
    %or3A_2777 = arith.ori %shift_left3A_2770, %shift_left3A_2776 : vector<16xi32>
    %or3A_2778 = arith.ori %or3A_2777, %add3A_2764 : vector<16xi32>
    %swap3A_2779 = arith.constant 1232 : index
    %swap3A_2780 = tpu.vector_load %arg9[%swap3A_2779] {strides = array<i32>} : memref<2048xi32, #tpu.memory_space<vmem>>, vector<16xi32>,
    %swap3A_2781 = vector.shape_cast %swap3A_2780 : vector<16xi32> to vector<16xi32>
    %swap3A_2782 = vector.shape_cast %or3A_2778 : vector<16xi32> to vector<16xi32>
    tpu.vector_store %arg9[%swap3A_2779], %swap3A_2782 {strides = array<i32>} : memref<2048xi32, #tpu.memory_space<vmem>>, vector<16xi32>,
    %get3A_2783 = arith.constant 1248 : index
    %get3A_2784 = tpu.vector_load %arg6[%get3A_2783] {strides = array<i32>} : memref<2048xi32, #tpu.memory_space<vmem>>, vector<16xi32>,
    %get3A_2785 = vector.shape_cast %get3A_2784 : vector<16xi32> to vector<16xi32>
    %add3A_2786 = arith.constant 1 : i32
    %add3A_2787 = arith.addi %mul3A_31, %add3A_2786 : i32
    %mul3A_2788 = arith.constant 1024 : i32
    %mul3A_2789 = arith.muli %add3A_2787, %mul3A_2788 : i32
    %add3A_2790 = arith.constant 96 : i32
    %add3A_2791 = arith.addi %mul3A_2789, %add3A_2790 : i32
    %add3A_2792 = vector.broadcast %add3A_2791 : i32 to vector<16xi32>
    %add3A_2793 = arith.addi %add3A_2792, %iota3A : vector<16xi32>
    %shift_right_arithmetic3A_2794 = arith.constant 3 : i32
    %shift_right_arithmetic3A_2795 = vector.broadcast %shift_right_arithmetic3A_2794 : i32 to vector<16xi32>
    %shift_right_arithmetic3A_2796 = arith.shrsi %get3A_2785, %shift_right_arithmetic3A_2795 : vector<16xi32>
    %shift_left3A_2797 = arith.constant 13 : i32
    %shift_left3A_2798 = vector.broadcast %shift_left3A_2797 : i32 to vector<16xi32>
    %shift_left3A_2799 = arith.shli %shift_right_arithmetic3A_2796, %shift_left3A_2798 : vector<16xi32>
    %and3A_2800 = arith.constant 7 : i32
    %and3A_2801 = vector.broadcast %and3A_2800 : i32 to vector<16xi32>
    %and3A_2802 = arith.andi %get3A_2785, %and3A_2801 : vector<16xi32>
    %shift_left3A_2803 = arith.constant 7 : i32
    %shift_left3A_2804 = vector.broadcast %shift_left3A_2803 : i32 to vector<16xi32>
    %shift_left3A_2805 = arith.shli %and3A_2802, %shift_left3A_2804 : vector<16xi32>
    %or3A_2806 = arith.ori %shift_left3A_2799, %shift_left3A_2805 : vector<16xi32>
    %or3A_2807 = arith.ori %or3A_2806, %add3A_2793 : vector<16xi32>
    %swap3A_2808 = arith.constant 1248 : index
    %swap3A_2809 = tpu.vector_load %arg9[%swap3A_2808] {strides = array<i32>} : memref<2048xi32, #tpu.memory_space<vmem>>, vector<16xi32>,
    %swap3A_2810 = vector.shape_cast %swap3A_2809 : vector<16xi32> to vector<16xi32>
    %swap3A_2811 = vector.shape_cast %or3A_2807 : vector<16xi32> to vector<16xi32>
    tpu.vector_store %arg9[%swap3A_2808], %swap3A_2811 {strides = array<i32>} : memref<2048xi32, #tpu.memory_space<vmem>>, vector<16xi32>,
    %get3A_2812 = arith.constant 1264 : index
    %get3A_2813 = tpu.vector_load %arg6[%get3A_2812] {strides = array<i32>} : memref<2048xi32, #tpu.memory_space<vmem>>, vector<16xi32>,
    %get3A_2814 = vector.shape_cast %get3A_2813 : vector<16xi32> to vector<16xi32>
    %add3A_2815 = arith.constant 1 : i32
    %add3A_2816 = arith.addi %mul3A_31, %add3A_2815 : i32
    %mul3A_2817 = arith.constant 1024 : i32
    %mul3A_2818 = arith.muli %add3A_2816, %mul3A_2817 : i32
    %add3A_2819 = arith.constant 112 : i32
    %add3A_2820 = arith.addi %mul3A_2818, %add3A_2819 : i32
    %add3A_2821 = vector.broadcast %add3A_2820 : i32 to vector<16xi32>
    %add3A_2822 = arith.addi %add3A_2821, %iota3A : vector<16xi32>
    %shift_right_arithmetic3A_2823 = arith.constant 3 : i32
    %shift_right_arithmetic3A_2824 = vector.broadcast %shift_right_arithmetic3A_2823 : i32 to vector<16xi32>
    %shift_right_arithmetic3A_2825 = arith.shrsi %get3A_2814, %shift_right_arithmetic3A_2824 : vector<16xi32>
    %shift_left3A_2826 = arith.constant 13 : i32
    %shift_left3A_2827 = vector.broadcast %shift_left3A_2826 : i32 to vector<16xi32>
    %shift_left3A_2828 = arith.shli %shift_right_arithmetic3A_2825, %shift_left3A_2827 : vector<16xi32>
    %and3A_2829 = arith.constant 7 : i32
    %and3A_2830 = vector.broadcast %and3A_2829 : i32 to vector<16xi32>
    %and3A_2831 = arith.andi %get3A_2814, %and3A_2830 : vector<16xi32>
    %shift_left3A_2832 = arith.constant 7 : i32
    %shift_left3A_2833 = vector.broadcast %shift_left3A_2832 : i32 to vector<16xi32>
    %shift_left3A_2834 = arith.shli %and3A_2831, %shift_left3A_2833 : vector<16xi32>
    %or3A_2835 = arith.ori %shift_left3A_2828, %shift_left3A_2834 : vector<16xi32>
    %or3A_2836 = arith.ori %or3A_2835, %add3A_2822 : vector<16xi32>
    %swap3A_2837 = arith.constant 1264 : index
    %swap3A_2838 = tpu.vector_load %arg9[%swap3A_2837] {strides = array<i32>} : memref<2048xi32, #tpu.memory_space<vmem>>, vector<16xi32>,
    %swap3A_2839 = vector.shape_cast %swap3A_2838 : vector<16xi32> to vector<16xi32>
    %swap3A_2840 = vector.shape_cast %or3A_2836 : vector<16xi32> to vector<16xi32>
    tpu.vector_store %arg9[%swap3A_2837], %swap3A_2840 {strides = array<i32>} : memref<2048xi32, #tpu.memory_space<vmem>>, vector<16xi32>,
    %get3A_2841 = arith.constant 1280 : index
    %get3A_2842 = tpu.vector_load %arg6[%get3A_2841] {strides = array<i32>} : memref<2048xi32, #tpu.memory_space<vmem>>, vector<16xi32>,
    %get3A_2843 = vector.shape_cast %get3A_2842 : vector<16xi32> to vector<16xi32>
    %add3A_2844 = arith.constant 1 : i32
    %add3A_2845 = arith.addi %mul3A_31, %add3A_2844 : i32
    %mul3A_2846 = arith.constant 1024 : i32
    %mul3A_2847 = arith.muli %add3A_2845, %mul3A_2846 : i32
    %add3A_2848 = arith.constant 0 : i32
    %add3A_2849 = arith.addi %mul3A_2847, %add3A_2848 : i32
    %add3A_2850 = vector.broadcast %add3A_2849 : i32 to vector<16xi32>
    %add3A_2851 = arith.addi %add3A_2850, %iota3A : vector<16xi32>
    %shift_right_arithmetic3A_2852 = arith.constant 3 : i32
    %shift_right_arithmetic3A_2853 = vector.broadcast %shift_right_arithmetic3A_2852 : i32 to vector<16xi32>
    %shift_right_arithmetic3A_2854 = arith.shrsi %get3A_2843, %shift_right_arithmetic3A_2853 : vector<16xi32>
    %shift_left3A_2855 = arith.constant 13 : i32
    %shift_left3A_2856 = vector.broadcast %shift_left3A_2855 : i32 to vector<16xi32>
    %shift_left3A_2857 = arith.shli %shift_right_arithmetic3A_2854, %shift_left3A_2856 : vector<16xi32>
    %and3A_2858 = arith.constant 7 : i32
    %and3A_2859 = vector.broadcast %and3A_2858 : i32 to vector<16xi32>
    %and3A_2860 = arith.andi %get3A_2843, %and3A_2859 : vector<16xi32>
    %shift_left3A_2861 = arith.constant 7 : i32
    %shift_left3A_2862 = vector.broadcast %shift_left3A_2861 : i32 to vector<16xi32>
    %shift_left3A_2863 = arith.shli %and3A_2860, %shift_left3A_2862 : vector<16xi32>
    %or3A_2864 = arith.ori %shift_left3A_2857, %shift_left3A_2863 : vector<16xi32>
    %or3A_2865 = arith.ori %or3A_2864, %add3A_2851 : vector<16xi32>
    %swap3A_2866 = arith.constant 1280 : index
    %swap3A_2867 = tpu.vector_load %arg9[%swap3A_2866] {strides = array<i32>} : memref<2048xi32, #tpu.memory_space<vmem>>, vector<16xi32>,
    %swap3A_2868 = vector.shape_cast %swap3A_2867 : vector<16xi32> to vector<16xi32>
    %swap3A_2869 = vector.shape_cast %or3A_2865 : vector<16xi32> to vector<16xi32>
    tpu.vector_store %arg9[%swap3A_2866], %swap3A_2869 {strides = array<i32>} : memref<2048xi32, #tpu.memory_space<vmem>>, vector<16xi32>,
    %get3A_2870 = arith.constant 1296 : index
    %get3A_2871 = tpu.vector_load %arg6[%get3A_2870] {strides = array<i32>} : memref<2048xi32, #tpu.memory_space<vmem>>, vector<16xi32>,
    %get3A_2872 = vector.shape_cast %get3A_2871 : vector<16xi32> to vector<16xi32>
    %add3A_2873 = arith.constant 1 : i32
    %add3A_2874 = arith.addi %mul3A_31, %add3A_2873 : i32
    %mul3A_2875 = arith.constant 1024 : i32
    %mul3A_2876 = arith.muli %add3A_2874, %mul3A_2875 : i32
    %add3A_2877 = arith.constant 16 : i32
    %add3A_2878 = arith.addi %mul3A_2876, %add3A_2877 : i32
    %add3A_2879 = vector.broadcast %add3A_2878 : i32 to vector<16xi32>
    %add3A_2880 = arith.addi %add3A_2879, %iota3A : vector<16xi32>
    %shift_right_arithmetic3A_2881 = arith.constant 3 : i32
    %shift_right_arithmetic3A_2882 = vector.broadcast %shift_right_arithmetic3A_2881 : i32 to vector<16xi32>
    %shift_right_arithmetic3A_2883 = arith.shrsi %get3A_2872, %shift_right_arithmetic3A_2882 : vector<16xi32>
    %shift_left3A_2884 = arith.constant 13 : i32
    %shift_left3A_2885 = vector.broadcast %shift_left3A_2884 : i32 to vector<16xi32>
    %shift_left3A_2886 = arith.shli %shift_right_arithmetic3A_2883, %shift_left3A_2885 : vector<16xi32>
    %and3A_2887 = arith.constant 7 : i32
    %and3A_2888 = vector.broadcast %and3A_2887 : i32 to vector<16xi32>
    %and3A_2889 = arith.andi %get3A_2872, %and3A_2888 : vector<16xi32>
    %shift_left3A_2890 = arith.constant 7 : i32
    %shift_left3A_2891 = vector.broadcast %shift_left3A_2890 : i32 to vector<16xi32>
    %shift_left3A_2892 = arith.shli %and3A_2889, %shift_left3A_2891 : vector<16xi32>
    %or3A_2893 = arith.ori %shift_left3A_2886, %shift_left3A_2892 : vector<16xi32>
    %or3A_2894 = arith.ori %or3A_2893, %add3A_2880 : vector<16xi32>
    %swap3A_2895 = arith.constant 1296 : index
    %swap3A_2896 = tpu.vector_load %arg9[%swap3A_2895] {strides = array<i32>} : memref<2048xi32, #tpu.memory_space<vmem>>, vector<16xi32>,
    %swap3A_2897 = vector.shape_cast %swap3A_2896 : vector<16xi32> to vector<16xi32>
    %swap3A_2898 = vector.shape_cast %or3A_2894 : vector<16xi32> to vector<16xi32>
    tpu.vector_store %arg9[%swap3A_2895], %swap3A_2898 {strides = array<i32>} : memref<2048xi32, #tpu.memory_space<vmem>>, vector<16xi32>,
    %get3A_2899 = arith.constant 1312 : index
    %get3A_2900 = tpu.vector_load %arg6[%get3A_2899] {strides = array<i32>} : memref<2048xi32, #tpu.memory_space<vmem>>, vector<16xi32>,
    %get3A_2901 = vector.shape_cast %get3A_2900 : vector<16xi32> to vector<16xi32>
    %add3A_2902 = arith.constant 1 : i32
    %add3A_2903 = arith.addi %mul3A_31, %add3A_2902 : i32
    %mul3A_2904 = arith.constant 1024 : i32
    %mul3A_2905 = arith.muli %add3A_2903, %mul3A_2904 : i32
    %add3A_2906 = arith.constant 32 : i32
    %add3A_2907 = arith.addi %mul3A_2905, %add3A_2906 : i32
    %add3A_2908 = vector.broadcast %add3A_2907 : i32 to vector<16xi32>
    %add3A_2909 = arith.addi %add3A_2908, %iota3A : vector<16xi32>
    %shift_right_arithmetic3A_2910 = arith.constant 3 : i32
    %shift_right_arithmetic3A_2911 = vector.broadcast %shift_right_arithmetic3A_2910 : i32 to vector<16xi32>
    %shift_right_arithmetic3A_2912 = arith.shrsi %get3A_2901, %shift_right_arithmetic3A_2911 : vector<16xi32>
    %shift_left3A_2913 = arith.constant 13 : i32
    %shift_left3A_2914 = vector.broadcast %shift_left3A_2913 : i32 to vector<16xi32>
    %shift_left3A_2915 = arith.shli %shift_right_arithmetic3A_2912, %shift_left3A_2914 : vector<16xi32>
    %and3A_2916 = arith.constant 7 : i32
    %and3A_2917 = vector.broadcast %and3A_2916 : i32 to vector<16xi32>
    %and3A_2918 = arith.andi %get3A_2901, %and3A_2917 : vector<16xi32>
    %shift_left3A_2919 = arith.constant 7 : i32
    %shift_left3A_2920 = vector.broadcast %shift_left3A_2919 : i32 to vector<16xi32>
    %shift_left3A_2921 = arith.shli %and3A_2918, %shift_left3A_2920 : vector<16xi32>
    %or3A_2922 = arith.ori %shift_left3A_2915, %shift_left3A_2921 : vector<16xi32>
    %or3A_2923 = arith.ori %or3A_2922, %add3A_2909 : vector<16xi32>
    %swap3A_2924 = arith.constant 1312 : index
    %swap3A_2925 = tpu.vector_load %arg9[%swap3A_2924] {strides = array<i32>} : memref<2048xi32, #tpu.memory_space<vmem>>, vector<16xi32>,
    %swap3A_2926 = vector.shape_cast %swap3A_2925 : vector<16xi32> to vector<16xi32>
    %swap3A_2927 = vector.shape_cast %or3A_2923 : vector<16xi32> to vector<16xi32>
    tpu.vector_store %arg9[%swap3A_2924], %swap3A_2927 {strides = array<i32>} : memref<2048xi32, #tpu.memory_space<vmem>>, vector<16xi32>,
    %get3A_2928 = arith.constant 1328 : index
    %get3A_2929 = tpu.vector_load %arg6[%get3A_2928] {strides = array<i32>} : memref<2048xi32, #tpu.memory_space<vmem>>, vector<16xi32>,
    %get3A_2930 = vector.shape_cast %get3A_2929 : vector<16xi32> to vector<16xi32>
    %add3A_2931 = arith.constant 1 : i32
    %add3A_2932 = arith.addi %mul3A_31, %add3A_2931 : i32
    %mul3A_2933 = arith.constant 1024 : i32
    %mul3A_2934 = arith.muli %add3A_2932, %mul3A_2933 : i32
    %add3A_2935 = arith.constant 48 : i32
    %add3A_2936 = arith.addi %mul3A_2934, %add3A_2935 : i32
    %add3A_2937 = vector.broadcast %add3A_2936 : i32 to vector<16xi32>
    %add3A_2938 = arith.addi %add3A_2937, %iota3A : vector<16xi32>
    %shift_right_arithmetic3A_2939 = arith.constant 3 : i32
    %shift_right_arithmetic3A_2940 = vector.broadcast %shift_right_arithmetic3A_2939 : i32 to vector<16xi32>
    %shift_right_arithmetic3A_2941 = arith.shrsi %get3A_2930, %shift_right_arithmetic3A_2940 : vector<16xi32>
    %shift_left3A_2942 = arith.constant 13 : i32
    %shift_left3A_2943 = vector.broadcast %shift_left3A_2942 : i32 to vector<16xi32>
    %shift_left3A_2944 = arith.shli %shift_right_arithmetic3A_2941, %shift_left3A_2943 : vector<16xi32>
    %and3A_2945 = arith.constant 7 : i32
    %and3A_2946 = vector.broadcast %and3A_2945 : i32 to vector<16xi32>
    %and3A_2947 = arith.andi %get3A_2930, %and3A_2946 : vector<16xi32>
    %shift_left3A_2948 = arith.constant 7 : i32
    %shift_left3A_2949 = vector.broadcast %shift_left3A_2948 : i32 to vector<16xi32>
    %shift_left3A_2950 = arith.shli %and3A_2947, %shift_left3A_2949 : vector<16xi32>
    %or3A_2951 = arith.ori %shift_left3A_2944, %shift_left3A_2950 : vector<16xi32>
    %or3A_2952 = arith.ori %or3A_2951, %add3A_2938 : vector<16xi32>
    %swap3A_2953 = arith.constant 1328 : index
    %swap3A_2954 = tpu.vector_load %arg9[%swap3A_2953] {strides = array<i32>} : memref<2048xi32, #tpu.memory_space<vmem>>, vector<16xi32>,
    %swap3A_2955 = vector.shape_cast %swap3A_2954 : vector<16xi32> to vector<16xi32>
    %swap3A_2956 = vector.shape_cast %or3A_2952 : vector<16xi32> to vector<16xi32>
    tpu.vector_store %arg9[%swap3A_2953], %swap3A_2956 {strides = array<i32>} : memref<2048xi32, #tpu.memory_space<vmem>>, vector<16xi32>,
    %get3A_2957 = arith.constant 1344 : index
    %get3A_2958 = tpu.vector_load %arg6[%get3A_2957] {strides = array<i32>} : memref<2048xi32, #tpu.memory_space<vmem>>, vector<16xi32>,
    %get3A_2959 = vector.shape_cast %get3A_2958 : vector<16xi32> to vector<16xi32>
    %add3A_2960 = arith.constant 1 : i32
    %add3A_2961 = arith.addi %mul3A_31, %add3A_2960 : i32
    %mul3A_2962 = arith.constant 1024 : i32
    %mul3A_2963 = arith.muli %add3A_2961, %mul3A_2962 : i32
    %add3A_2964 = arith.constant 64 : i32
    %add3A_2965 = arith.addi %mul3A_2963, %add3A_2964 : i32
    %add3A_2966 = vector.broadcast %add3A_2965 : i32 to vector<16xi32>
    %add3A_2967 = arith.addi %add3A_2966, %iota3A : vector<16xi32>
    %shift_right_arithmetic3A_2968 = arith.constant 3 : i32
    %shift_right_arithmetic3A_2969 = vector.broadcast %shift_right_arithmetic3A_2968 : i32 to vector<16xi32>
    %shift_right_arithmetic3A_2970 = arith.shrsi %get3A_2959, %shift_right_arithmetic3A_2969 : vector<16xi32>
    %shift_left3A_2971 = arith.constant 13 : i32
    %shift_left3A_2972 = vector.broadcast %shift_left3A_2971 : i32 to vector<16xi32>
    %shift_left3A_2973 = arith.shli %shift_right_arithmetic3A_2970, %shift_left3A_2972 : vector<16xi32>
    %and3A_2974 = arith.constant 7 : i32
    %and3A_2975 = vector.broadcast %and3A_2974 : i32 to vector<16xi32>
    %and3A_2976 = arith.andi %get3A_2959, %and3A_2975 : vector<16xi32>
    %shift_left3A_2977 = arith.constant 7 : i32
    %shift_left3A_2978 = vector.broadcast %shift_left3A_2977 : i32 to vector<16xi32>
    %shift_left3A_2979 = arith.shli %and3A_2976, %shift_left3A_2978 : vector<16xi32>
    %or3A_2980 = arith.ori %shift_left3A_2973, %shift_left3A_2979 : vector<16xi32>
    %or3A_2981 = arith.ori %or3A_2980, %add3A_2967 : vector<16xi32>
    %swap3A_2982 = arith.constant 1344 : index
    %swap3A_2983 = tpu.vector_load %arg9[%swap3A_2982] {strides = array<i32>} : memref<2048xi32, #tpu.memory_space<vmem>>, vector<16xi32>,
    %swap3A_2984 = vector.shape_cast %swap3A_2983 : vector<16xi32> to vector<16xi32>
    %swap3A_2985 = vector.shape_cast %or3A_2981 : vector<16xi32> to vector<16xi32>
    tpu.vector_store %arg9[%swap3A_2982], %swap3A_2985 {strides = array<i32>} : memref<2048xi32, #tpu.memory_space<vmem>>, vector<16xi32>,
    %get3A_2986 = arith.constant 1360 : index
    %get3A_2987 = tpu.vector_load %arg6[%get3A_2986] {strides = array<i32>} : memref<2048xi32, #tpu.memory_space<vmem>>, vector<16xi32>,
    %get3A_2988 = vector.shape_cast %get3A_2987 : vector<16xi32> to vector<16xi32>
    %add3A_2989 = arith.constant 1 : i32
    %add3A_2990 = arith.addi %mul3A_31, %add3A_2989 : i32
    %mul3A_2991 = arith.constant 1024 : i32
    %mul3A_2992 = arith.muli %add3A_2990, %mul3A_2991 : i32
    %add3A_2993 = arith.constant 80 : i32
    %add3A_2994 = arith.addi %mul3A_2992, %add3A_2993 : i32
    %add3A_2995 = vector.broadcast %add3A_2994 : i32 to vector<16xi32>
    %add3A_2996 = arith.addi %add3A_2995, %iota3A : vector<16xi32>
    %shift_right_arithmetic3A_2997 = arith.constant 3 : i32
    %shift_right_arithmetic3A_2998 = vector.broadcast %shift_right_arithmetic3A_2997 : i32 to vector<16xi32>
    %shift_right_arithmetic3A_2999 = arith.shrsi %get3A_2988, %shift_right_arithmetic3A_2998 : vector<16xi32>
    %shift_left3A_3000 = arith.constant 13 : i32
    %shift_left3A_3001 = vector.broadcast %shift_left3A_3000 : i32 to vector<16xi32>
    %shift_left3A_3002 = arith.shli %shift_right_arithmetic3A_2999, %shift_left3A_3001 : vector<16xi32>
    %and3A_3003 = arith.constant 7 : i32
    %and3A_3004 = vector.broadcast %and3A_3003 : i32 to vector<16xi32>
    %and3A_3005 = arith.andi %get3A_2988, %and3A_3004 : vector<16xi32>
    %shift_left3A_3006 = arith.constant 7 : i32
    %shift_left3A_3007 = vector.broadcast %shift_left3A_3006 : i32 to vector<16xi32>
    %shift_left3A_3008 = arith.shli %and3A_3005, %shift_left3A_3007 : vector<16xi32>
    %or3A_3009 = arith.ori %shift_left3A_3002, %shift_left3A_3008 : vector<16xi32>
    %or3A_3010 = arith.ori %or3A_3009, %add3A_2996 : vector<16xi32>
    %swap3A_3011 = arith.constant 1360 : index
    %swap3A_3012 = tpu.vector_load %arg9[%swap3A_3011] {strides = array<i32>} : memref<2048xi32, #tpu.memory_space<vmem>>, vector<16xi32>,
    %swap3A_3013 = vector.shape_cast %swap3A_3012 : vector<16xi32> to vector<16xi32>
    %swap3A_3014 = vector.shape_cast %or3A_3010 : vector<16xi32> to vector<16xi32>
    tpu.vector_store %arg9[%swap3A_3011], %swap3A_3014 {strides = array<i32>} : memref<2048xi32, #tpu.memory_space<vmem>>, vector<16xi32>,
    %get3A_3015 = arith.constant 1376 : index
    %get3A_3016 = tpu.vector_load %arg6[%get3A_3015] {strides = array<i32>} : memref<2048xi32, #tpu.memory_space<vmem>>, vector<16xi32>,
    %get3A_3017 = vector.shape_cast %get3A_3016 : vector<16xi32> to vector<16xi32>
    %add3A_3018 = arith.constant 1 : i32
    %add3A_3019 = arith.addi %mul3A_31, %add3A_3018 : i32
    %mul3A_3020 = arith.constant 1024 : i32
    %mul3A_3021 = arith.muli %add3A_3019, %mul3A_3020 : i32
    %add3A_3022 = arith.constant 96 : i32
    %add3A_3023 = arith.addi %mul3A_3021, %add3A_3022 : i32
    %add3A_3024 = vector.broadcast %add3A_3023 : i32 to vector<16xi32>
    %add3A_3025 = arith.addi %add3A_3024, %iota3A : vector<16xi32>
    %shift_right_arithmetic3A_3026 = arith.constant 3 : i32
    %shift_right_arithmetic3A_3027 = vector.broadcast %shift_right_arithmetic3A_3026 : i32 to vector<16xi32>
    %shift_right_arithmetic3A_3028 = arith.shrsi %get3A_3017, %shift_right_arithmetic3A_3027 : vector<16xi32>
    %shift_left3A_3029 = arith.constant 13 : i32
    %shift_left3A_3030 = vector.broadcast %shift_left3A_3029 : i32 to vector<16xi32>
    %shift_left3A_3031 = arith.shli %shift_right_arithmetic3A_3028, %shift_left3A_3030 : vector<16xi32>
    %and3A_3032 = arith.constant 7 : i32
    %and3A_3033 = vector.broadcast %and3A_3032 : i32 to vector<16xi32>
    %and3A_3034 = arith.andi %get3A_3017, %and3A_3033 : vector<16xi32>
    %shift_left3A_3035 = arith.constant 7 : i32
    %shift_left3A_3036 = vector.broadcast %shift_left3A_3035 : i32 to vector<16xi32>
    %shift_left3A_3037 = arith.shli %and3A_3034, %shift_left3A_3036 : vector<16xi32>
    %or3A_3038 = arith.ori %shift_left3A_3031, %shift_left3A_3037 : vector<16xi32>
    %or3A_3039 = arith.ori %or3A_3038, %add3A_3025 : vector<16xi32>
    %swap3A_3040 = arith.constant 1376 : index
    %swap3A_3041 = tpu.vector_load %arg9[%swap3A_3040] {strides = array<i32>} : memref<2048xi32, #tpu.memory_space<vmem>>, vector<16xi32>,
    %swap3A_3042 = vector.shape_cast %swap3A_3041 : vector<16xi32> to vector<16xi32>
    %swap3A_3043 = vector.shape_cast %or3A_3039 : vector<16xi32> to vector<16xi32>
    tpu.vector_store %arg9[%swap3A_3040], %swap3A_3043 {strides = array<i32>} : memref<2048xi32, #tpu.memory_space<vmem>>, vector<16xi32>,
    %get3A_3044 = arith.constant 1392 : index
    %get3A_3045 = tpu.vector_load %arg6[%get3A_3044] {strides = array<i32>} : memref<2048xi32, #tpu.memory_space<vmem>>, vector<16xi32>,
    %get3A_3046 = vector.shape_cast %get3A_3045 : vector<16xi32> to vector<16xi32>
    %add3A_3047 = arith.constant 1 : i32
    %add3A_3048 = arith.addi %mul3A_31, %add3A_3047 : i32
    %mul3A_3049 = arith.constant 1024 : i32
    %mul3A_3050 = arith.muli %add3A_3048, %mul3A_3049 : i32
    %add3A_3051 = arith.constant 112 : i32
    %add3A_3052 = arith.addi %mul3A_3050, %add3A_3051 : i32
    %add3A_3053 = vector.broadcast %add3A_3052 : i32 to vector<16xi32>
    %add3A_3054 = arith.addi %add3A_3053, %iota3A : vector<16xi32>
    %shift_right_arithmetic3A_3055 = arith.constant 3 : i32
    %shift_right_arithmetic3A_3056 = vector.broadcast %shift_right_arithmetic3A_3055 : i32 to vector<16xi32>
    %shift_right_arithmetic3A_3057 = arith.shrsi %get3A_3046, %shift_right_arithmetic3A_3056 : vector<16xi32>
    %shift_left3A_3058 = arith.constant 13 : i32
    %shift_left3A_3059 = vector.broadcast %shift_left3A_3058 : i32 to vector<16xi32>
    %shift_left3A_3060 = arith.shli %shift_right_arithmetic3A_3057, %shift_left3A_3059 : vector<16xi32>
    %and3A_3061 = arith.constant 7 : i32
    %and3A_3062 = vector.broadcast %and3A_3061 : i32 to vector<16xi32>
    %and3A_3063 = arith.andi %get3A_3046, %and3A_3062 : vector<16xi32>
    %shift_left3A_3064 = arith.constant 7 : i32
    %shift_left3A_3065 = vector.broadcast %shift_left3A_3064 : i32 to vector<16xi32>
    %shift_left3A_3066 = arith.shli %and3A_3063, %shift_left3A_3065 : vector<16xi32>
    %or3A_3067 = arith.ori %shift_left3A_3060, %shift_left3A_3066 : vector<16xi32>
    %or3A_3068 = arith.ori %or3A_3067, %add3A_3054 : vector<16xi32>
    %swap3A_3069 = arith.constant 1392 : index
    %swap3A_3070 = tpu.vector_load %arg9[%swap3A_3069] {strides = array<i32>} : memref<2048xi32, #tpu.memory_space<vmem>>, vector<16xi32>,
    %swap3A_3071 = vector.shape_cast %swap3A_3070 : vector<16xi32> to vector<16xi32>
    %swap3A_3072 = vector.shape_cast %or3A_3068 : vector<16xi32> to vector<16xi32>
    tpu.vector_store %arg9[%swap3A_3069], %swap3A_3072 {strides = array<i32>} : memref<2048xi32, #tpu.memory_space<vmem>>, vector<16xi32>,
    %get3A_3073 = arith.constant 1408 : index
    %get3A_3074 = tpu.vector_load %arg6[%get3A_3073] {strides = array<i32>} : memref<2048xi32, #tpu.memory_space<vmem>>, vector<16xi32>,
    %get3A_3075 = vector.shape_cast %get3A_3074 : vector<16xi32> to vector<16xi32>
    %add3A_3076 = arith.constant 1 : i32
    %add3A_3077 = arith.addi %mul3A_31, %add3A_3076 : i32
    %mul3A_3078 = arith.constant 1024 : i32
    %mul3A_3079 = arith.muli %add3A_3077, %mul3A_3078 : i32
    %add3A_3080 = arith.constant 0 : i32
    %add3A_3081 = arith.addi %mul3A_3079, %add3A_3080 : i32
    %add3A_3082 = vector.broadcast %add3A_3081 : i32 to vector<16xi32>
    %add3A_3083 = arith.addi %add3A_3082, %iota3A : vector<16xi32>
    %shift_right_arithmetic3A_3084 = arith.constant 3 : i32
    %shift_right_arithmetic3A_3085 = vector.broadcast %shift_right_arithmetic3A_3084 : i32 to vector<16xi32>
    %shift_right_arithmetic3A_3086 = arith.shrsi %get3A_3075, %shift_right_arithmetic3A_3085 : vector<16xi32>
    %shift_left3A_3087 = arith.constant 13 : i32
    %shift_left3A_3088 = vector.broadcast %shift_left3A_3087 : i32 to vector<16xi32>
    %shift_left3A_3089 = arith.shli %shift_right_arithmetic3A_3086, %shift_left3A_3088 : vector<16xi32>
    %and3A_3090 = arith.constant 7 : i32
    %and3A_3091 = vector.broadcast %and3A_3090 : i32 to vector<16xi32>
    %and3A_3092 = arith.andi %get3A_3075, %and3A_3091 : vector<16xi32>
    %shift_left3A_3093 = arith.constant 7 : i32
    %shift_left3A_3094 = vector.broadcast %shift_left3A_3093 : i32 to vector<16xi32>
    %shift_left3A_3095 = arith.shli %and3A_3092, %shift_left3A_3094 : vector<16xi32>
    %or3A_3096 = arith.ori %shift_left3A_3089, %shift_left3A_3095 : vector<16xi32>
    %or3A_3097 = arith.ori %or3A_3096, %add3A_3083 : vector<16xi32>
    %swap3A_3098 = arith.constant 1408 : index
    %swap3A_3099 = tpu.vector_load %arg9[%swap3A_3098] {strides = array<i32>} : memref<2048xi32, #tpu.memory_space<vmem>>, vector<16xi32>,
    %swap3A_3100 = vector.shape_cast %swap3A_3099 : vector<16xi32> to vector<16xi32>
    %swap3A_3101 = vector.shape_cast %or3A_3097 : vector<16xi32> to vector<16xi32>
    tpu.vector_store %arg9[%swap3A_3098], %swap3A_3101 {strides = array<i32>} : memref<2048xi32, #tpu.memory_space<vmem>>, vector<16xi32>,
    %get3A_3102 = arith.constant 1424 : index
    %get3A_3103 = tpu.vector_load %arg6[%get3A_3102] {strides = array<i32>} : memref<2048xi32, #tpu.memory_space<vmem>>, vector<16xi32>,
    %get3A_3104 = vector.shape_cast %get3A_3103 : vector<16xi32> to vector<16xi32>
    %add3A_3105 = arith.constant 1 : i32
    %add3A_3106 = arith.addi %mul3A_31, %add3A_3105 : i32
    %mul3A_3107 = arith.constant 1024 : i32
    %mul3A_3108 = arith.muli %add3A_3106, %mul3A_3107 : i32
    %add3A_3109 = arith.constant 16 : i32
    %add3A_3110 = arith.addi %mul3A_3108, %add3A_3109 : i32
    %add3A_3111 = vector.broadcast %add3A_3110 : i32 to vector<16xi32>
    %add3A_3112 = arith.addi %add3A_3111, %iota3A : vector<16xi32>
    %shift_right_arithmetic3A_3113 = arith.constant 3 : i32
    %shift_right_arithmetic3A_3114 = vector.broadcast %shift_right_arithmetic3A_3113 : i32 to vector<16xi32>
    %shift_right_arithmetic3A_3115 = arith.shrsi %get3A_3104, %shift_right_arithmetic3A_3114 : vector<16xi32>
    %shift_left3A_3116 = arith.constant 13 : i32
    %shift_left3A_3117 = vector.broadcast %shift_left3A_3116 : i32 to vector<16xi32>
    %shift_left3A_3118 = arith.shli %shift_right_arithmetic3A_3115, %shift_left3A_3117 : vector<16xi32>
    %and3A_3119 = arith.constant 7 : i32
    %and3A_3120 = vector.broadcast %and3A_3119 : i32 to vector<16xi32>
    %and3A_3121 = arith.andi %get3A_3104, %and3A_3120 : vector<16xi32>
    %shift_left3A_3122 = arith.constant 7 : i32
    %shift_left3A_3123 = vector.broadcast %shift_left3A_3122 : i32 to vector<16xi32>
    %shift_left3A_3124 = arith.shli %and3A_3121, %shift_left3A_3123 : vector<16xi32>
    %or3A_3125 = arith.ori %shift_left3A_3118, %shift_left3A_3124 : vector<16xi32>
    %or3A_3126 = arith.ori %or3A_3125, %add3A_3112 : vector<16xi32>
    %swap3A_3127 = arith.constant 1424 : index
    %swap3A_3128 = tpu.vector_load %arg9[%swap3A_3127] {strides = array<i32>} : memref<2048xi32, #tpu.memory_space<vmem>>, vector<16xi32>,
    %swap3A_3129 = vector.shape_cast %swap3A_3128 : vector<16xi32> to vector<16xi32>
    %swap3A_3130 = vector.shape_cast %or3A_3126 : vector<16xi32> to vector<16xi32>
    tpu.vector_store %arg9[%swap3A_3127], %swap3A_3130 {strides = array<i32>} : memref<2048xi32, #tpu.memory_space<vmem>>, vector<16xi32>,
    %get3A_3131 = arith.constant 1440 : index
    %get3A_3132 = tpu.vector_load %arg6[%get3A_3131] {strides = array<i32>} : memref<2048xi32, #tpu.memory_space<vmem>>, vector<16xi32>,
    %get3A_3133 = vector.shape_cast %get3A_3132 : vector<16xi32> to vector<16xi32>
    %add3A_3134 = arith.constant 1 : i32
    %add3A_3135 = arith.addi %mul3A_31, %add3A_3134 : i32
    %mul3A_3136 = arith.constant 1024 : i32
    %mul3A_3137 = arith.muli %add3A_3135, %mul3A_3136 : i32
    %add3A_3138 = arith.constant 32 : i32
    %add3A_3139 = arith.addi %mul3A_3137, %add3A_3138 : i32
    %add3A_3140 = vector.broadcast %add3A_3139 : i32 to vector<16xi32>
    %add3A_3141 = arith.addi %add3A_3140, %iota3A : vector<16xi32>
    %shift_right_arithmetic3A_3142 = arith.constant 3 : i32
    %shift_right_arithmetic3A_3143 = vector.broadcast %shift_right_arithmetic3A_3142 : i32 to vector<16xi32>
    %shift_right_arithmetic3A_3144 = arith.shrsi %get3A_3133, %shift_right_arithmetic3A_3143 : vector<16xi32>
    %shift_left3A_3145 = arith.constant 13 : i32
    %shift_left3A_3146 = vector.broadcast %shift_left3A_3145 : i32 to vector<16xi32>
    %shift_left3A_3147 = arith.shli %shift_right_arithmetic3A_3144, %shift_left3A_3146 : vector<16xi32>
    %and3A_3148 = arith.constant 7 : i32
    %and3A_3149 = vector.broadcast %and3A_3148 : i32 to vector<16xi32>
    %and3A_3150 = arith.andi %get3A_3133, %and3A_3149 : vector<16xi32>
    %shift_left3A_3151 = arith.constant 7 : i32
    %shift_left3A_3152 = vector.broadcast %shift_left3A_3151 : i32 to vector<16xi32>
    %shift_left3A_3153 = arith.shli %and3A_3150, %shift_left3A_3152 : vector<16xi32>
    %or3A_3154 = arith.ori %shift_left3A_3147, %shift_left3A_3153 : vector<16xi32>
    %or3A_3155 = arith.ori %or3A_3154, %add3A_3141 : vector<16xi32>
    %swap3A_3156 = arith.constant 1440 : index
    %swap3A_3157 = tpu.vector_load %arg9[%swap3A_3156] {strides = array<i32>} : memref<2048xi32, #tpu.memory_space<vmem>>, vector<16xi32>,
    %swap3A_3158 = vector.shape_cast %swap3A_3157 : vector<16xi32> to vector<16xi32>
    %swap3A_3159 = vector.shape_cast %or3A_3155 : vector<16xi32> to vector<16xi32>
    tpu.vector_store %arg9[%swap3A_3156], %swap3A_3159 {strides = array<i32>} : memref<2048xi32, #tpu.memory_space<vmem>>, vector<16xi32>,
    %get3A_3160 = arith.constant 1456 : index
    %get3A_3161 = tpu.vector_load %arg6[%get3A_3160] {strides = array<i32>} : memref<2048xi32, #tpu.memory_space<vmem>>, vector<16xi32>,
    %get3A_3162 = vector.shape_cast %get3A_3161 : vector<16xi32> to vector<16xi32>
    %add3A_3163 = arith.constant 1 : i32
    %add3A_3164 = arith.addi %mul3A_31, %add3A_3163 : i32
    %mul3A_3165 = arith.constant 1024 : i32
    %mul3A_3166 = arith.muli %add3A_3164, %mul3A_3165 : i32
    %add3A_3167 = arith.constant 48 : i32
    %add3A_3168 = arith.addi %mul3A_3166, %add3A_3167 : i32
    %add3A_3169 = vector.broadcast %add3A_3168 : i32 to vector<16xi32>
    %add3A_3170 = arith.addi %add3A_3169, %iota3A : vector<16xi32>
    %shift_right_arithmetic3A_3171 = arith.constant 3 : i32
    %shift_right_arithmetic3A_3172 = vector.broadcast %shift_right_arithmetic3A_3171 : i32 to vector<16xi32>
    %shift_right_arithmetic3A_3173 = arith.shrsi %get3A_3162, %shift_right_arithmetic3A_3172 : vector<16xi32>
    %shift_left3A_3174 = arith.constant 13 : i32
    %shift_left3A_3175 = vector.broadcast %shift_left3A_3174 : i32 to vector<16xi32>
    %shift_left3A_3176 = arith.shli %shift_right_arithmetic3A_3173, %shift_left3A_3175 : vector<16xi32>
    %and3A_3177 = arith.constant 7 : i32
    %and3A_3178 = vector.broadcast %and3A_3177 : i32 to vector<16xi32>
    %and3A_3179 = arith.andi %get3A_3162, %and3A_3178 : vector<16xi32>
    %shift_left3A_3180 = arith.constant 7 : i32
    %shift_left3A_3181 = vector.broadcast %shift_left3A_3180 : i32 to vector<16xi32>
    %shift_left3A_3182 = arith.shli %and3A_3179, %shift_left3A_3181 : vector<16xi32>
    %or3A_3183 = arith.ori %shift_left3A_3176, %shift_left3A_3182 : vector<16xi32>
    %or3A_3184 = arith.ori %or3A_3183, %add3A_3170 : vector<16xi32>
    %swap3A_3185 = arith.constant 1456 : index
    %swap3A_3186 = tpu.vector_load %arg9[%swap3A_3185] {strides = array<i32>} : memref<2048xi32, #tpu.memory_space<vmem>>, vector<16xi32>,
    %swap3A_3187 = vector.shape_cast %swap3A_3186 : vector<16xi32> to vector<16xi32>
    %swap3A_3188 = vector.shape_cast %or3A_3184 : vector<16xi32> to vector<16xi32>
    tpu.vector_store %arg9[%swap3A_3185], %swap3A_3188 {strides = array<i32>} : memref<2048xi32, #tpu.memory_space<vmem>>, vector<16xi32>,
    %get3A_3189 = arith.constant 1472 : index
    %get3A_3190 = tpu.vector_load %arg6[%get3A_3189] {strides = array<i32>} : memref<2048xi32, #tpu.memory_space<vmem>>, vector<16xi32>,
    %get3A_3191 = vector.shape_cast %get3A_3190 : vector<16xi32> to vector<16xi32>
    %add3A_3192 = arith.constant 1 : i32
    %add3A_3193 = arith.addi %mul3A_31, %add3A_3192 : i32
    %mul3A_3194 = arith.constant 1024 : i32
    %mul3A_3195 = arith.muli %add3A_3193, %mul3A_3194 : i32
    %add3A_3196 = arith.constant 64 : i32
    %add3A_3197 = arith.addi %mul3A_3195, %add3A_3196 : i32
    %add3A_3198 = vector.broadcast %add3A_3197 : i32 to vector<16xi32>
    %add3A_3199 = arith.addi %add3A_3198, %iota3A : vector<16xi32>
    %shift_right_arithmetic3A_3200 = arith.constant 3 : i32
    %shift_right_arithmetic3A_3201 = vector.broadcast %shift_right_arithmetic3A_3200 : i32 to vector<16xi32>
    %shift_right_arithmetic3A_3202 = arith.shrsi %get3A_3191, %shift_right_arithmetic3A_3201 : vector<16xi32>
    %shift_left3A_3203 = arith.constant 13 : i32
    %shift_left3A_3204 = vector.broadcast %shift_left3A_3203 : i32 to vector<16xi32>
    %shift_left3A_3205 = arith.shli %shift_right_arithmetic3A_3202, %shift_left3A_3204 : vector<16xi32>
    %and3A_3206 = arith.constant 7 : i32
    %and3A_3207 = vector.broadcast %and3A_3206 : i32 to vector<16xi32>
    %and3A_3208 = arith.andi %get3A_3191, %and3A_3207 : vector<16xi32>
    %shift_left3A_3209 = arith.constant 7 : i32
    %shift_left3A_3210 = vector.broadcast %shift_left3A_3209 : i32 to vector<16xi32>
    %shift_left3A_3211 = arith.shli %and3A_3208, %shift_left3A_3210 : vector<16xi32>
    %or3A_3212 = arith.ori %shift_left3A_3205, %shift_left3A_3211 : vector<16xi32>
    %or3A_3213 = arith.ori %or3A_3212, %add3A_3199 : vector<16xi32>
    %swap3A_3214 = arith.constant 1472 : index
    %swap3A_3215 = tpu.vector_load %arg9[%swap3A_3214] {strides = array<i32>} : memref<2048xi32, #tpu.memory_space<vmem>>, vector<16xi32>,
    %swap3A_3216 = vector.shape_cast %swap3A_3215 : vector<16xi32> to vector<16xi32>
    %swap3A_3217 = vector.shape_cast %or3A_3213 : vector<16xi32> to vector<16xi32>
    tpu.vector_store %arg9[%swap3A_3214], %swap3A_3217 {strides = array<i32>} : memref<2048xi32, #tpu.memory_space<vmem>>, vector<16xi32>,
    %get3A_3218 = arith.constant 1488 : index
    %get3A_3219 = tpu.vector_load %arg6[%get3A_3218] {strides = array<i32>} : memref<2048xi32, #tpu.memory_space<vmem>>, vector<16xi32>,
    %get3A_3220 = vector.shape_cast %get3A_3219 : vector<16xi32> to vector<16xi32>
    %add3A_3221 = arith.constant 1 : i32
    %add3A_3222 = arith.addi %mul3A_31, %add3A_3221 : i32
    %mul3A_3223 = arith.constant 1024 : i32
    %mul3A_3224 = arith.muli %add3A_3222, %mul3A_3223 : i32
    %add3A_3225 = arith.constant 80 : i32
    %add3A_3226 = arith.addi %mul3A_3224, %add3A_3225 : i32
    %add3A_3227 = vector.broadcast %add3A_3226 : i32 to vector<16xi32>
    %add3A_3228 = arith.addi %add3A_3227, %iota3A : vector<16xi32>
    %shift_right_arithmetic3A_3229 = arith.constant 3 : i32
    %shift_right_arithmetic3A_3230 = vector.broadcast %shift_right_arithmetic3A_3229 : i32 to vector<16xi32>
    %shift_right_arithmetic3A_3231 = arith.shrsi %get3A_3220, %shift_right_arithmetic3A_3230 : vector<16xi32>
    %shift_left3A_3232 = arith.constant 13 : i32
    %shift_left3A_3233 = vector.broadcast %shift_left3A_3232 : i32 to vector<16xi32>
    %shift_left3A_3234 = arith.shli %shift_right_arithmetic3A_3231, %shift_left3A_3233 : vector<16xi32>
    %and3A_3235 = arith.constant 7 : i32
    %and3A_3236 = vector.broadcast %and3A_3235 : i32 to vector<16xi32>
    %and3A_3237 = arith.andi %get3A_3220, %and3A_3236 : vector<16xi32>
    %shift_left3A_3238 = arith.constant 7 : i32
    %shift_left3A_3239 = vector.broadcast %shift_left3A_3238 : i32 to vector<16xi32>
    %shift_left3A_3240 = arith.shli %and3A_3237, %shift_left3A_3239 : vector<16xi32>
    %or3A_3241 = arith.ori %shift_left3A_3234, %shift_left3A_3240 : vector<16xi32>
    %or3A_3242 = arith.ori %or3A_3241, %add3A_3228 : vector<16xi32>
    %swap3A_3243 = arith.constant 1488 : index
    %swap3A_3244 = tpu.vector_load %arg9[%swap3A_3243] {strides = array<i32>} : memref<2048xi32, #tpu.memory_space<vmem>>, vector<16xi32>,
    %swap3A_3245 = vector.shape_cast %swap3A_3244 : vector<16xi32> to vector<16xi32>
    %swap3A_3246 = vector.shape_cast %or3A_3242 : vector<16xi32> to vector<16xi32>
    tpu.vector_store %arg9[%swap3A_3243], %swap3A_3246 {strides = array<i32>} : memref<2048xi32, #tpu.memory_space<vmem>>, vector<16xi32>,
    %get3A_3247 = arith.constant 1504 : index
    %get3A_3248 = tpu.vector_load %arg6[%get3A_3247] {strides = array<i32>} : memref<2048xi32, #tpu.memory_space<vmem>>, vector<16xi32>,
    %get3A_3249 = vector.shape_cast %get3A_3248 : vector<16xi32> to vector<16xi32>
    %add3A_3250 = arith.constant 1 : i32
    %add3A_3251 = arith.addi %mul3A_31, %add3A_3250 : i32
    %mul3A_3252 = arith.constant 1024 : i32
    %mul3A_3253 = arith.muli %add3A_3251, %mul3A_3252 : i32
    %add3A_3254 = arith.constant 96 : i32
    %add3A_3255 = arith.addi %mul3A_3253, %add3A_3254 : i32
    %add3A_3256 = vector.broadcast %add3A_3255 : i32 to vector<16xi32>
    %add3A_3257 = arith.addi %add3A_3256, %iota3A : vector<16xi32>
    %shift_right_arithmetic3A_3258 = arith.constant 3 : i32
    %shift_right_arithmetic3A_3259 = vector.broadcast %shift_right_arithmetic3A_3258 : i32 to vector<16xi32>
    %shift_right_arithmetic3A_3260 = arith.shrsi %get3A_3249, %shift_right_arithmetic3A_3259 : vector<16xi32>
    %shift_left3A_3261 = arith.constant 13 : i32
    %shift_left3A_3262 = vector.broadcast %shift_left3A_3261 : i32 to vector<16xi32>
    %shift_left3A_3263 = arith.shli %shift_right_arithmetic3A_3260, %shift_left3A_3262 : vector<16xi32>
    %and3A_3264 = arith.constant 7 : i32
    %and3A_3265 = vector.broadcast %and3A_3264 : i32 to vector<16xi32>
    %and3A_3266 = arith.andi %get3A_3249, %and3A_3265 : vector<16xi32>
    %shift_left3A_3267 = arith.constant 7 : i32
    %shift_left3A_3268 = vector.broadcast %shift_left3A_3267 : i32 to vector<16xi32>
    %shift_left3A_3269 = arith.shli %and3A_3266, %shift_left3A_3268 : vector<16xi32>
    %or3A_3270 = arith.ori %shift_left3A_3263, %shift_left3A_3269 : vector<16xi32>
    %or3A_3271 = arith.ori %or3A_3270, %add3A_3257 : vector<16xi32>
    %swap3A_3272 = arith.constant 1504 : index
    %swap3A_3273 = tpu.vector_load %arg9[%swap3A_3272] {strides = array<i32>} : memref<2048xi32, #tpu.memory_space<vmem>>, vector<16xi32>,
    %swap3A_3274 = vector.shape_cast %swap3A_3273 : vector<16xi32> to vector<16xi32>
    %swap3A_3275 = vector.shape_cast %or3A_3271 : vector<16xi32> to vector<16xi32>
    tpu.vector_store %arg9[%swap3A_3272], %swap3A_3275 {strides = array<i32>} : memref<2048xi32, #tpu.memory_space<vmem>>, vector<16xi32>,
    %get3A_3276 = arith.constant 1520 : index
    %get3A_3277 = tpu.vector_load %arg6[%get3A_3276] {strides = array<i32>} : memref<2048xi32, #tpu.memory_space<vmem>>, vector<16xi32>,
    %get3A_3278 = vector.shape_cast %get3A_3277 : vector<16xi32> to vector<16xi32>
    %add3A_3279 = arith.constant 1 : i32
    %add3A_3280 = arith.addi %mul3A_31, %add3A_3279 : i32
    %mul3A_3281 = arith.constant 1024 : i32
    %mul3A_3282 = arith.muli %add3A_3280, %mul3A_3281 : i32
    %add3A_3283 = arith.constant 112 : i32
    %add3A_3284 = arith.addi %mul3A_3282, %add3A_3283 : i32
    %add3A_3285 = vector.broadcast %add3A_3284 : i32 to vector<16xi32>
    %add3A_3286 = arith.addi %add3A_3285, %iota3A : vector<16xi32>
    %shift_right_arithmetic3A_3287 = arith.constant 3 : i32
    %shift_right_arithmetic3A_3288 = vector.broadcast %shift_right_arithmetic3A_3287 : i32 to vector<16xi32>
    %shift_right_arithmetic3A_3289 = arith.shrsi %get3A_3278, %shift_right_arithmetic3A_3288 : vector<16xi32>
    %shift_left3A_3290 = arith.constant 13 : i32
    %shift_left3A_3291 = vector.broadcast %shift_left3A_3290 : i32 to vector<16xi32>
    %shift_left3A_3292 = arith.shli %shift_right_arithmetic3A_3289, %shift_left3A_3291 : vector<16xi32>
    %and3A_3293 = arith.constant 7 : i32
    %and3A_3294 = vector.broadcast %and3A_3293 : i32 to vector<16xi32>
    %and3A_3295 = arith.andi %get3A_3278, %and3A_3294 : vector<16xi32>
    %shift_left3A_3296 = arith.constant 7 : i32
    %shift_left3A_3297 = vector.broadcast %shift_left3A_3296 : i32 to vector<16xi32>
    %shift_left3A_3298 = arith.shli %and3A_3295, %shift_left3A_3297 : vector<16xi32>
    %or3A_3299 = arith.ori %shift_left3A_3292, %shift_left3A_3298 : vector<16xi32>
    %or3A_3300 = arith.ori %or3A_3299, %add3A_3286 : vector<16xi32>
    %swap3A_3301 = arith.constant 1520 : index
    %swap3A_3302 = tpu.vector_load %arg9[%swap3A_3301] {strides = array<i32>} : memref<2048xi32, #tpu.memory_space<vmem>>, vector<16xi32>,
    %swap3A_3303 = vector.shape_cast %swap3A_3302 : vector<16xi32> to vector<16xi32>
    %swap3A_3304 = vector.shape_cast %or3A_3300 : vector<16xi32> to vector<16xi32>
    tpu.vector_store %arg9[%swap3A_3301], %swap3A_3304 {strides = array<i32>} : memref<2048xi32, #tpu.memory_space<vmem>>, vector<16xi32>,
    %dma_start3A_3305 = arith.constant 2 : i32
    %dma_start3A_3306 = arith.constant 1024 : i32
    %dma_start3A_3307 = tpu.memref_slice %arg11[%dma_start3A_3306] : memref<2048xf32, #tpu.memory_space<vmem>> -> memref<512xf32, #tpu.memory_space<vmem>>
    %dma_start3A_3308 = arith.constant 1024 : i32
    %dma_start3A_3309 = tpu.memref_slice %arg9[%dma_start3A_3308] : memref<2048xi32, #tpu.memory_space<vmem>> -> memref<512xi32, #tpu.memory_space<vmem>>
    %dma_start3A_3310 = arith.constant 0 : i32
    %dma_start3A_3311 = tpu.memref_slice %arg2[%dma_start3A_3310] : memref<102400000xf32, #tpu.memory_space<hbm>> -> memref<102400000xf32, #tpu.memory_space<hbm>>
    %dma_start3A_3312 = tpu.memref_slice %arg16[%dma_start3A_3305] : memref<4x!tpu.dma_semaphore, #tpu.memory_space<semaphore_mem>> -> memref<1x!tpu.dma_semaphore, #tpu.memory_space<semaphore_mem>>
    %dma_start3A_3313 = tpu.memref_squeeze %dma_start3A_3312 : memref<1x!tpu.dma_semaphore, #tpu.memory_space<semaphore_mem>> -> memref<!tpu.dma_semaphore, #tpu.memory_space<semaphore_mem>>
    tpu.enqueue_indirect_dma source(%dma_start3A_3311 : memref<102400000xf32, #tpu.memory_space<hbm>>) target(%dma_start3A_3307 : memref<512xf32, #tpu.memory_space<vmem>>) offsets(%dma_start3A_3309 : memref<512xi32, #tpu.memory_space<vmem>>) semaphore(%dma_start3A_3313 : memref<!tpu.dma_semaphore, #tpu.memory_space<semaphore_mem>>)
    %get3A_3314 = arith.constant 1536 : index
    %get3A_3315 = tpu.vector_load %arg6[%get3A_3314] {strides = array<i32>} : memref<2048xi32, #tpu.memory_space<vmem>>, vector<16xi32>,
    %get3A_3316 = vector.shape_cast %get3A_3315 : vector<16xi32> to vector<16xi32>
    %add3A_3317 = arith.constant 1 : i32
    %add3A_3318 = arith.addi %mul3A_31, %add3A_3317 : i32
    %mul3A_3319 = arith.constant 1024 : i32
    %mul3A_3320 = arith.muli %add3A_3318, %mul3A_3319 : i32
    %add3A_3321 = arith.constant 0 : i32
    %add3A_3322 = arith.addi %mul3A_3320, %add3A_3321 : i32
    %add3A_3323 = vector.broadcast %add3A_3322 : i32 to vector<16xi32>
    %add3A_3324 = arith.addi %add3A_3323, %iota3A : vector<16xi32>
    %shift_right_arithmetic3A_3325 = arith.constant 3 : i32
    %shift_right_arithmetic3A_3326 = vector.broadcast %shift_right_arithmetic3A_3325 : i32 to vector<16xi32>
    %shift_right_arithmetic3A_3327 = arith.shrsi %get3A_3316, %shift_right_arithmetic3A_3326 : vector<16xi32>
    %shift_left3A_3328 = arith.constant 13 : i32
    %shift_left3A_3329 = vector.broadcast %shift_left3A_3328 : i32 to vector<16xi32>
    %shift_left3A_3330 = arith.shli %shift_right_arithmetic3A_3327, %shift_left3A_3329 : vector<16xi32>
    %and3A_3331 = arith.constant 7 : i32
    %and3A_3332 = vector.broadcast %and3A_3331 : i32 to vector<16xi32>
    %and3A_3333 = arith.andi %get3A_3316, %and3A_3332 : vector<16xi32>
    %shift_left3A_3334 = arith.constant 7 : i32
    %shift_left3A_3335 = vector.broadcast %shift_left3A_3334 : i32 to vector<16xi32>
    %shift_left3A_3336 = arith.shli %and3A_3333, %shift_left3A_3335 : vector<16xi32>
    %or3A_3337 = arith.ori %shift_left3A_3330, %shift_left3A_3336 : vector<16xi32>
    %or3A_3338 = arith.ori %or3A_3337, %add3A_3324 : vector<16xi32>
    %swap3A_3339 = arith.constant 1536 : index
    %swap3A_3340 = tpu.vector_load %arg9[%swap3A_3339] {strides = array<i32>} : memref<2048xi32, #tpu.memory_space<vmem>>, vector<16xi32>,
    %swap3A_3341 = vector.shape_cast %swap3A_3340 : vector<16xi32> to vector<16xi32>
    %swap3A_3342 = vector.shape_cast %or3A_3338 : vector<16xi32> to vector<16xi32>
    tpu.vector_store %arg9[%swap3A_3339], %swap3A_3342 {strides = array<i32>} : memref<2048xi32, #tpu.memory_space<vmem>>, vector<16xi32>,
    %get3A_3343 = arith.constant 1552 : index
    %get3A_3344 = tpu.vector_load %arg6[%get3A_3343] {strides = array<i32>} : memref<2048xi32, #tpu.memory_space<vmem>>, vector<16xi32>,
    %get3A_3345 = vector.shape_cast %get3A_3344 : vector<16xi32> to vector<16xi32>
    %add3A_3346 = arith.constant 1 : i32
    %add3A_3347 = arith.addi %mul3A_31, %add3A_3346 : i32
    %mul3A_3348 = arith.constant 1024 : i32
    %mul3A_3349 = arith.muli %add3A_3347, %mul3A_3348 : i32
    %add3A_3350 = arith.constant 16 : i32
    %add3A_3351 = arith.addi %mul3A_3349, %add3A_3350 : i32
    %add3A_3352 = vector.broadcast %add3A_3351 : i32 to vector<16xi32>
    %add3A_3353 = arith.addi %add3A_3352, %iota3A : vector<16xi32>
    %shift_right_arithmetic3A_3354 = arith.constant 3 : i32
    %shift_right_arithmetic3A_3355 = vector.broadcast %shift_right_arithmetic3A_3354 : i32 to vector<16xi32>
    %shift_right_arithmetic3A_3356 = arith.shrsi %get3A_3345, %shift_right_arithmetic3A_3355 : vector<16xi32>
    %shift_left3A_3357 = arith.constant 13 : i32
    %shift_left3A_3358 = vector.broadcast %shift_left3A_3357 : i32 to vector<16xi32>
    %shift_left3A_3359 = arith.shli %shift_right_arithmetic3A_3356, %shift_left3A_3358 : vector<16xi32>
    %and3A_3360 = arith.constant 7 : i32
    %and3A_3361 = vector.broadcast %and3A_3360 : i32 to vector<16xi32>
    %and3A_3362 = arith.andi %get3A_3345, %and3A_3361 : vector<16xi32>
    %shift_left3A_3363 = arith.constant 7 : i32
    %shift_left3A_3364 = vector.broadcast %shift_left3A_3363 : i32 to vector<16xi32>
    %shift_left3A_3365 = arith.shli %and3A_3362, %shift_left3A_3364 : vector<16xi32>
    %or3A_3366 = arith.ori %shift_left3A_3359, %shift_left3A_3365 : vector<16xi32>
    %or3A_3367 = arith.ori %or3A_3366, %add3A_3353 : vector<16xi32>
    %swap3A_3368 = arith.constant 1552 : index
    %swap3A_3369 = tpu.vector_load %arg9[%swap3A_3368] {strides = array<i32>} : memref<2048xi32, #tpu.memory_space<vmem>>, vector<16xi32>,
    %swap3A_3370 = vector.shape_cast %swap3A_3369 : vector<16xi32> to vector<16xi32>
    %swap3A_3371 = vector.shape_cast %or3A_3367 : vector<16xi32> to vector<16xi32>
    tpu.vector_store %arg9[%swap3A_3368], %swap3A_3371 {strides = array<i32>} : memref<2048xi32, #tpu.memory_space<vmem>>, vector<16xi32>,
    %get3A_3372 = arith.constant 1568 : index
    %get3A_3373 = tpu.vector_load %arg6[%get3A_3372] {strides = array<i32>} : memref<2048xi32, #tpu.memory_space<vmem>>, vector<16xi32>,
    %get3A_3374 = vector.shape_cast %get3A_3373 : vector<16xi32> to vector<16xi32>
    %add3A_3375 = arith.constant 1 : i32
    %add3A_3376 = arith.addi %mul3A_31, %add3A_3375 : i32
    %mul3A_3377 = arith.constant 1024 : i32
    %mul3A_3378 = arith.muli %add3A_3376, %mul3A_3377 : i32
    %add3A_3379 = arith.constant 32 : i32
    %add3A_3380 = arith.addi %mul3A_3378, %add3A_3379 : i32
    %add3A_3381 = vector.broadcast %add3A_3380 : i32 to vector<16xi32>
    %add3A_3382 = arith.addi %add3A_3381, %iota3A : vector<16xi32>
    %shift_right_arithmetic3A_3383 = arith.constant 3 : i32
    %shift_right_arithmetic3A_3384 = vector.broadcast %shift_right_arithmetic3A_3383 : i32 to vector<16xi32>
    %shift_right_arithmetic3A_3385 = arith.shrsi %get3A_3374, %shift_right_arithmetic3A_3384 : vector<16xi32>
    %shift_left3A_3386 = arith.constant 13 : i32
    %shift_left3A_3387 = vector.broadcast %shift_left3A_3386 : i32 to vector<16xi32>
    %shift_left3A_3388 = arith.shli %shift_right_arithmetic3A_3385, %shift_left3A_3387 : vector<16xi32>
    %and3A_3389 = arith.constant 7 : i32
    %and3A_3390 = vector.broadcast %and3A_3389 : i32 to vector<16xi32>
    %and3A_3391 = arith.andi %get3A_3374, %and3A_3390 : vector<16xi32>
    %shift_left3A_3392 = arith.constant 7 : i32
    %shift_left3A_3393 = vector.broadcast %shift_left3A_3392 : i32 to vector<16xi32>
    %shift_left3A_3394 = arith.shli %and3A_3391, %shift_left3A_3393 : vector<16xi32>
    %or3A_3395 = arith.ori %shift_left3A_3388, %shift_left3A_3394 : vector<16xi32>
    %or3A_3396 = arith.ori %or3A_3395, %add3A_3382 : vector<16xi32>
    %swap3A_3397 = arith.constant 1568 : index
    %swap3A_3398 = tpu.vector_load %arg9[%swap3A_3397] {strides = array<i32>} : memref<2048xi32, #tpu.memory_space<vmem>>, vector<16xi32>,
    %swap3A_3399 = vector.shape_cast %swap3A_3398 : vector<16xi32> to vector<16xi32>
    %swap3A_3400 = vector.shape_cast %or3A_3396 : vector<16xi32> to vector<16xi32>
    tpu.vector_store %arg9[%swap3A_3397], %swap3A_3400 {strides = array<i32>} : memref<2048xi32, #tpu.memory_space<vmem>>, vector<16xi32>,
    %get3A_3401 = arith.constant 1584 : index
    %get3A_3402 = tpu.vector_load %arg6[%get3A_3401] {strides = array<i32>} : memref<2048xi32, #tpu.memory_space<vmem>>, vector<16xi32>,
    %get3A_3403 = vector.shape_cast %get3A_3402 : vector<16xi32> to vector<16xi32>
    %add3A_3404 = arith.constant 1 : i32
    %add3A_3405 = arith.addi %mul3A_31, %add3A_3404 : i32
    %mul3A_3406 = arith.constant 1024 : i32
    %mul3A_3407 = arith.muli %add3A_3405, %mul3A_3406 : i32
    %add3A_3408 = arith.constant 48 : i32
    %add3A_3409 = arith.addi %mul3A_3407, %add3A_3408 : i32
    %add3A_3410 = vector.broadcast %add3A_3409 : i32 to vector<16xi32>
    %add3A_3411 = arith.addi %add3A_3410, %iota3A : vector<16xi32>
    %shift_right_arithmetic3A_3412 = arith.constant 3 : i32
    %shift_right_arithmetic3A_3413 = vector.broadcast %shift_right_arithmetic3A_3412 : i32 to vector<16xi32>
    %shift_right_arithmetic3A_3414 = arith.shrsi %get3A_3403, %shift_right_arithmetic3A_3413 : vector<16xi32>
    %shift_left3A_3415 = arith.constant 13 : i32
    %shift_left3A_3416 = vector.broadcast %shift_left3A_3415 : i32 to vector<16xi32>
    %shift_left3A_3417 = arith.shli %shift_right_arithmetic3A_3414, %shift_left3A_3416 : vector<16xi32>
    %and3A_3418 = arith.constant 7 : i32
    %and3A_3419 = vector.broadcast %and3A_3418 : i32 to vector<16xi32>
    %and3A_3420 = arith.andi %get3A_3403, %and3A_3419 : vector<16xi32>
    %shift_left3A_3421 = arith.constant 7 : i32
    %shift_left3A_3422 = vector.broadcast %shift_left3A_3421 : i32 to vector<16xi32>
    %shift_left3A_3423 = arith.shli %and3A_3420, %shift_left3A_3422 : vector<16xi32>
    %or3A_3424 = arith.ori %shift_left3A_3417, %shift_left3A_3423 : vector<16xi32>
    %or3A_3425 = arith.ori %or3A_3424, %add3A_3411 : vector<16xi32>
    %swap3A_3426 = arith.constant 1584 : index
    %swap3A_3427 = tpu.vector_load %arg9[%swap3A_3426] {strides = array<i32>} : memref<2048xi32, #tpu.memory_space<vmem>>, vector<16xi32>,
    %swap3A_3428 = vector.shape_cast %swap3A_3427 : vector<16xi32> to vector<16xi32>
    %swap3A_3429 = vector.shape_cast %or3A_3425 : vector<16xi32> to vector<16xi32>
    tpu.vector_store %arg9[%swap3A_3426], %swap3A_3429 {strides = array<i32>} : memref<2048xi32, #tpu.memory_space<vmem>>, vector<16xi32>,
    %get3A_3430 = arith.constant 1600 : index
    %get3A_3431 = tpu.vector_load %arg6[%get3A_3430] {strides = array<i32>} : memref<2048xi32, #tpu.memory_space<vmem>>, vector<16xi32>,
    %get3A_3432 = vector.shape_cast %get3A_3431 : vector<16xi32> to vector<16xi32>
    %add3A_3433 = arith.constant 1 : i32
    %add3A_3434 = arith.addi %mul3A_31, %add3A_3433 : i32
    %mul3A_3435 = arith.constant 1024 : i32
    %mul3A_3436 = arith.muli %add3A_3434, %mul3A_3435 : i32
    %add3A_3437 = arith.constant 64 : i32
    %add3A_3438 = arith.addi %mul3A_3436, %add3A_3437 : i32
    %add3A_3439 = vector.broadcast %add3A_3438 : i32 to vector<16xi32>
    %add3A_3440 = arith.addi %add3A_3439, %iota3A : vector<16xi32>
    %shift_right_arithmetic3A_3441 = arith.constant 3 : i32
    %shift_right_arithmetic3A_3442 = vector.broadcast %shift_right_arithmetic3A_3441 : i32 to vector<16xi32>
    %shift_right_arithmetic3A_3443 = arith.shrsi %get3A_3432, %shift_right_arithmetic3A_3442 : vector<16xi32>
    %shift_left3A_3444 = arith.constant 13 : i32
    %shift_left3A_3445 = vector.broadcast %shift_left3A_3444 : i32 to vector<16xi32>
    %shift_left3A_3446 = arith.shli %shift_right_arithmetic3A_3443, %shift_left3A_3445 : vector<16xi32>
    %and3A_3447 = arith.constant 7 : i32
    %and3A_3448 = vector.broadcast %and3A_3447 : i32 to vector<16xi32>
    %and3A_3449 = arith.andi %get3A_3432, %and3A_3448 : vector<16xi32>
    %shift_left3A_3450 = arith.constant 7 : i32
    %shift_left3A_3451 = vector.broadcast %shift_left3A_3450 : i32 to vector<16xi32>
    %shift_left3A_3452 = arith.shli %and3A_3449, %shift_left3A_3451 : vector<16xi32>
    %or3A_3453 = arith.ori %shift_left3A_3446, %shift_left3A_3452 : vector<16xi32>
    %or3A_3454 = arith.ori %or3A_3453, %add3A_3440 : vector<16xi32>
    %swap3A_3455 = arith.constant 1600 : index
    %swap3A_3456 = tpu.vector_load %arg9[%swap3A_3455] {strides = array<i32>} : memref<2048xi32, #tpu.memory_space<vmem>>, vector<16xi32>,
    %swap3A_3457 = vector.shape_cast %swap3A_3456 : vector<16xi32> to vector<16xi32>
    %swap3A_3458 = vector.shape_cast %or3A_3454 : vector<16xi32> to vector<16xi32>
    tpu.vector_store %arg9[%swap3A_3455], %swap3A_3458 {strides = array<i32>} : memref<2048xi32, #tpu.memory_space<vmem>>, vector<16xi32>,
    %get3A_3459 = arith.constant 1616 : index
    %get3A_3460 = tpu.vector_load %arg6[%get3A_3459] {strides = array<i32>} : memref<2048xi32, #tpu.memory_space<vmem>>, vector<16xi32>,
    %get3A_3461 = vector.shape_cast %get3A_3460 : vector<16xi32> to vector<16xi32>
    %add3A_3462 = arith.constant 1 : i32
    %add3A_3463 = arith.addi %mul3A_31, %add3A_3462 : i32
    %mul3A_3464 = arith.constant 1024 : i32
    %mul3A_3465 = arith.muli %add3A_3463, %mul3A_3464 : i32
    %add3A_3466 = arith.constant 80 : i32
    %add3A_3467 = arith.addi %mul3A_3465, %add3A_3466 : i32
    %add3A_3468 = vector.broadcast %add3A_3467 : i32 to vector<16xi32>
    %add3A_3469 = arith.addi %add3A_3468, %iota3A : vector<16xi32>
    %shift_right_arithmetic3A_3470 = arith.constant 3 : i32
    %shift_right_arithmetic3A_3471 = vector.broadcast %shift_right_arithmetic3A_3470 : i32 to vector<16xi32>
    %shift_right_arithmetic3A_3472 = arith.shrsi %get3A_3461, %shift_right_arithmetic3A_3471 : vector<16xi32>
    %shift_left3A_3473 = arith.constant 13 : i32
    %shift_left3A_3474 = vector.broadcast %shift_left3A_3473 : i32 to vector<16xi32>
    %shift_left3A_3475 = arith.shli %shift_right_arithmetic3A_3472, %shift_left3A_3474 : vector<16xi32>
    %and3A_3476 = arith.constant 7 : i32
    %and3A_3477 = vector.broadcast %and3A_3476 : i32 to vector<16xi32>
    %and3A_3478 = arith.andi %get3A_3461, %and3A_3477 : vector<16xi32>
    %shift_left3A_3479 = arith.constant 7 : i32
    %shift_left3A_3480 = vector.broadcast %shift_left3A_3479 : i32 to vector<16xi32>
    %shift_left3A_3481 = arith.shli %and3A_3478, %shift_left3A_3480 : vector<16xi32>
    %or3A_3482 = arith.ori %shift_left3A_3475, %shift_left3A_3481 : vector<16xi32>
    %or3A_3483 = arith.ori %or3A_3482, %add3A_3469 : vector<16xi32>
    %swap3A_3484 = arith.constant 1616 : index
    %swap3A_3485 = tpu.vector_load %arg9[%swap3A_3484] {strides = array<i32>} : memref<2048xi32, #tpu.memory_space<vmem>>, vector<16xi32>,
    %swap3A_3486 = vector.shape_cast %swap3A_3485 : vector<16xi32> to vector<16xi32>
    %swap3A_3487 = vector.shape_cast %or3A_3483 : vector<16xi32> to vector<16xi32>
    tpu.vector_store %arg9[%swap3A_3484], %swap3A_3487 {strides = array<i32>} : memref<2048xi32, #tpu.memory_space<vmem>>, vector<16xi32>,
    %get3A_3488 = arith.constant 1632 : index
    %get3A_3489 = tpu.vector_load %arg6[%get3A_3488] {strides = array<i32>} : memref<2048xi32, #tpu.memory_space<vmem>>, vector<16xi32>,
    %get3A_3490 = vector.shape_cast %get3A_3489 : vector<16xi32> to vector<16xi32>
    %add3A_3491 = arith.constant 1 : i32
    %add3A_3492 = arith.addi %mul3A_31, %add3A_3491 : i32
    %mul3A_3493 = arith.constant 1024 : i32
    %mul3A_3494 = arith.muli %add3A_3492, %mul3A_3493 : i32
    %add3A_3495 = arith.constant 96 : i32
    %add3A_3496 = arith.addi %mul3A_3494, %add3A_3495 : i32
    %add3A_3497 = vector.broadcast %add3A_3496 : i32 to vector<16xi32>
    %add3A_3498 = arith.addi %add3A_3497, %iota3A : vector<16xi32>
    %shift_right_arithmetic3A_3499 = arith.constant 3 : i32
    %shift_right_arithmetic3A_3500 = vector.broadcast %shift_right_arithmetic3A_3499 : i32 to vector<16xi32>
    %shift_right_arithmetic3A_3501 = arith.shrsi %get3A_3490, %shift_right_arithmetic3A_3500 : vector<16xi32>
    %shift_left3A_3502 = arith.constant 13 : i32
    %shift_left3A_3503 = vector.broadcast %shift_left3A_3502 : i32 to vector<16xi32>
    %shift_left3A_3504 = arith.shli %shift_right_arithmetic3A_3501, %shift_left3A_3503 : vector<16xi32>
    %and3A_3505 = arith.constant 7 : i32
    %and3A_3506 = vector.broadcast %and3A_3505 : i32 to vector<16xi32>
    %and3A_3507 = arith.andi %get3A_3490, %and3A_3506 : vector<16xi32>
    %shift_left3A_3508 = arith.constant 7 : i32
    %shift_left3A_3509 = vector.broadcast %shift_left3A_3508 : i32 to vector<16xi32>
    %shift_left3A_3510 = arith.shli %and3A_3507, %shift_left3A_3509 : vector<16xi32>
    %or3A_3511 = arith.ori %shift_left3A_3504, %shift_left3A_3510 : vector<16xi32>
    %or3A_3512 = arith.ori %or3A_3511, %add3A_3498 : vector<16xi32>
    %swap3A_3513 = arith.constant 1632 : index
    %swap3A_3514 = tpu.vector_load %arg9[%swap3A_3513] {strides = array<i32>} : memref<2048xi32, #tpu.memory_space<vmem>>, vector<16xi32>,
    %swap3A_3515 = vector.shape_cast %swap3A_3514 : vector<16xi32> to vector<16xi32>
    %swap3A_3516 = vector.shape_cast %or3A_3512 : vector<16xi32> to vector<16xi32>
    tpu.vector_store %arg9[%swap3A_3513], %swap3A_3516 {strides = array<i32>} : memref<2048xi32, #tpu.memory_space<vmem>>, vector<16xi32>,
    %get3A_3517 = arith.constant 1648 : index
    %get3A_3518 = tpu.vector_load %arg6[%get3A_3517] {strides = array<i32>} : memref<2048xi32, #tpu.memory_space<vmem>>, vector<16xi32>,
    %get3A_3519 = vector.shape_cast %get3A_3518 : vector<16xi32> to vector<16xi32>
    %add3A_3520 = arith.constant 1 : i32
    %add3A_3521 = arith.addi %mul3A_31, %add3A_3520 : i32
    %mul3A_3522 = arith.constant 1024 : i32
    %mul3A_3523 = arith.muli %add3A_3521, %mul3A_3522 : i32
    %add3A_3524 = arith.constant 112 : i32
    %add3A_3525 = arith.addi %mul3A_3523, %add3A_3524 : i32
    %add3A_3526 = vector.broadcast %add3A_3525 : i32 to vector<16xi32>
    %add3A_3527 = arith.addi %add3A_3526, %iota3A : vector<16xi32>
    %shift_right_arithmetic3A_3528 = arith.constant 3 : i32
    %shift_right_arithmetic3A_3529 = vector.broadcast %shift_right_arithmetic3A_3528 : i32 to vector<16xi32>
    %shift_right_arithmetic3A_3530 = arith.shrsi %get3A_3519, %shift_right_arithmetic3A_3529 : vector<16xi32>
    %shift_left3A_3531 = arith.constant 13 : i32
    %shift_left3A_3532 = vector.broadcast %shift_left3A_3531 : i32 to vector<16xi32>
    %shift_left3A_3533 = arith.shli %shift_right_arithmetic3A_3530, %shift_left3A_3532 : vector<16xi32>
    %and3A_3534 = arith.constant 7 : i32
    %and3A_3535 = vector.broadcast %and3A_3534 : i32 to vector<16xi32>
    %and3A_3536 = arith.andi %get3A_3519, %and3A_3535 : vector<16xi32>
    %shift_left3A_3537 = arith.constant 7 : i32
    %shift_left3A_3538 = vector.broadcast %shift_left3A_3537 : i32 to vector<16xi32>
    %shift_left3A_3539 = arith.shli %and3A_3536, %shift_left3A_3538 : vector<16xi32>
    %or3A_3540 = arith.ori %shift_left3A_3533, %shift_left3A_3539 : vector<16xi32>
    %or3A_3541 = arith.ori %or3A_3540, %add3A_3527 : vector<16xi32>
    %swap3A_3542 = arith.constant 1648 : index
    %swap3A_3543 = tpu.vector_load %arg9[%swap3A_3542] {strides = array<i32>} : memref<2048xi32, #tpu.memory_space<vmem>>, vector<16xi32>,
    %swap3A_3544 = vector.shape_cast %swap3A_3543 : vector<16xi32> to vector<16xi32>
    %swap3A_3545 = vector.shape_cast %or3A_3541 : vector<16xi32> to vector<16xi32>
    tpu.vector_store %arg9[%swap3A_3542], %swap3A_3545 {strides = array<i32>} : memref<2048xi32, #tpu.memory_space<vmem>>, vector<16xi32>,
    %get3A_3546 = arith.constant 1664 : index
    %get3A_3547 = tpu.vector_load %arg6[%get3A_3546] {strides = array<i32>} : memref<2048xi32, #tpu.memory_space<vmem>>, vector<16xi32>,
    %get3A_3548 = vector.shape_cast %get3A_3547 : vector<16xi32> to vector<16xi32>
    %add3A_3549 = arith.constant 1 : i32
    %add3A_3550 = arith.addi %mul3A_31, %add3A_3549 : i32
    %mul3A_3551 = arith.constant 1024 : i32
    %mul3A_3552 = arith.muli %add3A_3550, %mul3A_3551 : i32
    %add3A_3553 = arith.constant 0 : i32
    %add3A_3554 = arith.addi %mul3A_3552, %add3A_3553 : i32
    %add3A_3555 = vector.broadcast %add3A_3554 : i32 to vector<16xi32>
    %add3A_3556 = arith.addi %add3A_3555, %iota3A : vector<16xi32>
    %shift_right_arithmetic3A_3557 = arith.constant 3 : i32
    %shift_right_arithmetic3A_3558 = vector.broadcast %shift_right_arithmetic3A_3557 : i32 to vector<16xi32>
    %shift_right_arithmetic3A_3559 = arith.shrsi %get3A_3548, %shift_right_arithmetic3A_3558 : vector<16xi32>
    %shift_left3A_3560 = arith.constant 13 : i32
    %shift_left3A_3561 = vector.broadcast %shift_left3A_3560 : i32 to vector<16xi32>
    %shift_left3A_3562 = arith.shli %shift_right_arithmetic3A_3559, %shift_left3A_3561 : vector<16xi32>
    %and3A_3563 = arith.constant 7 : i32
    %and3A_3564 = vector.broadcast %and3A_3563 : i32 to vector<16xi32>
    %and3A_3565 = arith.andi %get3A_3548, %and3A_3564 : vector<16xi32>
    %shift_left3A_3566 = arith.constant 7 : i32
    %shift_left3A_3567 = vector.broadcast %shift_left3A_3566 : i32 to vector<16xi32>
    %shift_left3A_3568 = arith.shli %and3A_3565, %shift_left3A_3567 : vector<16xi32>
    %or3A_3569 = arith.ori %shift_left3A_3562, %shift_left3A_3568 : vector<16xi32>
    %or3A_3570 = arith.ori %or3A_3569, %add3A_3556 : vector<16xi32>
    %swap3A_3571 = arith.constant 1664 : index
    %swap3A_3572 = tpu.vector_load %arg9[%swap3A_3571] {strides = array<i32>} : memref<2048xi32, #tpu.memory_space<vmem>>, vector<16xi32>,
    %swap3A_3573 = vector.shape_cast %swap3A_3572 : vector<16xi32> to vector<16xi32>
    %swap3A_3574 = vector.shape_cast %or3A_3570 : vector<16xi32> to vector<16xi32>
    tpu.vector_store %arg9[%swap3A_3571], %swap3A_3574 {strides = array<i32>} : memref<2048xi32, #tpu.memory_space<vmem>>, vector<16xi32>,
    %get3A_3575 = arith.constant 1680 : index
    %get3A_3576 = tpu.vector_load %arg6[%get3A_3575] {strides = array<i32>} : memref<2048xi32, #tpu.memory_space<vmem>>, vector<16xi32>,
    %get3A_3577 = vector.shape_cast %get3A_3576 : vector<16xi32> to vector<16xi32>
    %add3A_3578 = arith.constant 1 : i32
    %add3A_3579 = arith.addi %mul3A_31, %add3A_3578 : i32
    %mul3A_3580 = arith.constant 1024 : i32
    %mul3A_3581 = arith.muli %add3A_3579, %mul3A_3580 : i32
    %add3A_3582 = arith.constant 16 : i32
    %add3A_3583 = arith.addi %mul3A_3581, %add3A_3582 : i32
    %add3A_3584 = vector.broadcast %add3A_3583 : i32 to vector<16xi32>
    %add3A_3585 = arith.addi %add3A_3584, %iota3A : vector<16xi32>
    %shift_right_arithmetic3A_3586 = arith.constant 3 : i32
    %shift_right_arithmetic3A_3587 = vector.broadcast %shift_right_arithmetic3A_3586 : i32 to vector<16xi32>
    %shift_right_arithmetic3A_3588 = arith.shrsi %get3A_3577, %shift_right_arithmetic3A_3587 : vector<16xi32>
    %shift_left3A_3589 = arith.constant 13 : i32
    %shift_left3A_3590 = vector.broadcast %shift_left3A_3589 : i32 to vector<16xi32>
    %shift_left3A_3591 = arith.shli %shift_right_arithmetic3A_3588, %shift_left3A_3590 : vector<16xi32>
    %and3A_3592 = arith.constant 7 : i32
    %and3A_3593 = vector.broadcast %and3A_3592 : i32 to vector<16xi32>
    %and3A_3594 = arith.andi %get3A_3577, %and3A_3593 : vector<16xi32>
    %shift_left3A_3595 = arith.constant 7 : i32
    %shift_left3A_3596 = vector.broadcast %shift_left3A_3595 : i32 to vector<16xi32>
    %shift_left3A_3597 = arith.shli %and3A_3594, %shift_left3A_3596 : vector<16xi32>
    %or3A_3598 = arith.ori %shift_left3A_3591, %shift_left3A_3597 : vector<16xi32>
    %or3A_3599 = arith.ori %or3A_3598, %add3A_3585 : vector<16xi32>
    %swap3A_3600 = arith.constant 1680 : index
    %swap3A_3601 = tpu.vector_load %arg9[%swap3A_3600] {strides = array<i32>} : memref<2048xi32, #tpu.memory_space<vmem>>, vector<16xi32>,
    %swap3A_3602 = vector.shape_cast %swap3A_3601 : vector<16xi32> to vector<16xi32>
    %swap3A_3603 = vector.shape_cast %or3A_3599 : vector<16xi32> to vector<16xi32>
    tpu.vector_store %arg9[%swap3A_3600], %swap3A_3603 {strides = array<i32>} : memref<2048xi32, #tpu.memory_space<vmem>>, vector<16xi32>,
    %get3A_3604 = arith.constant 1696 : index
    %get3A_3605 = tpu.vector_load %arg6[%get3A_3604] {strides = array<i32>} : memref<2048xi32, #tpu.memory_space<vmem>>, vector<16xi32>,
    %get3A_3606 = vector.shape_cast %get3A_3605 : vector<16xi32> to vector<16xi32>
    %add3A_3607 = arith.constant 1 : i32
    %add3A_3608 = arith.addi %mul3A_31, %add3A_3607 : i32
    %mul3A_3609 = arith.constant 1024 : i32
    %mul3A_3610 = arith.muli %add3A_3608, %mul3A_3609 : i32
    %add3A_3611 = arith.constant 32 : i32
    %add3A_3612 = arith.addi %mul3A_3610, %add3A_3611 : i32
    %add3A_3613 = vector.broadcast %add3A_3612 : i32 to vector<16xi32>
    %add3A_3614 = arith.addi %add3A_3613, %iota3A : vector<16xi32>
    %shift_right_arithmetic3A_3615 = arith.constant 3 : i32
    %shift_right_arithmetic3A_3616 = vector.broadcast %shift_right_arithmetic3A_3615 : i32 to vector<16xi32>
    %shift_right_arithmetic3A_3617 = arith.shrsi %get3A_3606, %shift_right_arithmetic3A_3616 : vector<16xi32>
    %shift_left3A_3618 = arith.constant 13 : i32
    %shift_left3A_3619 = vector.broadcast %shift_left3A_3618 : i32 to vector<16xi32>
    %shift_left3A_3620 = arith.shli %shift_right_arithmetic3A_3617, %shift_left3A_3619 : vector<16xi32>
    %and3A_3621 = arith.constant 7 : i32
    %and3A_3622 = vector.broadcast %and3A_3621 : i32 to vector<16xi32>
    %and3A_3623 = arith.andi %get3A_3606, %and3A_3622 : vector<16xi32>
    %shift_left3A_3624 = arith.constant 7 : i32
    %shift_left3A_3625 = vector.broadcast %shift_left3A_3624 : i32 to vector<16xi32>
    %shift_left3A_3626 = arith.shli %and3A_3623, %shift_left3A_3625 : vector<16xi32>
    %or3A_3627 = arith.ori %shift_left3A_3620, %shift_left3A_3626 : vector<16xi32>
    %or3A_3628 = arith.ori %or3A_3627, %add3A_3614 : vector<16xi32>
    %swap3A_3629 = arith.constant 1696 : index
    %swap3A_3630 = tpu.vector_load %arg9[%swap3A_3629] {strides = array<i32>} : memref<2048xi32, #tpu.memory_space<vmem>>, vector<16xi32>,
    %swap3A_3631 = vector.shape_cast %swap3A_3630 : vector<16xi32> to vector<16xi32>
    %swap3A_3632 = vector.shape_cast %or3A_3628 : vector<16xi32> to vector<16xi32>
    tpu.vector_store %arg9[%swap3A_3629], %swap3A_3632 {strides = array<i32>} : memref<2048xi32, #tpu.memory_space<vmem>>, vector<16xi32>,
    %get3A_3633 = arith.constant 1712 : index
    %get3A_3634 = tpu.vector_load %arg6[%get3A_3633] {strides = array<i32>} : memref<2048xi32, #tpu.memory_space<vmem>>, vector<16xi32>,
    %get3A_3635 = vector.shape_cast %get3A_3634 : vector<16xi32> to vector<16xi32>
    %add3A_3636 = arith.constant 1 : i32
    %add3A_3637 = arith.addi %mul3A_31, %add3A_3636 : i32
    %mul3A_3638 = arith.constant 1024 : i32
    %mul3A_3639 = arith.muli %add3A_3637, %mul3A_3638 : i32
    %add3A_3640 = arith.constant 48 : i32
    %add3A_3641 = arith.addi %mul3A_3639, %add3A_3640 : i32
    %add3A_3642 = vector.broadcast %add3A_3641 : i32 to vector<16xi32>
    %add3A_3643 = arith.addi %add3A_3642, %iota3A : vector<16xi32>
    %shift_right_arithmetic3A_3644 = arith.constant 3 : i32
    %shift_right_arithmetic3A_3645 = vector.broadcast %shift_right_arithmetic3A_3644 : i32 to vector<16xi32>
    %shift_right_arithmetic3A_3646 = arith.shrsi %get3A_3635, %shift_right_arithmetic3A_3645 : vector<16xi32>
    %shift_left3A_3647 = arith.constant 13 : i32
    %shift_left3A_3648 = vector.broadcast %shift_left3A_3647 : i32 to vector<16xi32>
    %shift_left3A_3649 = arith.shli %shift_right_arithmetic3A_3646, %shift_left3A_3648 : vector<16xi32>
    %and3A_3650 = arith.constant 7 : i32
    %and3A_3651 = vector.broadcast %and3A_3650 : i32 to vector<16xi32>
    %and3A_3652 = arith.andi %get3A_3635, %and3A_3651 : vector<16xi32>
    %shift_left3A_3653 = arith.constant 7 : i32
    %shift_left3A_3654 = vector.broadcast %shift_left3A_3653 : i32 to vector<16xi32>
    %shift_left3A_3655 = arith.shli %and3A_3652, %shift_left3A_3654 : vector<16xi32>
    %or3A_3656 = arith.ori %shift_left3A_3649, %shift_left3A_3655 : vector<16xi32>
    %or3A_3657 = arith.ori %or3A_3656, %add3A_3643 : vector<16xi32>
    %swap3A_3658 = arith.constant 1712 : index
    %swap3A_3659 = tpu.vector_load %arg9[%swap3A_3658] {strides = array<i32>} : memref<2048xi32, #tpu.memory_space<vmem>>, vector<16xi32>,
    %swap3A_3660 = vector.shape_cast %swap3A_3659 : vector<16xi32> to vector<16xi32>
    %swap3A_3661 = vector.shape_cast %or3A_3657 : vector<16xi32> to vector<16xi32>
    tpu.vector_store %arg9[%swap3A_3658], %swap3A_3661 {strides = array<i32>} : memref<2048xi32, #tpu.memory_space<vmem>>, vector<16xi32>,
    %get3A_3662 = arith.constant 1728 : index
    %get3A_3663 = tpu.vector_load %arg6[%get3A_3662] {strides = array<i32>} : memref<2048xi32, #tpu.memory_space<vmem>>, vector<16xi32>,
    %get3A_3664 = vector.shape_cast %get3A_3663 : vector<16xi32> to vector<16xi32>
    %add3A_3665 = arith.constant 1 : i32
    %add3A_3666 = arith.addi %mul3A_31, %add3A_3665 : i32
    %mul3A_3667 = arith.constant 1024 : i32
    %mul3A_3668 = arith.muli %add3A_3666, %mul3A_3667 : i32
    %add3A_3669 = arith.constant 64 : i32
    %add3A_3670 = arith.addi %mul3A_3668, %add3A_3669 : i32
    %add3A_3671 = vector.broadcast %add3A_3670 : i32 to vector<16xi32>
    %add3A_3672 = arith.addi %add3A_3671, %iota3A : vector<16xi32>
    %shift_right_arithmetic3A_3673 = arith.constant 3 : i32
    %shift_right_arithmetic3A_3674 = vector.broadcast %shift_right_arithmetic3A_3673 : i32 to vector<16xi32>
    %shift_right_arithmetic3A_3675 = arith.shrsi %get3A_3664, %shift_right_arithmetic3A_3674 : vector<16xi32>
    %shift_left3A_3676 = arith.constant 13 : i32
    %shift_left3A_3677 = vector.broadcast %shift_left3A_3676 : i32 to vector<16xi32>
    %shift_left3A_3678 = arith.shli %shift_right_arithmetic3A_3675, %shift_left3A_3677 : vector<16xi32>
    %and3A_3679 = arith.constant 7 : i32
    %and3A_3680 = vector.broadcast %and3A_3679 : i32 to vector<16xi32>
    %and3A_3681 = arith.andi %get3A_3664, %and3A_3680 : vector<16xi32>
    %shift_left3A_3682 = arith.constant 7 : i32
    %shift_left3A_3683 = vector.broadcast %shift_left3A_3682 : i32 to vector<16xi32>
    %shift_left3A_3684 = arith.shli %and3A_3681, %shift_left3A_3683 : vector<16xi32>
    %or3A_3685 = arith.ori %shift_left3A_3678, %shift_left3A_3684 : vector<16xi32>
    %or3A_3686 = arith.ori %or3A_3685, %add3A_3672 : vector<16xi32>
    %swap3A_3687 = arith.constant 1728 : index
    %swap3A_3688 = tpu.vector_load %arg9[%swap3A_3687] {strides = array<i32>} : memref<2048xi32, #tpu.memory_space<vmem>>, vector<16xi32>,
    %swap3A_3689 = vector.shape_cast %swap3A_3688 : vector<16xi32> to vector<16xi32>
    %swap3A_3690 = vector.shape_cast %or3A_3686 : vector<16xi32> to vector<16xi32>
    tpu.vector_store %arg9[%swap3A_3687], %swap3A_3690 {strides = array<i32>} : memref<2048xi32, #tpu.memory_space<vmem>>, vector<16xi32>,
    %get3A_3691 = arith.constant 1744 : index
    %get3A_3692 = tpu.vector_load %arg6[%get3A_3691] {strides = array<i32>} : memref<2048xi32, #tpu.memory_space<vmem>>, vector<16xi32>,
    %get3A_3693 = vector.shape_cast %get3A_3692 : vector<16xi32> to vector<16xi32>
    %add3A_3694 = arith.constant 1 : i32
    %add3A_3695 = arith.addi %mul3A_31, %add3A_3694 : i32
    %mul3A_3696 = arith.constant 1024 : i32
    %mul3A_3697 = arith.muli %add3A_3695, %mul3A_3696 : i32
    %add3A_3698 = arith.constant 80 : i32
    %add3A_3699 = arith.addi %mul3A_3697, %add3A_3698 : i32
    %add3A_3700 = vector.broadcast %add3A_3699 : i32 to vector<16xi32>
    %add3A_3701 = arith.addi %add3A_3700, %iota3A : vector<16xi32>
    %shift_right_arithmetic3A_3702 = arith.constant 3 : i32
    %shift_right_arithmetic3A_3703 = vector.broadcast %shift_right_arithmetic3A_3702 : i32 to vector<16xi32>
    %shift_right_arithmetic3A_3704 = arith.shrsi %get3A_3693, %shift_right_arithmetic3A_3703 : vector<16xi32>
    %shift_left3A_3705 = arith.constant 13 : i32
    %shift_left3A_3706 = vector.broadcast %shift_left3A_3705 : i32 to vector<16xi32>
    %shift_left3A_3707 = arith.shli %shift_right_arithmetic3A_3704, %shift_left3A_3706 : vector<16xi32>
    %and3A_3708 = arith.constant 7 : i32
    %and3A_3709 = vector.broadcast %and3A_3708 : i32 to vector<16xi32>
    %and3A_3710 = arith.andi %get3A_3693, %and3A_3709 : vector<16xi32>
    %shift_left3A_3711 = arith.constant 7 : i32
    %shift_left3A_3712 = vector.broadcast %shift_left3A_3711 : i32 to vector<16xi32>
    %shift_left3A_3713 = arith.shli %and3A_3710, %shift_left3A_3712 : vector<16xi32>
    %or3A_3714 = arith.ori %shift_left3A_3707, %shift_left3A_3713 : vector<16xi32>
    %or3A_3715 = arith.ori %or3A_3714, %add3A_3701 : vector<16xi32>
    %swap3A_3716 = arith.constant 1744 : index
    %swap3A_3717 = tpu.vector_load %arg9[%swap3A_3716] {strides = array<i32>} : memref<2048xi32, #tpu.memory_space<vmem>>, vector<16xi32>,
    %swap3A_3718 = vector.shape_cast %swap3A_3717 : vector<16xi32> to vector<16xi32>
    %swap3A_3719 = vector.shape_cast %or3A_3715 : vector<16xi32> to vector<16xi32>
    tpu.vector_store %arg9[%swap3A_3716], %swap3A_3719 {strides = array<i32>} : memref<2048xi32, #tpu.memory_space<vmem>>, vector<16xi32>,
    %get3A_3720 = arith.constant 1760 : index
    %get3A_3721 = tpu.vector_load %arg6[%get3A_3720] {strides = array<i32>} : memref<2048xi32, #tpu.memory_space<vmem>>, vector<16xi32>,
    %get3A_3722 = vector.shape_cast %get3A_3721 : vector<16xi32> to vector<16xi32>
    %add3A_3723 = arith.constant 1 : i32
    %add3A_3724 = arith.addi %mul3A_31, %add3A_3723 : i32
    %mul3A_3725 = arith.constant 1024 : i32
    %mul3A_3726 = arith.muli %add3A_3724, %mul3A_3725 : i32
    %add3A_3727 = arith.constant 96 : i32
    %add3A_3728 = arith.addi %mul3A_3726, %add3A_3727 : i32
    %add3A_3729 = vector.broadcast %add3A_3728 : i32 to vector<16xi32>
    %add3A_3730 = arith.addi %add3A_3729, %iota3A : vector<16xi32>
    %shift_right_arithmetic3A_3731 = arith.constant 3 : i32
    %shift_right_arithmetic3A_3732 = vector.broadcast %shift_right_arithmetic3A_3731 : i32 to vector<16xi32>
    %shift_right_arithmetic3A_3733 = arith.shrsi %get3A_3722, %shift_right_arithmetic3A_3732 : vector<16xi32>
    %shift_left3A_3734 = arith.constant 13 : i32
    %shift_left3A_3735 = vector.broadcast %shift_left3A_3734 : i32 to vector<16xi32>
    %shift_left3A_3736 = arith.shli %shift_right_arithmetic3A_3733, %shift_left3A_3735 : vector<16xi32>
    %and3A_3737 = arith.constant 7 : i32
    %and3A_3738 = vector.broadcast %and3A_3737 : i32 to vector<16xi32>
    %and3A_3739 = arith.andi %get3A_3722, %and3A_3738 : vector<16xi32>
    %shift_left3A_3740 = arith.constant 7 : i32
    %shift_left3A_3741 = vector.broadcast %shift_left3A_3740 : i32 to vector<16xi32>
    %shift_left3A_3742 = arith.shli %and3A_3739, %shift_left3A_3741 : vector<16xi32>
    %or3A_3743 = arith.ori %shift_left3A_3736, %shift_left3A_3742 : vector<16xi32>
    %or3A_3744 = arith.ori %or3A_3743, %add3A_3730 : vector<16xi32>
    %swap3A_3745 = arith.constant 1760 : index
    %swap3A_3746 = tpu.vector_load %arg9[%swap3A_3745] {strides = array<i32>} : memref<2048xi32, #tpu.memory_space<vmem>>, vector<16xi32>,
    %swap3A_3747 = vector.shape_cast %swap3A_3746 : vector<16xi32> to vector<16xi32>
    %swap3A_3748 = vector.shape_cast %or3A_3744 : vector<16xi32> to vector<16xi32>
    tpu.vector_store %arg9[%swap3A_3745], %swap3A_3748 {strides = array<i32>} : memref<2048xi32, #tpu.memory_space<vmem>>, vector<16xi32>,
    %get3A_3749 = arith.constant 1776 : index
    %get3A_3750 = tpu.vector_load %arg6[%get3A_3749] {strides = array<i32>} : memref<2048xi32, #tpu.memory_space<vmem>>, vector<16xi32>,
    %get3A_3751 = vector.shape_cast %get3A_3750 : vector<16xi32> to vector<16xi32>
    %add3A_3752 = arith.constant 1 : i32
    %add3A_3753 = arith.addi %mul3A_31, %add3A_3752 : i32
    %mul3A_3754 = arith.constant 1024 : i32
    %mul3A_3755 = arith.muli %add3A_3753, %mul3A_3754 : i32
    %add3A_3756 = arith.constant 112 : i32
    %add3A_3757 = arith.addi %mul3A_3755, %add3A_3756 : i32
    %add3A_3758 = vector.broadcast %add3A_3757 : i32 to vector<16xi32>
    %add3A_3759 = arith.addi %add3A_3758, %iota3A : vector<16xi32>
    %shift_right_arithmetic3A_3760 = arith.constant 3 : i32
    %shift_right_arithmetic3A_3761 = vector.broadcast %shift_right_arithmetic3A_3760 : i32 to vector<16xi32>
    %shift_right_arithmetic3A_3762 = arith.shrsi %get3A_3751, %shift_right_arithmetic3A_3761 : vector<16xi32>
    %shift_left3A_3763 = arith.constant 13 : i32
    %shift_left3A_3764 = vector.broadcast %shift_left3A_3763 : i32 to vector<16xi32>
    %shift_left3A_3765 = arith.shli %shift_right_arithmetic3A_3762, %shift_left3A_3764 : vector<16xi32>
    %and3A_3766 = arith.constant 7 : i32
    %and3A_3767 = vector.broadcast %and3A_3766 : i32 to vector<16xi32>
    %and3A_3768 = arith.andi %get3A_3751, %and3A_3767 : vector<16xi32>
    %shift_left3A_3769 = arith.constant 7 : i32
    %shift_left3A_3770 = vector.broadcast %shift_left3A_3769 : i32 to vector<16xi32>
    %shift_left3A_3771 = arith.shli %and3A_3768, %shift_left3A_3770 : vector<16xi32>
    %or3A_3772 = arith.ori %shift_left3A_3765, %shift_left3A_3771 : vector<16xi32>
    %or3A_3773 = arith.ori %or3A_3772, %add3A_3759 : vector<16xi32>
    %swap3A_3774 = arith.constant 1776 : index
    %swap3A_3775 = tpu.vector_load %arg9[%swap3A_3774] {strides = array<i32>} : memref<2048xi32, #tpu.memory_space<vmem>>, vector<16xi32>,
    %swap3A_3776 = vector.shape_cast %swap3A_3775 : vector<16xi32> to vector<16xi32>
    %swap3A_3777 = vector.shape_cast %or3A_3773 : vector<16xi32> to vector<16xi32>
    tpu.vector_store %arg9[%swap3A_3774], %swap3A_3777 {strides = array<i32>} : memref<2048xi32, #tpu.memory_space<vmem>>, vector<16xi32>,
    %get3A_3778 = arith.constant 1792 : index
    %get3A_3779 = tpu.vector_load %arg6[%get3A_3778] {strides = array<i32>} : memref<2048xi32, #tpu.memory_space<vmem>>, vector<16xi32>,
    %get3A_3780 = vector.shape_cast %get3A_3779 : vector<16xi32> to vector<16xi32>
    %add3A_3781 = arith.constant 1 : i32
    %add3A_3782 = arith.addi %mul3A_31, %add3A_3781 : i32
    %mul3A_3783 = arith.constant 1024 : i32
    %mul3A_3784 = arith.muli %add3A_3782, %mul3A_3783 : i32
    %add3A_3785 = arith.constant 0 : i32
    %add3A_3786 = arith.addi %mul3A_3784, %add3A_3785 : i32
    %add3A_3787 = vector.broadcast %add3A_3786 : i32 to vector<16xi32>
    %add3A_3788 = arith.addi %add3A_3787, %iota3A : vector<16xi32>
    %shift_right_arithmetic3A_3789 = arith.constant 3 : i32
    %shift_right_arithmetic3A_3790 = vector.broadcast %shift_right_arithmetic3A_3789 : i32 to vector<16xi32>
    %shift_right_arithmetic3A_3791 = arith.shrsi %get3A_3780, %shift_right_arithmetic3A_3790 : vector<16xi32>
    %shift_left3A_3792 = arith.constant 13 : i32
    %shift_left3A_3793 = vector.broadcast %shift_left3A_3792 : i32 to vector<16xi32>
    %shift_left3A_3794 = arith.shli %shift_right_arithmetic3A_3791, %shift_left3A_3793 : vector<16xi32>
    %and3A_3795 = arith.constant 7 : i32
    %and3A_3796 = vector.broadcast %and3A_3795 : i32 to vector<16xi32>
    %and3A_3797 = arith.andi %get3A_3780, %and3A_3796 : vector<16xi32>
    %shift_left3A_3798 = arith.constant 7 : i32
    %shift_left3A_3799 = vector.broadcast %shift_left3A_3798 : i32 to vector<16xi32>
    %shift_left3A_3800 = arith.shli %and3A_3797, %shift_left3A_3799 : vector<16xi32>
    %or3A_3801 = arith.ori %shift_left3A_3794, %shift_left3A_3800 : vector<16xi32>
    %or3A_3802 = arith.ori %or3A_3801, %add3A_3788 : vector<16xi32>
    %swap3A_3803 = arith.constant 1792 : index
    %swap3A_3804 = tpu.vector_load %arg9[%swap3A_3803] {strides = array<i32>} : memref<2048xi32, #tpu.memory_space<vmem>>, vector<16xi32>,
    %swap3A_3805 = vector.shape_cast %swap3A_3804 : vector<16xi32> to vector<16xi32>
    %swap3A_3806 = vector.shape_cast %or3A_3802 : vector<16xi32> to vector<16xi32>
    tpu.vector_store %arg9[%swap3A_3803], %swap3A_3806 {strides = array<i32>} : memref<2048xi32, #tpu.memory_space<vmem>>, vector<16xi32>,
    %get3A_3807 = arith.constant 1808 : index
    %get3A_3808 = tpu.vector_load %arg6[%get3A_3807] {strides = array<i32>} : memref<2048xi32, #tpu.memory_space<vmem>>, vector<16xi32>,
    %get3A_3809 = vector.shape_cast %get3A_3808 : vector<16xi32> to vector<16xi32>
    %add3A_3810 = arith.constant 1 : i32
    %add3A_3811 = arith.addi %mul3A_31, %add3A_3810 : i32
    %mul3A_3812 = arith.constant 1024 : i32
    %mul3A_3813 = arith.muli %add3A_3811, %mul3A_3812 : i32
    %add3A_3814 = arith.constant 16 : i32
    %add3A_3815 = arith.addi %mul3A_3813, %add3A_3814 : i32
    %add3A_3816 = vector.broadcast %add3A_3815 : i32 to vector<16xi32>
    %add3A_3817 = arith.addi %add3A_3816, %iota3A : vector<16xi32>
    %shift_right_arithmetic3A_3818 = arith.constant 3 : i32
    %shift_right_arithmetic3A_3819 = vector.broadcast %shift_right_arithmetic3A_3818 : i32 to vector<16xi32>
    %shift_right_arithmetic3A_3820 = arith.shrsi %get3A_3809, %shift_right_arithmetic3A_3819 : vector<16xi32>
    %shift_left3A_3821 = arith.constant 13 : i32
    %shift_left3A_3822 = vector.broadcast %shift_left3A_3821 : i32 to vector<16xi32>
    %shift_left3A_3823 = arith.shli %shift_right_arithmetic3A_3820, %shift_left3A_3822 : vector<16xi32>
    %and3A_3824 = arith.constant 7 : i32
    %and3A_3825 = vector.broadcast %and3A_3824 : i32 to vector<16xi32>
    %and3A_3826 = arith.andi %get3A_3809, %and3A_3825 : vector<16xi32>
    %shift_left3A_3827 = arith.constant 7 : i32
    %shift_left3A_3828 = vector.broadcast %shift_left3A_3827 : i32 to vector<16xi32>
    %shift_left3A_3829 = arith.shli %and3A_3826, %shift_left3A_3828 : vector<16xi32>
    %or3A_3830 = arith.ori %shift_left3A_3823, %shift_left3A_3829 : vector<16xi32>
    %or3A_3831 = arith.ori %or3A_3830, %add3A_3817 : vector<16xi32>
    %swap3A_3832 = arith.constant 1808 : index
    %swap3A_3833 = tpu.vector_load %arg9[%swap3A_3832] {strides = array<i32>} : memref<2048xi32, #tpu.memory_space<vmem>>, vector<16xi32>,
    %swap3A_3834 = vector.shape_cast %swap3A_3833 : vector<16xi32> to vector<16xi32>
    %swap3A_3835 = vector.shape_cast %or3A_3831 : vector<16xi32> to vector<16xi32>
    tpu.vector_store %arg9[%swap3A_3832], %swap3A_3835 {strides = array<i32>} : memref<2048xi32, #tpu.memory_space<vmem>>, vector<16xi32>,
    %get3A_3836 = arith.constant 1824 : index
    %get3A_3837 = tpu.vector_load %arg6[%get3A_3836] {strides = array<i32>} : memref<2048xi32, #tpu.memory_space<vmem>>, vector<16xi32>,
    %get3A_3838 = vector.shape_cast %get3A_3837 : vector<16xi32> to vector<16xi32>
    %add3A_3839 = arith.constant 1 : i32
    %add3A_3840 = arith.addi %mul3A_31, %add3A_3839 : i32
    %mul3A_3841 = arith.constant 1024 : i32
    %mul3A_3842 = arith.muli %add3A_3840, %mul3A_3841 : i32
    %add3A_3843 = arith.constant 32 : i32
    %add3A_3844 = arith.addi %mul3A_3842, %add3A_3843 : i32
    %add3A_3845 = vector.broadcast %add3A_3844 : i32 to vector<16xi32>
    %add3A_3846 = arith.addi %add3A_3845, %iota3A : vector<16xi32>
    %shift_right_arithmetic3A_3847 = arith.constant 3 : i32
    %shift_right_arithmetic3A_3848 = vector.broadcast %shift_right_arithmetic3A_3847 : i32 to vector<16xi32>
    %shift_right_arithmetic3A_3849 = arith.shrsi %get3A_3838, %shift_right_arithmetic3A_3848 : vector<16xi32>
    %shift_left3A_3850 = arith.constant 13 : i32
    %shift_left3A_3851 = vector.broadcast %shift_left3A_3850 : i32 to vector<16xi32>
    %shift_left3A_3852 = arith.shli %shift_right_arithmetic3A_3849, %shift_left3A_3851 : vector<16xi32>
    %and3A_3853 = arith.constant 7 : i32
    %and3A_3854 = vector.broadcast %and3A_3853 : i32 to vector<16xi32>
    %and3A_3855 = arith.andi %get3A_3838, %and3A_3854 : vector<16xi32>
    %shift_left3A_3856 = arith.constant 7 : i32
    %shift_left3A_3857 = vector.broadcast %shift_left3A_3856 : i32 to vector<16xi32>
    %shift_left3A_3858 = arith.shli %and3A_3855, %shift_left3A_3857 : vector<16xi32>
    %or3A_3859 = arith.ori %shift_left3A_3852, %shift_left3A_3858 : vector<16xi32>
    %or3A_3860 = arith.ori %or3A_3859, %add3A_3846 : vector<16xi32>
    %swap3A_3861 = arith.constant 1824 : index
    %swap3A_3862 = tpu.vector_load %arg9[%swap3A_3861] {strides = array<i32>} : memref<2048xi32, #tpu.memory_space<vmem>>, vector<16xi32>,
    %swap3A_3863 = vector.shape_cast %swap3A_3862 : vector<16xi32> to vector<16xi32>
    %swap3A_3864 = vector.shape_cast %or3A_3860 : vector<16xi32> to vector<16xi32>
    tpu.vector_store %arg9[%swap3A_3861], %swap3A_3864 {strides = array<i32>} : memref<2048xi32, #tpu.memory_space<vmem>>, vector<16xi32>,
    %get3A_3865 = arith.constant 1840 : index
    %get3A_3866 = tpu.vector_load %arg6[%get3A_3865] {strides = array<i32>} : memref<2048xi32, #tpu.memory_space<vmem>>, vector<16xi32>,
    %get3A_3867 = vector.shape_cast %get3A_3866 : vector<16xi32> to vector<16xi32>
    %add3A_3868 = arith.constant 1 : i32
    %add3A_3869 = arith.addi %mul3A_31, %add3A_3868 : i32
    %mul3A_3870 = arith.constant 1024 : i32
    %mul3A_3871 = arith.muli %add3A_3869, %mul3A_3870 : i32
    %add3A_3872 = arith.constant 48 : i32
    %add3A_3873 = arith.addi %mul3A_3871, %add3A_3872 : i32
    %add3A_3874 = vector.broadcast %add3A_3873 : i32 to vector<16xi32>
    %add3A_3875 = arith.addi %add3A_3874, %iota3A : vector<16xi32>
    %shift_right_arithmetic3A_3876 = arith.constant 3 : i32
    %shift_right_arithmetic3A_3877 = vector.broadcast %shift_right_arithmetic3A_3876 : i32 to vector<16xi32>
    %shift_right_arithmetic3A_3878 = arith.shrsi %get3A_3867, %shift_right_arithmetic3A_3877 : vector<16xi32>
    %shift_left3A_3879 = arith.constant 13 : i32
    %shift_left3A_3880 = vector.broadcast %shift_left3A_3879 : i32 to vector<16xi32>
    %shift_left3A_3881 = arith.shli %shift_right_arithmetic3A_3878, %shift_left3A_3880 : vector<16xi32>
    %and3A_3882 = arith.constant 7 : i32
    %and3A_3883 = vector.broadcast %and3A_3882 : i32 to vector<16xi32>
    %and3A_3884 = arith.andi %get3A_3867, %and3A_3883 : vector<16xi32>
    %shift_left3A_3885 = arith.constant 7 : i32
    %shift_left3A_3886 = vector.broadcast %shift_left3A_3885 : i32 to vector<16xi32>
    %shift_left3A_3887 = arith.shli %and3A_3884, %shift_left3A_3886 : vector<16xi32>
    %or3A_3888 = arith.ori %shift_left3A_3881, %shift_left3A_3887 : vector<16xi32>
    %or3A_3889 = arith.ori %or3A_3888, %add3A_3875 : vector<16xi32>
    %swap3A_3890 = arith.constant 1840 : index
    %swap3A_3891 = tpu.vector_load %arg9[%swap3A_3890] {strides = array<i32>} : memref<2048xi32, #tpu.memory_space<vmem>>, vector<16xi32>,
    %swap3A_3892 = vector.shape_cast %swap3A_3891 : vector<16xi32> to vector<16xi32>
    %swap3A_3893 = vector.shape_cast %or3A_3889 : vector<16xi32> to vector<16xi32>
    tpu.vector_store %arg9[%swap3A_3890], %swap3A_3893 {strides = array<i32>} : memref<2048xi32, #tpu.memory_space<vmem>>, vector<16xi32>,
    %get3A_3894 = arith.constant 1856 : index
    %get3A_3895 = tpu.vector_load %arg6[%get3A_3894] {strides = array<i32>} : memref<2048xi32, #tpu.memory_space<vmem>>, vector<16xi32>,
    %get3A_3896 = vector.shape_cast %get3A_3895 : vector<16xi32> to vector<16xi32>
    %add3A_3897 = arith.constant 1 : i32
    %add3A_3898 = arith.addi %mul3A_31, %add3A_3897 : i32
    %mul3A_3899 = arith.constant 1024 : i32
    %mul3A_3900 = arith.muli %add3A_3898, %mul3A_3899 : i32
    %add3A_3901 = arith.constant 64 : i32
    %add3A_3902 = arith.addi %mul3A_3900, %add3A_3901 : i32
    %add3A_3903 = vector.broadcast %add3A_3902 : i32 to vector<16xi32>
    %add3A_3904 = arith.addi %add3A_3903, %iota3A : vector<16xi32>
    %shift_right_arithmetic3A_3905 = arith.constant 3 : i32
    %shift_right_arithmetic3A_3906 = vector.broadcast %shift_right_arithmetic3A_3905 : i32 to vector<16xi32>
    %shift_right_arithmetic3A_3907 = arith.shrsi %get3A_3896, %shift_right_arithmetic3A_3906 : vector<16xi32>
    %shift_left3A_3908 = arith.constant 13 : i32
    %shift_left3A_3909 = vector.broadcast %shift_left3A_3908 : i32 to vector<16xi32>
    %shift_left3A_3910 = arith.shli %shift_right_arithmetic3A_3907, %shift_left3A_3909 : vector<16xi32>
    %and3A_3911 = arith.constant 7 : i32
    %and3A_3912 = vector.broadcast %and3A_3911 : i32 to vector<16xi32>
    %and3A_3913 = arith.andi %get3A_3896, %and3A_3912 : vector<16xi32>
    %shift_left3A_3914 = arith.constant 7 : i32
    %shift_left3A_3915 = vector.broadcast %shift_left3A_3914 : i32 to vector<16xi32>
    %shift_left3A_3916 = arith.shli %and3A_3913, %shift_left3A_3915 : vector<16xi32>
    %or3A_3917 = arith.ori %shift_left3A_3910, %shift_left3A_3916 : vector<16xi32>
    %or3A_3918 = arith.ori %or3A_3917, %add3A_3904 : vector<16xi32>
    %swap3A_3919 = arith.constant 1856 : index
    %swap3A_3920 = tpu.vector_load %arg9[%swap3A_3919] {strides = array<i32>} : memref<2048xi32, #tpu.memory_space<vmem>>, vector<16xi32>,
    %swap3A_3921 = vector.shape_cast %swap3A_3920 : vector<16xi32> to vector<16xi32>
    %swap3A_3922 = vector.shape_cast %or3A_3918 : vector<16xi32> to vector<16xi32>
    tpu.vector_store %arg9[%swap3A_3919], %swap3A_3922 {strides = array<i32>} : memref<2048xi32, #tpu.memory_space<vmem>>, vector<16xi32>,
    %get3A_3923 = arith.constant 1872 : index
    %get3A_3924 = tpu.vector_load %arg6[%get3A_3923] {strides = array<i32>} : memref<2048xi32, #tpu.memory_space<vmem>>, vector<16xi32>,
    %get3A_3925 = vector.shape_cast %get3A_3924 : vector<16xi32> to vector<16xi32>
    %add3A_3926 = arith.constant 1 : i32
    %add3A_3927 = arith.addi %mul3A_31, %add3A_3926 : i32
    %mul3A_3928 = arith.constant 1024 : i32
    %mul3A_3929 = arith.muli %add3A_3927, %mul3A_3928 : i32
    %add3A_3930 = arith.constant 80 : i32
    %add3A_3931 = arith.addi %mul3A_3929, %add3A_3930 : i32
    %add3A_3932 = vector.broadcast %add3A_3931 : i32 to vector<16xi32>
    %add3A_3933 = arith.addi %add3A_3932, %iota3A : vector<16xi32>
    %shift_right_arithmetic3A_3934 = arith.constant 3 : i32
    %shift_right_arithmetic3A_3935 = vector.broadcast %shift_right_arithmetic3A_3934 : i32 to vector<16xi32>
    %shift_right_arithmetic3A_3936 = arith.shrsi %get3A_3925, %shift_right_arithmetic3A_3935 : vector<16xi32>
    %shift_left3A_3937 = arith.constant 13 : i32
    %shift_left3A_3938 = vector.broadcast %shift_left3A_3937 : i32 to vector<16xi32>
    %shift_left3A_3939 = arith.shli %shift_right_arithmetic3A_3936, %shift_left3A_3938 : vector<16xi32>
    %and3A_3940 = arith.constant 7 : i32
    %and3A_3941 = vector.broadcast %and3A_3940 : i32 to vector<16xi32>
    %and3A_3942 = arith.andi %get3A_3925, %and3A_3941 : vector<16xi32>
    %shift_left3A_3943 = arith.constant 7 : i32
    %shift_left3A_3944 = vector.broadcast %shift_left3A_3943 : i32 to vector<16xi32>
    %shift_left3A_3945 = arith.shli %and3A_3942, %shift_left3A_3944 : vector<16xi32>
    %or3A_3946 = arith.ori %shift_left3A_3939, %shift_left3A_3945 : vector<16xi32>
    %or3A_3947 = arith.ori %or3A_3946, %add3A_3933 : vector<16xi32>
    %swap3A_3948 = arith.constant 1872 : index
    %swap3A_3949 = tpu.vector_load %arg9[%swap3A_3948] {strides = array<i32>} : memref<2048xi32, #tpu.memory_space<vmem>>, vector<16xi32>,
    %swap3A_3950 = vector.shape_cast %swap3A_3949 : vector<16xi32> to vector<16xi32>
    %swap3A_3951 = vector.shape_cast %or3A_3947 : vector<16xi32> to vector<16xi32>
    tpu.vector_store %arg9[%swap3A_3948], %swap3A_3951 {strides = array<i32>} : memref<2048xi32, #tpu.memory_space<vmem>>, vector<16xi32>,
    %get3A_3952 = arith.constant 1888 : index
    %get3A_3953 = tpu.vector_load %arg6[%get3A_3952] {strides = array<i32>} : memref<2048xi32, #tpu.memory_space<vmem>>, vector<16xi32>,
    %get3A_3954 = vector.shape_cast %get3A_3953 : vector<16xi32> to vector<16xi32>
    %add3A_3955 = arith.constant 1 : i32
    %add3A_3956 = arith.addi %mul3A_31, %add3A_3955 : i32
    %mul3A_3957 = arith.constant 1024 : i32
    %mul3A_3958 = arith.muli %add3A_3956, %mul3A_3957 : i32
    %add3A_3959 = arith.constant 96 : i32
    %add3A_3960 = arith.addi %mul3A_3958, %add3A_3959 : i32
    %add3A_3961 = vector.broadcast %add3A_3960 : i32 to vector<16xi32>
    %add3A_3962 = arith.addi %add3A_3961, %iota3A : vector<16xi32>
    %shift_right_arithmetic3A_3963 = arith.constant 3 : i32
    %shift_right_arithmetic3A_3964 = vector.broadcast %shift_right_arithmetic3A_3963 : i32 to vector<16xi32>
    %shift_right_arithmetic3A_3965 = arith.shrsi %get3A_3954, %shift_right_arithmetic3A_3964 : vector<16xi32>
    %shift_left3A_3966 = arith.constant 13 : i32
    %shift_left3A_3967 = vector.broadcast %shift_left3A_3966 : i32 to vector<16xi32>
    %shift_left3A_3968 = arith.shli %shift_right_arithmetic3A_3965, %shift_left3A_3967 : vector<16xi32>
    %and3A_3969 = arith.constant 7 : i32
    %and3A_3970 = vector.broadcast %and3A_3969 : i32 to vector<16xi32>
    %and3A_3971 = arith.andi %get3A_3954, %and3A_3970 : vector<16xi32>
    %shift_left3A_3972 = arith.constant 7 : i32
    %shift_left3A_3973 = vector.broadcast %shift_left3A_3972 : i32 to vector<16xi32>
    %shift_left3A_3974 = arith.shli %and3A_3971, %shift_left3A_3973 : vector<16xi32>
    %or3A_3975 = arith.ori %shift_left3A_3968, %shift_left3A_3974 : vector<16xi32>
    %or3A_3976 = arith.ori %or3A_3975, %add3A_3962 : vector<16xi32>
    %swap3A_3977 = arith.constant 1888 : index
    %swap3A_3978 = tpu.vector_load %arg9[%swap3A_3977] {strides = array<i32>} : memref<2048xi32, #tpu.memory_space<vmem>>, vector<16xi32>,
    %swap3A_3979 = vector.shape_cast %swap3A_3978 : vector<16xi32> to vector<16xi32>
    %swap3A_3980 = vector.shape_cast %or3A_3976 : vector<16xi32> to vector<16xi32>
    tpu.vector_store %arg9[%swap3A_3977], %swap3A_3980 {strides = array<i32>} : memref<2048xi32, #tpu.memory_space<vmem>>, vector<16xi32>,
    %get3A_3981 = arith.constant 1904 : index
    %get3A_3982 = tpu.vector_load %arg6[%get3A_3981] {strides = array<i32>} : memref<2048xi32, #tpu.memory_space<vmem>>, vector<16xi32>,
    %get3A_3983 = vector.shape_cast %get3A_3982 : vector<16xi32> to vector<16xi32>
    %add3A_3984 = arith.constant 1 : i32
    %add3A_3985 = arith.addi %mul3A_31, %add3A_3984 : i32
    %mul3A_3986 = arith.constant 1024 : i32
    %mul3A_3987 = arith.muli %add3A_3985, %mul3A_3986 : i32
    %add3A_3988 = arith.constant 112 : i32
    %add3A_3989 = arith.addi %mul3A_3987, %add3A_3988 : i32
    %add3A_3990 = vector.broadcast %add3A_3989 : i32 to vector<16xi32>
    %add3A_3991 = arith.addi %add3A_3990, %iota3A : vector<16xi32>
    %shift_right_arithmetic3A_3992 = arith.constant 3 : i32
    %shift_right_arithmetic3A_3993 = vector.broadcast %shift_right_arithmetic3A_3992 : i32 to vector<16xi32>
    %shift_right_arithmetic3A_3994 = arith.shrsi %get3A_3983, %shift_right_arithmetic3A_3993 : vector<16xi32>
    %shift_left3A_3995 = arith.constant 13 : i32
    %shift_left3A_3996 = vector.broadcast %shift_left3A_3995 : i32 to vector<16xi32>
    %shift_left3A_3997 = arith.shli %shift_right_arithmetic3A_3994, %shift_left3A_3996 : vector<16xi32>
    %and3A_3998 = arith.constant 7 : i32
    %and3A_3999 = vector.broadcast %and3A_3998 : i32 to vector<16xi32>
    %and3A_4000 = arith.andi %get3A_3983, %and3A_3999 : vector<16xi32>
    %shift_left3A_4001 = arith.constant 7 : i32
    %shift_left3A_4002 = vector.broadcast %shift_left3A_4001 : i32 to vector<16xi32>
    %shift_left3A_4003 = arith.shli %and3A_4000, %shift_left3A_4002 : vector<16xi32>
    %or3A_4004 = arith.ori %shift_left3A_3997, %shift_left3A_4003 : vector<16xi32>
    %or3A_4005 = arith.ori %or3A_4004, %add3A_3991 : vector<16xi32>
    %swap3A_4006 = arith.constant 1904 : index
    %swap3A_4007 = tpu.vector_load %arg9[%swap3A_4006] {strides = array<i32>} : memref<2048xi32, #tpu.memory_space<vmem>>, vector<16xi32>,
    %swap3A_4008 = vector.shape_cast %swap3A_4007 : vector<16xi32> to vector<16xi32>
    %swap3A_4009 = vector.shape_cast %or3A_4005 : vector<16xi32> to vector<16xi32>
    tpu.vector_store %arg9[%swap3A_4006], %swap3A_4009 {strides = array<i32>} : memref<2048xi32, #tpu.memory_space<vmem>>, vector<16xi32>,
    %get3A_4010 = arith.constant 1920 : index
    %get3A_4011 = tpu.vector_load %arg6[%get3A_4010] {strides = array<i32>} : memref<2048xi32, #tpu.memory_space<vmem>>, vector<16xi32>,
    %get3A_4012 = vector.shape_cast %get3A_4011 : vector<16xi32> to vector<16xi32>
    %add3A_4013 = arith.constant 1 : i32
    %add3A_4014 = arith.addi %mul3A_31, %add3A_4013 : i32
    %mul3A_4015 = arith.constant 1024 : i32
    %mul3A_4016 = arith.muli %add3A_4014, %mul3A_4015 : i32
    %add3A_4017 = arith.constant 0 : i32
    %add3A_4018 = arith.addi %mul3A_4016, %add3A_4017 : i32
    %add3A_4019 = vector.broadcast %add3A_4018 : i32 to vector<16xi32>
    %add3A_4020 = arith.addi %add3A_4019, %iota3A : vector<16xi32>
    %shift_right_arithmetic3A_4021 = arith.constant 3 : i32
    %shift_right_arithmetic3A_4022 = vector.broadcast %shift_right_arithmetic3A_4021 : i32 to vector<16xi32>
    %shift_right_arithmetic3A_4023 = arith.shrsi %get3A_4012, %shift_right_arithmetic3A_4022 : vector<16xi32>
    %shift_left3A_4024 = arith.constant 13 : i32
    %shift_left3A_4025 = vector.broadcast %shift_left3A_4024 : i32 to vector<16xi32>
    %shift_left3A_4026 = arith.shli %shift_right_arithmetic3A_4023, %shift_left3A_4025 : vector<16xi32>
    %and3A_4027 = arith.constant 7 : i32
    %and3A_4028 = vector.broadcast %and3A_4027 : i32 to vector<16xi32>
    %and3A_4029 = arith.andi %get3A_4012, %and3A_4028 : vector<16xi32>
    %shift_left3A_4030 = arith.constant 7 : i32
    %shift_left3A_4031 = vector.broadcast %shift_left3A_4030 : i32 to vector<16xi32>
    %shift_left3A_4032 = arith.shli %and3A_4029, %shift_left3A_4031 : vector<16xi32>
    %or3A_4033 = arith.ori %shift_left3A_4026, %shift_left3A_4032 : vector<16xi32>
    %or3A_4034 = arith.ori %or3A_4033, %add3A_4020 : vector<16xi32>
    %swap3A_4035 = arith.constant 1920 : index
    %swap3A_4036 = tpu.vector_load %arg9[%swap3A_4035] {strides = array<i32>} : memref<2048xi32, #tpu.memory_space<vmem>>, vector<16xi32>,
    %swap3A_4037 = vector.shape_cast %swap3A_4036 : vector<16xi32> to vector<16xi32>
    %swap3A_4038 = vector.shape_cast %or3A_4034 : vector<16xi32> to vector<16xi32>
    tpu.vector_store %arg9[%swap3A_4035], %swap3A_4038 {strides = array<i32>} : memref<2048xi32, #tpu.memory_space<vmem>>, vector<16xi32>,
    %get3A_4039 = arith.constant 1936 : index
    %get3A_4040 = tpu.vector_load %arg6[%get3A_4039] {strides = array<i32>} : memref<2048xi32, #tpu.memory_space<vmem>>, vector<16xi32>,
    %get3A_4041 = vector.shape_cast %get3A_4040 : vector<16xi32> to vector<16xi32>
    %add3A_4042 = arith.constant 1 : i32
    %add3A_4043 = arith.addi %mul3A_31, %add3A_4042 : i32
    %mul3A_4044 = arith.constant 1024 : i32
    %mul3A_4045 = arith.muli %add3A_4043, %mul3A_4044 : i32
    %add3A_4046 = arith.constant 16 : i32
    %add3A_4047 = arith.addi %mul3A_4045, %add3A_4046 : i32
    %add3A_4048 = vector.broadcast %add3A_4047 : i32 to vector<16xi32>
    %add3A_4049 = arith.addi %add3A_4048, %iota3A : vector<16xi32>
    %shift_right_arithmetic3A_4050 = arith.constant 3 : i32
    %shift_right_arithmetic3A_4051 = vector.broadcast %shift_right_arithmetic3A_4050 : i32 to vector<16xi32>
    %shift_right_arithmetic3A_4052 = arith.shrsi %get3A_4041, %shift_right_arithmetic3A_4051 : vector<16xi32>
    %shift_left3A_4053 = arith.constant 13 : i32
    %shift_left3A_4054 = vector.broadcast %shift_left3A_4053 : i32 to vector<16xi32>
    %shift_left3A_4055 = arith.shli %shift_right_arithmetic3A_4052, %shift_left3A_4054 : vector<16xi32>
    %and3A_4056 = arith.constant 7 : i32
    %and3A_4057 = vector.broadcast %and3A_4056 : i32 to vector<16xi32>
    %and3A_4058 = arith.andi %get3A_4041, %and3A_4057 : vector<16xi32>
    %shift_left3A_4059 = arith.constant 7 : i32
    %shift_left3A_4060 = vector.broadcast %shift_left3A_4059 : i32 to vector<16xi32>
    %shift_left3A_4061 = arith.shli %and3A_4058, %shift_left3A_4060 : vector<16xi32>
    %or3A_4062 = arith.ori %shift_left3A_4055, %shift_left3A_4061 : vector<16xi32>
    %or3A_4063 = arith.ori %or3A_4062, %add3A_4049 : vector<16xi32>
    %swap3A_4064 = arith.constant 1936 : index
    %swap3A_4065 = tpu.vector_load %arg9[%swap3A_4064] {strides = array<i32>} : memref<2048xi32, #tpu.memory_space<vmem>>, vector<16xi32>,
    %swap3A_4066 = vector.shape_cast %swap3A_4065 : vector<16xi32> to vector<16xi32>
    %swap3A_4067 = vector.shape_cast %or3A_4063 : vector<16xi32> to vector<16xi32>
    tpu.vector_store %arg9[%swap3A_4064], %swap3A_4067 {strides = array<i32>} : memref<2048xi32, #tpu.memory_space<vmem>>, vector<16xi32>,
    %get3A_4068 = arith.constant 1952 : index
    %get3A_4069 = tpu.vector_load %arg6[%get3A_4068] {strides = array<i32>} : memref<2048xi32, #tpu.memory_space<vmem>>, vector<16xi32>,
    %get3A_4070 = vector.shape_cast %get3A_4069 : vector<16xi32> to vector<16xi32>
    %add3A_4071 = arith.constant 1 : i32
    %add3A_4072 = arith.addi %mul3A_31, %add3A_4071 : i32
    %mul3A_4073 = arith.constant 1024 : i32
    %mul3A_4074 = arith.muli %add3A_4072, %mul3A_4073 : i32
    %add3A_4075 = arith.constant 32 : i32
    %add3A_4076 = arith.addi %mul3A_4074, %add3A_4075 : i32
    %add3A_4077 = vector.broadcast %add3A_4076 : i32 to vector<16xi32>
    %add3A_4078 = arith.addi %add3A_4077, %iota3A : vector<16xi32>
    %shift_right_arithmetic3A_4079 = arith.constant 3 : i32
    %shift_right_arithmetic3A_4080 = vector.broadcast %shift_right_arithmetic3A_4079 : i32 to vector<16xi32>
    %shift_right_arithmetic3A_4081 = arith.shrsi %get3A_4070, %shift_right_arithmetic3A_4080 : vector<16xi32>
    %shift_left3A_4082 = arith.constant 13 : i32
    %shift_left3A_4083 = vector.broadcast %shift_left3A_4082 : i32 to vector<16xi32>
    %shift_left3A_4084 = arith.shli %shift_right_arithmetic3A_4081, %shift_left3A_4083 : vector<16xi32>
    %and3A_4085 = arith.constant 7 : i32
    %and3A_4086 = vector.broadcast %and3A_4085 : i32 to vector<16xi32>
    %and3A_4087 = arith.andi %get3A_4070, %and3A_4086 : vector<16xi32>
    %shift_left3A_4088 = arith.constant 7 : i32
    %shift_left3A_4089 = vector.broadcast %shift_left3A_4088 : i32 to vector<16xi32>
    %shift_left3A_4090 = arith.shli %and3A_4087, %shift_left3A_4089 : vector<16xi32>
    %or3A_4091 = arith.ori %shift_left3A_4084, %shift_left3A_4090 : vector<16xi32>
    %or3A_4092 = arith.ori %or3A_4091, %add3A_4078 : vector<16xi32>
    %swap3A_4093 = arith.constant 1952 : index
    %swap3A_4094 = tpu.vector_load %arg9[%swap3A_4093] {strides = array<i32>} : memref<2048xi32, #tpu.memory_space<vmem>>, vector<16xi32>,
    %swap3A_4095 = vector.shape_cast %swap3A_4094 : vector<16xi32> to vector<16xi32>
    %swap3A_4096 = vector.shape_cast %or3A_4092 : vector<16xi32> to vector<16xi32>
    tpu.vector_store %arg9[%swap3A_4093], %swap3A_4096 {strides = array<i32>} : memref<2048xi32, #tpu.memory_space<vmem>>, vector<16xi32>,
    %get3A_4097 = arith.constant 1968 : index
    %get3A_4098 = tpu.vector_load %arg6[%get3A_4097] {strides = array<i32>} : memref<2048xi32, #tpu.memory_space<vmem>>, vector<16xi32>,
    %get3A_4099 = vector.shape_cast %get3A_4098 : vector<16xi32> to vector<16xi32>
    %add3A_4100 = arith.constant 1 : i32
    %add3A_4101 = arith.addi %mul3A_31, %add3A_4100 : i32
    %mul3A_4102 = arith.constant 1024 : i32
    %mul3A_4103 = arith.muli %add3A_4101, %mul3A_4102 : i32
    %add3A_4104 = arith.constant 48 : i32
    %add3A_4105 = arith.addi %mul3A_4103, %add3A_4104 : i32
    %add3A_4106 = vector.broadcast %add3A_4105 : i32 to vector<16xi32>
    %add3A_4107 = arith.addi %add3A_4106, %iota3A : vector<16xi32>
    %shift_right_arithmetic3A_4108 = arith.constant 3 : i32
    %shift_right_arithmetic3A_4109 = vector.broadcast %shift_right_arithmetic3A_4108 : i32 to vector<16xi32>
    %shift_right_arithmetic3A_4110 = arith.shrsi %get3A_4099, %shift_right_arithmetic3A_4109 : vector<16xi32>
    %shift_left3A_4111 = arith.constant 13 : i32
    %shift_left3A_4112 = vector.broadcast %shift_left3A_4111 : i32 to vector<16xi32>
    %shift_left3A_4113 = arith.shli %shift_right_arithmetic3A_4110, %shift_left3A_4112 : vector<16xi32>
    %and3A_4114 = arith.constant 7 : i32
    %and3A_4115 = vector.broadcast %and3A_4114 : i32 to vector<16xi32>
    %and3A_4116 = arith.andi %get3A_4099, %and3A_4115 : vector<16xi32>
    %shift_left3A_4117 = arith.constant 7 : i32
    %shift_left3A_4118 = vector.broadcast %shift_left3A_4117 : i32 to vector<16xi32>
    %shift_left3A_4119 = arith.shli %and3A_4116, %shift_left3A_4118 : vector<16xi32>
    %or3A_4120 = arith.ori %shift_left3A_4113, %shift_left3A_4119 : vector<16xi32>
    %or3A_4121 = arith.ori %or3A_4120, %add3A_4107 : vector<16xi32>
    %swap3A_4122 = arith.constant 1968 : index
    %swap3A_4123 = tpu.vector_load %arg9[%swap3A_4122] {strides = array<i32>} : memref<2048xi32, #tpu.memory_space<vmem>>, vector<16xi32>,
    %swap3A_4124 = vector.shape_cast %swap3A_4123 : vector<16xi32> to vector<16xi32>
    %swap3A_4125 = vector.shape_cast %or3A_4121 : vector<16xi32> to vector<16xi32>
    tpu.vector_store %arg9[%swap3A_4122], %swap3A_4125 {strides = array<i32>} : memref<2048xi32, #tpu.memory_space<vmem>>, vector<16xi32>,
    %get3A_4126 = arith.constant 1984 : index
    %get3A_4127 = tpu.vector_load %arg6[%get3A_4126] {strides = array<i32>} : memref<2048xi32, #tpu.memory_space<vmem>>, vector<16xi32>,
    %get3A_4128 = vector.shape_cast %get3A_4127 : vector<16xi32> to vector<16xi32>
    %add3A_4129 = arith.constant 1 : i32
    %add3A_4130 = arith.addi %mul3A_31, %add3A_4129 : i32
    %mul3A_4131 = arith.constant 1024 : i32
    %mul3A_4132 = arith.muli %add3A_4130, %mul3A_4131 : i32
    %add3A_4133 = arith.constant 64 : i32
    %add3A_4134 = arith.addi %mul3A_4132, %add3A_4133 : i32
    %add3A_4135 = vector.broadcast %add3A_4134 : i32 to vector<16xi32>
    %add3A_4136 = arith.addi %add3A_4135, %iota3A : vector<16xi32>
    %shift_right_arithmetic3A_4137 = arith.constant 3 : i32
    %shift_right_arithmetic3A_4138 = vector.broadcast %shift_right_arithmetic3A_4137 : i32 to vector<16xi32>
    %shift_right_arithmetic3A_4139 = arith.shrsi %get3A_4128, %shift_right_arithmetic3A_4138 : vector<16xi32>
    %shift_left3A_4140 = arith.constant 13 : i32
    %shift_left3A_4141 = vector.broadcast %shift_left3A_4140 : i32 to vector<16xi32>
    %shift_left3A_4142 = arith.shli %shift_right_arithmetic3A_4139, %shift_left3A_4141 : vector<16xi32>
    %and3A_4143 = arith.constant 7 : i32
    %and3A_4144 = vector.broadcast %and3A_4143 : i32 to vector<16xi32>
    %and3A_4145 = arith.andi %get3A_4128, %and3A_4144 : vector<16xi32>
    %shift_left3A_4146 = arith.constant 7 : i32
    %shift_left3A_4147 = vector.broadcast %shift_left3A_4146 : i32 to vector<16xi32>
    %shift_left3A_4148 = arith.shli %and3A_4145, %shift_left3A_4147 : vector<16xi32>
    %or3A_4149 = arith.ori %shift_left3A_4142, %shift_left3A_4148 : vector<16xi32>
    %or3A_4150 = arith.ori %or3A_4149, %add3A_4136 : vector<16xi32>
    %swap3A_4151 = arith.constant 1984 : index
    %swap3A_4152 = tpu.vector_load %arg9[%swap3A_4151] {strides = array<i32>} : memref<2048xi32, #tpu.memory_space<vmem>>, vector<16xi32>,
    %swap3A_4153 = vector.shape_cast %swap3A_4152 : vector<16xi32> to vector<16xi32>
    %swap3A_4154 = vector.shape_cast %or3A_4150 : vector<16xi32> to vector<16xi32>
    tpu.vector_store %arg9[%swap3A_4151], %swap3A_4154 {strides = array<i32>} : memref<2048xi32, #tpu.memory_space<vmem>>, vector<16xi32>,
    %get3A_4155 = arith.constant 2000 : index
    %get3A_4156 = tpu.vector_load %arg6[%get3A_4155] {strides = array<i32>} : memref<2048xi32, #tpu.memory_space<vmem>>, vector<16xi32>,
    %get3A_4157 = vector.shape_cast %get3A_4156 : vector<16xi32> to vector<16xi32>
    %add3A_4158 = arith.constant 1 : i32
    %add3A_4159 = arith.addi %mul3A_31, %add3A_4158 : i32
    %mul3A_4160 = arith.constant 1024 : i32
    %mul3A_4161 = arith.muli %add3A_4159, %mul3A_4160 : i32
    %add3A_4162 = arith.constant 80 : i32
    %add3A_4163 = arith.addi %mul3A_4161, %add3A_4162 : i32
    %add3A_4164 = vector.broadcast %add3A_4163 : i32 to vector<16xi32>
    %add3A_4165 = arith.addi %add3A_4164, %iota3A : vector<16xi32>
    %shift_right_arithmetic3A_4166 = arith.constant 3 : i32
    %shift_right_arithmetic3A_4167 = vector.broadcast %shift_right_arithmetic3A_4166 : i32 to vector<16xi32>
    %shift_right_arithmetic3A_4168 = arith.shrsi %get3A_4157, %shift_right_arithmetic3A_4167 : vector<16xi32>
    %shift_left3A_4169 = arith.constant 13 : i32
    %shift_left3A_4170 = vector.broadcast %shift_left3A_4169 : i32 to vector<16xi32>
    %shift_left3A_4171 = arith.shli %shift_right_arithmetic3A_4168, %shift_left3A_4170 : vector<16xi32>
    %and3A_4172 = arith.constant 7 : i32
    %and3A_4173 = vector.broadcast %and3A_4172 : i32 to vector<16xi32>
    %and3A_4174 = arith.andi %get3A_4157, %and3A_4173 : vector<16xi32>
    %shift_left3A_4175 = arith.constant 7 : i32
    %shift_left3A_4176 = vector.broadcast %shift_left3A_4175 : i32 to vector<16xi32>
    %shift_left3A_4177 = arith.shli %and3A_4174, %shift_left3A_4176 : vector<16xi32>
    %or3A_4178 = arith.ori %shift_left3A_4171, %shift_left3A_4177 : vector<16xi32>
    %or3A_4179 = arith.ori %or3A_4178, %add3A_4165 : vector<16xi32>
    %swap3A_4180 = arith.constant 2000 : index
    %swap3A_4181 = tpu.vector_load %arg9[%swap3A_4180] {strides = array<i32>} : memref<2048xi32, #tpu.memory_space<vmem>>, vector<16xi32>,
    %swap3A_4182 = vector.shape_cast %swap3A_4181 : vector<16xi32> to vector<16xi32>
    %swap3A_4183 = vector.shape_cast %or3A_4179 : vector<16xi32> to vector<16xi32>
    tpu.vector_store %arg9[%swap3A_4180], %swap3A_4183 {strides = array<i32>} : memref<2048xi32, #tpu.memory_space<vmem>>, vector<16xi32>,
    %get3A_4184 = arith.constant 2016 : index
    %get3A_4185 = tpu.vector_load %arg6[%get3A_4184] {strides = array<i32>} : memref<2048xi32, #tpu.memory_space<vmem>>, vector<16xi32>,
    %get3A_4186 = vector.shape_cast %get3A_4185 : vector<16xi32> to vector<16xi32>
    %add3A_4187 = arith.constant 1 : i32
    %add3A_4188 = arith.addi %mul3A_31, %add3A_4187 : i32
    %mul3A_4189 = arith.constant 1024 : i32
    %mul3A_4190 = arith.muli %add3A_4188, %mul3A_4189 : i32
    %add3A_4191 = arith.constant 96 : i32
    %add3A_4192 = arith.addi %mul3A_4190, %add3A_4191 : i32
    %add3A_4193 = vector.broadcast %add3A_4192 : i32 to vector<16xi32>
    %add3A_4194 = arith.addi %add3A_4193, %iota3A : vector<16xi32>
    %shift_right_arithmetic3A_4195 = arith.constant 3 : i32
    %shift_right_arithmetic3A_4196 = vector.broadcast %shift_right_arithmetic3A_4195 : i32 to vector<16xi32>
    %shift_right_arithmetic3A_4197 = arith.shrsi %get3A_4186, %shift_right_arithmetic3A_4196 : vector<16xi32>
    %shift_left3A_4198 = arith.constant 13 : i32
    %shift_left3A_4199 = vector.broadcast %shift_left3A_4198 : i32 to vector<16xi32>
    %shift_left3A_4200 = arith.shli %shift_right_arithmetic3A_4197, %shift_left3A_4199 : vector<16xi32>
    %and3A_4201 = arith.constant 7 : i32
    %and3A_4202 = vector.broadcast %and3A_4201 : i32 to vector<16xi32>
    %and3A_4203 = arith.andi %get3A_4186, %and3A_4202 : vector<16xi32>
    %shift_left3A_4204 = arith.constant 7 : i32
    %shift_left3A_4205 = vector.broadcast %shift_left3A_4204 : i32 to vector<16xi32>
    %shift_left3A_4206 = arith.shli %and3A_4203, %shift_left3A_4205 : vector<16xi32>
    %or3A_4207 = arith.ori %shift_left3A_4200, %shift_left3A_4206 : vector<16xi32>
    %or3A_4208 = arith.ori %or3A_4207, %add3A_4194 : vector<16xi32>
    %swap3A_4209 = arith.constant 2016 : index
    %swap3A_4210 = tpu.vector_load %arg9[%swap3A_4209] {strides = array<i32>} : memref<2048xi32, #tpu.memory_space<vmem>>, vector<16xi32>,
    %swap3A_4211 = vector.shape_cast %swap3A_4210 : vector<16xi32> to vector<16xi32>
    %swap3A_4212 = vector.shape_cast %or3A_4208 : vector<16xi32> to vector<16xi32>
    tpu.vector_store %arg9[%swap3A_4209], %swap3A_4212 {strides = array<i32>} : memref<2048xi32, #tpu.memory_space<vmem>>, vector<16xi32>,
    %get3A_4213 = arith.constant 2032 : index
    %get3A_4214 = tpu.vector_load %arg6[%get3A_4213] {strides = array<i32>} : memref<2048xi32, #tpu.memory_space<vmem>>, vector<16xi32>,
    %get3A_4215 = vector.shape_cast %get3A_4214 : vector<16xi32> to vector<16xi32>
    %add3A_4216 = arith.constant 1 : i32
    %add3A_4217 = arith.addi %mul3A_31, %add3A_4216 : i32
    %mul3A_4218 = arith.constant 1024 : i32
    %mul3A_4219 = arith.muli %add3A_4217, %mul3A_4218 : i32
    %add3A_4220 = arith.constant 112 : i32
    %add3A_4221 = arith.addi %mul3A_4219, %add3A_4220 : i32
    %add3A_4222 = vector.broadcast %add3A_4221 : i32 to vector<16xi32>
    %add3A_4223 = arith.addi %add3A_4222, %iota3A : vector<16xi32>
    %shift_right_arithmetic3A_4224 = arith.constant 3 : i32
    %shift_right_arithmetic3A_4225 = vector.broadcast %shift_right_arithmetic3A_4224 : i32 to vector<16xi32>
    %shift_right_arithmetic3A_4226 = arith.shrsi %get3A_4215, %shift_right_arithmetic3A_4225 : vector<16xi32>
    %shift_left3A_4227 = arith.constant 13 : i32
    %shift_left3A_4228 = vector.broadcast %shift_left3A_4227 : i32 to vector<16xi32>
    %shift_left3A_4229 = arith.shli %shift_right_arithmetic3A_4226, %shift_left3A_4228 : vector<16xi32>
    %and3A_4230 = arith.constant 7 : i32
    %and3A_4231 = vector.broadcast %and3A_4230 : i32 to vector<16xi32>
    %and3A_4232 = arith.andi %get3A_4215, %and3A_4231 : vector<16xi32>
    %shift_left3A_4233 = arith.constant 7 : i32
    %shift_left3A_4234 = vector.broadcast %shift_left3A_4233 : i32 to vector<16xi32>
    %shift_left3A_4235 = arith.shli %and3A_4232, %shift_left3A_4234 : vector<16xi32>
    %or3A_4236 = arith.ori %shift_left3A_4229, %shift_left3A_4235 : vector<16xi32>
    %or3A_4237 = arith.ori %or3A_4236, %add3A_4223 : vector<16xi32>
    %swap3A_4238 = arith.constant 2032 : index
    %swap3A_4239 = tpu.vector_load %arg9[%swap3A_4238] {strides = array<i32>} : memref<2048xi32, #tpu.memory_space<vmem>>, vector<16xi32>,
    %swap3A_4240 = vector.shape_cast %swap3A_4239 : vector<16xi32> to vector<16xi32>
    %swap3A_4241 = vector.shape_cast %or3A_4237 : vector<16xi32> to vector<16xi32>
    tpu.vector_store %arg9[%swap3A_4238], %swap3A_4241 {strides = array<i32>} : memref<2048xi32, #tpu.memory_space<vmem>>, vector<16xi32>,
    %dma_start3A_4242 = arith.constant 3 : i32
    %dma_start3A_4243 = arith.constant 1536 : i32
    %dma_start3A_4244 = tpu.memref_slice %arg11[%dma_start3A_4243] : memref<2048xf32, #tpu.memory_space<vmem>> -> memref<512xf32, #tpu.memory_space<vmem>>
    %dma_start3A_4245 = arith.constant 1536 : i32
    %dma_start3A_4246 = tpu.memref_slice %arg9[%dma_start3A_4245] : memref<2048xi32, #tpu.memory_space<vmem>> -> memref<512xi32, #tpu.memory_space<vmem>>
    %dma_start3A_4247 = arith.constant 0 : i32
    %dma_start3A_4248 = tpu.memref_slice %arg2[%dma_start3A_4247] : memref<102400000xf32, #tpu.memory_space<hbm>> -> memref<102400000xf32, #tpu.memory_space<hbm>>
    %dma_start3A_4249 = tpu.memref_slice %arg16[%dma_start3A_4242] : memref<4x!tpu.dma_semaphore, #tpu.memory_space<semaphore_mem>> -> memref<1x!tpu.dma_semaphore, #tpu.memory_space<semaphore_mem>>
    %dma_start3A_4250 = tpu.memref_squeeze %dma_start3A_4249 : memref<1x!tpu.dma_semaphore, #tpu.memory_space<semaphore_mem>> -> memref<!tpu.dma_semaphore, #tpu.memory_space<semaphore_mem>>
    tpu.enqueue_indirect_dma source(%dma_start3A_4248 : memref<102400000xf32, #tpu.memory_space<hbm>>) target(%dma_start3A_4244 : memref<512xf32, #tpu.memory_space<vmem>>) offsets(%dma_start3A_4246 : memref<512xi32, #tpu.memory_space<vmem>>) semaphore(%dma_start3A_4250 : memref<!tpu.dma_semaphore, #tpu.memory_space<semaphore_mem>>)
    %dma_wait3A_4251 = arith.constant 0 : i32
    %dma_wait3A_4252 = tpu.memref_slice %arg10[%dma_wait3A_4251] : memref<256xf32, #tpu.memory_space<vmem>> -> memref<256xf32, #tpu.memory_space<vmem>>
    %dma_wait3A_4253 = arith.constant 0 : i32
    %dma_wait3A_4254 = tpu.memref_slice %arg8[%dma_wait3A_4253] : memref<256xi32, #tpu.memory_space<vmem>> -> memref<256xi32, #tpu.memory_space<vmem>>
    %dma_wait3A_4255 = arith.constant 0 : i32
    %dma_wait3A_4256 = tpu.memref_slice %arg2[%dma_wait3A_4255] : memref<102400000xf32, #tpu.memory_space<hbm>> -> memref<102400000xf32, #tpu.memory_space<hbm>>
    tpu.wait_indirect_dma semaphore(%arg15 : memref<!tpu.dma_semaphore, #tpu.memory_space<semaphore_mem>>) src(%dma_wait3A_4256 : memref<102400000xf32, #tpu.memory_space<hbm>>) dst(%dma_wait3A_4252 : memref<256xf32, #tpu.memory_space<vmem>>)
    %dma_wait3A_4257 = arith.constant 0 : i32
    %dma_wait3A_4258 = arith.constant 0 : i32
    %dma_wait3A_4259 = tpu.memref_slice %arg11[%dma_wait3A_4258] : memref<2048xf32, #tpu.memory_space<vmem>> -> memref<512xf32, #tpu.memory_space<vmem>>
    %dma_wait3A_4260 = arith.constant 0 : i32
    %dma_wait3A_4261 = tpu.memref_slice %arg9[%dma_wait3A_4260] : memref<2048xi32, #tpu.memory_space<vmem>> -> memref<512xi32, #tpu.memory_space<vmem>>
    %dma_wait3A_4262 = arith.constant 0 : i32
    %dma_wait3A_4263 = tpu.memref_slice %arg2[%dma_wait3A_4262] : memref<102400000xf32, #tpu.memory_space<hbm>> -> memref<102400000xf32, #tpu.memory_space<hbm>>
    %dma_wait3A_4264 = tpu.memref_slice %arg16[%dma_wait3A_4257] : memref<4x!tpu.dma_semaphore, #tpu.memory_space<semaphore_mem>> -> memref<1x!tpu.dma_semaphore, #tpu.memory_space<semaphore_mem>>
    %dma_wait3A_4265 = tpu.memref_squeeze %dma_wait3A_4264 : memref<1x!tpu.dma_semaphore, #tpu.memory_space<semaphore_mem>> -> memref<!tpu.dma_semaphore, #tpu.memory_space<semaphore_mem>>
    tpu.wait_indirect_dma semaphore(%dma_wait3A_4265 : memref<!tpu.dma_semaphore, #tpu.memory_space<semaphore_mem>>) src(%dma_wait3A_4263 : memref<102400000xf32, #tpu.memory_space<hbm>>) dst(%dma_wait3A_4259 : memref<512xf32, #tpu.memory_space<vmem>>)
    %dma_wait3A_4266 = arith.constant 1 : i32
    %dma_wait3A_4267 = arith.constant 512 : i32
    %dma_wait3A_4268 = tpu.memref_slice %arg11[%dma_wait3A_4267] : memref<2048xf32, #tpu.memory_space<vmem>> -> memref<512xf32, #tpu.memory_space<vmem>>
    %dma_wait3A_4269 = arith.constant 512 : i32
    %dma_wait3A_4270 = tpu.memref_slice %arg9[%dma_wait3A_4269] : memref<2048xi32, #tpu.memory_space<vmem>> -> memref<512xi32, #tpu.memory_space<vmem>>
    %dma_wait3A_4271 = arith.constant 0 : i32
    %dma_wait3A_4272 = tpu.memref_slice %arg2[%dma_wait3A_4271] : memref<102400000xf32, #tpu.memory_space<hbm>> -> memref<102400000xf32, #tpu.memory_space<hbm>>
    %dma_wait3A_4273 = tpu.memref_slice %arg16[%dma_wait3A_4266] : memref<4x!tpu.dma_semaphore, #tpu.memory_space<semaphore_mem>> -> memref<1x!tpu.dma_semaphore, #tpu.memory_space<semaphore_mem>>
    %dma_wait3A_4274 = tpu.memref_squeeze %dma_wait3A_4273 : memref<1x!tpu.dma_semaphore, #tpu.memory_space<semaphore_mem>> -> memref<!tpu.dma_semaphore, #tpu.memory_space<semaphore_mem>>
    tpu.wait_indirect_dma semaphore(%dma_wait3A_4274 : memref<!tpu.dma_semaphore, #tpu.memory_space<semaphore_mem>>) src(%dma_wait3A_4272 : memref<102400000xf32, #tpu.memory_space<hbm>>) dst(%dma_wait3A_4268 : memref<512xf32, #tpu.memory_space<vmem>>)
    %dma_wait3A_4275 = arith.constant 2 : i32
    %dma_wait3A_4276 = arith.constant 1024 : i32
    %dma_wait3A_4277 = tpu.memref_slice %arg11[%dma_wait3A_4276] : memref<2048xf32, #tpu.memory_space<vmem>> -> memref<512xf32, #tpu.memory_space<vmem>>
    %dma_wait3A_4278 = arith.constant 1024 : i32
    %dma_wait3A_4279 = tpu.memref_slice %arg9[%dma_wait3A_4278] : memref<2048xi32, #tpu.memory_space<vmem>> -> memref<512xi32, #tpu.memory_space<vmem>>
    %dma_wait3A_4280 = arith.constant 0 : i32
    %dma_wait3A_4281 = tpu.memref_slice %arg2[%dma_wait3A_4280] : memref<102400000xf32, #tpu.memory_space<hbm>> -> memref<102400000xf32, #tpu.memory_space<hbm>>
    %dma_wait3A_4282 = tpu.memref_slice %arg16[%dma_wait3A_4275] : memref<4x!tpu.dma_semaphore, #tpu.memory_space<semaphore_mem>> -> memref<1x!tpu.dma_semaphore, #tpu.memory_space<semaphore_mem>>
    %dma_wait3A_4283 = tpu.memref_squeeze %dma_wait3A_4282 : memref<1x!tpu.dma_semaphore, #tpu.memory_space<semaphore_mem>> -> memref<!tpu.dma_semaphore, #tpu.memory_space<semaphore_mem>>
    tpu.wait_indirect_dma semaphore(%dma_wait3A_4283 : memref<!tpu.dma_semaphore, #tpu.memory_space<semaphore_mem>>) src(%dma_wait3A_4281 : memref<102400000xf32, #tpu.memory_space<hbm>>) dst(%dma_wait3A_4277 : memref<512xf32, #tpu.memory_space<vmem>>)
    %dma_wait3A_4284 = arith.constant 3 : i32
    %dma_wait3A_4285 = arith.constant 1536 : i32
    %dma_wait3A_4286 = tpu.memref_slice %arg11[%dma_wait3A_4285] : memref<2048xf32, #tpu.memory_space<vmem>> -> memref<512xf32, #tpu.memory_space<vmem>>
    %dma_wait3A_4287 = arith.constant 1536 : i32
    %dma_wait3A_4288 = tpu.memref_slice %arg9[%dma_wait3A_4287] : memref<2048xi32, #tpu.memory_space<vmem>> -> memref<512xi32, #tpu.memory_space<vmem>>
    %dma_wait3A_4289 = arith.constant 0 : i32
    %dma_wait3A_4290 = tpu.memref_slice %arg2[%dma_wait3A_4289] : memref<102400000xf32, #tpu.memory_space<hbm>> -> memref<102400000xf32, #tpu.memory_space<hbm>>
    %dma_wait3A_4291 = tpu.memref_slice %arg16[%dma_wait3A_4284] : memref<4x!tpu.dma_semaphore, #tpu.memory_space<semaphore_mem>> -> memref<1x!tpu.dma_semaphore, #tpu.memory_space<semaphore_mem>>
    %dma_wait3A_4292 = tpu.memref_squeeze %dma_wait3A_4291 : memref<1x!tpu.dma_semaphore, #tpu.memory_space<semaphore_mem>> -> memref<!tpu.dma_semaphore, #tpu.memory_space<semaphore_mem>>
    tpu.wait_indirect_dma semaphore(%dma_wait3A_4292 : memref<!tpu.dma_semaphore, #tpu.memory_space<semaphore_mem>>) src(%dma_wait3A_4290 : memref<102400000xf32, #tpu.memory_space<hbm>>) dst(%dma_wait3A_4286 : memref<512xf32, #tpu.memory_space<vmem>>)
    %broadcast_in_dim3A = arith.constant 0.000000e+00 : f32
    %broadcast_in_dim3A_4293 = vector.broadcast %broadcast_in_dim3A : f32 to vector<16xf32>
    %scan3A = arith.constant 0 : i32
    %scan3A_4294 = arith.constant 16 : i32
    %scan3A_4295 = arith.addi %scan3A, %scan3A_4294 : i32
    %scan3A_4296 = arith.constant 1 : i32
    %scan3A_4297:8 = scf.for %scan3A_4310 = %scan3A to %scan3A_4295 step %scan3A_4296 iter_args(%scan3A_4311 = %broadcast_in_dim3A_4293, %scan3A_4312 = %broadcast_in_dim3A_4293, %scan3A_4313 = %broadcast_in_dim3A_4293, %scan3A_4314 = %broadcast_in_dim3A_4293, %scan3A_4315 = %broadcast_in_dim3A_4293, %scan3A_4316 = %broadcast_in_dim3A_4293, %scan3A_4317 = %broadcast_in_dim3A_4293, %scan3A_4318 = %broadcast_in_dim3A_4293) -> (vector<16xf32>, vector<16xf32>, vector<16xf32>, vector<16xf32>, vector<16xf32>, vector<16xf32>, vector<16xf32>, vector<16xf32>)  : i32 {
      %shift_right_arithmetic3A_4319 = arith.constant 3 : i32
      %shift_right_arithmetic3A_4320 = arith.shrsi %scan3A_4310, %shift_right_arithmetic3A_4319 : i32
      %mul3A_4321 = arith.constant 128 : i32
      %mul3A_4322 = arith.muli %shift_right_arithmetic3A_4320, %mul3A_4321 : i32
      %mul3A_4323 = arith.constant 128 : i32
      %mul3A_4324 = arith.muli %scan3A_4310, %mul3A_4323 : i32
      %add3A_4325 = arith.constant 0 : i32
      %add3A_4326 = arith.addi %mul3A_4324, %add3A_4325 : i32
      %get3A_4327 = arith.index_cast %add3A_4326 : i32 to index
      %get3A_4328 = tpu.vector_load %arg11[%get3A_4327] {strides = array<i32>} : memref<2048xf32, #tpu.memory_space<vmem>>, vector<16xf32>,
      %get3A_4329 = vector.shape_cast %get3A_4328 : vector<16xf32> to vector<16xf32>
      %add3A_4330 = arith.constant 0 : i32
      %add3A_4331 = arith.addi %mul3A_4322, %add3A_4330 : i32
      %get3A_4332 = arith.index_cast %add3A_4331 : i32 to index
      %get3A_4333 = tpu.vector_load %arg10[%get3A_4332] {strides = array<i32>} : memref<256xf32, #tpu.memory_space<vmem>>, vector<16xf32>,
      %get3A_4334 = vector.shape_cast %get3A_4333 : vector<16xf32> to vector<16xf32>
      %sub3A = arith.subf %get3A_4329, %get3A_4334 : vector<16xf32>
      %abs3A = math.absf %sub3A : vector<16xf32>
      %neg3A = arith.constant 0.000000e+00 : f32
      %neg3A_4335 = vector.broadcast %neg3A : f32 to vector<16xf32>
      %neg3A_4336 = arith.subf %neg3A_4335, %abs3A : vector<16xf32>
      %exp3A = math.exp %neg3A_4336 : vector<16xf32>
      %mul3A_4337 = arith.constant -0.0170296114 : f32
      %mul3A_4338 = vector.broadcast %mul3A_4337 : f32 to vector<16xf32>
      %mul3A_4339 = arith.mulf %mul3A_4338, %exp3A : vector<16xf32>
      %add3A_4340 = arith.constant 0.08152318 : f32
      %add3A_4341 = vector.broadcast %add3A_4340 : f32 to vector<16xf32>
      %add3A_4342 = arith.addf %mul3A_4339, %add3A_4341 : vector<16xf32>
      %mul3A_4343 = arith.mulf %add3A_4342, %exp3A : vector<16xf32>
      %add3A_4344 = arith.constant -0.189019546 : f32
      %add3A_4345 = vector.broadcast %add3A_4344 : f32 to vector<16xf32>
      %add3A_4346 = arith.addf %mul3A_4343, %add3A_4345 : vector<16xf32>
      %mul3A_4347 = arith.mulf %add3A_4346, %exp3A : vector<16xf32>
      %add3A_4348 = arith.constant 0.315041274 : f32
      %add3A_4349 = vector.broadcast %add3A_4348 : f32 to vector<16xf32>
      %add3A_4350 = arith.addf %mul3A_4347, %add3A_4349 : vector<16xf32>
      %mul3A_4351 = arith.mulf %add3A_4350, %exp3A : vector<16xf32>
      %add3A_4352 = arith.constant -0.49720332 : f32
      %add3A_4353 = vector.broadcast %add3A_4352 : f32 to vector<16xf32>
      %add3A_4354 = arith.addf %mul3A_4351, %add3A_4353 : vector<16xf32>
      %mul3A_4355 = arith.mulf %add3A_4354, %exp3A : vector<16xf32>
      %add3A_4356 = arith.constant 0.99983257 : f32
      %add3A_4357 = vector.broadcast %add3A_4356 : f32 to vector<16xf32>
      %add3A_4358 = arith.addf %mul3A_4355, %add3A_4357 : vector<16xf32>
      %mul3A_4359 = arith.mulf %add3A_4358, %exp3A : vector<16xf32>
      %add3A_4360 = arith.constant 1.69366263E-6 : f32
      %add3A_4361 = vector.broadcast %add3A_4360 : f32 to vector<16xf32>
      %add3A_4362 = arith.addf %mul3A_4359, %add3A_4361 : vector<16xf32>
      %max3A = arith.constant 0.000000e+00 : f32
      %max3A_4363 = vector.broadcast %max3A : f32 to vector<16xf32>
      %max3A_4364 = arith.maximumf %sub3A, %max3A_4363 : vector<16xf32>
      %add3A_4365 = arith.addf %max3A_4364, %add3A_4362 : vector<16xf32>
      %add3A_4366 = arith.addf %scan3A_4311, %add3A_4365 : vector<16xf32>
      %mul3A_4367 = arith.constant 128 : i32
      %mul3A_4368 = arith.muli %scan3A_4310, %mul3A_4367 : i32
      %add3A_4369 = arith.constant 16 : i32
      %add3A_4370 = arith.addi %mul3A_4368, %add3A_4369 : i32
      %get3A_4371 = arith.index_cast %add3A_4370 : i32 to index
      %get3A_4372 = tpu.vector_load %arg11[%get3A_4371] {strides = array<i32>} : memref<2048xf32, #tpu.memory_space<vmem>>, vector<16xf32>,
      %get3A_4373 = vector.shape_cast %get3A_4372 : vector<16xf32> to vector<16xf32>
      %add3A_4374 = arith.constant 16 : i32
      %add3A_4375 = arith.addi %mul3A_4322, %add3A_4374 : i32
      %get3A_4376 = arith.index_cast %add3A_4375 : i32 to index
      %get3A_4377 = tpu.vector_load %arg10[%get3A_4376] {strides = array<i32>} : memref<256xf32, #tpu.memory_space<vmem>>, vector<16xf32>,
      %get3A_4378 = vector.shape_cast %get3A_4377 : vector<16xf32> to vector<16xf32>
      %sub3A_4379 = arith.subf %get3A_4373, %get3A_4378 : vector<16xf32>
      %abs3A_4380 = math.absf %sub3A_4379 : vector<16xf32>
      %neg3A_4381 = arith.constant 0.000000e+00 : f32
      %neg3A_4382 = vector.broadcast %neg3A_4381 : f32 to vector<16xf32>
      %neg3A_4383 = arith.subf %neg3A_4382, %abs3A_4380 : vector<16xf32>
      %exp3A_4384 = math.exp %neg3A_4383 : vector<16xf32>
      %mul3A_4385 = arith.constant -0.0170296114 : f32
      %mul3A_4386 = vector.broadcast %mul3A_4385 : f32 to vector<16xf32>
      %mul3A_4387 = arith.mulf %mul3A_4386, %exp3A_4384 : vector<16xf32>
      %add3A_4388 = arith.constant 0.08152318 : f32
      %add3A_4389 = vector.broadcast %add3A_4388 : f32 to vector<16xf32>
      %add3A_4390 = arith.addf %mul3A_4387, %add3A_4389 : vector<16xf32>
      %mul3A_4391 = arith.mulf %add3A_4390, %exp3A_4384 : vector<16xf32>
      %add3A_4392 = arith.constant -0.189019546 : f32
      %add3A_4393 = vector.broadcast %add3A_4392 : f32 to vector<16xf32>
      %add3A_4394 = arith.addf %mul3A_4391, %add3A_4393 : vector<16xf32>
      %mul3A_4395 = arith.mulf %add3A_4394, %exp3A_4384 : vector<16xf32>
      %add3A_4396 = arith.constant 0.315041274 : f32
      %add3A_4397 = vector.broadcast %add3A_4396 : f32 to vector<16xf32>
      %add3A_4398 = arith.addf %mul3A_4395, %add3A_4397 : vector<16xf32>
      %mul3A_4399 = arith.mulf %add3A_4398, %exp3A_4384 : vector<16xf32>
      %add3A_4400 = arith.constant -0.49720332 : f32
      %add3A_4401 = vector.broadcast %add3A_4400 : f32 to vector<16xf32>
      %add3A_4402 = arith.addf %mul3A_4399, %add3A_4401 : vector<16xf32>
      %mul3A_4403 = arith.mulf %add3A_4402, %exp3A_4384 : vector<16xf32>
      %add3A_4404 = arith.constant 0.99983257 : f32
      %add3A_4405 = vector.broadcast %add3A_4404 : f32 to vector<16xf32>
      %add3A_4406 = arith.addf %mul3A_4403, %add3A_4405 : vector<16xf32>
      %mul3A_4407 = arith.mulf %add3A_4406, %exp3A_4384 : vector<16xf32>
      %add3A_4408 = arith.constant 1.69366263E-6 : f32
      %add3A_4409 = vector.broadcast %add3A_4408 : f32 to vector<16xf32>
      %add3A_4410 = arith.addf %mul3A_4407, %add3A_4409 : vector<16xf32>
      %max3A_4411 = arith.constant 0.000000e+00 : f32
      %max3A_4412 = vector.broadcast %max3A_4411 : f32 to vector<16xf32>
      %max3A_4413 = arith.maximumf %sub3A_4379, %max3A_4412 : vector<16xf32>
      %add3A_4414 = arith.addf %max3A_4413, %add3A_4410 : vector<16xf32>
      %add3A_4415 = arith.addf %scan3A_4312, %add3A_4414 : vector<16xf32>
      %mul3A_4416 = arith.constant 128 : i32
      %mul3A_4417 = arith.muli %scan3A_4310, %mul3A_4416 : i32
      %add3A_4418 = arith.constant 32 : i32
      %add3A_4419 = arith.addi %mul3A_4417, %add3A_4418 : i32
      %get3A_4420 = arith.index_cast %add3A_4419 : i32 to index
      %get3A_4421 = tpu.vector_load %arg11[%get3A_4420] {strides = array<i32>} : memref<2048xf32, #tpu.memory_space<vmem>>, vector<16xf32>,
      %get3A_4422 = vector.shape_cast %get3A_4421 : vector<16xf32> to vector<16xf32>
      %add3A_4423 = arith.constant 32 : i32
      %add3A_4424 = arith.addi %mul3A_4322, %add3A_4423 : i32
      %get3A_4425 = arith.index_cast %add3A_4424 : i32 to index
      %get3A_4426 = tpu.vector_load %arg10[%get3A_4425] {strides = array<i32>} : memref<256xf32, #tpu.memory_space<vmem>>, vector<16xf32>,
      %get3A_4427 = vector.shape_cast %get3A_4426 : vector<16xf32> to vector<16xf32>
      %sub3A_4428 = arith.subf %get3A_4422, %get3A_4427 : vector<16xf32>
      %abs3A_4429 = math.absf %sub3A_4428 : vector<16xf32>
      %neg3A_4430 = arith.constant 0.000000e+00 : f32
      %neg3A_4431 = vector.broadcast %neg3A_4430 : f32 to vector<16xf32>
      %neg3A_4432 = arith.subf %neg3A_4431, %abs3A_4429 : vector<16xf32>
      %exp3A_4433 = math.exp %neg3A_4432 : vector<16xf32>
      %mul3A_4434 = arith.constant -0.0170296114 : f32
      %mul3A_4435 = vector.broadcast %mul3A_4434 : f32 to vector<16xf32>
      %mul3A_4436 = arith.mulf %mul3A_4435, %exp3A_4433 : vector<16xf32>
      %add3A_4437 = arith.constant 0.08152318 : f32
      %add3A_4438 = vector.broadcast %add3A_4437 : f32 to vector<16xf32>
      %add3A_4439 = arith.addf %mul3A_4436, %add3A_4438 : vector<16xf32>
      %mul3A_4440 = arith.mulf %add3A_4439, %exp3A_4433 : vector<16xf32>
      %add3A_4441 = arith.constant -0.189019546 : f32
      %add3A_4442 = vector.broadcast %add3A_4441 : f32 to vector<16xf32>
      %add3A_4443 = arith.addf %mul3A_4440, %add3A_4442 : vector<16xf32>
      %mul3A_4444 = arith.mulf %add3A_4443, %exp3A_4433 : vector<16xf32>
      %add3A_4445 = arith.constant 0.315041274 : f32
      %add3A_4446 = vector.broadcast %add3A_4445 : f32 to vector<16xf32>
      %add3A_4447 = arith.addf %mul3A_4444, %add3A_4446 : vector<16xf32>
      %mul3A_4448 = arith.mulf %add3A_4447, %exp3A_4433 : vector<16xf32>
      %add3A_4449 = arith.constant -0.49720332 : f32
      %add3A_4450 = vector.broadcast %add3A_4449 : f32 to vector<16xf32>
      %add3A_4451 = arith.addf %mul3A_4448, %add3A_4450 : vector<16xf32>
      %mul3A_4452 = arith.mulf %add3A_4451, %exp3A_4433 : vector<16xf32>
      %add3A_4453 = arith.constant 0.99983257 : f32
      %add3A_4454 = vector.broadcast %add3A_4453 : f32 to vector<16xf32>
      %add3A_4455 = arith.addf %mul3A_4452, %add3A_4454 : vector<16xf32>
      %mul3A_4456 = arith.mulf %add3A_4455, %exp3A_4433 : vector<16xf32>
      %add3A_4457 = arith.constant 1.69366263E-6 : f32
      %add3A_4458 = vector.broadcast %add3A_4457 : f32 to vector<16xf32>
      %add3A_4459 = arith.addf %mul3A_4456, %add3A_4458 : vector<16xf32>
      %max3A_4460 = arith.constant 0.000000e+00 : f32
      %max3A_4461 = vector.broadcast %max3A_4460 : f32 to vector<16xf32>
      %max3A_4462 = arith.maximumf %sub3A_4428, %max3A_4461 : vector<16xf32>
      %add3A_4463 = arith.addf %max3A_4462, %add3A_4459 : vector<16xf32>
      %add3A_4464 = arith.addf %scan3A_4313, %add3A_4463 : vector<16xf32>
      %mul3A_4465 = arith.constant 128 : i32
      %mul3A_4466 = arith.muli %scan3A_4310, %mul3A_4465 : i32
      %add3A_4467 = arith.constant 48 : i32
      %add3A_4468 = arith.addi %mul3A_4466, %add3A_4467 : i32
      %get3A_4469 = arith.index_cast %add3A_4468 : i32 to index
      %get3A_4470 = tpu.vector_load %arg11[%get3A_4469] {strides = array<i32>} : memref<2048xf32, #tpu.memory_space<vmem>>, vector<16xf32>,
      %get3A_4471 = vector.shape_cast %get3A_4470 : vector<16xf32> to vector<16xf32>
      %add3A_4472 = arith.constant 48 : i32
      %add3A_4473 = arith.addi %mul3A_4322, %add3A_4472 : i32
      %get3A_4474 = arith.index_cast %add3A_4473 : i32 to index
      %get3A_4475 = tpu.vector_load %arg10[%get3A_4474] {strides = array<i32>} : memref<256xf32, #tpu.memory_space<vmem>>, vector<16xf32>,
      %get3A_4476 = vector.shape_cast %get3A_4475 : vector<16xf32> to vector<16xf32>
      %sub3A_4477 = arith.subf %get3A_4471, %get3A_4476 : vector<16xf32>
      %abs3A_4478 = math.absf %sub3A_4477 : vector<16xf32>
      %neg3A_4479 = arith.constant 0.000000e+00 : f32
      %neg3A_4480 = vector.broadcast %neg3A_4479 : f32 to vector<16xf32>
      %neg3A_4481 = arith.subf %neg3A_4480, %abs3A_4478 : vector<16xf32>
      %exp3A_4482 = math.exp %neg3A_4481 : vector<16xf32>
      %mul3A_4483 = arith.constant -0.0170296114 : f32
      %mul3A_4484 = vector.broadcast %mul3A_4483 : f32 to vector<16xf32>
      %mul3A_4485 = arith.mulf %mul3A_4484, %exp3A_4482 : vector<16xf32>
      %add3A_4486 = arith.constant 0.08152318 : f32
      %add3A_4487 = vector.broadcast %add3A_4486 : f32 to vector<16xf32>
      %add3A_4488 = arith.addf %mul3A_4485, %add3A_4487 : vector<16xf32>
      %mul3A_4489 = arith.mulf %add3A_4488, %exp3A_4482 : vector<16xf32>
      %add3A_4490 = arith.constant -0.189019546 : f32
      %add3A_4491 = vector.broadcast %add3A_4490 : f32 to vector<16xf32>
      %add3A_4492 = arith.addf %mul3A_4489, %add3A_4491 : vector<16xf32>
      %mul3A_4493 = arith.mulf %add3A_4492, %exp3A_4482 : vector<16xf32>
      %add3A_4494 = arith.constant 0.315041274 : f32
      %add3A_4495 = vector.broadcast %add3A_4494 : f32 to vector<16xf32>
      %add3A_4496 = arith.addf %mul3A_4493, %add3A_4495 : vector<16xf32>
      %mul3A_4497 = arith.mulf %add3A_4496, %exp3A_4482 : vector<16xf32>
      %add3A_4498 = arith.constant -0.49720332 : f32
      %add3A_4499 = vector.broadcast %add3A_4498 : f32 to vector<16xf32>
      %add3A_4500 = arith.addf %mul3A_4497, %add3A_4499 : vector<16xf32>
      %mul3A_4501 = arith.mulf %add3A_4500, %exp3A_4482 : vector<16xf32>
      %add3A_4502 = arith.constant 0.99983257 : f32
      %add3A_4503 = vector.broadcast %add3A_4502 : f32 to vector<16xf32>
      %add3A_4504 = arith.addf %mul3A_4501, %add3A_4503 : vector<16xf32>
      %mul3A_4505 = arith.mulf %add3A_4504, %exp3A_4482 : vector<16xf32>
      %add3A_4506 = arith.constant 1.69366263E-6 : f32
      %add3A_4507 = vector.broadcast %add3A_4506 : f32 to vector<16xf32>
      %add3A_4508 = arith.addf %mul3A_4505, %add3A_4507 : vector<16xf32>
      %max3A_4509 = arith.constant 0.000000e+00 : f32
      %max3A_4510 = vector.broadcast %max3A_4509 : f32 to vector<16xf32>
      %max3A_4511 = arith.maximumf %sub3A_4477, %max3A_4510 : vector<16xf32>
      %add3A_4512 = arith.addf %max3A_4511, %add3A_4508 : vector<16xf32>
      %add3A_4513 = arith.addf %scan3A_4314, %add3A_4512 : vector<16xf32>
      %mul3A_4514 = arith.constant 128 : i32
      %mul3A_4515 = arith.muli %scan3A_4310, %mul3A_4514 : i32
      %add3A_4516 = arith.constant 64 : i32
      %add3A_4517 = arith.addi %mul3A_4515, %add3A_4516 : i32
      %get3A_4518 = arith.index_cast %add3A_4517 : i32 to index
      %get3A_4519 = tpu.vector_load %arg11[%get3A_4518] {strides = array<i32>} : memref<2048xf32, #tpu.memory_space<vmem>>, vector<16xf32>,
      %get3A_4520 = vector.shape_cast %get3A_4519 : vector<16xf32> to vector<16xf32>
      %add3A_4521 = arith.constant 64 : i32
      %add3A_4522 = arith.addi %mul3A_4322, %add3A_4521 : i32
      %get3A_4523 = arith.index_cast %add3A_4522 : i32 to index
      %get3A_4524 = tpu.vector_load %arg10[%get3A_4523] {strides = array<i32>} : memref<256xf32, #tpu.memory_space<vmem>>, vector<16xf32>,
      %get3A_4525 = vector.shape_cast %get3A_4524 : vector<16xf32> to vector<16xf32>
      %sub3A_4526 = arith.subf %get3A_4520, %get3A_4525 : vector<16xf32>
      %abs3A_4527 = math.absf %sub3A_4526 : vector<16xf32>
      %neg3A_4528 = arith.constant 0.000000e+00 : f32
      %neg3A_4529 = vector.broadcast %neg3A_4528 : f32 to vector<16xf32>
      %neg3A_4530 = arith.subf %neg3A_4529, %abs3A_4527 : vector<16xf32>
      %exp3A_4531 = math.exp %neg3A_4530 : vector<16xf32>
      %mul3A_4532 = arith.constant -0.0170296114 : f32
      %mul3A_4533 = vector.broadcast %mul3A_4532 : f32 to vector<16xf32>
      %mul3A_4534 = arith.mulf %mul3A_4533, %exp3A_4531 : vector<16xf32>
      %add3A_4535 = arith.constant 0.08152318 : f32
      %add3A_4536 = vector.broadcast %add3A_4535 : f32 to vector<16xf32>
      %add3A_4537 = arith.addf %mul3A_4534, %add3A_4536 : vector<16xf32>
      %mul3A_4538 = arith.mulf %add3A_4537, %exp3A_4531 : vector<16xf32>
      %add3A_4539 = arith.constant -0.189019546 : f32
      %add3A_4540 = vector.broadcast %add3A_4539 : f32 to vector<16xf32>
      %add3A_4541 = arith.addf %mul3A_4538, %add3A_4540 : vector<16xf32>
      %mul3A_4542 = arith.mulf %add3A_4541, %exp3A_4531 : vector<16xf32>
      %add3A_4543 = arith.constant 0.315041274 : f32
      %add3A_4544 = vector.broadcast %add3A_4543 : f32 to vector<16xf32>
      %add3A_4545 = arith.addf %mul3A_4542, %add3A_4544 : vector<16xf32>
      %mul3A_4546 = arith.mulf %add3A_4545, %exp3A_4531 : vector<16xf32>
      %add3A_4547 = arith.constant -0.49720332 : f32
      %add3A_4548 = vector.broadcast %add3A_4547 : f32 to vector<16xf32>
      %add3A_4549 = arith.addf %mul3A_4546, %add3A_4548 : vector<16xf32>
      %mul3A_4550 = arith.mulf %add3A_4549, %exp3A_4531 : vector<16xf32>
      %add3A_4551 = arith.constant 0.99983257 : f32
      %add3A_4552 = vector.broadcast %add3A_4551 : f32 to vector<16xf32>
      %add3A_4553 = arith.addf %mul3A_4550, %add3A_4552 : vector<16xf32>
      %mul3A_4554 = arith.mulf %add3A_4553, %exp3A_4531 : vector<16xf32>
      %add3A_4555 = arith.constant 1.69366263E-6 : f32
      %add3A_4556 = vector.broadcast %add3A_4555 : f32 to vector<16xf32>
      %add3A_4557 = arith.addf %mul3A_4554, %add3A_4556 : vector<16xf32>
      %max3A_4558 = arith.constant 0.000000e+00 : f32
      %max3A_4559 = vector.broadcast %max3A_4558 : f32 to vector<16xf32>
      %max3A_4560 = arith.maximumf %sub3A_4526, %max3A_4559 : vector<16xf32>
      %add3A_4561 = arith.addf %max3A_4560, %add3A_4557 : vector<16xf32>
      %add3A_4562 = arith.addf %scan3A_4315, %add3A_4561 : vector<16xf32>
      %mul3A_4563 = arith.constant 128 : i32
      %mul3A_4564 = arith.muli %scan3A_4310, %mul3A_4563 : i32
      %add3A_4565 = arith.constant 80 : i32
      %add3A_4566 = arith.addi %mul3A_4564, %add3A_4565 : i32
      %get3A_4567 = arith.index_cast %add3A_4566 : i32 to index
      %get3A_4568 = tpu.vector_load %arg11[%get3A_4567] {strides = array<i32>} : memref<2048xf32, #tpu.memory_space<vmem>>, vector<16xf32>,
      %get3A_4569 = vector.shape_cast %get3A_4568 : vector<16xf32> to vector<16xf32>
      %add3A_4570 = arith.constant 80 : i32
      %add3A_4571 = arith.addi %mul3A_4322, %add3A_4570 : i32
      %get3A_4572 = arith.index_cast %add3A_4571 : i32 to index
      %get3A_4573 = tpu.vector_load %arg10[%get3A_4572] {strides = array<i32>} : memref<256xf32, #tpu.memory_space<vmem>>, vector<16xf32>,
      %get3A_4574 = vector.shape_cast %get3A_4573 : vector<16xf32> to vector<16xf32>
      %sub3A_4575 = arith.subf %get3A_4569, %get3A_4574 : vector<16xf32>
      %abs3A_4576 = math.absf %sub3A_4575 : vector<16xf32>
      %neg3A_4577 = arith.constant 0.000000e+00 : f32
      %neg3A_4578 = vector.broadcast %neg3A_4577 : f32 to vector<16xf32>
      %neg3A_4579 = arith.subf %neg3A_4578, %abs3A_4576 : vector<16xf32>
      %exp3A_4580 = math.exp %neg3A_4579 : vector<16xf32>
      %mul3A_4581 = arith.constant -0.0170296114 : f32
      %mul3A_4582 = vector.broadcast %mul3A_4581 : f32 to vector<16xf32>
      %mul3A_4583 = arith.mulf %mul3A_4582, %exp3A_4580 : vector<16xf32>
      %add3A_4584 = arith.constant 0.08152318 : f32
      %add3A_4585 = vector.broadcast %add3A_4584 : f32 to vector<16xf32>
      %add3A_4586 = arith.addf %mul3A_4583, %add3A_4585 : vector<16xf32>
      %mul3A_4587 = arith.mulf %add3A_4586, %exp3A_4580 : vector<16xf32>
      %add3A_4588 = arith.constant -0.189019546 : f32
      %add3A_4589 = vector.broadcast %add3A_4588 : f32 to vector<16xf32>
      %add3A_4590 = arith.addf %mul3A_4587, %add3A_4589 : vector<16xf32>
      %mul3A_4591 = arith.mulf %add3A_4590, %exp3A_4580 : vector<16xf32>
      %add3A_4592 = arith.constant 0.315041274 : f32
      %add3A_4593 = vector.broadcast %add3A_4592 : f32 to vector<16xf32>
      %add3A_4594 = arith.addf %mul3A_4591, %add3A_4593 : vector<16xf32>
      %mul3A_4595 = arith.mulf %add3A_4594, %exp3A_4580 : vector<16xf32>
      %add3A_4596 = arith.constant -0.49720332 : f32
      %add3A_4597 = vector.broadcast %add3A_4596 : f32 to vector<16xf32>
      %add3A_4598 = arith.addf %mul3A_4595, %add3A_4597 : vector<16xf32>
      %mul3A_4599 = arith.mulf %add3A_4598, %exp3A_4580 : vector<16xf32>
      %add3A_4600 = arith.constant 0.99983257 : f32
      %add3A_4601 = vector.broadcast %add3A_4600 : f32 to vector<16xf32>
      %add3A_4602 = arith.addf %mul3A_4599, %add3A_4601 : vector<16xf32>
      %mul3A_4603 = arith.mulf %add3A_4602, %exp3A_4580 : vector<16xf32>
      %add3A_4604 = arith.constant 1.69366263E-6 : f32
      %add3A_4605 = vector.broadcast %add3A_4604 : f32 to vector<16xf32>
      %add3A_4606 = arith.addf %mul3A_4603, %add3A_4605 : vector<16xf32>
      %max3A_4607 = arith.constant 0.000000e+00 : f32
      %max3A_4608 = vector.broadcast %max3A_4607 : f32 to vector<16xf32>
      %max3A_4609 = arith.maximumf %sub3A_4575, %max3A_4608 : vector<16xf32>
      %add3A_4610 = arith.addf %max3A_4609, %add3A_4606 : vector<16xf32>
      %add3A_4611 = arith.addf %scan3A_4316, %add3A_4610 : vector<16xf32>
      %mul3A_4612 = arith.constant 128 : i32
      %mul3A_4613 = arith.muli %scan3A_4310, %mul3A_4612 : i32
      %add3A_4614 = arith.constant 96 : i32
      %add3A_4615 = arith.addi %mul3A_4613, %add3A_4614 : i32
      %get3A_4616 = arith.index_cast %add3A_4615 : i32 to index
      %get3A_4617 = tpu.vector_load %arg11[%get3A_4616] {strides = array<i32>} : memref<2048xf32, #tpu.memory_space<vmem>>, vector<16xf32>,
      %get3A_4618 = vector.shape_cast %get3A_4617 : vector<16xf32> to vector<16xf32>
      %add3A_4619 = arith.constant 96 : i32
      %add3A_4620 = arith.addi %mul3A_4322, %add3A_4619 : i32
      %get3A_4621 = arith.index_cast %add3A_4620 : i32 to index
      %get3A_4622 = tpu.vector_load %arg10[%get3A_4621] {strides = array<i32>} : memref<256xf32, #tpu.memory_space<vmem>>, vector<16xf32>,
      %get3A_4623 = vector.shape_cast %get3A_4622 : vector<16xf32> to vector<16xf32>
      %sub3A_4624 = arith.subf %get3A_4618, %get3A_4623 : vector<16xf32>
      %abs3A_4625 = math.absf %sub3A_4624 : vector<16xf32>
      %neg3A_4626 = arith.constant 0.000000e+00 : f32
      %neg3A_4627 = vector.broadcast %neg3A_4626 : f32 to vector<16xf32>
      %neg3A_4628 = arith.subf %neg3A_4627, %abs3A_4625 : vector<16xf32>
      %exp3A_4629 = math.exp %neg3A_4628 : vector<16xf32>
      %mul3A_4630 = arith.constant -0.0170296114 : f32
      %mul3A_4631 = vector.broadcast %mul3A_4630 : f32 to vector<16xf32>
      %mul3A_4632 = arith.mulf %mul3A_4631, %exp3A_4629 : vector<16xf32>
      %add3A_4633 = arith.constant 0.08152318 : f32
      %add3A_4634 = vector.broadcast %add3A_4633 : f32 to vector<16xf32>
      %add3A_4635 = arith.addf %mul3A_4632, %add3A_4634 : vector<16xf32>
      %mul3A_4636 = arith.mulf %add3A_4635, %exp3A_4629 : vector<16xf32>
      %add3A_4637 = arith.constant -0.189019546 : f32
      %add3A_4638 = vector.broadcast %add3A_4637 : f32 to vector<16xf32>
      %add3A_4639 = arith.addf %mul3A_4636, %add3A_4638 : vector<16xf32>
      %mul3A_4640 = arith.mulf %add3A_4639, %exp3A_4629 : vector<16xf32>
      %add3A_4641 = arith.constant 0.315041274 : f32
      %add3A_4642 = vector.broadcast %add3A_4641 : f32 to vector<16xf32>
      %add3A_4643 = arith.addf %mul3A_4640, %add3A_4642 : vector<16xf32>
      %mul3A_4644 = arith.mulf %add3A_4643, %exp3A_4629 : vector<16xf32>
      %add3A_4645 = arith.constant -0.49720332 : f32
      %add3A_4646 = vector.broadcast %add3A_4645 : f32 to vector<16xf32>
      %add3A_4647 = arith.addf %mul3A_4644, %add3A_4646 : vector<16xf32>
      %mul3A_4648 = arith.mulf %add3A_4647, %exp3A_4629 : vector<16xf32>
      %add3A_4649 = arith.constant 0.99983257 : f32
      %add3A_4650 = vector.broadcast %add3A_4649 : f32 to vector<16xf32>
      %add3A_4651 = arith.addf %mul3A_4648, %add3A_4650 : vector<16xf32>
      %mul3A_4652 = arith.mulf %add3A_4651, %exp3A_4629 : vector<16xf32>
      %add3A_4653 = arith.constant 1.69366263E-6 : f32
      %add3A_4654 = vector.broadcast %add3A_4653 : f32 to vector<16xf32>
      %add3A_4655 = arith.addf %mul3A_4652, %add3A_4654 : vector<16xf32>
      %max3A_4656 = arith.constant 0.000000e+00 : f32
      %max3A_4657 = vector.broadcast %max3A_4656 : f32 to vector<16xf32>
      %max3A_4658 = arith.maximumf %sub3A_4624, %max3A_4657 : vector<16xf32>
      %add3A_4659 = arith.addf %max3A_4658, %add3A_4655 : vector<16xf32>
      %add3A_4660 = arith.addf %scan3A_4317, %add3A_4659 : vector<16xf32>
      %mul3A_4661 = arith.constant 128 : i32
      %mul3A_4662 = arith.muli %scan3A_4310, %mul3A_4661 : i32
      %add3A_4663 = arith.constant 112 : i32
      %add3A_4664 = arith.addi %mul3A_4662, %add3A_4663 : i32
      %get3A_4665 = arith.index_cast %add3A_4664 : i32 to index
      %get3A_4666 = tpu.vector_load %arg11[%get3A_4665] {strides = array<i32>} : memref<2048xf32, #tpu.memory_space<vmem>>, vector<16xf32>,
      %get3A_4667 = vector.shape_cast %get3A_4666 : vector<16xf32> to vector<16xf32>
      %add3A_4668 = arith.constant 112 : i32
      %add3A_4669 = arith.addi %mul3A_4322, %add3A_4668 : i32
      %get3A_4670 = arith.index_cast %add3A_4669 : i32 to index
      %get3A_4671 = tpu.vector_load %arg10[%get3A_4670] {strides = array<i32>} : memref<256xf32, #tpu.memory_space<vmem>>, vector<16xf32>,
      %get3A_4672 = vector.shape_cast %get3A_4671 : vector<16xf32> to vector<16xf32>
      %sub3A_4673 = arith.subf %get3A_4667, %get3A_4672 : vector<16xf32>
      %abs3A_4674 = math.absf %sub3A_4673 : vector<16xf32>
      %neg3A_4675 = arith.constant 0.000000e+00 : f32
      %neg3A_4676 = vector.broadcast %neg3A_4675 : f32 to vector<16xf32>
      %neg3A_4677 = arith.subf %neg3A_4676, %abs3A_4674 : vector<16xf32>
      %exp3A_4678 = math.exp %neg3A_4677 : vector<16xf32>
      %mul3A_4679 = arith.constant -0.0170296114 : f32
      %mul3A_4680 = vector.broadcast %mul3A_4679 : f32 to vector<16xf32>
      %mul3A_4681 = arith.mulf %mul3A_4680, %exp3A_4678 : vector<16xf32>
      %add3A_4682 = arith.constant 0.08152318 : f32
      %add3A_4683 = vector.broadcast %add3A_4682 : f32 to vector<16xf32>
      %add3A_4684 = arith.addf %mul3A_4681, %add3A_4683 : vector<16xf32>
      %mul3A_4685 = arith.mulf %add3A_4684, %exp3A_4678 : vector<16xf32>
      %add3A_4686 = arith.constant -0.189019546 : f32
      %add3A_4687 = vector.broadcast %add3A_4686 : f32 to vector<16xf32>
      %add3A_4688 = arith.addf %mul3A_4685, %add3A_4687 : vector<16xf32>
      %mul3A_4689 = arith.mulf %add3A_4688, %exp3A_4678 : vector<16xf32>
      %add3A_4690 = arith.constant 0.315041274 : f32
      %add3A_4691 = vector.broadcast %add3A_4690 : f32 to vector<16xf32>
      %add3A_4692 = arith.addf %mul3A_4689, %add3A_4691 : vector<16xf32>
      %mul3A_4693 = arith.mulf %add3A_4692, %exp3A_4678 : vector<16xf32>
      %add3A_4694 = arith.constant -0.49720332 : f32
      %add3A_4695 = vector.broadcast %add3A_4694 : f32 to vector<16xf32>
      %add3A_4696 = arith.addf %mul3A_4693, %add3A_4695 : vector<16xf32>
      %mul3A_4697 = arith.mulf %add3A_4696, %exp3A_4678 : vector<16xf32>
      %add3A_4698 = arith.constant 0.99983257 : f32
      %add3A_4699 = vector.broadcast %add3A_4698 : f32 to vector<16xf32>
      %add3A_4700 = arith.addf %mul3A_4697, %add3A_4699 : vector<16xf32>
      %mul3A_4701 = arith.mulf %add3A_4700, %exp3A_4678 : vector<16xf32>
      %add3A_4702 = arith.constant 1.69366263E-6 : f32
      %add3A_4703 = vector.broadcast %add3A_4702 : f32 to vector<16xf32>
      %add3A_4704 = arith.addf %mul3A_4701, %add3A_4703 : vector<16xf32>
      %max3A_4705 = arith.constant 0.000000e+00 : f32
      %max3A_4706 = vector.broadcast %max3A_4705 : f32 to vector<16xf32>
      %max3A_4707 = arith.maximumf %sub3A_4673, %max3A_4706 : vector<16xf32>
      %add3A_4708 = arith.addf %max3A_4707, %add3A_4704 : vector<16xf32>
      %add3A_4709 = arith.addf %scan3A_4318, %add3A_4708 : vector<16xf32>
      scf.yield %add3A_4366, %add3A_4415, %add3A_4464, %add3A_4513, %add3A_4562, %add3A_4611, %add3A_4660, %add3A_4709 : vector<16xf32>, vector<16xf32>, vector<16xf32>, vector<16xf32>, vector<16xf32>, vector<16xf32>, vector<16xf32>, vector<16xf32>
    }
    %scan3A_4298 = arith.constant 16 : i32
    %add3A_4299 = arith.addf %scan3A_4297#0, %scan3A_4297#1 : vector<16xf32>
    %add3A_4300 = arith.addf %scan3A_4297#2, %scan3A_4297#3 : vector<16xf32>
    %add3A_4301 = arith.addf %add3A_4299, %add3A_4300 : vector<16xf32>
    %add3A_4302 = arith.addf %scan3A_4297#4, %scan3A_4297#5 : vector<16xf32>
    %add3A_4303 = arith.addf %scan3A_4297#6, %scan3A_4297#7 : vector<16xf32>
    %add3A_4304 = arith.addf %add3A_4302, %add3A_4303 : vector<16xf32>
    %add3A_4305 = arith.addf %add3A_4301, %add3A_4304 : vector<16xf32>
    %swap3A_4306 = arith.constant 0 : index
    %swap3A_4307 = tpu.vector_load %arg12[%swap3A_4306] {strides = array<i32>} : memref<16xf32, #tpu.memory_space<vmem>>, vector<16xf32>,
    %swap3A_4308 = vector.shape_cast %swap3A_4307 : vector<16xf32> to vector<16xf32>
    %swap3A_4309 = vector.shape_cast %add3A_4305 : vector<16xf32> to vector<16xf32>
    tpu.vector_store %arg12[%swap3A_4306], %swap3A_4309 {strides = array<i32>} : memref<16xf32, #tpu.memory_space<vmem>>, vector<16xf32>,
    "tpu.region"() ({
      %run_scoped3A = tpu.sem_alloc : memref<!tpu.dma_semaphore, #tpu.memory_space<semaphore_mem>>
      %dma_start3A_4310 = arith.constant 0 : i32
      %dma_start3A_4311 = tpu.memref_slice %arg5[%add3A, %dma_start3A_4310] : memref<32x16xf32, #tpu.memory_space<hbm>> -> memref<1x16xf32, #tpu.memory_space<hbm>>
      %dma_start3A_4312 = tpu.memref_squeeze %dma_start3A_4311 : memref<1x16xf32, #tpu.memory_space<hbm>> -> memref<16xf32, #tpu.memory_space<hbm>>
      %dma_start3A_4313 = arith.constant 0 : i32
      %dma_start3A_4314 = tpu.memref_slice %arg5[%add3A, %dma_start3A_4313] : memref<32x16xf32, #tpu.memory_space<hbm>> -> memref<1x16xf32, #tpu.memory_space<hbm>>
      %dma_start3A_4315 = tpu.memref_squeeze %dma_start3A_4314 : memref<1x16xf32, #tpu.memory_space<hbm>> -> memref<16xf32, #tpu.memory_space<hbm>>
      tpu.enqueue_dma source(%arg12 : memref<16xf32, #tpu.memory_space<vmem>>) target(%dma_start3A_4315 : memref<16xf32, #tpu.memory_space<hbm>>) target_semaphore(%run_scoped3A : memref<!tpu.dma_semaphore, #tpu.memory_space<semaphore_mem>>)
      %dma_wait3A_4316 = arith.constant 0 : i32
      %dma_wait3A_4317 = tpu.memref_slice %arg5[%add3A, %dma_wait3A_4316] : memref<32x16xf32, #tpu.memory_space<hbm>> -> memref<1x16xf32, #tpu.memory_space<hbm>>
      %dma_wait3A_4318 = tpu.memref_squeeze %dma_wait3A_4317 : memref<1x16xf32, #tpu.memory_space<hbm>> -> memref<16xf32, #tpu.memory_space<hbm>>
      %dma_wait3A_4319 = arith.constant 0 : i32
      %dma_wait3A_4320 = tpu.memref_slice %arg5[%add3A, %dma_wait3A_4319] : memref<32x16xf32, #tpu.memory_space<hbm>> -> memref<1x16xf32, #tpu.memory_space<hbm>>
      %dma_wait3A_4321 = tpu.memref_squeeze %dma_wait3A_4320 : memref<1x16xf32, #tpu.memory_space<hbm>> -> memref<16xf32, #tpu.memory_space<hbm>>
      tpu.wait_dma2 semaphore(%run_scoped3A : memref<!tpu.dma_semaphore, #tpu.memory_space<semaphore_mem>>) src(%arg12 : memref<16xf32, #tpu.memory_space<vmem>>) dst(%dma_wait3A_4321 : memref<16xf32, #tpu.memory_space<hbm>>)
      tpu.yield
    }) : () -> ()
    return
  }
}

module attributes {stable_mosaic.version = 14 : i64} {
  func.func @body(%arg0: memref<32x16xf32, #tpu.memory_space<vmem>>, %arg1: memref<1x1xf32, #tpu.memory_space<smem>>) attributes {dimension_semantics = [], scalar_prefetch = 0 : i64, scratch_operands = 0 : i64, tpu.core_type = #tpu.core_type<tc>} {
    %get3A = arith.constant 0 : index
    %get3A_0 = arith.constant 0 : index
    %get3A_1 = vector.load %arg0[%get3A, %get3A_0] : memref<32x16xf32, #tpu.memory_space<vmem>>, vector<32x16xf32>
    %reduce_sum3A = vector.shape_cast %get3A_1 : vector<32x16xf32> to vector<1x32x16xf32>
    %reduce_sum3A_2 = arith.constant dense<0.000000e+00> : vector<1xf32>
    %reduce_sum3A_3 = vector.multi_reduction <add>, %reduce_sum3A, %reduce_sum3A_2 [1, 2] : vector<1x32x16xf32> to vector<1xf32>
    %reduce_sum3A_4 = vector.shape_cast %reduce_sum3A_3 : vector<1xf32> to vector<1x1x1xf32>
    %reduce_sum3A_5 = vector.extract %reduce_sum3A_4[0, 0, 0] : f32 from vector<1x1x1xf32>
    %mul3A = arith.constant 1.52587891E-5 : f32
    %mul3A_6 = arith.mulf %reduce_sum3A_5, %mul3A : f32
    %swap3A = arith.constant 0 : index
    %swap3A_7 = arith.constant 0 : index
    %swap3A_8 = memref.load %arg1[%swap3A, %swap3A_7] : memref<1x1xf32, #tpu.memory_space<smem>>
    memref.store %mul3A_6, %arg1[%swap3A, %swap3A_7] : memref<1x1xf32, #tpu.memory_space<smem>>
    return
  }
}

</mosaic_0001>

<sc_bundles>
// kernel: kernel.4.cloned.1.call-start
scs
__scs_entry_jumppad:
0x0: {  	(pc) =	sbr.rel $0x88, $3  }
0x1: {  	(tag) =	ssettag $0x0;
	lr =	simm.s32 $0x1  }
0x2: {  	[smem:$0x3F9E] =	sst lr;
	_ =	strace $0xD0000000  }
0x3: {  	_ = 	snop  }
0x4: {  	_ = 	snop  }
0x5: {  	_ = 	snop  }
0x6: {  	_ = 	snop  }
0x7: {  	_ = 	snop  }
__scs_overlays_trampoline_lowered:
0x8: {  	[smem:$0x3FAD] =	sst s0  }
0x9: {  	[smem:$0x3FAE] =	sst s1  }
0xa: {  	[smem:$0x3FAF] =	sst s2  }
0xb: {  	[smem:$0x3FB0] =	sst s3  }
0xc: {  	[smem:$0x3FB1] =	sst s4  }
0xd: {  	[smem:$0x3FB2] =	sst s5  }
0xe: {  	[smem:$0x3FB3] =	sst s6  }
0xf: {  	[smem:$0x3FB4] =	sst s7  }
0x10: {  	[smem:$0x3FB5] =	sst s8  }
0x11: {  	[smem:$0x3FB6] =	sst s9;
	s0 =	simm.s32 @!p0 $0x0  }
0x12: {  	s1 =	sld [smem:$0x3F9C];
	s0 =	simm.s32 @p0 $0x1  }
0x13: {  	[smem:$0x3FB7] =	sst s0;
	s0 =	simm.s32 @!p1 $0x0  }
0x14: {  	s2 =	sld [smem:$0x3F9B];
	s0 =	simm.s32 @p1 $0x1  }
0x15: {  	[smem:$0x3FB8] =	sst s0;
	s0 =	simm.s32 @!p2 $0x0  }
0x16: {  	s3 =	sld [smem:$0x3FDB];
	s0 =	simm.s32 @p2 $0x1  }
0x17: {  	s4 =	simm.s32 $0x1BF5;
	[smem:$0x3FBA] =	sst s0  }
0x18: {  	s0 =	sld [smem:$0x3F9D];
	_ =	swait.ge [sflag:s4], $0x0  }
0x19: {  	s7 =	sld [smem:$0x3F9E]  }
0x1a: {  	s8 =	sadd.s32 $0xFFFFE003, lr  }
0x1b: {  	s9 =	sadd.s32 $0xFFFFFEF7, lr;
	s5 =	simm.s32 $0xFFFFFFFF;
	p2 =	slt.u32 s8, $0xFFFFF086  }
0x1c: {  	p1 =	slt.u32 s9, $0xF7A;
	s5 =	simm.s32 @!p2 $0x0  }
0x1d: {  	s5 =	simm.s32 @p1 $0x1;
	p0 =	seq.s32 s7, s2  }
0x1e: {  	s7 =	smul.u32 @!p0 $0xF7A, s2;
	p2 =	seq.s32 @!p0 s5, $0x0  }
0x1f: {  	s9 =	smul.u32 $0xF7A, s1;
	s8 =	simm.s32 @!p0 $0x1BF5;
	p2 =	por !p2, p0  }
0x20: {  	[sflag:s8] =	ssyncset.s32 @!p0 $0xFFFFF086;
	s6 =	sadd.s32 @!p0 s3, s7;
	s7 =	simm.s32 @!p0 $0x108  }
0x21: {  	s3 =	sadd.s32 s3, s9;
	s6 =	sadd.s32 @!p0 $0x88, s6;
	s7 =	simm.s32 @p2 $0x1082  }
0x22: {  	[simem:s7], [sflag:s8] =	dma.local @!p0 [hbm:s6], $0xF7A  }
0x23: {  	s9 =	sor.u32 $0xD0000000, s2;
	s6 =	simm.s32 $0x108;
	_ =	swait.ge @!p0 [sflag:s8], $0x0  }
0x24: {  	s3 =	sadd.s32 $0x88, s3;
	s6 =	simm.s32 @!p1 $0x1082;
	[sflag:s4] =	ssyncset.s32 $0xFFFFF086  }
0x25: {  	[simem:s6], [sflag:s4] =	dma.local [hbm:s3], $0xF7A  }
0x26: {  	[smem:$0x3F9E] =	sst s1;
	(tag) =	ssettag s2;
	_ =	strace s9  }
0x27: {  	s1 =	sld [smem:$0x3FAE]  }
0x28: {  	s2 =	sld [smem:$0x3FAF]  }
0x29: {  	s4 =	sld [smem:$0x3FB1]  }
0x2a: {  	p0 =	seq.s32 s5, $0x0;
	s5 =	sld [smem:$0x3FB2]  }
0x2b: {  	s6 =	sld [smem:$0x3FB3]  }
0x2c: {  	s7 =	sld [smem:$0x3FB4]  }
0x2d: {  	s3 =	simm.s32 $0x108;
	s8 =	sld [smem:$0x3FB5]  }
0x2e: {  	s3 =	simm.s32 @!p0 $0x1082;
	s9 =	sld [smem:$0x3FB6]  }
0x2f: {  	lr =	sadd.s32 s0, s3;
	s0 =	sld [smem:$0x3FAD]  }
0x30: {  	s3 =	sld [smem:$0x3FB0]  }
0x31: {  	[smem:$0x3FB9] =	sst s10  }
0x32: {  	s10 =	sld [smem:$0x3FB7];
	_ =	sdelay $0x3  }
0x33: {  	p0 =	seq.s32 s10, $0x1;
	s10 =	sld [smem:$0x3FB9];
	_ =	sdelay $0x3  }
0x34: {  	[smem:$0x3FB9] =	sst s10  }
0x35: {  	s10 =	sld [smem:$0x3FB8];
	_ =	sdelay $0x3  }
0x36: {  	p1 =	seq.s32 s10, $0x1;
	s10 =	sld [smem:$0x3FB9];
	_ =	sdelay $0x3  }
0x37: {  	[smem:$0x3FB9] =	sst s10  }
0x38: {  	s10 =	sld [smem:$0x3FBA]  }
0x39: {  	_ = 	snop;
	(pc) =	sbr.ind lr, $3  }
0x3a: {  	_ = 	snop  }
0x3b: {  	_ = 	snop  }
0x3c: {  	p2 =	seq.s32 s10, $0x1;
	s10 =	sld [smem:$0x3FB9]  }
0x3d: {  	_ =	shalt  }
0x3e: {  	_ =	shalt  }
0x3f: {  	_ =	shalt  }
0x40: {  	_ =	shalt  }
0x41: {  	_ =	shalt  }
0x42: {  	_ =	shalt  }
0x43: {  	_ =	shalt  }
0x44: {  	_ =	shalt  }
0x45: {  	_ =	shalt  }
0x46: {  	_ =	shalt  }
0x47: {  	_ =	shalt  }
0x48: {  	_ =	shalt  }
0x49: {  	_ =	shalt  }
0x4a: {  	_ =	shalt  }
0x4b: {  	_ =	shalt  }
0x4c: {  	_ =	shalt  }
0x4d: {  	_ =	shalt  }
0x4e: {  	_ =	shalt  }
0x4f: {  	_ =	shalt  }
0x50: {  	_ =	shalt  }
0x51: {  	_ =	shalt  }
0x52: {  	_ =	shalt  }
0x53: {  	_ =	shalt  }
0x54: {  	_ =	shalt  }
0x55: {  	_ =	shalt  }
0x56: {  	_ =	shalt  }
0x57: {  	_ =	shalt  }
0x58: {  	_ =	shalt  }
0x59: {  	_ =	shalt  }
0x5a: {  	_ =	shalt  }
0x5b: {  	_ =	shalt  }
0x5c: {  	_ =	shalt  }
0x5d: {  	_ =	shalt  }
0x5e: {  	_ =	shalt  }
0x5f: {  	_ =	shalt  }
0x60: {  	_ =	shalt  }
0x61: {  	_ =	shalt  }
0x62: {  	_ =	shalt  }
0x63: {  	_ =	shalt  }
0x64: {  	_ =	shalt  }
0x65: {  	_ =	shalt  }
0x66: {  	_ =	shalt  }
0x67: {  	_ =	shalt  }
0x68: {  	_ =	shalt  }
0x69: {  	_ =	shalt  }
0x6a: {  	_ =	shalt  }
0x6b: {  	_ =	shalt  }
0x6c: {  	_ =	shalt  }
0x6d: {  	_ =	shalt  }
0x6e: {  	_ =	shalt  }
0x6f: {  	_ =	shalt  }
0x70: {  	_ =	shalt  }
0x71: {  	_ =	shalt  }
0x72: {  	_ =	shalt  }
0x73: {  	_ =	shalt  }
0x74: {  	_ =	shalt  }
0x75: {  	_ =	shalt  }
0x76: {  	_ =	shalt  }
0x77: {  	_ =	shalt  }
0x78: {  	_ =	shalt  }
0x79: {  	_ =	shalt  }
0x7a: {  	_ =	shalt  }
0x7b: {  	_ =	shalt  }
0x7c: {  	_ =	shalt  }
0x7d: {  	_ =	shalt  }
0x7e: {  	_ =	shalt  }
0x7f: {  	_ =	shalt  }
0x80: {  	_ =	shalt  }
0x81: {  	_ =	shalt  }
0x82: {  	_ =	shalt  }
0x83: {  	_ =	shalt  }
0x84: {  	_ =	shalt  }
0x85: {  	_ =	shalt  }
0x86: {  	_ =	shalt  }
0x87: {  	_ =	shalt  }
.Lfunc_end0:
.L_simem_size_0:
called_computation_lowered:
.L_overlay_start_0:
0x88: {  	s2 =	sld [smem:$0x3FD9]  }
0x89: {  	s3 =	sld [smem:$0x3FFE];
	_ =	sdelay $0x1  }
0x8a: {  	s1 =	srdreg.scid  }
0x8b: {  	s0 =	sand.u32 $0x1, s1  }
0x8c: {  	s17 =	sshll.u32 s0, $0xA;
	s2 =	sadd.s32 s3, s2  }
0x8d: {  	s2 =	sadd.s32 s2, s17  }
0x8e: {  	[smem:$0x3FC5] =	sst s2  }
0x8f: {  	_ = 	snop  }
0x90: {  	s2 =	sld [smem:$0x3FC9]  }
0x91: {  	s18 =	sld [smem:$0x3FC8]  }
0x92: {  	s4 =	sld [smem:$0x3FC7];
	(tm) =	ssettm $0x1  }
0x93: {  	s5 =	sld [smem:$0x3FFB];
	_ =	sdelay $0x3  }
0x94: {  	_ =	strace s5  }
0x95: {  	s5 =	sld [smem:$0x3FFC];
	_ =	sdelay $0x3  }
0x96: {  	_ =	strace s5  }
0x97: {  	s5 =	sld [smem:$0x3FFD];
	_ =	sdelay $0x3  }
0x98: {  	_ =	strace s5  }
0x99: {  	_ =	strace $0x8FFFFFFF  }
0x9a: {  	s19 =	sld [smem:$0x3FDB];
	_ =	sdelay $0x1  }
0x9b: {  	s6 =	simm.s32 $_scs_section_size  }
0x9c: {  	s7 =	simm.s32 $_size__tile_overlayer_lowered;
	s8 =	simm.s32 $_tile_overlayer_lowered  }
0x9d: {  	s22 =	simm.s32 $0x1BFF;
	s21 =	sshll.u32 s8, $0x1;
	s5 =	sadd.s32 s6, s19  }
0x9e: {  	s9 =	simm.s32 $0x0;
	s20 =	sshll.u32 s7, $0x1;
	s7 =	sadd.s32 s21, s5  }
0x9f: {  	[timem:s9], [sflag:s22] =	dma.local [hbm:s7], s20  }
0xa0: {  	_ =	swait.ge [sflag:s22], s20  }
0xa1: {  	s6 =	ssub.s32 $0x0, s20;
	[sflag:s22] =	ssyncset.done $0x0  }
0xa2: {  	[sflag:s22] =	ssyncadd.s32 s6;
	_ =	sdelay $0x1  }
0xa3: {  	s23 =	simm.s32 $0x1B8B  }
0xa4: {  	_ =	swait.ge [sflag:s23], $0x1  }
0xa5: {  	[sflag:s23] =	ssyncset.done $0x0  }
0xa6: {  	s25 =	simm.s32 $0x1B8E;
	s24 =	sld [smem:$0x3FFE];
	[sflag:s23] =	ssyncadd.s32 $0xFFFFFFFF  }
0xa7: {  	s26 =	simm.s32 $execute0_lowered;
	[smem:$0x3FD2] =	sst s25  }
0xa8: {  	s7 =	sshll.u32 s26, $0x1;
	_ =	strace $0x80000046;
	[dreg:$0x1] =	wrdreg $0xFFFFFFFF  }
0xa9: {  	s28 =	simm.s32 $_size_execute0_lowered;
	s5 =	sadd.s32 s5, s7;
	[dreg:$0x0] =	wrdreg $0x0  }
0xaa: {  	s7 =	sshll.u32 s28, $0x1;
	[dreg:$0x2] =	wrdreg s5  }
0xab: {  	[dreg:$0x3] =	wrdreg s7  }
0xac: {  	[dreg:$0x4] =	wrdreg $0xC0  }
0xad: {  	_ =	task [dreg:s9], $0x5FFFF  }
0xae: {  	[dreg:$0x1] =	wrdreg $0xFFFFFFFF  }
0xaf: {  	[dreg:$0x0] =	wrdreg $0x60  }
0xb0: {  	[dreg:$0x2] =	wrdreg s2  }
0xb1: {  	[dreg:$0x3] =	wrdreg s4  }
0xb2: {  	[dreg:$0x4] =	wrdreg s18  }
0xb3: {  	[dreg:$0x5] =	wrdreg s24  }
0xb4: {  	[dreg:$0x6] =	wrdreg $0x9  }
0xb5: {  	_ =	task.clear_ibuf [dreg:s9], $0x7FFFF;
	_ =	strace $0x90000046  }
0xb6: {  	s29 =	simm.s32 $0x9;
	_ =	strace $0x80000048  }
0xb7: {  	_ =	swait.ge [sflag:s29], $0x1  }
0xb8: {  	[sflag:s29] =	ssyncadd.s32 $0xFFFFFFFF  }
0xb9: {  	_ =	strace $0x90000048  }
0xba: {  	_ =	sfence  }
0xbb: {  	s30 =	sld [smem:$0x0];
	_ =	sdelay $0x2  }
0xbc: {  	s31 =	sshll.u32 s1, $0xD;
	s1 =	sshrl.u32 s1, $0x2  }
0xbd: {  	s3 =	sand.u32 $0x4000, s31;
	s1 =	sadd.s32 s1, s30  }
0xbe: {  	s0 =	sor.u32 s3, s0;
	s1 =	sshll.u32 s1, $0x11  }
0xbf: {  	s0 =	sor.u32 s1, s0  }
0xc0: {  	s0 =	sadd.s32 $0x8F2B, s0  }
0xc1: {  	[sflag:s0] =	ssyncadd.remote.s32 $0x1  }
0xc2: {  	_ =	sfence.sel $0xFFFF  }
0xc3: {  	[dreg:$0x0] =	wrdreg $0xFFFFFFFF;
	(pc) =	sbr.abs _section_cstart, $3  }
0xc4: {  	[dreg:$0x1] =	wrdreg $0xFFFFFFFF  }
0xc5: {  	_ =	task.clear_ibuf [dreg:s9], $0x2FFFF;
	_ =	strace $0x9FFFFFFF  }
0xc6: {  	(tm) =	ssettm $0x7FFFFFFF  }
0xc7: {  	_ =	shalt  }
tec
execute0_lowered:
.L_overlay_start_1:
0x0: {  	(tag) =	ssettag $0x1  }
0x1: {  	s1 =	rddreg [dreg:$0x0]  }
0x2: {  	s0 =	rddreg [dreg:$0x1]  }
0x3: {  	s2 =	rddreg [dreg:$0x2]  }
0x4: {  	s4 =	rddreg [dreg:$0x3]  }
0x5: {  	s5 =	srdreg.scid;
	s6 =	stileid.u32  }
0x6: {  	s3 =	simm.s32 $0x0;
	s9 =	simm.s32 $0x1;
	s12 =	simm.s32 $0x1200  }
0x7: {  	s13 =	simm.s32 $0x2;
	s5 =	sand.u32 $0x1, s5;
	s6 =	sshll.u32 s6, $0x1  }
0x8: {  	[smem:$0x7FF] =	sst s3;
	s6 =	sor.u32 s5, s6;
	s5 =	ssub.s32 $0x2, s5  }
0x9: {  	_ =	strace $0x80000047;
	s7 =	sshll.u32 s6, $0x4;
	s8 =	sshrl.u32 s5, $0x1  }
0xa: {  	s14 =	sand.u32 $0x3, s6;
	s15 =	sshll.u32 s6, $0x8;
	s7 =	sadd.s32 s7, s4  }
0xb: {  	s8 =	ssub.s32 s5, s8;
	s10 =	sshll.u32 s14, $0xB;
	s16 =	sshll.u32 s14, $0x5  }
0xc: {  	s4 =	sadd.s32 s0, s15;
	s14 =	simm.s32 $0x200;
	s15 =	simm.s32 $0xA00  }
0xd: {  	s5 =	sadd.s32 s2, s16;
	s17 =	sor.u32 $0x10, s10;
	s18 =	sor.u32 $0x20, s10  }
0xe: {  	s16 =	sor.u32 $0x30, s10;
	s19 =	sor.u32 $0x40, s10;
	s20 =	sor.u32 $0x50, s10  }
0xf: {  	s21 =	sor.u32 $0x60, s10;
	s22 =	sor.u32 $0x70, s10;
	s23 =	sor.u32 $0x400, s10  }
0x10: {  	s24 =	sor.u32 $0x410, s10;
	s25 =	sor.u32 $0x420, s10;
	s26 =	sor.u32 $0x430, s10  }
0x11: {  	v15 =	vlaneseq.u32;
	s28 =	sor.u32 $0x440, s10;
	s29 =	sor.u32 $0x450, s10;
	s30 =	sor.u32 $0x460, s10  }
0x12: {  	s31 =	sor.u32 $0x470, s10;
	s6 =	sadd.s32 $0x600, s7;
	s7 =	smax.u32 s8, $0x1;
	v0 =	vor.u32 s10, v15  }
0x13: {  	v1 =	vor.u32 s17, v15;
	v2 =	vor.u32 s18, v15;
	v3 =	vor.u32 s16, v15;
	s16 =	simm.s32 $0x1300;
	s17 =	simm.s32 $0xC00;
	s18 =	simm.s32 $0x1500  }
0x14: {  	v4 =	vor.u32 s19, v15;
	v5 =	vor.u32 s20, v15;
	v6 =	vor.u32 s21, v15;
	s19 =	simm.s32 $0xE00;
	s20 =	simm.s32 $0x1700;
	s21 =	simm.s32 $0x1000  }
0x15: {  	v7 =	vor.u32 s22, v15;
	v8 =	vor.u32 s23, v15;
	v9 =	vor.u32 s24, v15;
	s22 =	simm.s32 $0x1900;
	s23 =	simm.s32 $0x3;
	s24 =	simm.s32 $0x4  }
0x16: {  	v10 =	vor.u32 s25, v15;
	v11 =	vor.u32 s26, v15;
	v12 =	vor.u32 s28, v15;
	s25 =	simm.s32 $0x5;
	s26 =	simm.s32 $0x6;
	s28 =	simm.s32 $0x7  }
0x17: {  	v13 =	vor.u32 s29, v15;
	v14 =	vor.u32 s30, v15;
	v15 =	vor.u32 s31, v15;
	s29 =	simm.s32 $0x1B00;
	s30 =	simm.s32 $0x8;
	s31 =	simm.s32 $0x0  }
.LBB2_1:
0x18: {  	[tilespmem:s3], [sflag:$0x2] =	stream.linear.gather [hbm4b:s4+s3], $0x800, $0x38;
	[tilespmem:$0x1B80] =	vst v63  }
0x19: {  	s0 =	simm.s32 $0x800  }
0x1a: {  	[tilespmem:s0], [sflag:$0x1] =	stream.linear.gather [hbm4b:s5+s3], $0x100, $0x38;
	[tilespmem:$0x1B80] =	vst v63  }
0x1b: {  	_ =	swait.ge [sflag:s9], $0x100  }
0x1c: {  	[sflag:s9] =	ssyncset.done $0x0  }
0x1d: {  	[sflag:s9] =	ssyncadd.s32 $0xFFFFFF00  }
0x1e: {  	v16 =	vld [tilespmem:$0x800]  }
0x1f: {  	v17 =	vld [tilespmem:$0x810]  }
0x20: {  	v20 =	vld [tilespmem:$0x830]  }
0x21: {  	v22 =	vld [tilespmem:$0x850]  }
0x22: {  	v24 =	vld [tilespmem:$0x870];
	_ =	sdelay $0x2  }
0x23: {  	v18 =	vld [tilespmem:$0x820];
	v19 =	vshll.u32 v16, $0xA;
	v16 =	vshll.u32 v16, $0x7;
	v21 =	vshll.u32 v17, $0xA  }
0x24: {  	v26 =	vld [tilespmem:$0x890];
	v17 =	vshll.u32 v17, $0x7;
	v23 =	vshll.u32 v20, $0xA;
	v20 =	vshll.u32 v20, $0x7  }
0x25: {  	v25 =	vshll.u32 v22, $0xA;
	v22 =	vshll.u32 v22, $0x7;
	v27 =	vshll.u32 v24, $0xA  }
0x26: {  	v24 =	vshll.u32 v24, $0x7;
	v19 =	vand.u32 $0xFFFFE000, v19;
	v16 =	vand.u32 $0x380, v16  }
0x27: {  	v17 =	vand.u32 $0x380, v17;
	v16 =	vor.u32 v19, v16;
	v19 =	vand.u32 $0xFFFFE000, v21;
	v21 =	vld [tilespmem:$0x840]  }
0x28: {  	v17 =	vor.u32 v19, v17;
	v19 =	vshll.u32 v18, $0xA;
	v18 =	vshll.u32 v18, $0x7  }
0x29: {  	v29 =	vshll.u32 v26, $0xA;
	v19 =	vand.u32 $0xFFFFE000, v19;
	v18 =	vand.u32 $0x380, v18  }
0x2a: {  	v26 =	vshll.u32 v26, $0x7;
	v18 =	vor.u32 v19, v18;
	v19 =	vand.u32 $0xFFFFE000, v23;
	v23 =	vld [tilespmem:$0x860]  }
0x2b: {  	v20 =	vand.u32 $0x380, v20;
	v22 =	vand.u32 $0x380, v22;
	v24 =	vand.u32 $0x380, v24  }
0x2c: {  	v19 =	vor.u32 v19, v20;
	v20 =	vshll.u32 v21, $0xA;
	v21 =	vshll.u32 v21, $0x7  }
0x2d: {  	v16 =	vor.u32 v0, v16;
	v20 =	vand.u32 $0xFFFFE000, v20;
	v21 =	vand.u32 $0x380, v21  }
0x2e: {  	v17 =	vor.u32 v1, v17;
	v20 =	vor.u32 v20, v21;
	v21 =	vand.u32 $0xFFFFE000, v25;
	v25 =	vld [tilespmem:$0x880]  }
0x2f: {  	v21 =	vor.u32 v21, v22;
	v22 =	vshll.u32 v23, $0xA;
	v23 =	vshll.u32 v23, $0x7  }
0x30: {  	v18 =	vor.u32 v2, v18;
	v22 =	vand.u32 $0xFFFFE000, v22;
	v23 =	vand.u32 $0x380, v23  }
0x31: {  	v19 =	vor.u32 v3, v19;
	v22 =	vor.u32 v22, v23;
	v23 =	vand.u32 $0xFFFFE000, v27;
	v27 =	vld [tilespmem:$0x8A0]  }
0x32: {  	v20 =	vor.u32 v4, v20;
	v21 =	vor.u32 v5, v21;
	v22 =	vor.u32 v6, v22  }
0x33: {  	v28 =	vld [tilespmem:$0x8B0];
	v23 =	vor.u32 v23, v24;
	v24 =	vshll.u32 v25, $0xA;
	v25 =	vshll.u32 v25, $0x7  }
0x34: {  	v23 =	vor.u32 v7, v23;
	v24 =	vand.u32 $0xFFFFE000, v24;
	v25 =	vand.u32 $0x380, v25  }
0x35: {  	[tilespmem:$0x900] =	vst v16;
	v16 =	vor.u32 v24, v25;
	v24 =	vand.u32 $0xFFFFE000, v29;
	v25 =	vand.u32 $0x380, v26;
	v26 =	vld [tilespmem:$0x8C0]  }
0x36: {  	[tilespmem:$0x910] =	vst v17;
	v16 =	vor.u32 v8, v16;
	v17 =	vor.u32 v24, v25;
	v24 =	vshll.u32 v27, $0xA  }
0x37: {  	[tilespmem:$0x920] =	vst v18;
	v25 =	vld [tilespmem:$0x8D0];
	v17 =	vor.u32 v9, v17;
	v18 =	vand.u32 $0xFFFFE000, v24;
	v24 =	vshll.u32 v27, $0x7  }
0x38: {  	[tilespmem:$0x930] =	vst v19;
	v27 =	vshll.u32 v28, $0x7;
	v19 =	vand.u32 $0x380, v24;
	v24 =	vshll.u32 v28, $0xA  }
0x39: {  	[tilespmem:$0x940] =	vst v20;
	v20 =	vand.u32 $0x380, v27;
	v18 =	vor.u32 v18, v19;
	v19 =	vand.u32 $0xFFFFE000, v24;
	v24 =	vld [tilespmem:$0x8E0]  }
0x3a: {  	[tilespmem:$0x960] =	vst v22;
	v22 =	vld [tilespmem:$0x8F0];
	v18 =	vor.u32 v10, v18;
	v19 =	vor.u32 v19, v20;
	v20 =	vshll.u32 v26, $0xA  }
0x3b: {  	[tilespmem:$0x950] =	vst v21;
	v21 =	vshll.u32 v26, $0x7;
	v19 =	vor.u32 v11, v19;
	v20 =	vand.u32 $0xFFFFE000, v20  }
0x3c: {  	[tilespmem:$0x970] =	vst v23;
	v21 =	vand.u32 $0x380, v21;
	v23 =	vshll.u32 v25, $0xA;
	v25 =	vshll.u32 v25, $0x7  }
0x3d: {  	[tilespmem:$0x980] =	vst v16;
	v16 =	vor.u32 v20, v21;
	v20 =	vand.u32 $0xFFFFE000, v23;
	v21 =	vand.u32 $0x380, v25  }
0x3e: {  	[tilespmem:$0x990] =	vst v17;
	v16 =	vor.u32 v12, v16;
	v17 =	vor.u32 v20, v21;
	v20 =	vshll.u32 v24, $0xA  }
0x3f: {  	[tilespmem:$0x9A0] =	vst v18;
	v21 =	vshll.u32 v22, $0x7;
	v18 =	vand.u32 $0xFFFFE000, v20;
	v20 =	vshll.u32 v24, $0x7  }
0x40: {  	[tilespmem:$0x9B0] =	vst v19;
	v17 =	vor.u32 v13, v17;
	v19 =	vand.u32 $0x380, v20;
	v20 =	vshll.u32 v22, $0xA  }
0x41: {  	[tilespmem:$0x9C0] =	vst v16;
	v16 =	vor.u32 v18, v19;
	v18 =	vand.u32 $0xFFFFE000, v20;
	v19 =	vand.u32 $0x380, v21  }
0x42: {  	[tilespmem:$0x9D0] =	vst v17;
	v16 =	vor.u32 v14, v16;
	v17 =	vor.u32 v18, v19  }
0x43: {  	[tilespmem:$0x9E0] =	vst v16;
	v16 =	vor.u32 v15, v17  }
0x44: {  	s11 =	simm.s32 $0x100;
	s2 =	simm.s32 $0x900;
	[tilespmem:$0x9F0] =	vst v16  }
0x45: {  	[tilespmem:s12], [sflag:$0x3] =	stream.indirect.gather [hbm4b:s1+s11], $0x1, s2, s11, $0xb8;
	[tilespmem:$0x1B80] =	vst v63  }
0x46: {  	_ =	swait.ge [sflag:s13], $0x800  }
0x47: {  	[sflag:s13] =	ssyncset.done $0x0  }
0x48: {  	[sflag:s13] =	ssyncadd.s32 $0xFFFFF800  }
0x49: {  	v16 =	vld [tilespmem:$0x0]  }
0x4a: {  	v17 =	vld [tilespmem:$0x10]  }
0x4b: {  	v20 =	vld [tilespmem:$0x30]  }
0x4c: {  	v22 =	vld [tilespmem:$0x50]  }
0x4d: {  	v24 =	vld [tilespmem:$0x70]  }
0x4e: {  	v26 =	vld [tilespmem:$0x90]  }
0x4f: {  	v28 =	vld [tilespmem:$0xB0]  }
0x50: {  	v30 =	vld [tilespmem:$0xD0]  }
0x51: {  	v32 =	vld [tilespmem:$0xF0]  }
0x52: {  	v53 =	vld [tilespmem:$0x100]  }
0x53: {  	v34 =	vld [tilespmem:$0x110];
	v19 =	vshll.u32 v16, $0xA;
	v16 =	vshll.u32 v16, $0x7;
	v21 =	vshll.u32 v17, $0xA  }
0x54: {  	v54 =	vld [tilespmem:$0x120];
	v17 =	vshll.u32 v17, $0x7;
	v23 =	vshll.u32 v20, $0xA;
	v20 =	vshll.u32 v20, $0x7  }
0x55: {  	v36 =	vld [tilespmem:$0x130];
	v25 =	vshll.u32 v22, $0xA;
	v22 =	vshll.u32 v22, $0x7;
	v27 =	vshll.u32 v24, $0xA  }
0x56: {  	v24 =	vshll.u32 v24, $0x7;
	v29 =	vshll.u32 v26, $0xA;
	v26 =	vshll.u32 v26, $0x7  }
0x57: {  	v31 =	vshll.u32 v28, $0xA;
	v28 =	vshll.u32 v28, $0x7;
	v33 =	vshll.u32 v30, $0xA  }
0x58: {  	v30 =	vshll.u32 v30, $0x7;
	v35 =	vshll.u32 v32, $0xA;
	v32 =	vshll.u32 v32, $0x7  }
0x59: {  	v55 =	vshll.u32 v53, $0xA;
	v37 =	vshll.u32 v34, $0xA;
	v34 =	vshll.u32 v34, $0x7  }
0x5a: {  	v59 =	vshll.u32 v54, $0xA;
	v60 =	vshll.u32 v54, $0x7;
	v62 =	vshll.u32 v36, $0xA  }
0x5b: {  	v18 =	vld [tilespmem:$0x20];
	v63 =	vshll.u32 v36, $0x7;
	v19 =	vand.u32 $0xFFFFE000, v19;
	v16 =	vand.u32 $0x380, v16  }
0x5c: {  	v17 =	vand.u32 $0x380, v17;
	v20 =	vand.u32 $0x380, v20;
	v22 =	vand.u32 $0x380, v22  }
0x5d: {  	v24 =	vand.u32 $0x380, v24;
	v26 =	vand.u32 $0x380, v26;
	v28 =	vand.u32 $0x380, v28  }
0x5e: {  	v30 =	vand.u32 $0x380, v30;
	v32 =	vand.u32 $0x380, v32;
	v56 =	vand.u32 $0xFFFFE000, v37  }
0x5f: {  	v57 =	vand.u32 $0x380, v34;
	v16 =	vor.u32 v19, v16;
	v19 =	vand.u32 $0xFFFFE000, v21;
	v21 =	vld [tilespmem:$0x40]  }
0x60: {  	v17 =	vor.u32 v19, v17;
	v19 =	vshll.u32 v18, $0xA;
	v18 =	vshll.u32 v18, $0x7  }
0x61: {  	v16 =	vor.u32 v0, v16;
	v19 =	vand.u32 $0xFFFFE000, v19;
	v18 =	vand.u32 $0x380, v18  }
0x62: {  	v17 =	vor.u32 v1, v17;
	v18 =	vor.u32 v19, v18;
	v19 =	vand.u32 $0xFFFFE000, v23  }
0x63: {  	v23 =	vld [tilespmem:$0x60];
	[tilespmem:$0xA10] =	vst v17;
	v17 =	vor.u32 v56, v57;
	v18 =	vor.u32 v2, v18;
	v19 =	vor.u32 v19, v20  }
0x64: {  	v17 =	vor.u32 v1, v17;
	v20 =	vshll.u32 v21, $0xA;
	v21 =	vshll.u32 v21, $0x7  }
0x65: {  	v19 =	vor.u32 v3, v19;
	[tilespmem:$0xA20] =	vst v18;
	v20 =	vand.u32 $0xFFFFE000, v20;
	v21 =	vand.u32 $0x380, v21  }
0x66: {  	v18 =	vand.u32 $0xFFFFE000, v59;
	[tilespmem:$0xA30] =	vst v19;
	v19 =	vand.u32 $0x380, v60;
	v20 =	vor.u32 v20, v21  }
0x67: {  	v58 =	vld [tilespmem:$0x140];
	v21 =	vand.u32 $0xFFFFE000, v25;
	v18 =	vor.u32 v18, v19;
	v19 =	vand.u32 $0xFFFFE000, v62  }
0x68: {  	v20 =	vor.u32 v4, v20;
	v21 =	vor.u32 v21, v22;
	v22 =	vshll.u32 v23, $0xA  }
0x69: {  	v25 =	vld [tilespmem:$0x80];
	v23 =	vshll.u32 v23, $0x7;
	v18 =	vor.u32 v2, v18;
	v21 =	vor.u32 v5, v21  }
0x6a: {  	v22 =	vand.u32 $0xFFFFE000, v22;
	v23 =	vand.u32 $0x380, v23;
	[tilespmem:$0xA40] =	vst v20;
	v20 =	vand.u32 $0x380, v63  }
0x6b: {  	v61 =	vld [tilespmem:$0x150];
	v22 =	vor.u32 v22, v23;
	v23 =	vand.u32 $0xFFFFE000, v27;
	v19 =	vor.u32 v19, v20  }
0x6c: {  	[tilespmem:$0xA50] =	vst v21;
	v20 =	vshll.u32 v58, $0xA;
	v21 =	vshll.u32 v58, $0x7;
	v22 =	vor.u32 v6, v22  }
0x6d: {  	v27 =	vld [tilespmem:$0xA0];
	v23 =	vor.u32 v23, v24;
	v19 =	vor.u32 v3, v19;
	v20 =	vand.u32 $0xFFFFE000, v20  }
0x6e: {  	v21 =	vand.u32 $0x380, v21;
	v24 =	vshll.u32 v25, $0xA;
	v23 =	vor.u32 v7, v23  }
0x6f: {  	v25 =	vshll.u32 v25, $0x7;
	v20 =	vor.u32 v20, v21;
	v24 =	vand.u32 $0xFFFFE000, v24  }
0x70: {  	v36 =	vld [tilespmem:$0x160];
	v25 =	vand.u32 $0x380, v25;
	[tilespmem:$0xA70] =	vst v23;
	v23 =	vshll.u32 v61, $0xA;
	v20 =	vor.u32 v4, v20  }
0x71: {  	v24 =	vor.u32 v24, v25;
	v25 =	vand.u32 $0xFFFFE000, v29;
	v29 =	vld [tilespmem:$0xC0];
	v21 =	vand.u32 $0xFFFFE000, v23  }
0x72: {  	v25 =	vor.u32 v25, v26;
	v26 =	vshll.u32 v27, $0xA;
	v27 =	vshll.u32 v27, $0x7  }
0x73: {  	[tilespmem:$0xA60] =	vst v22;
	v22 =	vld [tilespmem:$0x170];
	v24 =	vor.u32 v0, v24;
	v26 =	vand.u32 $0xFFFFE000, v26;
	v27 =	vand.u32 $0x380, v27  }
0x74: {  	v25 =	vor.u32 v1, v25;
	v26 =	vor.u32 v26, v27;
	v27 =	vand.u32 $0xFFFFE000, v31;
	v31 =	vld [tilespmem:$0xE0]  }
0x75: {  	[tilespmem:$0xA90] =	vst v25;
	v25 =	vshll.u32 v36, $0x7;
	v26 =	vor.u32 v2, v26;
	v27 =	vor.u32 v27, v28  }
0x76: {  	v25 =	vand.u32 $0x380, v25;
	v28 =	vshll.u32 v29, $0xA;
	v29 =	vshll.u32 v29, $0x7  }
0x77: {  	v27 =	vor.u32 v3, v27;
	v28 =	vand.u32 $0xFFFFE000, v28;
	v29 =	vand.u32 $0x380, v29  }
0x78: {  	[tilespmem:$0xAB0] =	vst v27;
	v27 =	vshll.u32 v22, $0xA;
	v28 =	vor.u32 v28, v29;
	v29 =	vand.u32 $0xFFFFE000, v33  }
0x79: {  	v29 =	vor.u32 v29, v30;
	v30 =	vshll.u32 v31, $0xA;
	v31 =	vshll.u32 v31, $0x7  }
0x7a: {  	[tilespmem:$0xAA0] =	vst v26;
	v26 =	vld [tilespmem:$0x190];
	v22 =	vshll.u32 v22, $0x7;
	v30 =	vand.u32 $0xFFFFE000, v30;
	v31 =	vand.u32 $0x380, v31  }
0x7b: {  	v33 =	vshll.u32 v53, $0x7;
	v30 =	vor.u32 v30, v31;
	v31 =	vand.u32 $0xFFFFE000, v35  }
0x7c: {  	v33 =	vand.u32 $0x380, v33;
	v31 =	vor.u32 v31, v32;
	v32 =	vand.u32 $0xFFFFE000, v55  }
0x7d: {  	[tilespmem:$0xA00] =	vst v16;
	v22 =	vand.u32 $0x380, v22;
	v16 =	vor.u32 v32, v33;
	v33 =	vshll.u32 v61, $0x7  }
0x7e: {  	[tilespmem:$0xA80] =	vst v24;
	v24 =	vld [tilespmem:$0x180];
	v28 =	vor.u32 v4, v28;
	v29 =	vor.u32 v5, v29;
	v23 =	vand.u32 $0x380, v33  }
0x7f: {  	[tilespmem:$0xAD0] =	vst v29;
	v29 =	vshll.u32 v26, $0xA;
	v21 =	vor.u32 v21, v23;
	v23 =	vshll.u32 v36, $0xA  }
0x80: {  	v26 =	vshll.u32 v26, $0x7;
	v30 =	vor.u32 v6, v30;
	v23 =	vand.u32 $0xFFFFE000, v23  }
0x81: {  	v31 =	vor.u32 v7, v31;
	v23 =	vor.u32 v23, v25;
	v25 =	vand.u32 $0xFFFFE000, v27;
	v27 =	vld [tilespmem:$0x1A0]  }
0x82: {  	[tilespmem:$0xB10] =	vst v17;
	v16 =	vor.u32 v0, v16;
	v21 =	vor.u32 v5, v21;
	v23 =	vor.u32 v6, v23  }
0x83: {  	[tilespmem:$0xAC0] =	vst v28;
	v28 =	vld [tilespmem:$0x1B0];
	v22 =	vor.u32 v25, v22;
	v25 =	vshll.u32 v24, $0xA;
	v24 =	vshll.u32 v24, $0x7  }
0x84: {  	[tilespmem:$0xB20] =	vst v18;
	v22 =	vor.u32 v7, v22;
	v25 =	vand.u32 $0xFFFFE000, v25;
	v24 =	vand.u32 $0x380, v24  }
0x85: {  	[tilespmem:$0xB00] =	vst v16;
	v16 =	vor.u32 v25, v24;
	v24 =	vand.u32 $0xFFFFE000, v29;
	v25 =	vand.u32 $0x380, v26;
	v26 =	vld [tilespmem:$0x1C0]  }
0x86: {  	[tilespmem:$0xB30] =	vst v19;
	v16 =	vor.u32 v0, v16;
	v17 =	vor.u32 v24, v25;
	v25 =	vld [tilespmem:$0x1D0];
	v24 =	vshll.u32 v27, $0xA  }
0x87: {  	[tilespmem:$0xB40] =	vst v20;
	v17 =	vor.u32 v1, v17;
	v18 =	vand.u32 $0xFFFFE000, v24;
	v24 =	vshll.u32 v27, $0x7  }
0x88: {  	[tilespmem:$0xAE0] =	vst v30;
	v27 =	vshll.u32 v28, $0x7;
	v19 =	vand.u32 $0x380, v24;
	v24 =	vshll.u32 v28, $0xA  }
0x89: {  	[tilespmem:$0xB50] =	vst v21;
	v20 =	vand.u32 $0x380, v27;
	v18 =	vor.u32 v18, v19;
	v19 =	vand.u32 $0xFFFFE000, v24;
	v24 =	vld [tilespmem:$0x1E0]  }
0x8a: {  	[tilespmem:$0xB60] =	vst v23;
	v23 =	vld [tilespmem:$0x1F0];
	v21 =	vshll.u32 v26, $0x7;
	v18 =	vor.u32 v2, v18;
	v19 =	vor.u32 v19, v20  }
0x8b: {  	[tilespmem:$0xB70] =	vst v22;
	v20 =	vshll.u32 v26, $0xA;
	v21 =	vand.u32 $0x380, v21;
	v22 =	vshll.u32 v25, $0xA  }
0x8c: {  	[tilespmem:$0xAF0] =	vst v31;
	v25 =	vshll.u32 v25, $0x7;
	v19 =	vor.u32 v3, v19;
	v20 =	vand.u32 $0xFFFFE000, v20  }
0x8d: {  	[tilespmem:$0xB80] =	vst v16;
	v16 =	vor.u32 v20, v21;
	v20 =	vand.u32 $0xFFFFE000, v22;
	v21 =	vand.u32 $0x380, v25  }
0x8e: {  	[tilespmem:$0xB90] =	vst v17;
	v16 =	vor.u32 v4, v16;
	v17 =	vor.u32 v20, v21;
	v20 =	vshll.u32 v24, $0xA  }
0x8f: {  	[tilespmem:$0xBA0] =	vst v18;
	v21 =	vshll.u32 v23, $0x7;
	v18 =	vand.u32 $0xFFFFE000, v20;
	v20 =	vshll.u32 v24, $0x7  }
0x90: {  	[tilespmem:$0xBB0] =	vst v19;
	v17 =	vor.u32 v5, v17;
	v19 =	vand.u32 $0x380, v20;
	v20 =	vshll.u32 v23, $0xA  }
0x91: {  	[tilespmem:$0xBC0] =	vst v16;
	v16 =	vor.u32 v18, v19;
	v18 =	vand.u32 $0xFFFFE000, v20;
	v19 =	vand.u32 $0x380, v21  }
0x92: {  	[tilespmem:$0xBD0] =	vst v17;
	v16 =	vor.u32 v6, v16;
	v17 =	vor.u32 v18, v19  }
0x93: {  	[tilespmem:$0xBE0] =	vst v16;
	v16 =	vor.u32 v7, v17  }
0x94: {  	[tilespmem:$0xBF0] =	vst v16  }
0x95: {  	[tilespmem:s16], [sflag:$0x4] =	stream.indirect.gather [hbm4b:s1+s14], $0x1, s15, s14, $0xb8;
	[tilespmem:$0x1B80] =	vst v63  }
0x96: {  	v16 =	vld [tilespmem:$0x200]  }
0x97: {  	v17 =	vld [tilespmem:$0x210]  }
0x98: {  	v20 =	vld [tilespmem:$0x230]  }
0x99: {  	v22 =	vld [tilespmem:$0x250]  }
0x9a: {  	v24 =	vld [tilespmem:$0x270]  }
0x9b: {  	v26 =	vld [tilespmem:$0x290]  }
0x9c: {  	v28 =	vld [tilespmem:$0x2B0]  }
0x9d: {  	v30 =	vld [tilespmem:$0x2D0]  }
0x9e: {  	v37 =	vld [tilespmem:$0x2F0]  }
0x9f: {  	v39 =	vld [tilespmem:$0x300];
	v19 =	vshll.u32 v16, $0xA;
	v16 =	vshll.u32 v16, $0x7;
	v21 =	vshll.u32 v17, $0xA  }
0xa0: {  	v40 =	vld [tilespmem:$0x310];
	v17 =	vshll.u32 v17, $0x7;
	v23 =	vshll.u32 v20, $0xA;
	v20 =	vshll.u32 v20, $0x7  }
0xa1: {  	v42 =	vld [tilespmem:$0x320];
	v25 =	vshll.u32 v22, $0xA;
	v22 =	vshll.u32 v22, $0x7;
	v27 =	vshll.u32 v24, $0xA  }
0xa2: {  	v44 =	vld [tilespmem:$0x330];
	v24 =	vshll.u32 v24, $0x7;
	v29 =	vshll.u32 v26, $0xA;
	v26 =	vshll.u32 v26, $0x7  }
0xa3: {  	v31 =	vshll.u32 v28, $0xA;
	v28 =	vshll.u32 v28, $0x7;
	v38 =	vshll.u32 v30, $0xA  }
0xa4: {  	v30 =	vshll.u32 v30, $0x7;
	v41 =	vshll.u32 v37, $0xA;
	v32 =	vshll.u32 v37, $0x7  }
0xa5: {  	v43 =	vshll.u32 v39, $0xA;
	v33 =	vshll.u32 v39, $0x7;
	v45 =	vshll.u32 v40, $0xA  }
0xa6: {  	v34 =	vshll.u32 v40, $0x7;
	v49 =	vshll.u32 v42, $0xA;
	v50 =	vshll.u32 v42, $0x7  }
0xa7: {  	v52 =	vshll.u32 v44, $0xA;
	v53 =	vshll.u32 v44, $0x7;
	v19 =	vand.u32 $0xFFFFE000, v19  }
0xa8: {  	v18 =	vld [tilespmem:$0x220];
	v16 =	vand.u32 $0x380, v16;
	v17 =	vand.u32 $0x380, v17;
	v20 =	vand.u32 $0x380, v20  }
0xa9: {  	v22 =	vand.u32 $0x380, v22;
	v24 =	vand.u32 $0x380, v24;
	v26 =	vand.u32 $0x380, v26  }
0xaa: {  	v28 =	vand.u32 $0x380, v28;
	v30 =	vand.u32 $0x380, v30;
	v32 =	vand.u32 $0x380, v32  }
0xab: {  	v33 =	vand.u32 $0x380, v33;
	v46 =	vand.u32 $0xFFFFE000, v45;
	v16 =	vor.u32 v19, v16  }
0xac: {  	v47 =	vand.u32 $0x380, v34;
	v19 =	vand.u32 $0xFFFFE000, v21;
	v21 =	vld [tilespmem:$0x240];
	v16 =	vor.u32 v0, v16  }
0xad: {  	v17 =	vor.u32 v19, v17;
	v19 =	vshll.u32 v18, $0xA;
	v18 =	vshll.u32 v18, $0x7  }
0xae: {  	v17 =	vor.u32 v1, v17;
	v19 =	vand.u32 $0xFFFFE000, v19;
	v18 =	vand.u32 $0x380, v18  }
0xaf: {  	v18 =	vor.u32 v19, v18;
	v19 =	vand.u32 $0xFFFFE000, v23;
	[tilespmem:$0xC10] =	vst v17;
	v17 =	vor.u32 v46, v47  }
0xb0: {  	v23 =	vld [tilespmem:$0x260];
	v18 =	vor.u32 v2, v18;
	v19 =	vor.u32 v19, v20;
	v17 =	vor.u32 v1, v17  }
0xb1: {  	v20 =	vshll.u32 v21, $0xA;
	v19 =	vor.u32 v3, v19;
	v21 =	vshll.u32 v21, $0x7  }
0xb2: {  	[tilespmem:$0xC20] =	vst v18;
	v18 =	vand.u32 $0xFFFFE000, v49;
	v20 =	vand.u32 $0xFFFFE000, v20;
	v21 =	vand.u32 $0x380, v21  }
0xb3: {  	v48 =	vld [tilespmem:$0x340];
	[tilespmem:$0xC30] =	vst v19;
	v19 =	vand.u32 $0x380, v50;
	v20 =	vor.u32 v20, v21;
	v21 =	vand.u32 $0xFFFFE000, v25  }
0xb4: {  	v18 =	vor.u32 v18, v19;
	v19 =	vand.u32 $0xFFFFE000, v52;
	v20 =	vor.u32 v4, v20  }
0xb5: {  	v21 =	vor.u32 v21, v22;
	v22 =	vshll.u32 v23, $0xA;
	v23 =	vshll.u32 v23, $0x7  }
0xb6: {  	v25 =	vld [tilespmem:$0x280];
	v18 =	vor.u32 v2, v18;
	v22 =	vand.u32 $0xFFFFE000, v22;
	v23 =	vand.u32 $0x380, v23  }
0xb7: {  	v21 =	vor.u32 v5, v21;
	[tilespmem:$0xC40] =	vst v20;
	v20 =	vand.u32 $0x380, v53;
	v22 =	vor.u32 v22, v23  }
0xb8: {  	v51 =	vld [tilespmem:$0x350];
	v23 =	vand.u32 $0xFFFFE000, v27;
	v19 =	vor.u32 v19, v20;
	v20 =	vshll.u32 v48, $0xA  }
0xb9: {  	v27 =	vld [tilespmem:$0x2A0];
	[tilespmem:$0xC50] =	vst v21;
	v21 =	vshll.u32 v48, $0x7;
	v22 =	vor.u32 v6, v22;
	v23 =	vor.u32 v23, v24  }
0xba: {  	v19 =	vor.u32 v3, v19;
	v20 =	vand.u32 $0xFFFFE000, v20;
	v21 =	vand.u32 $0x380, v21  }
0xbb: {  	v24 =	vshll.u32 v25, $0xA;
	v23 =	vor.u32 v7, v23;
	v25 =	vshll.u32 v25, $0x7  }
0xbc: {  	v54 =	vld [tilespmem:$0x360];
	v20 =	vor.u32 v20, v21;
	v24 =	vand.u32 $0xFFFFE000, v24;
	v25 =	vand.u32 $0x380, v25  }
0xbd: {  	[tilespmem:$0xC70] =	vst v23;
	v23 =	vshll.u32 v51, $0xA;
	v24 =	vor.u32 v24, v25;
	v25 =	vand.u32 $0xFFFFE000, v29;
	v29 =	vld [tilespmem:$0x2C0]  }
0xbe: {  	v25 =	vor.u32 v25, v26;
	v26 =	vshll.u32 v27, $0xA;
	v27 =	vshll.u32 v27, $0x7  }
0xbf: {  	v20 =	vor.u32 v4, v20;
	v26 =	vand.u32 $0xFFFFE000, v26;
	v27 =	vand.u32 $0x380, v27  }
0xc0: {  	v25 =	vor.u32 v1, v25;
	v26 =	vor.u32 v26, v27;
	v27 =	vand.u32 $0xFFFFE000, v31;
	v31 =	vld [tilespmem:$0x2E0]  }
0xc1: {  	v21 =	vand.u32 $0xFFFFE000, v23;
	v24 =	vor.u32 v0, v24;
	[tilespmem:$0xC90] =	vst v25;
	v25 =	vshll.u32 v54, $0x7  }
0xc2: {  	[tilespmem:$0xC60] =	vst v22;
	v22 =	vld [tilespmem:$0x370];
	v27 =	vor.u32 v27, v28;
	v28 =	vshll.u32 v29, $0xA;
	v29 =	vshll.u32 v29, $0x7  }
0xc3: {  	v26 =	vor.u32 v2, v26;
	v28 =	vand.u32 $0xFFFFE000, v28;
	v29 =	vand.u32 $0x380, v29  }
0xc4: {  	v25 =	vand.u32 $0x380, v25;
	v28 =	vor.u32 v28, v29;
	v29 =	vand.u32 $0xFFFFE000, v38  }
0xc5: {  	v29 =	vor.u32 v29, v30;
	v30 =	vshll.u32 v31, $0xA;
	v31 =	vshll.u32 v31, $0x7  }
0xc6: {  	v27 =	vor.u32 v3, v27;
	[tilespmem:$0xCA0] =	vst v26;
	v26 =	vld [tilespmem:$0x390];
	v30 =	vand.u32 $0xFFFFE000, v30;
	v31 =	vand.u32 $0x380, v31  }
0xc7: {  	[tilespmem:$0xCB0] =	vst v27;
	v27 =	vshll.u32 v22, $0xA;
	v30 =	vor.u32 v30, v31;
	v31 =	vand.u32 $0xFFFFE000, v41  }
0xc8: {  	v22 =	vshll.u32 v22, $0x7;
	v31 =	vor.u32 v31, v32;
	v32 =	vand.u32 $0xFFFFE000, v43  }
0xc9: {  	[tilespmem:$0xC00] =	vst v16;
	v22 =	vand.u32 $0x380, v22;
	v16 =	vor.u32 v32, v33;
	v33 =	vshll.u32 v51, $0x7  }
0xca: {  	[tilespmem:$0xC80] =	vst v24;
	v24 =	vld [tilespmem:$0x380];
	v28 =	vor.u32 v4, v28;
	v29 =	vor.u32 v5, v29;
	v23 =	vand.u32 $0x380, v33  }
0xcb: {  	[tilespmem:$0xCD0] =	vst v29;
	v29 =	vshll.u32 v26, $0xA;
	v21 =	vor.u32 v21, v23;
	v23 =	vshll.u32 v54, $0xA  }
0xcc: {  	v26 =	vshll.u32 v26, $0x7;
	v30 =	vor.u32 v6, v30;
	v23 =	vand.u32 $0xFFFFE000, v23  }
0xcd: {  	v31 =	vor.u32 v7, v31;
	v23 =	vor.u32 v23, v25;
	v25 =	vand.u32 $0xFFFFE000, v27;
	v27 =	vld [tilespmem:$0x3A0]  }
0xce: {  	[tilespmem:$0xD10] =	vst v17;
	v16 =	vor.u32 v0, v16;
	v21 =	vor.u32 v5, v21;
	v23 =	vor.u32 v6, v23  }
0xcf: {  	[tilespmem:$0xCC0] =	vst v28;
	v28 =	vld [tilespmem:$0x3B0];
	v22 =	vor.u32 v25, v22;
	v25 =	vshll.u32 v24, $0xA;
	v24 =	vshll.u32 v24, $0x7  }
0xd0: {  	[tilespmem:$0xD20] =	vst v18;
	v22 =	vor.u32 v7, v22;
	v25 =	vand.u32 $0xFFFFE000, v25;
	v24 =	vand.u32 $0x380, v24  }
0xd1: {  	[tilespmem:$0xD00] =	vst v16;
	v16 =	vor.u32 v25, v24;
	v24 =	vand.u32 $0xFFFFE000, v29;
	v25 =	vand.u32 $0x380, v26;
	v26 =	vld [tilespmem:$0x3C0]  }
0xd2: {  	[tilespmem:$0xD30] =	vst v19;
	v16 =	vor.u32 v0, v16;
	v17 =	vor.u32 v24, v25;
	v25 =	vld [tilespmem:$0x3D0];
	v24 =	vshll.u32 v27, $0xA  }
0xd3: {  	[tilespmem:$0xD40] =	vst v20;
	v17 =	vor.u32 v1, v17;
	v18 =	vand.u32 $0xFFFFE000, v24;
	v24 =	vshll.u32 v27, $0x7  }
0xd4: {  	[tilespmem:$0xCE0] =	vst v30;
	v27 =	vshll.u32 v28, $0x7;
	v19 =	vand.u32 $0x380, v24;
	v24 =	vshll.u32 v28, $0xA  }
0xd5: {  	[tilespmem:$0xD50] =	vst v21;
	v20 =	vand.u32 $0x380, v27;
	v18 =	vor.u32 v18, v19;
	v19 =	vand.u32 $0xFFFFE000, v24;
	v24 =	vld [tilespmem:$0x3E0]  }
0xd6: {  	[tilespmem:$0xD60] =	vst v23;
	v23 =	vld [tilespmem:$0x3F0];
	v21 =	vshll.u32 v26, $0x7;
	v18 =	vor.u32 v2, v18;
	v19 =	vor.u32 v19, v20  }
0xd7: {  	[tilespmem:$0xD70] =	vst v22;
	v20 =	vshll.u32 v26, $0xA;
	v21 =	vand.u32 $0x380, v21;
	v22 =	vshll.u32 v25, $0xA  }
0xd8: {  	[tilespmem:$0xCF0] =	vst v31;
	v25 =	vshll.u32 v25, $0x7;
	v19 =	vor.u32 v3, v19;
	v20 =	vand.u32 $0xFFFFE000, v20  }
0xd9: {  	[tilespmem:$0xD80] =	vst v16;
	v16 =	vor.u32 v20, v21;
	v20 =	vand.u32 $0xFFFFE000, v22;
	v21 =	vand.u32 $0x380, v25  }
0xda: {  	[tilespmem:$0xD90] =	vst v17;
	v16 =	vor.u32 v4, v16;
	v17 =	vor.u32 v20, v21;
	v20 =	vshll.u32 v24, $0xA  }
0xdb: {  	[tilespmem:$0xDA0] =	vst v18;
	v21 =	vshll.u32 v23, $0x7;
	v18 =	vand.u32 $0xFFFFE000, v20;
	v20 =	vshll.u32 v24, $0x7  }
0xdc: {  	[tilespmem:$0xDB0] =	vst v19;
	v17 =	vor.u32 v5, v17;
	v19 =	vand.u32 $0x380, v20;
	v20 =	vshll.u32 v23, $0xA  }
0xdd: {  	[tilespmem:$0xDC0] =	vst v16;
	v16 =	vor.u32 v18, v19;
	v18 =	vand.u32 $0xFFFFE000, v20;
	v19 =	vand.u32 $0x380, v21  }
0xde: {  	[tilespmem:$0xDD0] =	vst v17;
	v16 =	vor.u32 v6, v16;
	v17 =	vor.u32 v18, v19  }
0xdf: {  	[tilespmem:$0xDE0] =	vst v16;
	v16 =	vor.u32 v7, v17  }
0xe0: {  	[tilespmem:$0xDF0] =	vst v16  }
0xe1: {  	[tilespmem:s18], [sflag:$0x5] =	stream.indirect.gather [hbm4b:s1+s14], $0x1, s17, s14, $0xb8;
	[tilespmem:$0x1B80] =	vst v63  }
0xe2: {  	v16 =	vld [tilespmem:$0x400]  }
0xe3: {  	v17 =	vld [tilespmem:$0x410]  }
0xe4: {  	v20 =	vld [tilespmem:$0x430]  }
0xe5: {  	v22 =	vld [tilespmem:$0x450]  }
0xe6: {  	v24 =	vld [tilespmem:$0x470]  }
0xe7: {  	v26 =	vld [tilespmem:$0x490]  }
0xe8: {  	v28 =	vld [tilespmem:$0x4B0]  }
0xe9: {  	v30 =	vld [tilespmem:$0x4D0]  }
0xea: {  	v55 =	vld [tilespmem:$0x4F0]  }
0xeb: {  	v57 =	vld [tilespmem:$0x500];
	v19 =	vshll.u32 v16, $0xA;
	v16 =	vshll.u32 v16, $0x7;
	v21 =	vshll.u32 v17, $0xA  }
0xec: {  	v58 =	vld [tilespmem:$0x510];
	v17 =	vshll.u32 v17, $0x7;
	v23 =	vshll.u32 v20, $0xA;
	v20 =	vshll.u32 v20, $0x7  }
0xed: {  	v60 =	vld [tilespmem:$0x520];
	v25 =	vshll.u32 v22, $0xA;
	v22 =	vshll.u32 v22, $0x7;
	v27 =	vshll.u32 v24, $0xA  }
0xee: {  	v62 =	vld [tilespmem:$0x530];
	v24 =	vshll.u32 v24, $0x7;
	v29 =	vshll.u32 v26, $0xA;
	v26 =	vshll.u32 v26, $0x7  }
0xef: {  	v31 =	vshll.u32 v28, $0xA;
	v28 =	vshll.u32 v28, $0x7;
	v56 =	vshll.u32 v30, $0xA  }
0xf0: {  	v30 =	vshll.u32 v30, $0x7;
	v59 =	vshll.u32 v55, $0xA;
	v32 =	vshll.u32 v55, $0x7  }
0xf1: {  	v61 =	vshll.u32 v57, $0xA;
	v33 =	vshll.u32 v57, $0x7;
	v63 =	vshll.u32 v58, $0xA  }
0xf2: {  	v34 =	vshll.u32 v58, $0x7;
	v40 =	vshll.u32 v60, $0xA;
	v41 =	vshll.u32 v60, $0x7  }
0xf3: {  	v43 =	vshll.u32 v62, $0xA;
	v44 =	vshll.u32 v62, $0x7;
	v19 =	vand.u32 $0xFFFFE000, v19  }
0xf4: {  	v18 =	vld [tilespmem:$0x420];
	v16 =	vand.u32 $0x380, v16;
	v17 =	vand.u32 $0x380, v17;
	v20 =	vand.u32 $0x380, v20  }
0xf5: {  	v22 =	vand.u32 $0x380, v22;
	v24 =	vand.u32 $0x380, v24;
	v26 =	vand.u32 $0x380, v26  }
0xf6: {  	v28 =	vand.u32 $0x380, v28;
	v30 =	vand.u32 $0x380, v30;
	v32 =	vand.u32 $0x380, v32  }
0xf7: {  	v33 =	vand.u32 $0x380, v33;
	v37 =	vand.u32 $0xFFFFE000, v63;
	v16 =	vor.u32 v19, v16  }
0xf8: {  	v38 =	vand.u32 $0x380, v34;
	v19 =	vand.u32 $0xFFFFE000, v21;
	v21 =	vld [tilespmem:$0x440];
	v16 =	vor.u32 v8, v16  }
0xf9: {  	v17 =	vor.u32 v19, v17;
	v19 =	vshll.u32 v18, $0xA;
	v18 =	vshll.u32 v18, $0x7  }
0xfa: {  	v17 =	vor.u32 v9, v17;
	v19 =	vand.u32 $0xFFFFE000, v19;
	v18 =	vand.u32 $0x380, v18  }
0xfb: {  	v18 =	vor.u32 v19, v18;
	v19 =	vand.u32 $0xFFFFE000, v23;
	[tilespmem:$0xE10] =	vst v17;
	v17 =	vor.u32 v37, v38  }
0xfc: {  	v23 =	vld [tilespmem:$0x460];
	v18 =	vor.u32 v10, v18;
	v19 =	vor.u32 v19, v20;
	v17 =	vor.u32 v9, v17  }
0xfd: {  	v20 =	vshll.u32 v21, $0xA;
	v19 =	vor.u32 v11, v19;
	v21 =	vshll.u32 v21, $0x7  }
0xfe: {  	[tilespmem:$0xE20] =	vst v18;
	v18 =	vand.u32 $0xFFFFE000, v40;
	v20 =	vand.u32 $0xFFFFE000, v20;
	v21 =	vand.u32 $0x380, v21  }
0xff: {  	v39 =	vld [tilespmem:$0x540];
	[tilespmem:$0xE30] =	vst v19;
	v19 =	vand.u32 $0x380, v41;
	v20 =	vor.u32 v20, v21;
	v21 =	vand.u32 $0xFFFFE000, v25  }
0x100: {  	v18 =	vor.u32 v18, v19;
	v19 =	vand.u32 $0xFFFFE000, v43;
	v20 =	vor.u32 v12, v20  }
0x101: {  	v21 =	vor.u32 v21, v22;
	v22 =	vshll.u32 v23, $0xA;
	v23 =	vshll.u32 v23, $0x7  }
0x102: {  	v25 =	vld [tilespmem:$0x480];
	v18 =	vor.u32 v10, v18;
	v22 =	vand.u32 $0xFFFFE000, v22;
	v23 =	vand.u32 $0x380, v23  }
0x103: {  	v21 =	vor.u32 v13, v21;
	[tilespmem:$0xE40] =	vst v20;
	v20 =	vand.u32 $0x380, v44;
	v22 =	vor.u32 v22, v23  }
0x104: {  	v42 =	vld [tilespmem:$0x550];
	v23 =	vand.u32 $0xFFFFE000, v27;
	v19 =	vor.u32 v19, v20;
	v20 =	vshll.u32 v39, $0xA  }
0x105: {  	v27 =	vld [tilespmem:$0x4A0];
	[tilespmem:$0xE50] =	vst v21;
	v21 =	vshll.u32 v39, $0x7;
	v22 =	vor.u32 v14, v22;
	v23 =	vor.u32 v23, v24  }
0x106: {  	v19 =	vor.u32 v11, v19;
	v20 =	vand.u32 $0xFFFFE000, v20;
	v21 =	vand.u32 $0x380, v21  }
0x107: {  	v24 =	vshll.u32 v25, $0xA;
	v23 =	vor.u32 v15, v23;
	v25 =	vshll.u32 v25, $0x7  }
0x108: {  	v45 =	vld [tilespmem:$0x560];
	v20 =	vor.u32 v20, v21;
	v24 =	vand.u32 $0xFFFFE000, v24;
	v25 =	vand.u32 $0x380, v25  }
0x109: {  	[tilespmem:$0xE70] =	vst v23;
	v23 =	vshll.u32 v42, $0xA;
	v24 =	vor.u32 v24, v25;
	v25 =	vand.u32 $0xFFFFE000, v29;
	v29 =	vld [tilespmem:$0x4C0]  }
0x10a: {  	v25 =	vor.u32 v25, v26;
	v26 =	vshll.u32 v27, $0xA;
	v27 =	vshll.u32 v27, $0x7  }
0x10b: {  	v20 =	vor.u32 v12, v20;
	v26 =	vand.u32 $0xFFFFE000, v26;
	v27 =	vand.u32 $0x380, v27  }
0x10c: {  	v25 =	vor.u32 v9, v25;
	v26 =	vor.u32 v26, v27;
	v27 =	vand.u32 $0xFFFFE000, v31;
	v31 =	vld [tilespmem:$0x4E0]  }
0x10d: {  	v21 =	vand.u32 $0xFFFFE000, v23;
	v24 =	vor.u32 v8, v24;
	[tilespmem:$0xE90] =	vst v25;
	v25 =	vshll.u32 v45, $0x7  }
0x10e: {  	[tilespmem:$0xE60] =	vst v22;
	v22 =	vld [tilespmem:$0x570];
	v27 =	vor.u32 v27, v28;
	v28 =	vshll.u32 v29, $0xA;
	v29 =	vshll.u32 v29, $0x7  }
0x10f: {  	v26 =	vor.u32 v10, v26;
	v28 =	vand.u32 $0xFFFFE000, v28;
	v29 =	vand.u32 $0x380, v29  }
0x110: {  	v25 =	vand.u32 $0x380, v25;
	v28 =	vor.u32 v28, v29;
	v29 =	vand.u32 $0xFFFFE000, v56  }
0x111: {  	v29 =	vor.u32 v29, v30;
	v30 =	vshll.u32 v31, $0xA;
	v31 =	vshll.u32 v31, $0x7  }
0x112: {  	v27 =	vor.u32 v11, v27;
	[tilespmem:$0xEA0] =	vst v26;
	v26 =	vld [tilespmem:$0x590];
	v30 =	vand.u32 $0xFFFFE000, v30;
	v31 =	vand.u32 $0x380, v31  }
0x113: {  	[tilespmem:$0xEB0] =	vst v27;
	v27 =	vshll.u32 v22, $0xA;
	v30 =	vor.u32 v30, v31;
	v31 =	vand.u32 $0xFFFFE000, v59  }
0x114: {  	v22 =	vshll.u32 v22, $0x7;
	v31 =	vor.u32 v31, v32;
	v32 =	vand.u32 $0xFFFFE000, v61  }
0x115: {  	[tilespmem:$0xE00] =	vst v16;
	v22 =	vand.u32 $0x380, v22;
	v16 =	vor.u32 v32, v33;
	v33 =	vshll.u32 v42, $0x7  }
0x116: {  	[tilespmem:$0xE80] =	vst v24;
	v24 =	vld [tilespmem:$0x580];
	v28 =	vor.u32 v12, v28;
	v29 =	vor.u32 v13, v29;
	v23 =	vand.u32 $0x380, v33  }
0x117: {  	[tilespmem:$0xED0] =	vst v29;
	v29 =	vshll.u32 v26, $0xA;
	v21 =	vor.u32 v21, v23;
	v23 =	vshll.u32 v45, $0xA  }
0x118: {  	v26 =	vshll.u32 v26, $0x7;
	v30 =	vor.u32 v14, v30;
	v23 =	vand.u32 $0xFFFFE000, v23  }
0x119: {  	v31 =	vor.u32 v15, v31;
	v23 =	vor.u32 v23, v25;
	v25 =	vand.u32 $0xFFFFE000, v27;
	v27 =	vld [tilespmem:$0x5A0]  }
0x11a: {  	[tilespmem:$0xF10] =	vst v17;
	v16 =	vor.u32 v8, v16;
	v21 =	vor.u32 v13, v21;
	v23 =	vor.u32 v14, v23  }
0x11b: {  	[tilespmem:$0xEC0] =	vst v28;
	v28 =	vld [tilespmem:$0x5B0];
	v22 =	vor.u32 v25, v22;
	v25 =	vshll.u32 v24, $0xA;
	v24 =	vshll.u32 v24, $0x7  }
0x11c: {  	[tilespmem:$0xF20] =	vst v18;
	v22 =	vor.u32 v15, v22;
	v25 =	vand.u32 $0xFFFFE000, v25;
	v24 =	vand.u32 $0x380, v24  }
0x11d: {  	[tilespmem:$0xF00] =	vst v16;
	v16 =	vor.u32 v25, v24;
	v24 =	vand.u32 $0xFFFFE000, v29;
	v25 =	vand.u32 $0x380, v26;
	v26 =	vld [tilespmem:$0x5C0]  }
0x11e: {  	[tilespmem:$0xF30] =	vst v19;
	v16 =	vor.u32 v8, v16;
	v17 =	vor.u32 v24, v25;
	v25 =	vld [tilespmem:$0x5D0];
	v24 =	vshll.u32 v27, $0xA  }
0x11f: {  	[tilespmem:$0xF40] =	vst v20;
	v17 =	vor.u32 v9, v17;
	v18 =	vand.u32 $0xFFFFE000, v24;
	v24 =	vshll.u32 v27, $0x7  }
0x120: {  	[tilespmem:$0xEE0] =	vst v30;
	v27 =	vshll.u32 v28, $0x7;
	v19 =	vand.u32 $0x380, v24;
	v24 =	vshll.u32 v28, $0xA  }
0x121: {  	[tilespmem:$0xF50] =	vst v21;
	v20 =	vand.u32 $0x380, v27;
	v18 =	vor.u32 v18, v19;
	v19 =	vand.u32 $0xFFFFE000, v24;
	v24 =	vld [tilespmem:$0x5E0]  }
0x122: {  	[tilespmem:$0xF60] =	vst v23;
	v23 =	vld [tilespmem:$0x5F0];
	v21 =	vshll.u32 v26, $0x7;
	v18 =	vor.u32 v10, v18;
	v19 =	vor.u32 v19, v20  }
0x123: {  	[tilespmem:$0xF70] =	vst v22;
	v20 =	vshll.u32 v26, $0xA;
	v21 =	vand.u32 $0x380, v21;
	v22 =	vshll.u32 v25, $0xA  }
0x124: {  	[tilespmem:$0xEF0] =	vst v31;
	v25 =	vshll.u32 v25, $0x7;
	v19 =	vor.u32 v11, v19;
	v20 =	vand.u32 $0xFFFFE000, v20  }
0x125: {  	[tilespmem:$0xF80] =	vst v16;
	v16 =	vor.u32 v20, v21;
	v20 =	vand.u32 $0xFFFFE000, v22;
	v21 =	vand.u32 $0x380, v25  }
0x126: {  	[tilespmem:$0xF90] =	vst v17;
	v16 =	vor.u32 v12, v16;
	v17 =	vor.u32 v20, v21;
	v20 =	vshll.u32 v24, $0xA  }
0x127: {  	[tilespmem:$0xFA0] =	vst v18;
	v21 =	vshll.u32 v23, $0x7;
	v18 =	vand.u32 $0xFFFFE000, v20;
	v20 =	vshll.u32 v24, $0x7  }
0x128: {  	[tilespmem:$0xFB0] =	vst v19;
	v17 =	vor.u32 v13, v17;
	v19 =	vand.u32 $0x380, v20;
	v20 =	vshll.u32 v23, $0xA  }
0x129: {  	[tilespmem:$0xFC0] =	vst v16;
	v16 =	vor.u32 v18, v19;
	v18 =	vand.u32 $0xFFFFE000, v20;
	v19 =	vand.u32 $0x380, v21  }
0x12a: {  	[tilespmem:$0xFD0] =	vst v17;
	v16 =	vor.u32 v14, v16;
	v17 =	vor.u32 v18, v19  }
0x12b: {  	[tilespmem:$0xFE0] =	vst v16;
	v16 =	vor.u32 v15, v17  }
0x12c: {  	[tilespmem:$0xFF0] =	vst v16  }
0x12d: {  	[tilespmem:s20], [sflag:$0x6] =	stream.indirect.gather [hbm4b:s1+s14], $0x1, s19, s14, $0xb8;
	[tilespmem:$0x1B80] =	vst v63  }
0x12e: {  	v16 =	vld [tilespmem:$0x600]  }
0x12f: {  	v17 =	vld [tilespmem:$0x610]  }
0x130: {  	v20 =	vld [tilespmem:$0x630]  }
0x131: {  	v22 =	vld [tilespmem:$0x650]  }
0x132: {  	v24 =	vld [tilespmem:$0x670]  }
0x133: {  	v26 =	vld [tilespmem:$0x690]  }
0x134: {  	v28 =	vld [tilespmem:$0x6B0]  }
0x135: {  	v30 =	vld [tilespmem:$0x6D0]  }
0x136: {  	v46 =	vld [tilespmem:$0x6F0]  }
0x137: {  	v48 =	vld [tilespmem:$0x700];
	v19 =	vshll.u32 v16, $0xA;
	v16 =	vshll.u32 v16, $0x7;
	v21 =	vshll.u32 v17, $0xA  }
0x138: {  	v49 =	vld [tilespmem:$0x710];
	v17 =	vshll.u32 v17, $0x7;
	v23 =	vshll.u32 v20, $0xA;
	v20 =	vshll.u32 v20, $0x7  }
0x139: {  	v51 =	vld [tilespmem:$0x720];
	v25 =	vshll.u32 v22, $0xA;
	v22 =	vshll.u32 v22, $0x7;
	v27 =	vshll.u32 v24, $0xA  }
0x13a: {  	v53 =	vld [tilespmem:$0x730];
	v24 =	vshll.u32 v24, $0x7;
	v29 =	vshll.u32 v26, $0xA;
	v26 =	vshll.u32 v26, $0x7  }
0x13b: {  	v31 =	vshll.u32 v28, $0xA;
	v28 =	vshll.u32 v28, $0x7;
	v47 =	vshll.u32 v30, $0xA  }
0x13c: {  	v30 =	vshll.u32 v30, $0x7;
	v50 =	vshll.u32 v46, $0xA;
	v32 =	vshll.u32 v46, $0x7  }
0x13d: {  	v52 =	vshll.u32 v48, $0xA;
	v33 =	vshll.u32 v48, $0x7;
	v54 =	vshll.u32 v49, $0xA  }
0x13e: {  	v34 =	vshll.u32 v49, $0x7;
	v58 =	vshll.u32 v51, $0xA;
	v59 =	vshll.u32 v51, $0x7  }
0x13f: {  	v61 =	vshll.u32 v53, $0xA;
	v62 =	vshll.u32 v53, $0x7;
	v19 =	vand.u32 $0xFFFFE000, v19  }
0x140: {  	v18 =	vld [tilespmem:$0x620];
	v16 =	vand.u32 $0x380, v16;
	v17 =	vand.u32 $0x380, v17;
	v20 =	vand.u32 $0x380, v20  }
0x141: {  	v22 =	vand.u32 $0x380, v22;
	v24 =	vand.u32 $0x380, v24;
	v26 =	vand.u32 $0x380, v26  }
0x142: {  	v28 =	vand.u32 $0x380, v28;
	v30 =	vand.u32 $0x380, v30;
	v32 =	vand.u32 $0x380, v32  }
0x143: {  	v33 =	vand.u32 $0x380, v33;
	v55 =	vand.u32 $0xFFFFE000, v54;
	v16 =	vor.u32 v19, v16  }
0x144: {  	v56 =	vand.u32 $0x380, v34;
	v19 =	vand.u32 $0xFFFFE000, v21;
	v21 =	vld [tilespmem:$0x640];
	v16 =	vor.u32 v8, v16  }
0x145: {  	v17 =	vor.u32 v19, v17;
	v19 =	vshll.u32 v18, $0xA;
	v18 =	vshll.u32 v18, $0x7  }
0x146: {  	v17 =	vor.u32 v9, v17;
	v19 =	vand.u32 $0xFFFFE000, v19;
	v18 =	vand.u32 $0x380, v18  }
0x147: {  	v18 =	vor.u32 v19, v18;
	v19 =	vand.u32 $0xFFFFE000, v23;
	[tilespmem:$0x1010] =	vst v17;
	v17 =	vor.u32 v55, v56  }
0x148: {  	v23 =	vld [tilespmem:$0x660];
	v18 =	vor.u32 v10, v18;
	v19 =	vor.u32 v19, v20;
	v17 =	vor.u32 v9, v17  }
0x149: {  	v20 =	vshll.u32 v21, $0xA;
	v19 =	vor.u32 v11, v19;
	v21 =	vshll.u32 v21, $0x7  }
0x14a: {  	[tilespmem:$0x1020] =	vst v18;
	v18 =	vand.u32 $0xFFFFE000, v58;
	v20 =	vand.u32 $0xFFFFE000, v20;
	v21 =	vand.u32 $0x380, v21  }
0x14b: {  	v57 =	vld [tilespmem:$0x740];
	[tilespmem:$0x1030] =	vst v19;
	v19 =	vand.u32 $0x380, v59;
	v20 =	vor.u32 v20, v21;
	v21 =	vand.u32 $0xFFFFE000, v25  }
0x14c: {  	v18 =	vor.u32 v18, v19;
	v19 =	vand.u32 $0xFFFFE000, v61;
	v20 =	vor.u32 v12, v20  }
0x14d: {  	v21 =	vor.u32 v21, v22;
	v22 =	vshll.u32 v23, $0xA;
	v23 =	vshll.u32 v23, $0x7  }
0x14e: {  	v25 =	vld [tilespmem:$0x680];
	v18 =	vor.u32 v10, v18;
	v22 =	vand.u32 $0xFFFFE000, v22;
	v23 =	vand.u32 $0x380, v23  }
0x14f: {  	v21 =	vor.u32 v13, v21;
	[tilespmem:$0x1040] =	vst v20;
	v20 =	vand.u32 $0x380, v62;
	v22 =	vor.u32 v22, v23  }
0x150: {  	v60 =	vld [tilespmem:$0x750];
	v23 =	vand.u32 $0xFFFFE000, v27;
	v19 =	vor.u32 v19, v20;
	v20 =	vshll.u32 v57, $0xA  }
0x151: {  	v27 =	vld [tilespmem:$0x6A0];
	[tilespmem:$0x1050] =	vst v21;
	v21 =	vshll.u32 v57, $0x7;
	v22 =	vor.u32 v14, v22;
	v23 =	vor.u32 v23, v24  }
0x152: {  	v19 =	vor.u32 v11, v19;
	v20 =	vand.u32 $0xFFFFE000, v20;
	v21 =	vand.u32 $0x380, v21  }
0x153: {  	v24 =	vshll.u32 v25, $0xA;
	v23 =	vor.u32 v15, v23;
	v25 =	vshll.u32 v25, $0x7  }
0x154: {  	v63 =	vld [tilespmem:$0x760];
	v20 =	vor.u32 v20, v21;
	v24 =	vand.u32 $0xFFFFE000, v24;
	v25 =	vand.u32 $0x380, v25  }
0x155: {  	[tilespmem:$0x1070] =	vst v23;
	v23 =	vshll.u32 v60, $0xA;
	v24 =	vor.u32 v24, v25;
	v25 =	vand.u32 $0xFFFFE000, v29;
	v29 =	vld [tilespmem:$0x6C0]  }
0x156: {  	v25 =	vor.u32 v25, v26;
	v26 =	vshll.u32 v27, $0xA;
	v27 =	vshll.u32 v27, $0x7  }
0x157: {  	v20 =	vor.u32 v12, v20;
	v26 =	vand.u32 $0xFFFFE000, v26;
	v27 =	vand.u32 $0x380, v27  }
0x158: {  	v25 =	vor.u32 v9, v25;
	v26 =	vor.u32 v26, v27;
	v27 =	vand.u32 $0xFFFFE000, v31;
	v31 =	vld [tilespmem:$0x6E0]  }
0x159: {  	v21 =	vand.u32 $0xFFFFE000, v23;
	v24 =	vor.u32 v8, v24;
	[tilespmem:$0x1090] =	vst v25;
	v25 =	vshll.u32 v63, $0x7  }
0x15a: {  	[tilespmem:$0x1060] =	vst v22;
	v22 =	vld [tilespmem:$0x770];
	v27 =	vor.u32 v27, v28;
	v28 =	vshll.u32 v29, $0xA;
	v29 =	vshll.u32 v29, $0x7  }
0x15b: {  	v26 =	vor.u32 v10, v26;
	v28 =	vand.u32 $0xFFFFE000, v28;
	v29 =	vand.u32 $0x380, v29  }
0x15c: {  	v25 =	vand.u32 $0x380, v25;
	v28 =	vor.u32 v28, v29;
	v29 =	vand.u32 $0xFFFFE000, v47  }
0x15d: {  	v29 =	vor.u32 v29, v30;
	v30 =	vshll.u32 v31, $0xA;
	v31 =	vshll.u32 v31, $0x7  }
0x15e: {  	v27 =	vor.u32 v11, v27;
	[tilespmem:$0x10A0] =	vst v26;
	v26 =	vld [tilespmem:$0x790];
	v30 =	vand.u32 $0xFFFFE000, v30;
	v31 =	vand.u32 $0x380, v31  }
0x15f: {  	[tilespmem:$0x10B0] =	vst v27;
	v27 =	vshll.u32 v22, $0xA;
	v30 =	vor.u32 v30, v31;
	v31 =	vand.u32 $0xFFFFE000, v50  }
0x160: {  	v22 =	vshll.u32 v22, $0x7;
	v31 =	vor.u32 v31, v32;
	v32 =	vand.u32 $0xFFFFE000, v52  }
0x161: {  	[tilespmem:$0x1000] =	vst v16;
	v22 =	vand.u32 $0x380, v22;
	v16 =	vor.u32 v32, v33;
	v33 =	vshll.u32 v60, $0x7  }
0x162: {  	[tilespmem:$0x1080] =	vst v24;
	v24 =	vld [tilespmem:$0x780];
	v28 =	vor.u32 v12, v28;
	v29 =	vor.u32 v13, v29;
	v23 =	vand.u32 $0x380, v33  }
0x163: {  	[tilespmem:$0x10D0] =	vst v29;
	v29 =	vshll.u32 v26, $0xA;
	v21 =	vor.u32 v21, v23;
	v23 =	vshll.u32 v63, $0xA  }
0x164: {  	v26 =	vshll.u32 v26, $0x7;
	v30 =	vor.u32 v14, v30;
	v23 =	vand.u32 $0xFFFFE000, v23  }
0x165: {  	v31 =	vor.u32 v15, v31;
	v23 =	vor.u32 v23, v25;
	v25 =	vand.u32 $0xFFFFE000, v27;
	v27 =	vld [tilespmem:$0x7A0]  }
0x166: {  	[tilespmem:$0x1110] =	vst v17;
	v16 =	vor.u32 v8, v16;
	v21 =	vor.u32 v13, v21;
	v23 =	vor.u32 v14, v23  }
0x167: {  	[tilespmem:$0x10C0] =	vst v28;
	v28 =	vld [tilespmem:$0x7B0];
	v22 =	vor.u32 v25, v22;
	v25 =	vshll.u32 v24, $0xA;
	v24 =	vshll.u32 v24, $0x7  }
0x168: {  	[tilespmem:$0x1120] =	vst v18;
	v22 =	vor.u32 v15, v22;
	v25 =	vand.u32 $0xFFFFE000, v25;
	v24 =	vand.u32 $0x380, v24  }
0x169: {  	[tilespmem:$0x1100] =	vst v16;
	v16 =	vor.u32 v25, v24;
	v24 =	vand.u32 $0xFFFFE000, v29;
	v25 =	vand.u32 $0x380, v26;
	v26 =	vld [tilespmem:$0x7C0]  }
0x16a: {  	[tilespmem:$0x1130] =	vst v19;
	v16 =	vor.u32 v8, v16;
	v17 =	vor.u32 v24, v25;
	v25 =	vld [tilespmem:$0x7D0];
	v24 =	vshll.u32 v27, $0xA  }
0x16b: {  	[tilespmem:$0x1140] =	vst v20;
	v17 =	vor.u32 v9, v17;
	v18 =	vand.u32 $0xFFFFE000, v24;
	v24 =	vshll.u32 v27, $0x7  }
0x16c: {  	[tilespmem:$0x10E0] =	vst v30;
	v27 =	vshll.u32 v28, $0x7;
	v19 =	vand.u32 $0x380, v24;
	v24 =	vshll.u32 v28, $0xA  }
0x16d: {  	[tilespmem:$0x1150] =	vst v21;
	v20 =	vand.u32 $0x380, v27;
	v18 =	vor.u32 v18, v19;
	v19 =	vand.u32 $0xFFFFE000, v24;
	v24 =	vld [tilespmem:$0x7E0]  }
0x16e: {  	[tilespmem:$0x1160] =	vst v23;
	v23 =	vld [tilespmem:$0x7F0];
	v21 =	vshll.u32 v26, $0x7;
	v18 =	vor.u32 v10, v18;
	v19 =	vor.u32 v19, v20  }
0x16f: {  	[tilespmem:$0x1170] =	vst v22;
	v20 =	vshll.u32 v26, $0xA;
	v21 =	vand.u32 $0x380, v21;
	v22 =	vshll.u32 v25, $0xA  }
0x170: {  	[tilespmem:$0x10F0] =	vst v31;
	v25 =	vshll.u32 v25, $0x7;
	v19 =	vor.u32 v11, v19;
	v20 =	vand.u32 $0xFFFFE000, v20  }
0x171: {  	[tilespmem:$0x1180] =	vst v16;
	v16 =	vor.u32 v20, v21;
	v20 =	vand.u32 $0xFFFFE000, v22;
	v21 =	vand.u32 $0x380, v25  }
0x172: {  	[tilespmem:$0x1190] =	vst v17;
	v16 =	vor.u32 v12, v16;
	v17 =	vor.u32 v20, v21;
	v20 =	vshll.u32 v24, $0xA  }
0x173: {  	[tilespmem:$0x11A0] =	vst v18;
	v21 =	vshll.u32 v23, $0x7;
	v18 =	vand.u32 $0xFFFFE000, v20;
	v20 =	vshll.u32 v24, $0x7  }
0x174: {  	[tilespmem:$0x11B0] =	vst v19;
	v17 =	vor.u32 v13, v17;
	v19 =	vand.u32 $0x380, v20;
	v20 =	vshll.u32 v23, $0xA  }
0x175: {  	[tilespmem:$0x11C0] =	vst v16;
	v16 =	vor.u32 v18, v19;
	v18 =	vand.u32 $0xFFFFE000, v20;
	v19 =	vand.u32 $0x380, v21  }
0x176: {  	[tilespmem:$0x11D0] =	vst v17;
	v16 =	vor.u32 v14, v16;
	v17 =	vor.u32 v18, v19  }
0x177: {  	[tilespmem:$0x11E0] =	vst v16;
	v16 =	vor.u32 v15, v17  }
0x178: {  	[tilespmem:$0x11F0] =	vst v16  }
0x179: {  	[tilespmem:s22], [sflag:$0x7] =	stream.indirect.gather [hbm4b:s1+s14], $0x1, s21, s14, $0xb8;
	[tilespmem:$0x1B80] =	vst v63  }
0x17a: {  	_ =	swait.ge [sflag:s23], $0x100  }
0x17b: {  	[sflag:s23] =	ssyncset.done $0x0  }
0x17c: {  	[sflag:s23] =	ssyncadd.s32 $0xFFFFFF00  }
0x17d: {  	_ =	swait.ge [sflag:s24], $0x200  }
0x17e: {  	[sflag:s24] =	ssyncset.done $0x0  }
0x17f: {  	[sflag:s24] =	ssyncadd.s32 $0xFFFFFE00  }
0x180: {  	_ =	swait.ge [sflag:s25], $0x200  }
0x181: {  	[sflag:s25] =	ssyncset.done $0x0  }
0x182: {  	[sflag:s25] =	ssyncadd.s32 $0xFFFFFE00  }
0x183: {  	_ =	swait.ge [sflag:s26], $0x200  }
0x184: {  	[sflag:s26] =	ssyncset.done $0x0  }
0x185: {  	[sflag:s26] =	ssyncadd.s32 $0xFFFFFE00  }
0x186: {  	_ =	swait.ge [sflag:s28], $0x200  }
0x187: {  	[sflag:s28] =	ssyncset.done $0x0  }
0x188: {  	s8 =	simm.s32 $0x1340;
	[sflag:s28] =	ssyncadd.s32 $0xFFFFFE00  }
0x189: {  	s10 =	sor.u32 $0x70, s3;
	v16 =	vld [tilespmem:s8+$0x30]  }
0x18a: {  	v17 =	vld [tilespmem:s10+$0x1200]  }
0x18b: {  	v19 =	vld [tilespmem:s8+$0xFFFFFFD0]  }
0x18c: {  	v20 =	vld [tilespmem:s8+$0xFFFFFFC0]  }
0x18d: {  	v21 =	vld [tilespmem:s8+$0x20]  }
0x18e: {  	s11 =	sand.u32 $0x80, s3;
	v22 =	vld [tilespmem:s8+$0x10]  }
0x18f: {  	v23 =	vld [tilespmem:s11+$0x1210]  }
0x190: {  	v25 =	vld [tilespmem:s11+$0x1220]  }
0x191: {  	v26 =	vld [tilespmem:s11+$0x1260];
	v18 =	vsub.f32 v16, v17  }
0x192: {  	v17 =	vld [tilespmem:s8+$0xFFFFFFE0]  }
0x193: {  	v27 =	vld [tilespmem:s11+$0x1200];
	v24 =	vand.u32 $0x7FFFFFFF, v18  }
0x194: {  	v29 =	vld [tilespmem:s11+$0x1230];
	v32 =	vsub.f32 v19, v23;
	v24 =	vsub.f32 $0.0e+00, v24  }
0x195: {  	v23 =	vld [tilespmem:s11+$0x1250]  }
0x196: {  	v16 =	vld [tilespmem:s8+$0xFFFFFFF0];
	v28 =	vand.u32 $0x7FFFFFFF, v32;
	v19 =	vmul.f32 $1.442695020e+00, v24  }
0x197: {  	v24 =	vld [tilespmem:s8+$0x0];
	v34 =	vsub.f32 v17, v25;
	v17 =	vsub.f32 $0.0e+00, v28  }
0x198: {  	(erf) = vpow2.f32 v19;
	v19 =	vsub.f32 v21, v26;
	v21 =	vld [tilespmem:s11+$0x1240]  }
0x199: {  	v27 =	vsub.f32 v20, v27;
	v25 =	vand.u32 $0x7FFFFFFF, v34;
	v17 =	vmul.f32 $1.442695020e+00, v17  }
0x19a: {  	v20 =	vsub.f32 v22, v23;
	v23 =	vsub.f32 $0.0e+00, v25  }
0x19b: {  	v16 =	vsub.f32 v16, v29;
	v22 =	vand.u32 $0x7FFFFFFF, v19;
	(erf) = vpow2.f32 v17  }
0x19c: {  	v25 =	vand.u32 $0x7FFFFFFF, v27;
	v22 =	vsub.f32 $0.0e+00, v22;
	v23 =	vmul.f32 $1.442695020e+00, v23  }
0x19d: {  	v25 =	vsub.f32 $0.0e+00, v25;
	v17 =	vsub.f32 v24, v21  }
0x19e: {  	v21 =	vmul.f32 $1.442695020e+00, v22;
	v22 =	vand.u32 $0x7FFFFFFF, v16;
	(erf) = vpow2.f32 v23  }
0x19f: {  	v23 =	vmul.f32 $1.442695020e+00, v25;
	v22 =	vsub.f32 $0.0e+00, v22;
	v24 =	vand.u32 $0x7FFFFFFF, v17  }
0x1a0: {  	v26 =	vand.u32 $0x7FFFFFFF, v20;
	(erf) = vpow2.f32 v21;
	v21 =	vsub.f32 $0.0e+00, v24  }
0x1a1: {  	v22 =	vmul.f32 $1.442695020e+00, v22;
	v35 =	vpop (erf);
	(erf) = vpow2.f32 v23;
	v23 =	vsub.f32 $0.0e+00, v26  }
0x1a2: {  	v24 =	vmul.f32 $1.702961140e-02, v35;
	v21 =	vmul.f32 $1.442695020e+00, v21  }
0x1a3: {  	(erf) = vpow2.f32 v22;
	v23 =	vmul.f32 $1.442695020e+00, v23  }
0x1a4: {  	v39 =	vpop (erf);
	v24 =	vsub.f32 $8.152318000e-02, v24;
	(erf) = vpow2.f32 v21  }
0x1a5: {  	(erf) = vpow2.f32 v23  }
0x1a6: {  	v22 =	vmul.f32 v24, v35;
	v24 =	vmul.f32 $1.702961140e-02, v39  }
0x1a7: {  	v21 =	vpop (erf)  }
0x1a8: {  	v22 =	vadd.f32 $-1.890195460e-01, v22;
	v23 =	vsub.f32 $8.152318000e-02, v24;
	v24 =	vmul.f32 $1.702961140e-02, v21  }
0x1a9: {  	v33 =	vpop (erf)  }
0x1aa: {  	v22 =	vmul.f32 v22, v35;
	v23 =	vmul.f32 v23, v39;
	v38 =	vpop (erf);
	v24 =	vsub.f32 $8.152318000e-02, v24  }
0x1ab: {  	v30 =	vimm.f32 $0.0e+00;
	v31 =	vimm.f32 $0.0e+00;
	v25 =	vmul.f32 $1.702961140e-02, v38  }
0x1ac: {  	v29 =	vpop (erf);
	v22 =	vadd.f32 $3.150412740e-01, v22;
	v23 =	vadd.f32 $-1.890195460e-01, v23;
	v24 =	vmul.f32 v24, v21  }
0x1ad: {  	v41 =	vmul.f32 $1.702961140e-02, v33;
	v26 =	vmul.f32 $1.702961140e-02, v29;
	v25 =	vsub.f32 $8.152318000e-02, v25;
	v36 =	vpop (erf)  }
0x1ae: {  	v22 =	vmul.f32 v22, v35;
	v23 =	vmul.f32 v23, v39;
	v37 =	vpop (erf);
	v24 =	vadd.f32 $-1.890195460e-01, v24  }
0x1af: {  	v26 =	vsub.f32 $8.152318000e-02, v26;
	v25 =	vmul.f32 v25, v38;
	v28 =	vmul.f32 $1.702961140e-02, v37  }
0x1b0: {  	v22 =	vadd.f32 $-4.972033200e-01, v22;
	v23 =	vadd.f32 $3.150412740e-01, v23;
	v43 =	vmul.f32 v24, v21  }
0x1b1: {  	v40 =	vmul.f32 v26, v29;
	v25 =	vadd.f32 $-1.890195460e-01, v25;
	v24 =	vsub.f32 $8.152318000e-02, v28  }
0x1b2: {  	v26 =	vimm.f32 $0.0e+00;
	v22 =	vmul.f32 v22, v35;
	v23 =	vmul.f32 v23, v39  }
0x1b3: {  	v28 =	vimm.f32 $0.0e+00;
	v45 =	vmul.f32 v25, v38;
	v44 =	vmul.f32 v24, v37  }
0x1b4: {  	v25 =	vimm.f32 $0.0e+00;
	v24 =	vimm.f32 $0.0e+00;
	v42 =	vadd.f32 $9.998325700e-01, v22  }
0x1b5: {  	s0 =	simm.s32 $0x13C0;
	s2 =	simm.s32 $0x10;
	v46 =	vadd.f32 $-4.972033200e-01, v23;
	v23 =	vimm.f32 $0.0e+00;
	v22 =	vimm.f32 $0.0e+00  }
.LBB2_2:
0x1b6: {  	s8 =	sand.u32 $0x80, s2;
	v47 =	vld [tilespmem:s0+$0xFFFFFFD0];
	v48 =	vmul.f32 $1.702961140e-02, v36;
	v41 =	vsub.f32 $8.152318000e-02, v41;
	s11 =	smov.u32 s2;
	s10 =	sadd.s32 $0x10, s2  }
0x1b7: {  	p0 =	sne.s32 s2, $0xF0;
	v49 =	vld [tilespmem:s0+$0xFFFFFFC0];
	s11 =	sor.u32 $0x70, s11;
	v45 =	vadd.f32 $3.150412740e-01, v45;
	v46 =	vmul.f32 v46, v39  }
0x1b8: {  	v44 =	vadd.f32 $-1.890195460e-01, v44;
	v50 =	vld [tilespmem:s0+$0x20];
	v48 =	vsub.f32 $8.152318000e-02, v48;
	v51 =	vmul.f32 v41, v33  }
0x1b9: {  	v41 =	vmax.f32 v34, $0.0e+00;
	v52 =	vld [tilespmem:s0+$0x10];
	v45 =	vmul.f32 v45, v38;
	v46 =	vadd.f32 $9.998325700e-01, v46  }
0x1ba: {  	v44 =	vmul.f32 v44, v37;
	v53 =	vld [tilespmem:s0+$0xFFFFFFF0];
	v34 =	vmul.f32 v48, v36;
	v48 =	vadd.f32 $-1.890195460e-01, v51  }
0x1bb: {  	v51 =	vld [tilespmem:s0+$0x0];
	v45 =	vadd.f32 $-4.972033200e-01, v45;
	v39 =	vmul.f32 v46, v39;
	v46 =	vmax.f32 v19, $0.0e+00  }
0x1bc: {  	v54 =	vld [tilespmem:s0+$0xFFFFFFE0];
	v19 =	vadd.f32 $-1.890195460e-01, v34;
	v34 =	vadd.f32 $3.150412740e-01, v44;
	v44 =	vmul.f32 v48, v33  }
0x1bd: {  	v32 =	vmax.f32 v32, $0.0e+00;
	v48 =	vld [tilespmem:s8+$0x1260];
	v45 =	vmul.f32 v45, v38;
	v39 =	vadd.f32 $1.693662630e-06, v39  }
0x1be: {  	v55 =	vld [tilespmem:s0+$0x30];
	v19 =	vmul.f32 v19, v36;
	v34 =	vmul.f32 v34, v37;
	v44 =	vadd.f32 $3.150412740e-01, v44  }
0x1bf: {  	v56 =	vld [tilespmem:s8+$0x1250];
	v45 =	vadd.f32 $9.998325700e-01, v45;
	v32 =	vadd.f32 v39, v32;
	v39 =	vmax.f32 v18, $0.0e+00  }
0x1c0: {  	v18 =	vld [tilespmem:s11+$0x1200];
	v57 =	vadd.f32 $3.150412740e-01, v19;
	v34 =	vadd.f32 $-4.972033200e-01, v34;
	v44 =	vmul.f32 v44, v33  }
0x1c1: {  	v27 =	vmax.f32 v27, $0.0e+00;
	v58 =	vld [tilespmem:s8+$0x1210];
	v38 =	vmul.f32 v45, v38;
	v45 =	vmax.f32 v20, $0.0e+00  }
0x1c2: {  	v30 =	vadd.f32 v32, v30;
	v59 =	vld [tilespmem:s8+$0x1220];
	v19 =	vsub.f32 v50, v48;
	v32 =	vmul.f32 v57, v36  }
0x1c3: {  	v43 =	vadd.f32 $3.150412740e-01, v43;
	v34 =	vmul.f32 v34, v37;
	v48 =	vld [tilespmem:s8+$0x1230];
	v38 =	vadd.f32 $1.693662630e-06, v38  }
0x1c4: {  	v44 =	vadd.f32 $-4.972033200e-01, v44;
	v50 =	vld [tilespmem:s8+$0x1240];
	v20 =	vsub.f32 v52, v56;
	v52 =	vand.u32 $0x7FFFFFFF, v19  }
0x1c5: {  	v43 =	vmul.f32 v43, v21;
	v56 =	vld [tilespmem:s8+$0x1200];
	v18 =	vsub.f32 v55, v18;
	v55 =	vadd.f32 $9.998325700e-01, v34  }
0x1c6: {  	v35 =	vmul.f32 v42, v35;
	v57 =	vadd.f32 $-4.972033200e-01, v32;
	v44 =	vmul.f32 v44, v33  }
0x1c7: {  	v42 =	vand.u32 $0x7FFFFFFF, v20;
	v34 =	vsub.f32 v54, v59;
	v54 =	vand.u32 $0x7FFFFFFF, v18  }
0x1c8: {  	v32 =	vsub.f32 v47, v58;
	v37 =	vmul.f32 v55, v37;
	v47 =	vsub.f32 v53, v48  }
0x1c9: {  	v38 =	vadd.f32 v38, v27;
	v53 =	vsub.f32 $0.0e+00, v54;
	v48 =	vand.u32 $0x7FFFFFFF, v34  }
0x1ca: {  	v54 =	vmul.f32 v57, v36;
	v27 =	vsub.f32 v49, v56;
	v49 =	vand.u32 $0x7FFFFFFF, v32  }
0x1cb: {  	v37 =	vadd.f32 $1.693662630e-06, v37;
	v53 =	vmul.f32 $1.442695020e+00, v53;
	v49 =	vsub.f32 $0.0e+00, v49  }
0x1cc: {  	v44 =	vadd.f32 $9.998325700e-01, v44;
	v48 =	vsub.f32 $0.0e+00, v48;
	v55 =	vand.u32 $0x7FFFFFFF, v27  }
0x1cd: {  	v31 =	vadd.f32 v38, v31;
	v50 =	vsub.f32 v51, v50;
	v49 =	vmul.f32 $1.442695020e+00, v49  }
0x1ce: {  	v40 =	vadd.f32 $-1.890195460e-01, v40;
	v38 =	vand.u32 $0x7FFFFFFF, v47;
	(erf) = vpow2.f32 v53  }
0x1cf: {  	v38 =	vsub.f32 $0.0e+00, v38;
	v48 =	vmul.f32 $1.442695020e+00, v48;
	v51 =	vsub.f32 $0.0e+00, v55  }
0x1d0: {  	v40 =	vmul.f32 v40, v29;
	v43 =	vadd.f32 $-4.972033200e-01, v43;
	v37 =	vadd.f32 v37, v45  }
0x1d1: {  	v33 =	vmul.f32 v44, v33;
	v45 =	vand.u32 $0x7FFFFFFF, v50;
	v38 =	vmul.f32 $1.442695020e+00, v38  }
0x1d2: {  	v40 =	vadd.f32 $3.150412740e-01, v40;
	v44 =	vsub.f32 $0.0e+00, v52;
	(erf) = vpow2.f32 v49  }
0x1d3: {  	v35 =	vadd.f32 $1.693662630e-06, v35;
	v43 =	vmul.f32 v43, v21;
	(erf) = vpow2.f32 v48  }
0x1d4: {  	v44 =	vmul.f32 $1.442695020e+00, v44;
	v33 =	vadd.f32 $1.693662630e-06, v33;
	v28 =	vadd.f32 v37, v28  }
0x1d5: {  	v39 =	vadd.f32 v35, v39;
	v37 =	vmul.f32 v40, v29;
	v40 =	vadd.f32 $9.998325700e-01, v54  }
0x1d6: {  	v43 =	vadd.f32 $9.998325700e-01, v43;
	(erf) = vpow2.f32 v44;
	v44 =	vadd.f32 v33, v46  }
0x1d7: {  	v45 =	vsub.f32 $0.0e+00, v45;
	v37 =	vadd.f32 $-4.972033200e-01, v37;
	v33 =	vmul.f32 $1.442695020e+00, v51;
	v35 =	vpop (erf)  }
0x1d8: {  	v43 =	vmul.f32 v43, v21;
	v23 =	vadd.f32 v39, v23;
	v46 =	vmul.f32 $1.702961140e-02, v35  }
0x1d9: {  	v48 =	vsub.f32 $0.0e+00, v42;
	(erf) = vpow2.f32 v33;
	v33 =	vmul.f32 v40, v36  }
0x1da: {  	v37 =	vmul.f32 v37, v29;
	v36 =	vmul.f32 $1.442695020e+00, v45;
	v40 =	vsub.f32 $8.152318000e-02, v46  }
0x1db: {  	v42 =	vmul.f32 $1.442695020e+00, v48;
	v39 =	vpop (erf);
	(erf) = vpow2.f32 v38;
	v45 =	vadd.f32 $1.693662630e-06, v33  }
0x1dc: {  	v46 =	vmul.f32 v40, v35;
	v21 =	vpop (erf);
	(erf) = vpow2.f32 v36;
	v36 =	vadd.f32 $9.998325700e-01, v37  }
0x1dd: {  	v38 =	vadd.f32 $1.693662630e-06, v43;
	v37 =	vmul.f32 $1.702961140e-02, v39;
	(erf) = vpow2.f32 v42  }
0x1de: {  	v40 =	vmul.f32 $1.702961140e-02, v21;
	v42 =	vadd.f32 $-1.890195460e-01, v46;
	v29 =	vmul.f32 v36, v29  }
0x1df: {  	v43 =	vmax.f32 v16, $0.0e+00;
	v36 =	vsub.f32 $8.152318000e-02, v37;
	v37 =	vadd.f32 v38, v41;
	v33 =	vpop (erf)  }
0x1e0: {  	v16 =	vmovc v47;
	v41 =	vmul.f32 $1.702961140e-02, v33;
	v46 =	vmul.f32 v42, v35;
	v42 =	vadd.f32 $1.693662630e-06, v29  }
0x1e1: {  	v22 =	vadd.f32 v44, v22;
	v47 =	vmul.f32 v36, v39;
	v36 =	vsub.f32 $8.152318000e-02, v40  }
0x1e2: {  	v25 =	vadd.f32 v37, v25;
	v40 =	vadd.f32 $3.150412740e-01, v46;
	v38 =	vpop (erf);
	v46 =	vmax.f32 v17, $0.0e+00  }
0x1e3: {  	v44 =	vadd.f32 $-1.890195460e-01, v47;
	v17 =	vmovc v50;
	v48 =	vmul.f32 $1.702961140e-02, v38;
	v45 =	vadd.f32 v45, v46  }
0x1e4: {  	v47 =	vadd.f32 v42, v43;
	v46 =	vmul.f32 v36, v21;
	v40 =	vmul.f32 v40, v35;
	v29 =	vpop (erf)  }
0x1e5: {  	v43 =	vmul.f32 v44, v39;
	v42 =	vsub.f32 $8.152318000e-02, v48;
	v36 =	vpop (erf);
	v24 =	vadd.f32 v45, v24  }
0x1e6: {  	v44 =	vadd.f32 $-1.890195460e-01, v46;
	v45 =	vmul.f32 $1.702961140e-02, v29;
	v40 =	vadd.f32 $-4.972033200e-01, v40;
	v37 =	vpop (erf)  }
.Ltmp0:
0x1e7: {  	v46 =	vadd.f32 $3.150412740e-01, v43;
	v42 =	vmul.f32 v42, v38;
	v48 =	vmul.f32 $1.702961140e-02, v37;
	(pc) =	sbr.rel @p0 .LBB2_2-.Ltmp0, $4  }
0x1e8: {  	v43 =	vmul.f32 v44, v21;
	v44 =	vsub.f32 $8.152318000e-02, v45;
	v45 =	vmul.f32 v40, v35  }
0x1e9: {  	v46 =	vmul.f32 v46, v39;
	v49 =	vadd.f32 $-1.890195460e-01, v42;
	v48 =	vsub.f32 $8.152318000e-02, v48  }
0x1ea: {  	v26 =	vadd.f32 v47, v26;
	v40 =	vmul.f32 v44, v29;
	v42 =	vadd.f32 $9.998325700e-01, v45  }
0x1eb: {  	s2 =	smov.u32 s10;
	s0 =	sadd.s32 $0x80, s0;
	v46 =	vadd.f32 $-4.972033200e-01, v46;
	v45 =	vmul.f32 v49, v38;
	v44 =	vmul.f32 v48, v37  }
0x1ec: {  	v41 =	vsub.f32 $8.152318000e-02, v41  }
0x1ed: {  	v47 =	vmul.f32 $1.702961140e-02, v36;
	v32 =	vmax.f32 v32, $0.0e+00;
	v40 =	vadd.f32 $-1.890195460e-01, v40  }
0x1ee: {  	v43 =	vadd.f32 $3.150412740e-01, v43;
	v35 =	vmul.f32 v42, v35;
	v18 =	vmax.f32 v18, $0.0e+00  }
0x1ef: {  	v45 =	vadd.f32 $3.150412740e-01, v45;
	v46 =	vmul.f32 v46, v39;
	v44 =	vadd.f32 $-1.890195460e-01, v44  }
0x1f0: {  	v41 =	vmul.f32 v41, v33;
	v47 =	vsub.f32 $8.152318000e-02, v47;
	v40 =	vmul.f32 v40, v29  }
0x1f1: {  	v43 =	vmul.f32 v43, v21;
	v35 =	vadd.f32 $1.693662630e-06, v35;
	v45 =	vmul.f32 v45, v38  }
0x1f2: {  	v46 =	vadd.f32 $9.998325700e-01, v46;
	v44 =	vmul.f32 v44, v37;
	v41 =	vadd.f32 $-1.890195460e-01, v41  }
0x1f3: {  	v47 =	vmul.f32 v47, v36;
	v40 =	vadd.f32 $3.150412740e-01, v40;
	v52 =	vadd.f32 $-4.972033200e-01, v43  }
0x1f4: {  	v18 =	vadd.f32 v35, v18;
	v60 =	vmul.f32 v46, v39;
	v44 =	vadd.f32 $3.150412740e-01, v44  }
0x1f5: {  	v41 =	vmul.f32 v41, v33;
	v61 =	vadd.f32 $-1.890195460e-01, v47;
	v40 =	vmul.f32 v40, v29  }
0x1f6: {  	v45 =	vadd.f32 $-4.972033200e-01, v45;
	v54 =	vmul.f32 v52, v21;
	v44 =	vmul.f32 v44, v37  }
0x1f7: {  	v39 =	vadd.f32 $1.693662630e-06, v60;
	v41 =	vadd.f32 $3.150412740e-01, v41;
	v46 =	vmul.f32 v61, v36  }
0x1f8: {  	v34 =	vmax.f32 v34, $0.0e+00;
	v40 =	vadd.f32 $-4.972033200e-01, v40;
	v62 =	vadd.f32 $-4.972033200e-01, v44  }
0x1f9: {  	v45 =	vmul.f32 v45, v38;
	v55 =	vadd.f32 $9.998325700e-01, v54;
	v63 =	vadd.f32 $3.150412740e-01, v46  }
0x1fa: {  	v32 =	vadd.f32 v39, v32;
	v41 =	vmul.f32 v41, v33;
	v39 =	vmul.f32 v62, v37  }
0x1fb: {  	v45 =	vadd.f32 $9.998325700e-01, v45;
	v40 =	vmul.f32 v40, v29;
	v49 =	vmul.f32 v63, v36  }
0x1fc: {  	v58 =	vmul.f32 v55, v21;
	v41 =	vadd.f32 $-4.972033200e-01, v41;
	v39 =	vadd.f32 $9.998325700e-01, v39  }
0x1fd: {  	v48 =	vmul.f32 v45, v38;
	v30 =	vadd.f32 v32, v30;
	v32 =	vadd.f32 $-4.972033200e-01, v49  }
0x1fe: {  	v18 =	vadd.f32 v18, v23;
	v51 =	vmul.f32 v41, v33;
	v50 =	vmul.f32 v39, v37  }
0x1ff: {  	v56 =	vadd.f32 $9.998325700e-01, v40;
	v21 =	vadd.f32 $1.693662630e-06, v58;
	v32 =	vmul.f32 v32, v36  }
0x200: {  	v27 =	vmax.f32 v27, $0.0e+00;
	v53 =	vadd.f32 $9.998325700e-01, v51;
	v37 =	vadd.f32 $1.693662630e-06, v50  }
0x201: {  	v20 =	vmax.f32 v20, $0.0e+00;
	v38 =	vadd.f32 $1.693662630e-06, v48;
	v32 =	vadd.f32 $9.998325700e-01, v32  }
0x202: {  	v59 =	vmul.f32 v56, v29;
	v57 =	vmul.f32 v53, v33;
	v20 =	vadd.f32 v37, v20  }
0x203: {  	v21 =	vadd.f32 v21, v34;
	v27 =	vadd.f32 v38, v27;
	v61 =	vmul.f32 v32, v36  }
0x204: {  	v19 =	vmax.f32 v19, $0.0e+00;
	v60 =	vadd.f32 $1.693662630e-06, v57;
	v20 =	vadd.f32 v20, v28  }
0x205: {  	v16 =	vmax.f32 v16, $0.0e+00;
	v28 =	vadd.f32 $1.693662630e-06, v59;
	v62 =	vadd.f32 $1.693662630e-06, v61  }
0x206: {  	v17 =	vmax.f32 v17, $0.0e+00;
	v21 =	vadd.f32 v21, v25;
	v19 =	vadd.f32 v60, v19  }
0x207: {  	v16 =	vadd.f32 v28, v16;
	v17 =	vadd.f32 v62, v17  }
0x208: {  	v27 =	vadd.f32 v27, v31;
	v19 =	vadd.f32 v19, v22  }
0x209: {  	v16 =	vadd.f32 v16, v26;
	v17 =	vadd.f32 v17, v24  }
0x20a: {  	v63 =	vadd.f32 v30, v27;
	v18 =	vadd.f32 v18, v19  }
0x20b: {  	v16 =	vadd.f32 v16, v21;
	v17 =	vadd.f32 v20, v17;
	_ =	sdelay $0x1  }
0x20c: {  	v16 =	vadd.f32 v16, v63;
	v17 =	vadd.f32 v18, v17;
	_ =	sdelay $0x1  }
0x20d: {  	s31 =	sadd.s32 $0x1, s31;
	v16 =	vadd.f32 v17, v16  }
0x20e: {  	p0 =	sne.s32 s31, s7  }
.Ltmp1:
0x20f: {  	[tilespmem:$0x1B00] =	vst v16;
	(pc) =	sbr.rel @p0 .LBB2_1-.Ltmp1, $4  }
0x210: {  	[hbm4b:s6+s3] =	stream.linear.scatter [tilespmem:s29], [sflag:$0x8], $0x80, $0x38;
	[tilespmem:$0x1B80] =	vst v63  }
0x211: {  	_ =	swait.ge [sflag:s30], $0x80  }
0x212: {  	[sflag:s30] =	ssyncset.done $0x0  }
0x213: {  	[sflag:s30] =	ssyncadd.s32 $0xFFFFFF80  }
0x214: {  	_ =	sfence.sel $0x180000  }
0x215: {  	[bflag:$0x0] =	sbarrier.arrive $0xFFFF  }
0x216: {  	_ =	strace $0x90000047  }
0x217: {  	s0 =	stileid.u32;
	[bflag:$0x2] =	sbarrier.arrive $0xFFFF  }
0x218: {  	p0 =	sne.s32 s0, $0x0;
	s0 =	rddreg [dreg:$0x4]  }
0x219: {  	s0 =	sadd.s32 @!p0 $0x100000, s0  }
0x21a: {  	[sflag:s0] =	ssyncadd.tile.s32 @!p0 $0x1;
	_ =	shalt  }
.Lfunc_end2:
_tile_overlayer_lowered:
.L_overlay_start_2:
0x21b: {  	(tag) =	ssettag $0x2  }
0x21c: {  	s0 =	rddreg [dreg:$0x0];
	s2 =	stileid.u32  }
0x21d: {  	s1 =	rddreg [dreg:$0x1];
	p0 =	sne.s32 s2, $0x0  }
0x21e: {  	s3 =	rddreg [dreg:$0x2];
	[bflag:$0x3] =	sbarrier.arrive $0xFFFF;
	s2 =	simm.s32 @!p0 $0x1C08  }
0x21f: {  	[timem:s3], [sflag:s2] =	dma.local @!p0 [hbm:s0], s1  }
0x220: {  	s0 =	simm.s32 @!p0 $0x8  }
0x221: {  	_ =	swait.ge @!p0 [sflag:s0], s1  }
0x222: {  	s1 =	ssub.s32 @!p0 $0x0, s1;
	[sflag:s0] =	ssyncset.done @!p0 $0x0  }
0x223: {  	[sflag:s0] =	ssyncadd.s32 @!p0 s1  }
0x224: {  	[bflag:$0x3] =	sbarrier.arrive $0xFFFF  }
0x225: {  	_ =	shalt  }

</sc_bundles>
